<compile_context>
chip_gen: v7x
topology: tpu7x:2x2x1
jax: 0.10.2.dev20260603
libtpu: 0.0.44.dev20260713+nightly
codegen_flags: <defaults>
</compile_context>

<pallas_src>
import functools

import jax
import jax.numpy as jnp
from jax import lax
from jax.experimental import pallas as pl
from jax.experimental.pallas import tpu as pltpu
from jax.experimental.pallas import tpu_sc as plsc

_NC, _NS, _L = 2, 16, 16
_NW = _NC * _NS


def _make_sc_rev(R, F):
    rows_per_w = R // _NW
    CH = 16
    n_chunks = rows_per_w // CH
    n_vec = F // _L
    mesh = plsc.VectorSubcoreMesh(core_axis_name="c", subcore_axis_name="s")

    @functools.partial(
        pl.kernel,
        mesh=mesh,
        out_type=jax.ShapeDtypeStruct((R, F), jnp.float32),
        scratch_types=[
            pltpu.VMEM((CH, F), jnp.float32),
            pltpu.VMEM((CH, F), jnp.float32),
            pltpu.VMEM((CH, F), jnp.float32),
            pltpu.SemaphoreType.DMA,
            pltpu.SemaphoreType.DMA,
            pltpu.SemaphoreType.DMA,
            pltpu.SemaphoreType.DMA,
            pltpu.SemaphoreType.DMA,
            pltpu.SemaphoreType.DMA,
        ],
    )
    def _sc_rev(x_hbm, o_hbm, b0, b1, b2, si0, si1, si2, so0, so1, so2):
        wid = lax.axis_index("s") * _NC + lax.axis_index("c")
        base = wid * rows_per_w
        bufs = (b0, b1, b2)
        sis = (si0, si1, si2)
        sos = (so0, so1, so2)

        def in_copy(ci, b):
            return pltpu.make_async_copy(
                x_hbm.at[pl.ds(base + ci * CH, CH)], bufs[b], sis[b]
            )

        def out_copy(ci, b):
            return pltpu.make_async_copy(
                bufs[b], o_hbm.at[pl.ds(base + ci * CH, CH)], sos[b]
            )

        def compute(b):
            buf = bufs[b]

            @plsc.parallel_loop(0, n_vec // 2, 1, unroll=4)
            def _(c):
                for r in range(CH):
                    va = buf[r, pl.ds((n_vec - 1 - c) * _L, _L)]
                    vb = buf[r, pl.ds(c * _L, _L)]
                    buf[r, pl.ds(c * _L, _L)] = lax.rev(va, (0,))
                    buf[r, pl.ds((n_vec - 1 - c) * _L, _L)] = lax.rev(vb, (0,))

        in_copy(0, 0).start()
        in_copy(1, 1).start()

        def chunk_body(ci, carry):
            def do(bb):
                in_copy(ci, bb).wait()
                compute(bb)
                out_copy(ci, bb).start()

                @pl.when(ci >= 1)
                def _():
                    out_copy(ci - 1, (bb + 2) % 3).wait()

                @pl.when(ci + 2 < n_chunks)
                def _():
                    in_copy(ci + 2, (bb + 2) % 3).start()

            lax.switch(lax.rem(ci, 3), [lambda: do(0), lambda: do(1), lambda: do(2)])
            return carry

        lax.fori_loop(0, n_chunks, chunk_body, 0)
        out_copy(n_chunks - 1, (n_chunks - 1) % 3).wait()

    return _sc_rev


def kernel(inputs):
    B, S, F = inputs.shape
    R = B * S
    x = inputs.reshape(R, F)
    out = _make_sc_rev(R, F)(x)
    return out.reshape(B, S, F)

# --- scband reference (transcript-rebuilt; emitter-appended) ---
"""Pipeline reference for scband-shuffle-29892972380583 (READ-ONLY COPY).

The authoritative reference and input builder live on the scoring server;
editing this copy changes nothing except your own understanding.
"""

import jax, jax.numpy as jnp
import numpy as np


def setup_inputs(seed: int = 0) -> dict:
    key = jax.random.key(seed)
    x = jax.random.normal(key, (4, 4096, 2048), dtype=jnp.float32)
    return {"inputs": x}


def reference(inputs):
    # Shuffle.call with idxs=None: idxs = list(range(v_dim))[::-1]
    v_dim = inputs.shape[-1]
    idxs = jnp.arange(v_dim - 1, -1, -1, dtype=jnp.int32)
    # tf.transpose with no perm reverses all dims
    t = jnp.transpose(inputs)
    gathered = jnp.take(t, idxs, axis=0)
    outputs = jnp.transpose(gathered)
    return outputs

if __name__ == "__main__":
    import jax
    _d = setup_inputs()
    print(jax.jit(kernel)(*tuple(_d.values())))

</pallas_src>

<mosaic_0001>
#map = affine_map<(d0, d1) -> (0, 0)>
module attributes {stable_mosaic.version = 14 : i64} {
  func.func @_sc_rev(%arg0: i32, %arg1: i32, %arg2: memref<16384x2048xf32, #tpu.memory_space<hbm>>, %arg3: memref<16384x2048xf32, #tpu.memory_space<hbm>>, %arg4: memref<16x2048xf32, #tpu.memory_space<vmem>>, %arg5: memref<16x2048xf32, #tpu.memory_space<vmem>>, %arg6: memref<16x2048xf32, #tpu.memory_space<vmem>>, %arg7: memref<!tpu.dma_semaphore, #tpu.memory_space<semaphore_mem>>, %arg8: memref<!tpu.dma_semaphore, #tpu.memory_space<semaphore_mem>>, %arg9: memref<!tpu.dma_semaphore, #tpu.memory_space<semaphore_mem>>, %arg10: memref<!tpu.dma_semaphore, #tpu.memory_space<semaphore_mem>>, %arg11: memref<!tpu.dma_semaphore, #tpu.memory_space<semaphore_mem>>, %arg12: memref<!tpu.dma_semaphore, #tpu.memory_space<semaphore_mem>>) attributes {dimension_semantics = [#tpu.dimension_semantics<core_parallel>, #tpu.dimension_semantics<subcore_parallel>], iteration_bounds = array<i64: 2, 16>, scalar_prefetch = 0 : i64, scratch_operands = 9 : i64, tpu.core_type = #tpu.core_type<sc_vector_subcore>, window_params = [{transform_indices = #map}, {transform_indices = #map}]} {
    %mul3A = arith.constant 2 : i32
    %mul3A_0 = arith.muli %arg1, %mul3A : i32
    %add3A = arith.addi %mul3A_0, %arg0 : i32
    %mul3A_1 = arith.constant 512 : i32
    %mul3A_2 = arith.muli %add3A, %mul3A_1 : i32
    %add3A_3 = arith.constant 0 : i32
    %add3A_4 = arith.addi %mul3A_2, %add3A_3 : i32
    %dma_start3A = arith.constant 0 : i32
    %dma_start3A_5 = tpu.memref_slice %arg2[%add3A_4, %dma_start3A] : memref<16384x2048xf32, #tpu.memory_space<hbm>> -> memref<16x2048xf32, #tpu.memory_space<hbm>>
    %dma_start3A_6 = arith.constant 0 : i32
    %dma_start3A_7 = tpu.memref_slice %arg2[%add3A_4, %dma_start3A_6] : memref<16384x2048xf32, #tpu.memory_space<hbm>> -> memref<16x2048xf32, #tpu.memory_space<hbm>>
    tpu.enqueue_dma source(%dma_start3A_7 : memref<16x2048xf32, #tpu.memory_space<hbm>>) target(%arg4 : memref<16x2048xf32, #tpu.memory_space<vmem>>) target_semaphore(%arg7 : memref<!tpu.dma_semaphore, #tpu.memory_space<semaphore_mem>>)
    %add3A_8 = arith.constant 16 : i32
    %add3A_9 = arith.addi %mul3A_2, %add3A_8 : i32
    %dma_start3A_10 = arith.constant 0 : i32
    %dma_start3A_11 = tpu.memref_slice %arg2[%add3A_9, %dma_start3A_10] : memref<16384x2048xf32, #tpu.memory_space<hbm>> -> memref<16x2048xf32, #tpu.memory_space<hbm>>
    %dma_start3A_12 = arith.constant 0 : i32
    %dma_start3A_13 = tpu.memref_slice %arg2[%add3A_9, %dma_start3A_12] : memref<16384x2048xf32, #tpu.memory_space<hbm>> -> memref<16x2048xf32, #tpu.memory_space<hbm>>
    tpu.enqueue_dma source(%dma_start3A_13 : memref<16x2048xf32, #tpu.memory_space<hbm>>) target(%arg5 : memref<16x2048xf32, #tpu.memory_space<vmem>>) target_semaphore(%arg8 : memref<!tpu.dma_semaphore, #tpu.memory_space<semaphore_mem>>)
    %scan3A = arith.constant 0 : i32
    %scan3A_14 = arith.constant 0 : i32
    %scan3A_15 = arith.constant 32 : i32
    %scan3A_16 = arith.addi %scan3A_14, %scan3A_15 : i32
    %scan3A_17 = arith.constant 1 : i32
    scf.for %scan3A_24 = %scan3A_14 to %scan3A_16 step %scan3A_17  : i32 {
      %rem3A = arith.constant 3 : i32
      %rem3A_25 = arith.remsi %scan3A_24, %rem3A : i32
      %clamp3A = arith.constant 0 : i32
      %clamp3A_26 = arith.constant 2 : i32
      %clamp3A_27 = arith.maxsi %rem3A_25, %clamp3A : i32
      %clamp3A_28 = arith.minsi %clamp3A_27, %clamp3A_26 : i32
      %cond3A = arith.constant 0 : i32
      %cond3A_29 = arith.cmpi ne, %clamp3A_28, %cond3A : i32
      scf.if %cond3A_29 {
        %cond3A_30 = arith.constant 1 : i32
        %cond3A_31 = arith.subi %clamp3A_28, %cond3A_30 : i32
        %cond3A_32 = arith.constant 0 : i32
        %cond3A_33 = arith.cmpi ne, %cond3A_31, %cond3A_32 : i32
        scf.if %cond3A_33 {
          %mul3A_34 = arith.constant 16 : i32
          %mul3A_35 = arith.muli %scan3A_24, %mul3A_34 : i32
          %add3A_36 = arith.addi %mul3A_2, %mul3A_35 : i32
          %dma_wait3A_37 = arith.constant 0 : i32
          %dma_wait3A_38 = tpu.memref_slice %arg2[%add3A_36, %dma_wait3A_37] : memref<16384x2048xf32, #tpu.memory_space<hbm>> -> memref<16x2048xf32, #tpu.memory_space<hbm>>
          %dma_wait3A_39 = arith.constant 0 : i32
          %dma_wait3A_40 = tpu.memref_slice %arg2[%add3A_36, %dma_wait3A_39] : memref<16384x2048xf32, #tpu.memory_space<hbm>> -> memref<16x2048xf32, #tpu.memory_space<hbm>>
          tpu.wait_dma2 semaphore(%arg9 : memref<!tpu.dma_semaphore, #tpu.memory_space<semaphore_mem>>) src(%dma_wait3A_40 : memref<16x2048xf32, #tpu.memory_space<hbm>>) dst(%arg6 : memref<16x2048xf32, #tpu.memory_space<vmem>>)
          %parallel_loop3A = arith.constant 0 : i32
          %parallel_loop3A_41 = arith.constant 64 : i32
          %parallel_loop3A_42 = arith.constant 1 : i32
          scf.for %parallel_loop3A_59 = %parallel_loop3A to %parallel_loop3A_41 step %parallel_loop3A_42  : i32 {
            %parallel_loop3A_60 = arith.constant 127 : i32
            %parallel_loop3A_61 = arith.subi %parallel_loop3A_60, %parallel_loop3A_59 : i32
            %parallel_loop3A_62 = arith.constant 16 : i32
            %parallel_loop3A_63 = arith.muli %parallel_loop3A_61, %parallel_loop3A_62 : i32
            %parallel_loop3A_64 = arith.constant 0 : i32
            %parallel_loop3A_65 = arith.index_cast %parallel_loop3A_64 : i32 to index
            %parallel_loop3A_66 = arith.index_cast %parallel_loop3A_63 : i32 to index
            %parallel_loop3A_67 = tpu.vector_load %arg6[%parallel_loop3A_65, %parallel_loop3A_66] {strides = array<i32>} : memref<16x2048xf32, #tpu.memory_space<vmem>>, vector<1x16xf32>,
            %parallel_loop3A_68 = vector.shape_cast %parallel_loop3A_67 : vector<1x16xf32> to vector<16xf32>
            %parallel_loop3A_69 = arith.constant 16 : i32
            %parallel_loop3A_70 = arith.muli %parallel_loop3A_59, %parallel_loop3A_69 : i32
            %parallel_loop3A_71 = arith.constant 0 : i32
            %parallel_loop3A_72 = arith.index_cast %parallel_loop3A_71 : i32 to index
            %parallel_loop3A_73 = arith.index_cast %parallel_loop3A_70 : i32 to index
            %parallel_loop3A_74 = tpu.vector_load %arg6[%parallel_loop3A_72, %parallel_loop3A_73] {strides = array<i32>} : memref<16x2048xf32, #tpu.memory_space<vmem>>, vector<1x16xf32>,
            %parallel_loop3A_75 = vector.shape_cast %parallel_loop3A_74 : vector<1x16xf32> to vector<16xf32>
            %parallel_loop3A_76 = arith.constant 15 : i32
            %parallel_loop3A_77 = vector.broadcast %parallel_loop3A_76 : i32 to vector<16xi32>
            %parallel_loop3A_78 = tpu.iota {dimensions = array<i32: 0>} : vector<16xi32>
            %parallel_loop3A_79 = arith.subi %parallel_loop3A_77, %parallel_loop3A_78 : vector<16xi32>
            %parallel_loop3A_80 = tpu.dynamic_gather %parallel_loop3A_68[%parallel_loop3A_79] in [0] : vector<16xf32>, vector<16xi32> -> vector<16xf32>
            %parallel_loop3A_81 = arith.constant 16 : i32
            %parallel_loop3A_82 = arith.muli %parallel_loop3A_59, %parallel_loop3A_81 : i32
            %parallel_loop3A_83 = arith.constant 0 : i32
            %parallel_loop3A_84 = arith.index_cast %parallel_loop3A_83 : i32 to index
            %parallel_loop3A_85 = arith.index_cast %parallel_loop3A_82 : i32 to index
            %parallel_loop3A_86 = tpu.vector_load %arg6[%parallel_loop3A_84, %parallel_loop3A_85] {strides = array<i32>} : memref<16x2048xf32, #tpu.memory_space<vmem>>, vector<1x16xf32>,
            %parallel_loop3A_87 = vector.shape_cast %parallel_loop3A_86 : vector<1x16xf32> to vector<16xf32>
            %parallel_loop3A_88 = vector.shape_cast %parallel_loop3A_80 : vector<16xf32> to vector<1x16xf32>
            tpu.vector_store %arg6[%parallel_loop3A_84, %parallel_loop3A_85], %parallel_loop3A_88 {strides = array<i32>} : memref<16x2048xf32, #tpu.memory_space<vmem>>, vector<1x16xf32>,
            %parallel_loop3A_89 = arith.constant 15 : i32
            %parallel_loop3A_90 = vector.broadcast %parallel_loop3A_89 : i32 to vector<16xi32>
            %parallel_loop3A_91 = tpu.iota {dimensions = array<i32: 0>} : vector<16xi32>
            %parallel_loop3A_92 = arith.subi %parallel_loop3A_90, %parallel_loop3A_91 : vector<16xi32>
            %parallel_loop3A_93 = tpu.dynamic_gather %parallel_loop3A_75[%parallel_loop3A_92] in [0] : vector<16xf32>, vector<16xi32> -> vector<16xf32>
            %parallel_loop3A_94 = arith.constant 127 : i32
            %parallel_loop3A_95 = arith.subi %parallel_loop3A_94, %parallel_loop3A_59 : i32
            %parallel_loop3A_96 = arith.constant 16 : i32
            %parallel_loop3A_97 = arith.muli %parallel_loop3A_95, %parallel_loop3A_96 : i32
            %parallel_loop3A_98 = arith.constant 0 : i32
            %parallel_loop3A_99 = arith.index_cast %parallel_loop3A_98 : i32 to index
            %parallel_loop3A_100 = arith.index_cast %parallel_loop3A_97 : i32 to index
            %parallel_loop3A_101 = tpu.vector_load %arg6[%parallel_loop3A_99, %parallel_loop3A_100] {strides = array<i32>} : memref<16x2048xf32, #tpu.memory_space<vmem>>, vector<1x16xf32>,
            %parallel_loop3A_102 = vector.shape_cast %parallel_loop3A_101 : vector<1x16xf32> to vector<16xf32>
            %parallel_loop3A_103 = vector.shape_cast %parallel_loop3A_93 : vector<16xf32> to vector<1x16xf32>
            tpu.vector_store %arg6[%parallel_loop3A_99, %parallel_loop3A_100], %parallel_loop3A_103 {strides = array<i32>} : memref<16x2048xf32, #tpu.memory_space<vmem>>, vector<1x16xf32>,
            %parallel_loop3A_104 = arith.constant 127 : i32
            %parallel_loop3A_105 = arith.subi %parallel_loop3A_104, %parallel_loop3A_59 : i32
            %parallel_loop3A_106 = arith.constant 16 : i32
            %parallel_loop3A_107 = arith.muli %parallel_loop3A_105, %parallel_loop3A_106 : i32
            %parallel_loop3A_108 = arith.constant 1 : i32
            %parallel_loop3A_109 = arith.index_cast %parallel_loop3A_108 : i32 to index
            %parallel_loop3A_110 = arith.index_cast %parallel_loop3A_107 : i32 to index
            %parallel_loop3A_111 = tpu.vector_load %arg6[%parallel_loop3A_109, %parallel_loop3A_110] {strides = array<i32>} : memref<16x2048xf32, #tpu.memory_space<vmem>>, vector<1x16xf32>,
            %parallel_loop3A_112 = vector.shape_cast %parallel_loop3A_111 : vector<1x16xf32> to vector<16xf32>
            %parallel_loop3A_113 = arith.constant 16 : i32
            %parallel_loop3A_114 = arith.muli %parallel_loop3A_59, %parallel_loop3A_113 : i32
            %parallel_loop3A_115 = arith.constant 1 : i32
            %parallel_loop3A_116 = arith.index_cast %parallel_loop3A_115 : i32 to index
            %parallel_loop3A_117 = arith.index_cast %parallel_loop3A_114 : i32 to index
            %parallel_loop3A_118 = tpu.vector_load %arg6[%parallel_loop3A_116, %parallel_loop3A_117] {strides = array<i32>} : memref<16x2048xf32, #tpu.memory_space<vmem>>, vector<1x16xf32>,
            %parallel_loop3A_119 = vector.shape_cast %parallel_loop3A_118 : vector<1x16xf32> to vector<16xf32>
            %parallel_loop3A_120 = arith.constant 15 : i32
            %parallel_loop3A_121 = vector.broadcast %parallel_loop3A_120 : i32 to vector<16xi32>
            %parallel_loop3A_122 = tpu.iota {dimensions = array<i32: 0>} : vector<16xi32>
            %parallel_loop3A_123 = arith.subi %parallel_loop3A_121, %parallel_loop3A_122 : vector<16xi32>
            %parallel_loop3A_124 = tpu.dynamic_gather %parallel_loop3A_112[%parallel_loop3A_123] in [0] : vector<16xf32>, vector<16xi32> -> vector<16xf32>
            %parallel_loop3A_125 = arith.constant 16 : i32
            %parallel_loop3A_126 = arith.muli %parallel_loop3A_59, %parallel_loop3A_125 : i32
            %parallel_loop3A_127 = arith.constant 1 : i32
            %parallel_loop3A_128 = arith.index_cast %parallel_loop3A_127 : i32 to index
            %parallel_loop3A_129 = arith.index_cast %parallel_loop3A_126 : i32 to index
            %parallel_loop3A_130 = tpu.vector_load %arg6[%parallel_loop3A_128, %parallel_loop3A_129] {strides = array<i32>} : memref<16x2048xf32, #tpu.memory_space<vmem>>, vector<1x16xf32>,
            %parallel_loop3A_131 = vector.shape_cast %parallel_loop3A_130 : vector<1x16xf32> to vector<16xf32>
            %parallel_loop3A_132 = vector.shape_cast %parallel_loop3A_124 : vector<16xf32> to vector<1x16xf32>
            tpu.vector_store %arg6[%parallel_loop3A_128, %parallel_loop3A_129], %parallel_loop3A_132 {strides = array<i32>} : memref<16x2048xf32, #tpu.memory_space<vmem>>, vector<1x16xf32>,
            %parallel_loop3A_133 = arith.constant 15 : i32
            %parallel_loop3A_134 = vector.broadcast %parallel_loop3A_133 : i32 to vector<16xi32>
            %parallel_loop3A_135 = tpu.iota {dimensions = array<i32: 0>} : vector<16xi32>
            %parallel_loop3A_136 = arith.subi %parallel_loop3A_134, %parallel_loop3A_135 : vector<16xi32>
            %parallel_loop3A_137 = tpu.dynamic_gather %parallel_loop3A_119[%parallel_loop3A_136] in [0] : vector<16xf32>, vector<16xi32> -> vector<16xf32>
            %parallel_loop3A_138 = arith.constant 127 : i32
            %parallel_loop3A_139 = arith.subi %parallel_loop3A_138, %parallel_loop3A_59 : i32
            %parallel_loop3A_140 = arith.constant 16 : i32
            %parallel_loop3A_141 = arith.muli %parallel_loop3A_139, %parallel_loop3A_140 : i32
            %parallel_loop3A_142 = arith.constant 1 : i32
            %parallel_loop3A_143 = arith.index_cast %parallel_loop3A_142 : i32 to index
            %parallel_loop3A_144 = arith.index_cast %parallel_loop3A_141 : i32 to index
            %parallel_loop3A_145 = tpu.vector_load %arg6[%parallel_loop3A_143, %parallel_loop3A_144] {strides = array<i32>} : memref<16x2048xf32, #tpu.memory_space<vmem>>, vector<1x16xf32>,
            %parallel_loop3A_146 = vector.shape_cast %parallel_loop3A_145 : vector<1x16xf32> to vector<16xf32>
            %parallel_loop3A_147 = vector.shape_cast %parallel_loop3A_137 : vector<16xf32> to vector<1x16xf32>
            tpu.vector_store %arg6[%parallel_loop3A_143, %parallel_loop3A_144], %parallel_loop3A_147 {strides = array<i32>} : memref<16x2048xf32, #tpu.memory_space<vmem>>, vector<1x16xf32>,
            %parallel_loop3A_148 = arith.constant 127 : i32
            %parallel_loop3A_149 = arith.subi %parallel_loop3A_148, %parallel_loop3A_59 : i32
            %parallel_loop3A_150 = arith.constant 16 : i32
            %parallel_loop3A_151 = arith.muli %parallel_loop3A_149, %parallel_loop3A_150 : i32
            %parallel_loop3A_152 = arith.constant 2 : i32
            %parallel_loop3A_153 = arith.index_cast %parallel_loop3A_152 : i32 to index
            %parallel_loop3A_154 = arith.index_cast %parallel_loop3A_151 : i32 to index
            %parallel_loop3A_155 = tpu.vector_load %arg6[%parallel_loop3A_153, %parallel_loop3A_154] {strides = array<i32>} : memref<16x2048xf32, #tpu.memory_space<vmem>>, vector<1x16xf32>,
            %parallel_loop3A_156 = vector.shape_cast %parallel_loop3A_155 : vector<1x16xf32> to vector<16xf32>
            %parallel_loop3A_157 = arith.constant 16 : i32
            %parallel_loop3A_158 = arith.muli %parallel_loop3A_59, %parallel_loop3A_157 : i32
            %parallel_loop3A_159 = arith.constant 2 : i32
            %parallel_loop3A_160 = arith.index_cast %parallel_loop3A_159 : i32 to index
            %parallel_loop3A_161 = arith.index_cast %parallel_loop3A_158 : i32 to index
            %parallel_loop3A_162 = tpu.vector_load %arg6[%parallel_loop3A_160, %parallel_loop3A_161] {strides = array<i32>} : memref<16x2048xf32, #tpu.memory_space<vmem>>, vector<1x16xf32>,
            %parallel_loop3A_163 = vector.shape_cast %parallel_loop3A_162 : vector<1x16xf32> to vector<16xf32>
            %parallel_loop3A_164 = arith.constant 15 : i32
            %parallel_loop3A_165 = vector.broadcast %parallel_loop3A_164 : i32 to vector<16xi32>
            %parallel_loop3A_166 = tpu.iota {dimensions = array<i32: 0>} : vector<16xi32>
            %parallel_loop3A_167 = arith.subi %parallel_loop3A_165, %parallel_loop3A_166 : vector<16xi32>
            %parallel_loop3A_168 = tpu.dynamic_gather %parallel_loop3A_156[%parallel_loop3A_167] in [0] : vector<16xf32>, vector<16xi32> -> vector<16xf32>
            %parallel_loop3A_169 = arith.constant 16 : i32
            %parallel_loop3A_170 = arith.muli %parallel_loop3A_59, %parallel_loop3A_169 : i32
            %parallel_loop3A_171 = arith.constant 2 : i32
            %parallel_loop3A_172 = arith.index_cast %parallel_loop3A_171 : i32 to index
            %parallel_loop3A_173 = arith.index_cast %parallel_loop3A_170 : i32 to index
            %parallel_loop3A_174 = tpu.vector_load %arg6[%parallel_loop3A_172, %parallel_loop3A_173] {strides = array<i32>} : memref<16x2048xf32, #tpu.memory_space<vmem>>, vector<1x16xf32>,
            %parallel_loop3A_175 = vector.shape_cast %parallel_loop3A_174 : vector<1x16xf32> to vector<16xf32>
            %parallel_loop3A_176 = vector.shape_cast %parallel_loop3A_168 : vector<16xf32> to vector<1x16xf32>
            tpu.vector_store %arg6[%parallel_loop3A_172, %parallel_loop3A_173], %parallel_loop3A_176 {strides = array<i32>} : memref<16x2048xf32, #tpu.memory_space<vmem>>, vector<1x16xf32>,
            %parallel_loop3A_177 = arith.constant 15 : i32
            %parallel_loop3A_178 = vector.broadcast %parallel_loop3A_177 : i32 to vector<16xi32>
            %parallel_loop3A_179 = tpu.iota {dimensions = array<i32: 0>} : vector<16xi32>
            %parallel_loop3A_180 = arith.subi %parallel_loop3A_178, %parallel_loop3A_179 : vector<16xi32>
            %parallel_loop3A_181 = tpu.dynamic_gather %parallel_loop3A_163[%parallel_loop3A_180] in [0] : vector<16xf32>, vector<16xi32> -> vector<16xf32>
            %parallel_loop3A_182 = arith.constant 127 : i32
            %parallel_loop3A_183 = arith.subi %parallel_loop3A_182, %parallel_loop3A_59 : i32
            %parallel_loop3A_184 = arith.constant 16 : i32
            %parallel_loop3A_185 = arith.muli %parallel_loop3A_183, %parallel_loop3A_184 : i32
            %parallel_loop3A_186 = arith.constant 2 : i32
            %parallel_loop3A_187 = arith.index_cast %parallel_loop3A_186 : i32 to index
            %parallel_loop3A_188 = arith.index_cast %parallel_loop3A_185 : i32 to index
            %parallel_loop3A_189 = tpu.vector_load %arg6[%parallel_loop3A_187, %parallel_loop3A_188] {strides = array<i32>} : memref<16x2048xf32, #tpu.memory_space<vmem>>, vector<1x16xf32>,
            %parallel_loop3A_190 = vector.shape_cast %parallel_loop3A_189 : vector<1x16xf32> to vector<16xf32>
            %parallel_loop3A_191 = vector.shape_cast %parallel_loop3A_181 : vector<16xf32> to vector<1x16xf32>
            tpu.vector_store %arg6[%parallel_loop3A_187, %parallel_loop3A_188], %parallel_loop3A_191 {strides = array<i32>} : memref<16x2048xf32, #tpu.memory_space<vmem>>, vector<1x16xf32>,
            %parallel_loop3A_192 = arith.constant 127 : i32
            %parallel_loop3A_193 = arith.subi %parallel_loop3A_192, %parallel_loop3A_59 : i32
            %parallel_loop3A_194 = arith.constant 16 : i32
            %parallel_loop3A_195 = arith.muli %parallel_loop3A_193, %parallel_loop3A_194 : i32
            %parallel_loop3A_196 = arith.constant 3 : i32
            %parallel_loop3A_197 = arith.index_cast %parallel_loop3A_196 : i32 to index
            %parallel_loop3A_198 = arith.index_cast %parallel_loop3A_195 : i32 to index
            %parallel_loop3A_199 = tpu.vector_load %arg6[%parallel_loop3A_197, %parallel_loop3A_198] {strides = array<i32>} : memref<16x2048xf32, #tpu.memory_space<vmem>>, vector<1x16xf32>,
            %parallel_loop3A_200 = vector.shape_cast %parallel_loop3A_199 : vector<1x16xf32> to vector<16xf32>
            %parallel_loop3A_201 = arith.constant 16 : i32
            %parallel_loop3A_202 = arith.muli %parallel_loop3A_59, %parallel_loop3A_201 : i32
            %parallel_loop3A_203 = arith.constant 3 : i32
            %parallel_loop3A_204 = arith.index_cast %parallel_loop3A_203 : i32 to index
            %parallel_loop3A_205 = arith.index_cast %parallel_loop3A_202 : i32 to index
            %parallel_loop3A_206 = tpu.vector_load %arg6[%parallel_loop3A_204, %parallel_loop3A_205] {strides = array<i32>} : memref<16x2048xf32, #tpu.memory_space<vmem>>, vector<1x16xf32>,
            %parallel_loop3A_207 = vector.shape_cast %parallel_loop3A_206 : vector<1x16xf32> to vector<16xf32>
            %parallel_loop3A_208 = arith.constant 15 : i32
            %parallel_loop3A_209 = vector.broadcast %parallel_loop3A_208 : i32 to vector<16xi32>
            %parallel_loop3A_210 = tpu.iota {dimensions = array<i32: 0>} : vector<16xi32>
            %parallel_loop3A_211 = arith.subi %parallel_loop3A_209, %parallel_loop3A_210 : vector<16xi32>
            %parallel_loop3A_212 = tpu.dynamic_gather %parallel_loop3A_200[%parallel_loop3A_211] in [0] : vector<16xf32>, vector<16xi32> -> vector<16xf32>
            %parallel_loop3A_213 = arith.constant 16 : i32
            %parallel_loop3A_214 = arith.muli %parallel_loop3A_59, %parallel_loop3A_213 : i32
            %parallel_loop3A_215 = arith.constant 3 : i32
            %parallel_loop3A_216 = arith.index_cast %parallel_loop3A_215 : i32 to index
            %parallel_loop3A_217 = arith.index_cast %parallel_loop3A_214 : i32 to index
            %parallel_loop3A_218 = tpu.vector_load %arg6[%parallel_loop3A_216, %parallel_loop3A_217] {strides = array<i32>} : memref<16x2048xf32, #tpu.memory_space<vmem>>, vector<1x16xf32>,
            %parallel_loop3A_219 = vector.shape_cast %parallel_loop3A_218 : vector<1x16xf32> to vector<16xf32>
            %parallel_loop3A_220 = vector.shape_cast %parallel_loop3A_212 : vector<16xf32> to vector<1x16xf32>
            tpu.vector_store %arg6[%parallel_loop3A_216, %parallel_loop3A_217], %parallel_loop3A_220 {strides = array<i32>} : memref<16x2048xf32, #tpu.memory_space<vmem>>, vector<1x16xf32>,
            %parallel_loop3A_221 = arith.constant 15 : i32
            %parallel_loop3A_222 = vector.broadcast %parallel_loop3A_221 : i32 to vector<16xi32>
            %parallel_loop3A_223 = tpu.iota {dimensions = array<i32: 0>} : vector<16xi32>
            %parallel_loop3A_224 = arith.subi %parallel_loop3A_222, %parallel_loop3A_223 : vector<16xi32>
            %parallel_loop3A_225 = tpu.dynamic_gather %parallel_loop3A_207[%parallel_loop3A_224] in [0] : vector<16xf32>, vector<16xi32> -> vector<16xf32>
            %parallel_loop3A_226 = arith.constant 127 : i32
            %parallel_loop3A_227 = arith.subi %parallel_loop3A_226, %parallel_loop3A_59 : i32
            %parallel_loop3A_228 = arith.constant 16 : i32
            %parallel_loop3A_229 = arith.muli %parallel_loop3A_227, %parallel_loop3A_228 : i32
            %parallel_loop3A_230 = arith.constant 3 : i32
            %parallel_loop3A_231 = arith.index_cast %parallel_loop3A_230 : i32 to index
            %parallel_loop3A_232 = arith.index_cast %parallel_loop3A_229 : i32 to index
            %parallel_loop3A_233 = tpu.vector_load %arg6[%parallel_loop3A_231, %parallel_loop3A_232] {strides = array<i32>} : memref<16x2048xf32, #tpu.memory_space<vmem>>, vector<1x16xf32>,
            %parallel_loop3A_234 = vector.shape_cast %parallel_loop3A_233 : vector<1x16xf32> to vector<16xf32>
            %parallel_loop3A_235 = vector.shape_cast %parallel_loop3A_225 : vector<16xf32> to vector<1x16xf32>
            tpu.vector_store %arg6[%parallel_loop3A_231, %parallel_loop3A_232], %parallel_loop3A_235 {strides = array<i32>} : memref<16x2048xf32, #tpu.memory_space<vmem>>, vector<1x16xf32>,
            %parallel_loop3A_236 = arith.constant 127 : i32
            %parallel_loop3A_237 = arith.subi %parallel_loop3A_236, %parallel_loop3A_59 : i32
            %parallel_loop3A_238 = arith.constant 16 : i32
            %parallel_loop3A_239 = arith.muli %parallel_loop3A_237, %parallel_loop3A_238 : i32
            %parallel_loop3A_240 = arith.constant 4 : i32
            %parallel_loop3A_241 = arith.index_cast %parallel_loop3A_240 : i32 to index
            %parallel_loop3A_242 = arith.index_cast %parallel_loop3A_239 : i32 to index
            %parallel_loop3A_243 = tpu.vector_load %arg6[%parallel_loop3A_241, %parallel_loop3A_242] {strides = array<i32>} : memref<16x2048xf32, #tpu.memory_space<vmem>>, vector<1x16xf32>,
            %parallel_loop3A_244 = vector.shape_cast %parallel_loop3A_243 : vector<1x16xf32> to vector<16xf32>
            %parallel_loop3A_245 = arith.constant 16 : i32
            %parallel_loop3A_246 = arith.muli %parallel_loop3A_59, %parallel_loop3A_245 : i32
            %parallel_loop3A_247 = arith.constant 4 : i32
            %parallel_loop3A_248 = arith.index_cast %parallel_loop3A_247 : i32 to index
            %parallel_loop3A_249 = arith.index_cast %parallel_loop3A_246 : i32 to index
            %parallel_loop3A_250 = tpu.vector_load %arg6[%parallel_loop3A_248, %parallel_loop3A_249] {strides = array<i32>} : memref<16x2048xf32, #tpu.memory_space<vmem>>, vector<1x16xf32>,
            %parallel_loop3A_251 = vector.shape_cast %parallel_loop3A_250 : vector<1x16xf32> to vector<16xf32>
            %parallel_loop3A_252 = arith.constant 15 : i32
            %parallel_loop3A_253 = vector.broadcast %parallel_loop3A_252 : i32 to vector<16xi32>
            %parallel_loop3A_254 = tpu.iota {dimensions = array<i32: 0>} : vector<16xi32>
            %parallel_loop3A_255 = arith.subi %parallel_loop3A_253, %parallel_loop3A_254 : vector<16xi32>
            %parallel_loop3A_256 = tpu.dynamic_gather %parallel_loop3A_244[%parallel_loop3A_255] in [0] : vector<16xf32>, vector<16xi32> -> vector<16xf32>
            %parallel_loop3A_257 = arith.constant 16 : i32
            %parallel_loop3A_258 = arith.muli %parallel_loop3A_59, %parallel_loop3A_257 : i32
            %parallel_loop3A_259 = arith.constant 4 : i32
            %parallel_loop3A_260 = arith.index_cast %parallel_loop3A_259 : i32 to index
            %parallel_loop3A_261 = arith.index_cast %parallel_loop3A_258 : i32 to index
            %parallel_loop3A_262 = tpu.vector_load %arg6[%parallel_loop3A_260, %parallel_loop3A_261] {strides = array<i32>} : memref<16x2048xf32, #tpu.memory_space<vmem>>, vector<1x16xf32>,
            %parallel_loop3A_263 = vector.shape_cast %parallel_loop3A_262 : vector<1x16xf32> to vector<16xf32>
            %parallel_loop3A_264 = vector.shape_cast %parallel_loop3A_256 : vector<16xf32> to vector<1x16xf32>
            tpu.vector_store %arg6[%parallel_loop3A_260, %parallel_loop3A_261], %parallel_loop3A_264 {strides = array<i32>} : memref<16x2048xf32, #tpu.memory_space<vmem>>, vector<1x16xf32>,
            %parallel_loop3A_265 = arith.constant 15 : i32
            %parallel_loop3A_266 = vector.broadcast %parallel_loop3A_265 : i32 to vector<16xi32>
            %parallel_loop3A_267 = tpu.iota {dimensions = array<i32: 0>} : vector<16xi32>
            %parallel_loop3A_268 = arith.subi %parallel_loop3A_266, %parallel_loop3A_267 : vector<16xi32>
            %parallel_loop3A_269 = tpu.dynamic_gather %parallel_loop3A_251[%parallel_loop3A_268] in [0] : vector<16xf32>, vector<16xi32> -> vector<16xf32>
            %parallel_loop3A_270 = arith.constant 127 : i32
            %parallel_loop3A_271 = arith.subi %parallel_loop3A_270, %parallel_loop3A_59 : i32
            %parallel_loop3A_272 = arith.constant 16 : i32
            %parallel_loop3A_273 = arith.muli %parallel_loop3A_271, %parallel_loop3A_272 : i32
            %parallel_loop3A_274 = arith.constant 4 : i32
            %parallel_loop3A_275 = arith.index_cast %parallel_loop3A_274 : i32 to index
            %parallel_loop3A_276 = arith.index_cast %parallel_loop3A_273 : i32 to index
            %parallel_loop3A_277 = tpu.vector_load %arg6[%parallel_loop3A_275, %parallel_loop3A_276] {strides = array<i32>} : memref<16x2048xf32, #tpu.memory_space<vmem>>, vector<1x16xf32>,
            %parallel_loop3A_278 = vector.shape_cast %parallel_loop3A_277 : vector<1x16xf32> to vector<16xf32>
            %parallel_loop3A_279 = vector.shape_cast %parallel_loop3A_269 : vector<16xf32> to vector<1x16xf32>
            tpu.vector_store %arg6[%parallel_loop3A_275, %parallel_loop3A_276], %parallel_loop3A_279 {strides = array<i32>} : memref<16x2048xf32, #tpu.memory_space<vmem>>, vector<1x16xf32>,
            %parallel_loop3A_280 = arith.constant 127 : i32
            %parallel_loop3A_281 = arith.subi %parallel_loop3A_280, %parallel_loop3A_59 : i32
            %parallel_loop3A_282 = arith.constant 16 : i32
            %parallel_loop3A_283 = arith.muli %parallel_loop3A_281, %parallel_loop3A_282 : i32
            %parallel_loop3A_284 = arith.constant 5 : i32
            %parallel_loop3A_285 = arith.index_cast %parallel_loop3A_284 : i32 to index
            %parallel_loop3A_286 = arith.index_cast %parallel_loop3A_283 : i32 to index
            %parallel_loop3A_287 = tpu.vector_load %arg6[%parallel_loop3A_285, %parallel_loop3A_286] {strides = array<i32>} : memref<16x2048xf32, #tpu.memory_space<vmem>>, vector<1x16xf32>,
            %parallel_loop3A_288 = vector.shape_cast %parallel_loop3A_287 : vector<1x16xf32> to vector<16xf32>
            %parallel_loop3A_289 = arith.constant 16 : i32
            %parallel_loop3A_290 = arith.muli %parallel_loop3A_59, %parallel_loop3A_289 : i32
            %parallel_loop3A_291 = arith.constant 5 : i32
            %parallel_loop3A_292 = arith.index_cast %parallel_loop3A_291 : i32 to index
            %parallel_loop3A_293 = arith.index_cast %parallel_loop3A_290 : i32 to index
            %parallel_loop3A_294 = tpu.vector_load %arg6[%parallel_loop3A_292, %parallel_loop3A_293] {strides = array<i32>} : memref<16x2048xf32, #tpu.memory_space<vmem>>, vector<1x16xf32>,
            %parallel_loop3A_295 = vector.shape_cast %parallel_loop3A_294 : vector<1x16xf32> to vector<16xf32>
            %parallel_loop3A_296 = arith.constant 15 : i32
            %parallel_loop3A_297 = vector.broadcast %parallel_loop3A_296 : i32 to vector<16xi32>
            %parallel_loop3A_298 = tpu.iota {dimensions = array<i32: 0>} : vector<16xi32>
            %parallel_loop3A_299 = arith.subi %parallel_loop3A_297, %parallel_loop3A_298 : vector<16xi32>
            %parallel_loop3A_300 = tpu.dynamic_gather %parallel_loop3A_288[%parallel_loop3A_299] in [0] : vector<16xf32>, vector<16xi32> -> vector<16xf32>
            %parallel_loop3A_301 = arith.constant 16 : i32
            %parallel_loop3A_302 = arith.muli %parallel_loop3A_59, %parallel_loop3A_301 : i32
            %parallel_loop3A_303 = arith.constant 5 : i32
            %parallel_loop3A_304 = arith.index_cast %parallel_loop3A_303 : i32 to index
            %parallel_loop3A_305 = arith.index_cast %parallel_loop3A_302 : i32 to index
            %parallel_loop3A_306 = tpu.vector_load %arg6[%parallel_loop3A_304, %parallel_loop3A_305] {strides = array<i32>} : memref<16x2048xf32, #tpu.memory_space<vmem>>, vector<1x16xf32>,
            %parallel_loop3A_307 = vector.shape_cast %parallel_loop3A_306 : vector<1x16xf32> to vector<16xf32>
            %parallel_loop3A_308 = vector.shape_cast %parallel_loop3A_300 : vector<16xf32> to vector<1x16xf32>
            tpu.vector_store %arg6[%parallel_loop3A_304, %parallel_loop3A_305], %parallel_loop3A_308 {strides = array<i32>} : memref<16x2048xf32, #tpu.memory_space<vmem>>, vector<1x16xf32>,
            %parallel_loop3A_309 = arith.constant 15 : i32
            %parallel_loop3A_310 = vector.broadcast %parallel_loop3A_309 : i32 to vector<16xi32>
            %parallel_loop3A_311 = tpu.iota {dimensions = array<i32: 0>} : vector<16xi32>
            %parallel_loop3A_312 = arith.subi %parallel_loop3A_310, %parallel_loop3A_311 : vector<16xi32>
            %parallel_loop3A_313 = tpu.dynamic_gather %parallel_loop3A_295[%parallel_loop3A_312] in [0] : vector<16xf32>, vector<16xi32> -> vector<16xf32>
            %parallel_loop3A_314 = arith.constant 127 : i32
            %parallel_loop3A_315 = arith.subi %parallel_loop3A_314, %parallel_loop3A_59 : i32
            %parallel_loop3A_316 = arith.constant 16 : i32
            %parallel_loop3A_317 = arith.muli %parallel_loop3A_315, %parallel_loop3A_316 : i32
            %parallel_loop3A_318 = arith.constant 5 : i32
            %parallel_loop3A_319 = arith.index_cast %parallel_loop3A_318 : i32 to index
            %parallel_loop3A_320 = arith.index_cast %parallel_loop3A_317 : i32 to index
            %parallel_loop3A_321 = tpu.vector_load %arg6[%parallel_loop3A_319, %parallel_loop3A_320] {strides = array<i32>} : memref<16x2048xf32, #tpu.memory_space<vmem>>, vector<1x16xf32>,
            %parallel_loop3A_322 = vector.shape_cast %parallel_loop3A_321 : vector<1x16xf32> to vector<16xf32>
            %parallel_loop3A_323 = vector.shape_cast %parallel_loop3A_313 : vector<16xf32> to vector<1x16xf32>
            tpu.vector_store %arg6[%parallel_loop3A_319, %parallel_loop3A_320], %parallel_loop3A_323 {strides = array<i32>} : memref<16x2048xf32, #tpu.memory_space<vmem>>, vector<1x16xf32>,
            %parallel_loop3A_324 = arith.constant 127 : i32
            %parallel_loop3A_325 = arith.subi %parallel_loop3A_324, %parallel_loop3A_59 : i32
            %parallel_loop3A_326 = arith.constant 16 : i32
            %parallel_loop3A_327 = arith.muli %parallel_loop3A_325, %parallel_loop3A_326 : i32
            %parallel_loop3A_328 = arith.constant 6 : i32
            %parallel_loop3A_329 = arith.index_cast %parallel_loop3A_328 : i32 to index
            %parallel_loop3A_330 = arith.index_cast %parallel_loop3A_327 : i32 to index
            %parallel_loop3A_331 = tpu.vector_load %arg6[%parallel_loop3A_329, %parallel_loop3A_330] {strides = array<i32>} : memref<16x2048xf32, #tpu.memory_space<vmem>>, vector<1x16xf32>,
            %parallel_loop3A_332 = vector.shape_cast %parallel_loop3A_331 : vector<1x16xf32> to vector<16xf32>
            %parallel_loop3A_333 = arith.constant 16 : i32
            %parallel_loop3A_334 = arith.muli %parallel_loop3A_59, %parallel_loop3A_333 : i32
            %parallel_loop3A_335 = arith.constant 6 : i32
            %parallel_loop3A_336 = arith.index_cast %parallel_loop3A_335 : i32 to index
            %parallel_loop3A_337 = arith.index_cast %parallel_loop3A_334 : i32 to index
            %parallel_loop3A_338 = tpu.vector_load %arg6[%parallel_loop3A_336, %parallel_loop3A_337] {strides = array<i32>} : memref<16x2048xf32, #tpu.memory_space<vmem>>, vector<1x16xf32>,
            %parallel_loop3A_339 = vector.shape_cast %parallel_loop3A_338 : vector<1x16xf32> to vector<16xf32>
            %parallel_loop3A_340 = arith.constant 15 : i32
            %parallel_loop3A_341 = vector.broadcast %parallel_loop3A_340 : i32 to vector<16xi32>
            %parallel_loop3A_342 = tpu.iota {dimensions = array<i32: 0>} : vector<16xi32>
            %parallel_loop3A_343 = arith.subi %parallel_loop3A_341, %parallel_loop3A_342 : vector<16xi32>
            %parallel_loop3A_344 = tpu.dynamic_gather %parallel_loop3A_332[%parallel_loop3A_343] in [0] : vector<16xf32>, vector<16xi32> -> vector<16xf32>
            %parallel_loop3A_345 = arith.constant 16 : i32
            %parallel_loop3A_346 = arith.muli %parallel_loop3A_59, %parallel_loop3A_345 : i32
            %parallel_loop3A_347 = arith.constant 6 : i32
            %parallel_loop3A_348 = arith.index_cast %parallel_loop3A_347 : i32 to index
            %parallel_loop3A_349 = arith.index_cast %parallel_loop3A_346 : i32 to index
            %parallel_loop3A_350 = tpu.vector_load %arg6[%parallel_loop3A_348, %parallel_loop3A_349] {strides = array<i32>} : memref<16x2048xf32, #tpu.memory_space<vmem>>, vector<1x16xf32>,
            %parallel_loop3A_351 = vector.shape_cast %parallel_loop3A_350 : vector<1x16xf32> to vector<16xf32>
            %parallel_loop3A_352 = vector.shape_cast %parallel_loop3A_344 : vector<16xf32> to vector<1x16xf32>
            tpu.vector_store %arg6[%parallel_loop3A_348, %parallel_loop3A_349], %parallel_loop3A_352 {strides = array<i32>} : memref<16x2048xf32, #tpu.memory_space<vmem>>, vector<1x16xf32>,
            %parallel_loop3A_353 = arith.constant 15 : i32
            %parallel_loop3A_354 = vector.broadcast %parallel_loop3A_353 : i32 to vector<16xi32>
            %parallel_loop3A_355 = tpu.iota {dimensions = array<i32: 0>} : vector<16xi32>
            %parallel_loop3A_356 = arith.subi %parallel_loop3A_354, %parallel_loop3A_355 : vector<16xi32>
            %parallel_loop3A_357 = tpu.dynamic_gather %parallel_loop3A_339[%parallel_loop3A_356] in [0] : vector<16xf32>, vector<16xi32> -> vector<16xf32>
            %parallel_loop3A_358 = arith.constant 127 : i32
            %parallel_loop3A_359 = arith.subi %parallel_loop3A_358, %parallel_loop3A_59 : i32
            %parallel_loop3A_360 = arith.constant 16 : i32
            %parallel_loop3A_361 = arith.muli %parallel_loop3A_359, %parallel_loop3A_360 : i32
            %parallel_loop3A_362 = arith.constant 6 : i32
            %parallel_loop3A_363 = arith.index_cast %parallel_loop3A_362 : i32 to index
            %parallel_loop3A_364 = arith.index_cast %parallel_loop3A_361 : i32 to index
            %parallel_loop3A_365 = tpu.vector_load %arg6[%parallel_loop3A_363, %parallel_loop3A_364] {strides = array<i32>} : memref<16x2048xf32, #tpu.memory_space<vmem>>, vector<1x16xf32>,
            %parallel_loop3A_366 = vector.shape_cast %parallel_loop3A_365 : vector<1x16xf32> to vector<16xf32>
            %parallel_loop3A_367 = vector.shape_cast %parallel_loop3A_357 : vector<16xf32> to vector<1x16xf32>
            tpu.vector_store %arg6[%parallel_loop3A_363, %parallel_loop3A_364], %parallel_loop3A_367 {strides = array<i32>} : memref<16x2048xf32, #tpu.memory_space<vmem>>, vector<1x16xf32>,
            %parallel_loop3A_368 = arith.constant 127 : i32
            %parallel_loop3A_369 = arith.subi %parallel_loop3A_368, %parallel_loop3A_59 : i32
            %parallel_loop3A_370 = arith.constant 16 : i32
            %parallel_loop3A_371 = arith.muli %parallel_loop3A_369, %parallel_loop3A_370 : i32
            %parallel_loop3A_372 = arith.constant 7 : i32
            %parallel_loop3A_373 = arith.index_cast %parallel_loop3A_372 : i32 to index
            %parallel_loop3A_374 = arith.index_cast %parallel_loop3A_371 : i32 to index
            %parallel_loop3A_375 = tpu.vector_load %arg6[%parallel_loop3A_373, %parallel_loop3A_374] {strides = array<i32>} : memref<16x2048xf32, #tpu.memory_space<vmem>>, vector<1x16xf32>,
            %parallel_loop3A_376 = vector.shape_cast %parallel_loop3A_375 : vector<1x16xf32> to vector<16xf32>
            %parallel_loop3A_377 = arith.constant 16 : i32
            %parallel_loop3A_378 = arith.muli %parallel_loop3A_59, %parallel_loop3A_377 : i32
            %parallel_loop3A_379 = arith.constant 7 : i32
            %parallel_loop3A_380 = arith.index_cast %parallel_loop3A_379 : i32 to index
            %parallel_loop3A_381 = arith.index_cast %parallel_loop3A_378 : i32 to index
            %parallel_loop3A_382 = tpu.vector_load %arg6[%parallel_loop3A_380, %parallel_loop3A_381] {strides = array<i32>} : memref<16x2048xf32, #tpu.memory_space<vmem>>, vector<1x16xf32>,
            %parallel_loop3A_383 = vector.shape_cast %parallel_loop3A_382 : vector<1x16xf32> to vector<16xf32>
            %parallel_loop3A_384 = arith.constant 15 : i32
            %parallel_loop3A_385 = vector.broadcast %parallel_loop3A_384 : i32 to vector<16xi32>
            %parallel_loop3A_386 = tpu.iota {dimensions = array<i32: 0>} : vector<16xi32>
            %parallel_loop3A_387 = arith.subi %parallel_loop3A_385, %parallel_loop3A_386 : vector<16xi32>
            %parallel_loop3A_388 = tpu.dynamic_gather %parallel_loop3A_376[%parallel_loop3A_387] in [0] : vector<16xf32>, vector<16xi32> -> vector<16xf32>
            %parallel_loop3A_389 = arith.constant 16 : i32
            %parallel_loop3A_390 = arith.muli %parallel_loop3A_59, %parallel_loop3A_389 : i32
            %parallel_loop3A_391 = arith.constant 7 : i32
            %parallel_loop3A_392 = arith.index_cast %parallel_loop3A_391 : i32 to index
            %parallel_loop3A_393 = arith.index_cast %parallel_loop3A_390 : i32 to index
            %parallel_loop3A_394 = tpu.vector_load %arg6[%parallel_loop3A_392, %parallel_loop3A_393] {strides = array<i32>} : memref<16x2048xf32, #tpu.memory_space<vmem>>, vector<1x16xf32>,
            %parallel_loop3A_395 = vector.shape_cast %parallel_loop3A_394 : vector<1x16xf32> to vector<16xf32>
            %parallel_loop3A_396 = vector.shape_cast %parallel_loop3A_388 : vector<16xf32> to vector<1x16xf32>
            tpu.vector_store %arg6[%parallel_loop3A_392, %parallel_loop3A_393], %parallel_loop3A_396 {strides = array<i32>} : memref<16x2048xf32, #tpu.memory_space<vmem>>, vector<1x16xf32>,
            %parallel_loop3A_397 = arith.constant 15 : i32
            %parallel_loop3A_398 = vector.broadcast %parallel_loop3A_397 : i32 to vector<16xi32>
            %parallel_loop3A_399 = tpu.iota {dimensions = array<i32: 0>} : vector<16xi32>
            %parallel_loop3A_400 = arith.subi %parallel_loop3A_398, %parallel_loop3A_399 : vector<16xi32>
            %parallel_loop3A_401 = tpu.dynamic_gather %parallel_loop3A_383[%parallel_loop3A_400] in [0] : vector<16xf32>, vector<16xi32> -> vector<16xf32>
            %parallel_loop3A_402 = arith.constant 127 : i32
            %parallel_loop3A_403 = arith.subi %parallel_loop3A_402, %parallel_loop3A_59 : i32
            %parallel_loop3A_404 = arith.constant 16 : i32
            %parallel_loop3A_405 = arith.muli %parallel_loop3A_403, %parallel_loop3A_404 : i32
            %parallel_loop3A_406 = arith.constant 7 : i32
            %parallel_loop3A_407 = arith.index_cast %parallel_loop3A_406 : i32 to index
            %parallel_loop3A_408 = arith.index_cast %parallel_loop3A_405 : i32 to index
            %parallel_loop3A_409 = tpu.vector_load %arg6[%parallel_loop3A_407, %parallel_loop3A_408] {strides = array<i32>} : memref<16x2048xf32, #tpu.memory_space<vmem>>, vector<1x16xf32>,
            %parallel_loop3A_410 = vector.shape_cast %parallel_loop3A_409 : vector<1x16xf32> to vector<16xf32>
            %parallel_loop3A_411 = vector.shape_cast %parallel_loop3A_401 : vector<16xf32> to vector<1x16xf32>
            tpu.vector_store %arg6[%parallel_loop3A_407, %parallel_loop3A_408], %parallel_loop3A_411 {strides = array<i32>} : memref<16x2048xf32, #tpu.memory_space<vmem>>, vector<1x16xf32>,
            %parallel_loop3A_412 = arith.constant 127 : i32
            %parallel_loop3A_413 = arith.subi %parallel_loop3A_412, %parallel_loop3A_59 : i32
            %parallel_loop3A_414 = arith.constant 16 : i32
            %parallel_loop3A_415 = arith.muli %parallel_loop3A_413, %parallel_loop3A_414 : i32
            %parallel_loop3A_416 = arith.constant 8 : i32
            %parallel_loop3A_417 = arith.index_cast %parallel_loop3A_416 : i32 to index
            %parallel_loop3A_418 = arith.index_cast %parallel_loop3A_415 : i32 to index
            %parallel_loop3A_419 = tpu.vector_load %arg6[%parallel_loop3A_417, %parallel_loop3A_418] {strides = array<i32>} : memref<16x2048xf32, #tpu.memory_space<vmem>>, vector<1x16xf32>,
            %parallel_loop3A_420 = vector.shape_cast %parallel_loop3A_419 : vector<1x16xf32> to vector<16xf32>
            %parallel_loop3A_421 = arith.constant 16 : i32
            %parallel_loop3A_422 = arith.muli %parallel_loop3A_59, %parallel_loop3A_421 : i32
            %parallel_loop3A_423 = arith.constant 8 : i32
            %parallel_loop3A_424 = arith.index_cast %parallel_loop3A_423 : i32 to index
            %parallel_loop3A_425 = arith.index_cast %parallel_loop3A_422 : i32 to index
            %parallel_loop3A_426 = tpu.vector_load %arg6[%parallel_loop3A_424, %parallel_loop3A_425] {strides = array<i32>} : memref<16x2048xf32, #tpu.memory_space<vmem>>, vector<1x16xf32>,
            %parallel_loop3A_427 = vector.shape_cast %parallel_loop3A_426 : vector<1x16xf32> to vector<16xf32>
            %parallel_loop3A_428 = arith.constant 15 : i32
            %parallel_loop3A_429 = vector.broadcast %parallel_loop3A_428 : i32 to vector<16xi32>
            %parallel_loop3A_430 = tpu.iota {dimensions = array<i32: 0>} : vector<16xi32>
            %parallel_loop3A_431 = arith.subi %parallel_loop3A_429, %parallel_loop3A_430 : vector<16xi32>
            %parallel_loop3A_432 = tpu.dynamic_gather %parallel_loop3A_420[%parallel_loop3A_431] in [0] : vector<16xf32>, vector<16xi32> -> vector<16xf32>
            %parallel_loop3A_433 = arith.constant 16 : i32
            %parallel_loop3A_434 = arith.muli %parallel_loop3A_59, %parallel_loop3A_433 : i32
            %parallel_loop3A_435 = arith.constant 8 : i32
            %parallel_loop3A_436 = arith.index_cast %parallel_loop3A_435 : i32 to index
            %parallel_loop3A_437 = arith.index_cast %parallel_loop3A_434 : i32 to index
            %parallel_loop3A_438 = tpu.vector_load %arg6[%parallel_loop3A_436, %parallel_loop3A_437] {strides = array<i32>} : memref<16x2048xf32, #tpu.memory_space<vmem>>, vector<1x16xf32>,
            %parallel_loop3A_439 = vector.shape_cast %parallel_loop3A_438 : vector<1x16xf32> to vector<16xf32>
            %parallel_loop3A_440 = vector.shape_cast %parallel_loop3A_432 : vector<16xf32> to vector<1x16xf32>
            tpu.vector_store %arg6[%parallel_loop3A_436, %parallel_loop3A_437], %parallel_loop3A_440 {strides = array<i32>} : memref<16x2048xf32, #tpu.memory_space<vmem>>, vector<1x16xf32>,
            %parallel_loop3A_441 = arith.constant 15 : i32
            %parallel_loop3A_442 = vector.broadcast %parallel_loop3A_441 : i32 to vector<16xi32>
            %parallel_loop3A_443 = tpu.iota {dimensions = array<i32: 0>} : vector<16xi32>
            %parallel_loop3A_444 = arith.subi %parallel_loop3A_442, %parallel_loop3A_443 : vector<16xi32>
            %parallel_loop3A_445 = tpu.dynamic_gather %parallel_loop3A_427[%parallel_loop3A_444] in [0] : vector<16xf32>, vector<16xi32> -> vector<16xf32>
            %parallel_loop3A_446 = arith.constant 127 : i32
            %parallel_loop3A_447 = arith.subi %parallel_loop3A_446, %parallel_loop3A_59 : i32
            %parallel_loop3A_448 = arith.constant 16 : i32
            %parallel_loop3A_449 = arith.muli %parallel_loop3A_447, %parallel_loop3A_448 : i32
            %parallel_loop3A_450 = arith.constant 8 : i32
            %parallel_loop3A_451 = arith.index_cast %parallel_loop3A_450 : i32 to index
            %parallel_loop3A_452 = arith.index_cast %parallel_loop3A_449 : i32 to index
            %parallel_loop3A_453 = tpu.vector_load %arg6[%parallel_loop3A_451, %parallel_loop3A_452] {strides = array<i32>} : memref<16x2048xf32, #tpu.memory_space<vmem>>, vector<1x16xf32>,
            %parallel_loop3A_454 = vector.shape_cast %parallel_loop3A_453 : vector<1x16xf32> to vector<16xf32>
            %parallel_loop3A_455 = vector.shape_cast %parallel_loop3A_445 : vector<16xf32> to vector<1x16xf32>
            tpu.vector_store %arg6[%parallel_loop3A_451, %parallel_loop3A_452], %parallel_loop3A_455 {strides = array<i32>} : memref<16x2048xf32, #tpu.memory_space<vmem>>, vector<1x16xf32>,
            %parallel_loop3A_456 = arith.constant 127 : i32
            %parallel_loop3A_457 = arith.subi %parallel_loop3A_456, %parallel_loop3A_59 : i32
            %parallel_loop3A_458 = arith.constant 16 : i32
            %parallel_loop3A_459 = arith.muli %parallel_loop3A_457, %parallel_loop3A_458 : i32
            %parallel_loop3A_460 = arith.constant 9 : i32
            %parallel_loop3A_461 = arith.index_cast %parallel_loop3A_460 : i32 to index
            %parallel_loop3A_462 = arith.index_cast %parallel_loop3A_459 : i32 to index
            %parallel_loop3A_463 = tpu.vector_load %arg6[%parallel_loop3A_461, %parallel_loop3A_462] {strides = array<i32>} : memref<16x2048xf32, #tpu.memory_space<vmem>>, vector<1x16xf32>,
            %parallel_loop3A_464 = vector.shape_cast %parallel_loop3A_463 : vector<1x16xf32> to vector<16xf32>
            %parallel_loop3A_465 = arith.constant 16 : i32
            %parallel_loop3A_466 = arith.muli %parallel_loop3A_59, %parallel_loop3A_465 : i32
            %parallel_loop3A_467 = arith.constant 9 : i32
            %parallel_loop3A_468 = arith.index_cast %parallel_loop3A_467 : i32 to index
            %parallel_loop3A_469 = arith.index_cast %parallel_loop3A_466 : i32 to index
            %parallel_loop3A_470 = tpu.vector_load %arg6[%parallel_loop3A_468, %parallel_loop3A_469] {strides = array<i32>} : memref<16x2048xf32, #tpu.memory_space<vmem>>, vector<1x16xf32>,
            %parallel_loop3A_471 = vector.shape_cast %parallel_loop3A_470 : vector<1x16xf32> to vector<16xf32>
            %parallel_loop3A_472 = arith.constant 15 : i32
            %parallel_loop3A_473 = vector.broadcast %parallel_loop3A_472 : i32 to vector<16xi32>
            %parallel_loop3A_474 = tpu.iota {dimensions = array<i32: 0>} : vector<16xi32>
            %parallel_loop3A_475 = arith.subi %parallel_loop3A_473, %parallel_loop3A_474 : vector<16xi32>
            %parallel_loop3A_476 = tpu.dynamic_gather %parallel_loop3A_464[%parallel_loop3A_475] in [0] : vector<16xf32>, vector<16xi32> -> vector<16xf32>
            %parallel_loop3A_477 = arith.constant 16 : i32
            %parallel_loop3A_478 = arith.muli %parallel_loop3A_59, %parallel_loop3A_477 : i32
            %parallel_loop3A_479 = arith.constant 9 : i32
            %parallel_loop3A_480 = arith.index_cast %parallel_loop3A_479 : i32 to index
            %parallel_loop3A_481 = arith.index_cast %parallel_loop3A_478 : i32 to index
            %parallel_loop3A_482 = tpu.vector_load %arg6[%parallel_loop3A_480, %parallel_loop3A_481] {strides = array<i32>} : memref<16x2048xf32, #tpu.memory_space<vmem>>, vector<1x16xf32>,
            %parallel_loop3A_483 = vector.shape_cast %parallel_loop3A_482 : vector<1x16xf32> to vector<16xf32>
            %parallel_loop3A_484 = vector.shape_cast %parallel_loop3A_476 : vector<16xf32> to vector<1x16xf32>
            tpu.vector_store %arg6[%parallel_loop3A_480, %parallel_loop3A_481], %parallel_loop3A_484 {strides = array<i32>} : memref<16x2048xf32, #tpu.memory_space<vmem>>, vector<1x16xf32>,
            %parallel_loop3A_485 = arith.constant 15 : i32
            %parallel_loop3A_486 = vector.broadcast %parallel_loop3A_485 : i32 to vector<16xi32>
            %parallel_loop3A_487 = tpu.iota {dimensions = array<i32: 0>} : vector<16xi32>
            %parallel_loop3A_488 = arith.subi %parallel_loop3A_486, %parallel_loop3A_487 : vector<16xi32>
            %parallel_loop3A_489 = tpu.dynamic_gather %parallel_loop3A_471[%parallel_loop3A_488] in [0] : vector<16xf32>, vector<16xi32> -> vector<16xf32>
            %parallel_loop3A_490 = arith.constant 127 : i32
            %parallel_loop3A_491 = arith.subi %parallel_loop3A_490, %parallel_loop3A_59 : i32
            %parallel_loop3A_492 = arith.constant 16 : i32
            %parallel_loop3A_493 = arith.muli %parallel_loop3A_491, %parallel_loop3A_492 : i32
            %parallel_loop3A_494 = arith.constant 9 : i32
            %parallel_loop3A_495 = arith.index_cast %parallel_loop3A_494 : i32 to index
            %parallel_loop3A_496 = arith.index_cast %parallel_loop3A_493 : i32 to index
            %parallel_loop3A_497 = tpu.vector_load %arg6[%parallel_loop3A_495, %parallel_loop3A_496] {strides = array<i32>} : memref<16x2048xf32, #tpu.memory_space<vmem>>, vector<1x16xf32>,
            %parallel_loop3A_498 = vector.shape_cast %parallel_loop3A_497 : vector<1x16xf32> to vector<16xf32>
            %parallel_loop3A_499 = vector.shape_cast %parallel_loop3A_489 : vector<16xf32> to vector<1x16xf32>
            tpu.vector_store %arg6[%parallel_loop3A_495, %parallel_loop3A_496], %parallel_loop3A_499 {strides = array<i32>} : memref<16x2048xf32, #tpu.memory_space<vmem>>, vector<1x16xf32>,
            %parallel_loop3A_500 = arith.constant 127 : i32
            %parallel_loop3A_501 = arith.subi %parallel_loop3A_500, %parallel_loop3A_59 : i32
            %parallel_loop3A_502 = arith.constant 16 : i32
            %parallel_loop3A_503 = arith.muli %parallel_loop3A_501, %parallel_loop3A_502 : i32
            %parallel_loop3A_504 = arith.constant 10 : i32
            %parallel_loop3A_505 = arith.index_cast %parallel_loop3A_504 : i32 to index
            %parallel_loop3A_506 = arith.index_cast %parallel_loop3A_503 : i32 to index
            %parallel_loop3A_507 = tpu.vector_load %arg6[%parallel_loop3A_505, %parallel_loop3A_506] {strides = array<i32>} : memref<16x2048xf32, #tpu.memory_space<vmem>>, vector<1x16xf32>,
            %parallel_loop3A_508 = vector.shape_cast %parallel_loop3A_507 : vector<1x16xf32> to vector<16xf32>
            %parallel_loop3A_509 = arith.constant 16 : i32
            %parallel_loop3A_510 = arith.muli %parallel_loop3A_59, %parallel_loop3A_509 : i32
            %parallel_loop3A_511 = arith.constant 10 : i32
            %parallel_loop3A_512 = arith.index_cast %parallel_loop3A_511 : i32 to index
            %parallel_loop3A_513 = arith.index_cast %parallel_loop3A_510 : i32 to index
            %parallel_loop3A_514 = tpu.vector_load %arg6[%parallel_loop3A_512, %parallel_loop3A_513] {strides = array<i32>} : memref<16x2048xf32, #tpu.memory_space<vmem>>, vector<1x16xf32>,
            %parallel_loop3A_515 = vector.shape_cast %parallel_loop3A_514 : vector<1x16xf32> to vector<16xf32>
            %parallel_loop3A_516 = arith.constant 15 : i32
            %parallel_loop3A_517 = vector.broadcast %parallel_loop3A_516 : i32 to vector<16xi32>
            %parallel_loop3A_518 = tpu.iota {dimensions = array<i32: 0>} : vector<16xi32>
            %parallel_loop3A_519 = arith.subi %parallel_loop3A_517, %parallel_loop3A_518 : vector<16xi32>
            %parallel_loop3A_520 = tpu.dynamic_gather %parallel_loop3A_508[%parallel_loop3A_519] in [0] : vector<16xf32>, vector<16xi32> -> vector<16xf32>
            %parallel_loop3A_521 = arith.constant 16 : i32
            %parallel_loop3A_522 = arith.muli %parallel_loop3A_59, %parallel_loop3A_521 : i32
            %parallel_loop3A_523 = arith.constant 10 : i32
            %parallel_loop3A_524 = arith.index_cast %parallel_loop3A_523 : i32 to index
            %parallel_loop3A_525 = arith.index_cast %parallel_loop3A_522 : i32 to index
            %parallel_loop3A_526 = tpu.vector_load %arg6[%parallel_loop3A_524, %parallel_loop3A_525] {strides = array<i32>} : memref<16x2048xf32, #tpu.memory_space<vmem>>, vector<1x16xf32>,
            %parallel_loop3A_527 = vector.shape_cast %parallel_loop3A_526 : vector<1x16xf32> to vector<16xf32>
            %parallel_loop3A_528 = vector.shape_cast %parallel_loop3A_520 : vector<16xf32> to vector<1x16xf32>
            tpu.vector_store %arg6[%parallel_loop3A_524, %parallel_loop3A_525], %parallel_loop3A_528 {strides = array<i32>} : memref<16x2048xf32, #tpu.memory_space<vmem>>, vector<1x16xf32>,
            %parallel_loop3A_529 = arith.constant 15 : i32
            %parallel_loop3A_530 = vector.broadcast %parallel_loop3A_529 : i32 to vector<16xi32>
            %parallel_loop3A_531 = tpu.iota {dimensions = array<i32: 0>} : vector<16xi32>
            %parallel_loop3A_532 = arith.subi %parallel_loop3A_530, %parallel_loop3A_531 : vector<16xi32>
            %parallel_loop3A_533 = tpu.dynamic_gather %parallel_loop3A_515[%parallel_loop3A_532] in [0] : vector<16xf32>, vector<16xi32> -> vector<16xf32>
            %parallel_loop3A_534 = arith.constant 127 : i32
            %parallel_loop3A_535 = arith.subi %parallel_loop3A_534, %parallel_loop3A_59 : i32
            %parallel_loop3A_536 = arith.constant 16 : i32
            %parallel_loop3A_537 = arith.muli %parallel_loop3A_535, %parallel_loop3A_536 : i32
            %parallel_loop3A_538 = arith.constant 10 : i32
            %parallel_loop3A_539 = arith.index_cast %parallel_loop3A_538 : i32 to index
            %parallel_loop3A_540 = arith.index_cast %parallel_loop3A_537 : i32 to index
            %parallel_loop3A_541 = tpu.vector_load %arg6[%parallel_loop3A_539, %parallel_loop3A_540] {strides = array<i32>} : memref<16x2048xf32, #tpu.memory_space<vmem>>, vector<1x16xf32>,
            %parallel_loop3A_542 = vector.shape_cast %parallel_loop3A_541 : vector<1x16xf32> to vector<16xf32>
            %parallel_loop3A_543 = vector.shape_cast %parallel_loop3A_533 : vector<16xf32> to vector<1x16xf32>
            tpu.vector_store %arg6[%parallel_loop3A_539, %parallel_loop3A_540], %parallel_loop3A_543 {strides = array<i32>} : memref<16x2048xf32, #tpu.memory_space<vmem>>, vector<1x16xf32>,
            %parallel_loop3A_544 = arith.constant 127 : i32
            %parallel_loop3A_545 = arith.subi %parallel_loop3A_544, %parallel_loop3A_59 : i32
            %parallel_loop3A_546 = arith.constant 16 : i32
            %parallel_loop3A_547 = arith.muli %parallel_loop3A_545, %parallel_loop3A_546 : i32
            %parallel_loop3A_548 = arith.constant 11 : i32
            %parallel_loop3A_549 = arith.index_cast %parallel_loop3A_548 : i32 to index
            %parallel_loop3A_550 = arith.index_cast %parallel_loop3A_547 : i32 to index
            %parallel_loop3A_551 = tpu.vector_load %arg6[%parallel_loop3A_549, %parallel_loop3A_550] {strides = array<i32>} : memref<16x2048xf32, #tpu.memory_space<vmem>>, vector<1x16xf32>,
            %parallel_loop3A_552 = vector.shape_cast %parallel_loop3A_551 : vector<1x16xf32> to vector<16xf32>
            %parallel_loop3A_553 = arith.constant 16 : i32
            %parallel_loop3A_554 = arith.muli %parallel_loop3A_59, %parallel_loop3A_553 : i32
            %parallel_loop3A_555 = arith.constant 11 : i32
            %parallel_loop3A_556 = arith.index_cast %parallel_loop3A_555 : i32 to index
            %parallel_loop3A_557 = arith.index_cast %parallel_loop3A_554 : i32 to index
            %parallel_loop3A_558 = tpu.vector_load %arg6[%parallel_loop3A_556, %parallel_loop3A_557] {strides = array<i32>} : memref<16x2048xf32, #tpu.memory_space<vmem>>, vector<1x16xf32>,
            %parallel_loop3A_559 = vector.shape_cast %parallel_loop3A_558 : vector<1x16xf32> to vector<16xf32>
            %parallel_loop3A_560 = arith.constant 15 : i32
            %parallel_loop3A_561 = vector.broadcast %parallel_loop3A_560 : i32 to vector<16xi32>
            %parallel_loop3A_562 = tpu.iota {dimensions = array<i32: 0>} : vector<16xi32>
            %parallel_loop3A_563 = arith.subi %parallel_loop3A_561, %parallel_loop3A_562 : vector<16xi32>
            %parallel_loop3A_564 = tpu.dynamic_gather %parallel_loop3A_552[%parallel_loop3A_563] in [0] : vector<16xf32>, vector<16xi32> -> vector<16xf32>
            %parallel_loop3A_565 = arith.constant 16 : i32
            %parallel_loop3A_566 = arith.muli %parallel_loop3A_59, %parallel_loop3A_565 : i32
            %parallel_loop3A_567 = arith.constant 11 : i32
            %parallel_loop3A_568 = arith.index_cast %parallel_loop3A_567 : i32 to index
            %parallel_loop3A_569 = arith.index_cast %parallel_loop3A_566 : i32 to index
            %parallel_loop3A_570 = tpu.vector_load %arg6[%parallel_loop3A_568, %parallel_loop3A_569] {strides = array<i32>} : memref<16x2048xf32, #tpu.memory_space<vmem>>, vector<1x16xf32>,
            %parallel_loop3A_571 = vector.shape_cast %parallel_loop3A_570 : vector<1x16xf32> to vector<16xf32>
            %parallel_loop3A_572 = vector.shape_cast %parallel_loop3A_564 : vector<16xf32> to vector<1x16xf32>
            tpu.vector_store %arg6[%parallel_loop3A_568, %parallel_loop3A_569], %parallel_loop3A_572 {strides = array<i32>} : memref<16x2048xf32, #tpu.memory_space<vmem>>, vector<1x16xf32>,
            %parallel_loop3A_573 = arith.constant 15 : i32
            %parallel_loop3A_574 = vector.broadcast %parallel_loop3A_573 : i32 to vector<16xi32>
            %parallel_loop3A_575 = tpu.iota {dimensions = array<i32: 0>} : vector<16xi32>
            %parallel_loop3A_576 = arith.subi %parallel_loop3A_574, %parallel_loop3A_575 : vector<16xi32>
            %parallel_loop3A_577 = tpu.dynamic_gather %parallel_loop3A_559[%parallel_loop3A_576] in [0] : vector<16xf32>, vector<16xi32> -> vector<16xf32>
            %parallel_loop3A_578 = arith.constant 127 : i32
            %parallel_loop3A_579 = arith.subi %parallel_loop3A_578, %parallel_loop3A_59 : i32
            %parallel_loop3A_580 = arith.constant 16 : i32
            %parallel_loop3A_581 = arith.muli %parallel_loop3A_579, %parallel_loop3A_580 : i32
            %parallel_loop3A_582 = arith.constant 11 : i32
            %parallel_loop3A_583 = arith.index_cast %parallel_loop3A_582 : i32 to index
            %parallel_loop3A_584 = arith.index_cast %parallel_loop3A_581 : i32 to index
            %parallel_loop3A_585 = tpu.vector_load %arg6[%parallel_loop3A_583, %parallel_loop3A_584] {strides = array<i32>} : memref<16x2048xf32, #tpu.memory_space<vmem>>, vector<1x16xf32>,
            %parallel_loop3A_586 = vector.shape_cast %parallel_loop3A_585 : vector<1x16xf32> to vector<16xf32>
            %parallel_loop3A_587 = vector.shape_cast %parallel_loop3A_577 : vector<16xf32> to vector<1x16xf32>
            tpu.vector_store %arg6[%parallel_loop3A_583, %parallel_loop3A_584], %parallel_loop3A_587 {strides = array<i32>} : memref<16x2048xf32, #tpu.memory_space<vmem>>, vector<1x16xf32>,
            %parallel_loop3A_588 = arith.constant 127 : i32
            %parallel_loop3A_589 = arith.subi %parallel_loop3A_588, %parallel_loop3A_59 : i32
            %parallel_loop3A_590 = arith.constant 16 : i32
            %parallel_loop3A_591 = arith.muli %parallel_loop3A_589, %parallel_loop3A_590 : i32
            %parallel_loop3A_592 = arith.constant 12 : i32
            %parallel_loop3A_593 = arith.index_cast %parallel_loop3A_592 : i32 to index
            %parallel_loop3A_594 = arith.index_cast %parallel_loop3A_591 : i32 to index
            %parallel_loop3A_595 = tpu.vector_load %arg6[%parallel_loop3A_593, %parallel_loop3A_594] {strides = array<i32>} : memref<16x2048xf32, #tpu.memory_space<vmem>>, vector<1x16xf32>,
            %parallel_loop3A_596 = vector.shape_cast %parallel_loop3A_595 : vector<1x16xf32> to vector<16xf32>
            %parallel_loop3A_597 = arith.constant 16 : i32
            %parallel_loop3A_598 = arith.muli %parallel_loop3A_59, %parallel_loop3A_597 : i32
            %parallel_loop3A_599 = arith.constant 12 : i32
            %parallel_loop3A_600 = arith.index_cast %parallel_loop3A_599 : i32 to index
            %parallel_loop3A_601 = arith.index_cast %parallel_loop3A_598 : i32 to index
            %parallel_loop3A_602 = tpu.vector_load %arg6[%parallel_loop3A_600, %parallel_loop3A_601] {strides = array<i32>} : memref<16x2048xf32, #tpu.memory_space<vmem>>, vector<1x16xf32>,
            %parallel_loop3A_603 = vector.shape_cast %parallel_loop3A_602 : vector<1x16xf32> to vector<16xf32>
            %parallel_loop3A_604 = arith.constant 15 : i32
            %parallel_loop3A_605 = vector.broadcast %parallel_loop3A_604 : i32 to vector<16xi32>
            %parallel_loop3A_606 = tpu.iota {dimensions = array<i32: 0>} : vector<16xi32>
            %parallel_loop3A_607 = arith.subi %parallel_loop3A_605, %parallel_loop3A_606 : vector<16xi32>
            %parallel_loop3A_608 = tpu.dynamic_gather %parallel_loop3A_596[%parallel_loop3A_607] in [0] : vector<16xf32>, vector<16xi32> -> vector<16xf32>
            %parallel_loop3A_609 = arith.constant 16 : i32
            %parallel_loop3A_610 = arith.muli %parallel_loop3A_59, %parallel_loop3A_609 : i32
            %parallel_loop3A_611 = arith.constant 12 : i32
            %parallel_loop3A_612 = arith.index_cast %parallel_loop3A_611 : i32 to index
            %parallel_loop3A_613 = arith.index_cast %parallel_loop3A_610 : i32 to index
            %parallel_loop3A_614 = tpu.vector_load %arg6[%parallel_loop3A_612, %parallel_loop3A_613] {strides = array<i32>} : memref<16x2048xf32, #tpu.memory_space<vmem>>, vector<1x16xf32>,
            %parallel_loop3A_615 = vector.shape_cast %parallel_loop3A_614 : vector<1x16xf32> to vector<16xf32>
            %parallel_loop3A_616 = vector.shape_cast %parallel_loop3A_608 : vector<16xf32> to vector<1x16xf32>
            tpu.vector_store %arg6[%parallel_loop3A_612, %parallel_loop3A_613], %parallel_loop3A_616 {strides = array<i32>} : memref<16x2048xf32, #tpu.memory_space<vmem>>, vector<1x16xf32>,
            %parallel_loop3A_617 = arith.constant 15 : i32
            %parallel_loop3A_618 = vector.broadcast %parallel_loop3A_617 : i32 to vector<16xi32>
            %parallel_loop3A_619 = tpu.iota {dimensions = array<i32: 0>} : vector<16xi32>
            %parallel_loop3A_620 = arith.subi %parallel_loop3A_618, %parallel_loop3A_619 : vector<16xi32>
            %parallel_loop3A_621 = tpu.dynamic_gather %parallel_loop3A_603[%parallel_loop3A_620] in [0] : vector<16xf32>, vector<16xi32> -> vector<16xf32>
            %parallel_loop3A_622 = arith.constant 127 : i32
            %parallel_loop3A_623 = arith.subi %parallel_loop3A_622, %parallel_loop3A_59 : i32
            %parallel_loop3A_624 = arith.constant 16 : i32
            %parallel_loop3A_625 = arith.muli %parallel_loop3A_623, %parallel_loop3A_624 : i32
            %parallel_loop3A_626 = arith.constant 12 : i32
            %parallel_loop3A_627 = arith.index_cast %parallel_loop3A_626 : i32 to index
            %parallel_loop3A_628 = arith.index_cast %parallel_loop3A_625 : i32 to index
            %parallel_loop3A_629 = tpu.vector_load %arg6[%parallel_loop3A_627, %parallel_loop3A_628] {strides = array<i32>} : memref<16x2048xf32, #tpu.memory_space<vmem>>, vector<1x16xf32>,
            %parallel_loop3A_630 = vector.shape_cast %parallel_loop3A_629 : vector<1x16xf32> to vector<16xf32>
            %parallel_loop3A_631 = vector.shape_cast %parallel_loop3A_621 : vector<16xf32> to vector<1x16xf32>
            tpu.vector_store %arg6[%parallel_loop3A_627, %parallel_loop3A_628], %parallel_loop3A_631 {strides = array<i32>} : memref<16x2048xf32, #tpu.memory_space<vmem>>, vector<1x16xf32>,
            %parallel_loop3A_632 = arith.constant 127 : i32
            %parallel_loop3A_633 = arith.subi %parallel_loop3A_632, %parallel_loop3A_59 : i32
            %parallel_loop3A_634 = arith.constant 16 : i32
            %parallel_loop3A_635 = arith.muli %parallel_loop3A_633, %parallel_loop3A_634 : i32
            %parallel_loop3A_636 = arith.constant 13 : i32
            %parallel_loop3A_637 = arith.index_cast %parallel_loop3A_636 : i32 to index
            %parallel_loop3A_638 = arith.index_cast %parallel_loop3A_635 : i32 to index
            %parallel_loop3A_639 = tpu.vector_load %arg6[%parallel_loop3A_637, %parallel_loop3A_638] {strides = array<i32>} : memref<16x2048xf32, #tpu.memory_space<vmem>>, vector<1x16xf32>,
            %parallel_loop3A_640 = vector.shape_cast %parallel_loop3A_639 : vector<1x16xf32> to vector<16xf32>
            %parallel_loop3A_641 = arith.constant 16 : i32
            %parallel_loop3A_642 = arith.muli %parallel_loop3A_59, %parallel_loop3A_641 : i32
            %parallel_loop3A_643 = arith.constant 13 : i32
            %parallel_loop3A_644 = arith.index_cast %parallel_loop3A_643 : i32 to index
            %parallel_loop3A_645 = arith.index_cast %parallel_loop3A_642 : i32 to index
            %parallel_loop3A_646 = tpu.vector_load %arg6[%parallel_loop3A_644, %parallel_loop3A_645] {strides = array<i32>} : memref<16x2048xf32, #tpu.memory_space<vmem>>, vector<1x16xf32>,
            %parallel_loop3A_647 = vector.shape_cast %parallel_loop3A_646 : vector<1x16xf32> to vector<16xf32>
            %parallel_loop3A_648 = arith.constant 15 : i32
            %parallel_loop3A_649 = vector.broadcast %parallel_loop3A_648 : i32 to vector<16xi32>
            %parallel_loop3A_650 = tpu.iota {dimensions = array<i32: 0>} : vector<16xi32>
            %parallel_loop3A_651 = arith.subi %parallel_loop3A_649, %parallel_loop3A_650 : vector<16xi32>
            %parallel_loop3A_652 = tpu.dynamic_gather %parallel_loop3A_640[%parallel_loop3A_651] in [0] : vector<16xf32>, vector<16xi32> -> vector<16xf32>
            %parallel_loop3A_653 = arith.constant 16 : i32
            %parallel_loop3A_654 = arith.muli %parallel_loop3A_59, %parallel_loop3A_653 : i32
            %parallel_loop3A_655 = arith.constant 13 : i32
            %parallel_loop3A_656 = arith.index_cast %parallel_loop3A_655 : i32 to index
            %parallel_loop3A_657 = arith.index_cast %parallel_loop3A_654 : i32 to index
            %parallel_loop3A_658 = tpu.vector_load %arg6[%parallel_loop3A_656, %parallel_loop3A_657] {strides = array<i32>} : memref<16x2048xf32, #tpu.memory_space<vmem>>, vector<1x16xf32>,
            %parallel_loop3A_659 = vector.shape_cast %parallel_loop3A_658 : vector<1x16xf32> to vector<16xf32>
            %parallel_loop3A_660 = vector.shape_cast %parallel_loop3A_652 : vector<16xf32> to vector<1x16xf32>
            tpu.vector_store %arg6[%parallel_loop3A_656, %parallel_loop3A_657], %parallel_loop3A_660 {strides = array<i32>} : memref<16x2048xf32, #tpu.memory_space<vmem>>, vector<1x16xf32>,
            %parallel_loop3A_661 = arith.constant 15 : i32
            %parallel_loop3A_662 = vector.broadcast %parallel_loop3A_661 : i32 to vector<16xi32>
            %parallel_loop3A_663 = tpu.iota {dimensions = array<i32: 0>} : vector<16xi32>
            %parallel_loop3A_664 = arith.subi %parallel_loop3A_662, %parallel_loop3A_663 : vector<16xi32>
            %parallel_loop3A_665 = tpu.dynamic_gather %parallel_loop3A_647[%parallel_loop3A_664] in [0] : vector<16xf32>, vector<16xi32> -> vector<16xf32>
            %parallel_loop3A_666 = arith.constant 127 : i32
            %parallel_loop3A_667 = arith.subi %parallel_loop3A_666, %parallel_loop3A_59 : i32
            %parallel_loop3A_668 = arith.constant 16 : i32
            %parallel_loop3A_669 = arith.muli %parallel_loop3A_667, %parallel_loop3A_668 : i32
            %parallel_loop3A_670 = arith.constant 13 : i32
            %parallel_loop3A_671 = arith.index_cast %parallel_loop3A_670 : i32 to index
            %parallel_loop3A_672 = arith.index_cast %parallel_loop3A_669 : i32 to index
            %parallel_loop3A_673 = tpu.vector_load %arg6[%parallel_loop3A_671, %parallel_loop3A_672] {strides = array<i32>} : memref<16x2048xf32, #tpu.memory_space<vmem>>, vector<1x16xf32>,
            %parallel_loop3A_674 = vector.shape_cast %parallel_loop3A_673 : vector<1x16xf32> to vector<16xf32>
            %parallel_loop3A_675 = vector.shape_cast %parallel_loop3A_665 : vector<16xf32> to vector<1x16xf32>
            tpu.vector_store %arg6[%parallel_loop3A_671, %parallel_loop3A_672], %parallel_loop3A_675 {strides = array<i32>} : memref<16x2048xf32, #tpu.memory_space<vmem>>, vector<1x16xf32>,
            %parallel_loop3A_676 = arith.constant 127 : i32
            %parallel_loop3A_677 = arith.subi %parallel_loop3A_676, %parallel_loop3A_59 : i32
            %parallel_loop3A_678 = arith.constant 16 : i32
            %parallel_loop3A_679 = arith.muli %parallel_loop3A_677, %parallel_loop3A_678 : i32
            %parallel_loop3A_680 = arith.constant 14 : i32
            %parallel_loop3A_681 = arith.index_cast %parallel_loop3A_680 : i32 to index
            %parallel_loop3A_682 = arith.index_cast %parallel_loop3A_679 : i32 to index
            %parallel_loop3A_683 = tpu.vector_load %arg6[%parallel_loop3A_681, %parallel_loop3A_682] {strides = array<i32>} : memref<16x2048xf32, #tpu.memory_space<vmem>>, vector<1x16xf32>,
            %parallel_loop3A_684 = vector.shape_cast %parallel_loop3A_683 : vector<1x16xf32> to vector<16xf32>
            %parallel_loop3A_685 = arith.constant 16 : i32
            %parallel_loop3A_686 = arith.muli %parallel_loop3A_59, %parallel_loop3A_685 : i32
            %parallel_loop3A_687 = arith.constant 14 : i32
            %parallel_loop3A_688 = arith.index_cast %parallel_loop3A_687 : i32 to index
            %parallel_loop3A_689 = arith.index_cast %parallel_loop3A_686 : i32 to index
            %parallel_loop3A_690 = tpu.vector_load %arg6[%parallel_loop3A_688, %parallel_loop3A_689] {strides = array<i32>} : memref<16x2048xf32, #tpu.memory_space<vmem>>, vector<1x16xf32>,
            %parallel_loop3A_691 = vector.shape_cast %parallel_loop3A_690 : vector<1x16xf32> to vector<16xf32>
            %parallel_loop3A_692 = arith.constant 15 : i32
            %parallel_loop3A_693 = vector.broadcast %parallel_loop3A_692 : i32 to vector<16xi32>
            %parallel_loop3A_694 = tpu.iota {dimensions = array<i32: 0>} : vector<16xi32>
            %parallel_loop3A_695 = arith.subi %parallel_loop3A_693, %parallel_loop3A_694 : vector<16xi32>
            %parallel_loop3A_696 = tpu.dynamic_gather %parallel_loop3A_684[%parallel_loop3A_695] in [0] : vector<16xf32>, vector<16xi32> -> vector<16xf32>
            %parallel_loop3A_697 = arith.constant 16 : i32
            %parallel_loop3A_698 = arith.muli %parallel_loop3A_59, %parallel_loop3A_697 : i32
            %parallel_loop3A_699 = arith.constant 14 : i32
            %parallel_loop3A_700 = arith.index_cast %parallel_loop3A_699 : i32 to index
            %parallel_loop3A_701 = arith.index_cast %parallel_loop3A_698 : i32 to index
            %parallel_loop3A_702 = tpu.vector_load %arg6[%parallel_loop3A_700, %parallel_loop3A_701] {strides = array<i32>} : memref<16x2048xf32, #tpu.memory_space<vmem>>, vector<1x16xf32>,
            %parallel_loop3A_703 = vector.shape_cast %parallel_loop3A_702 : vector<1x16xf32> to vector<16xf32>
            %parallel_loop3A_704 = vector.shape_cast %parallel_loop3A_696 : vector<16xf32> to vector<1x16xf32>
            tpu.vector_store %arg6[%parallel_loop3A_700, %parallel_loop3A_701], %parallel_loop3A_704 {strides = array<i32>} : memref<16x2048xf32, #tpu.memory_space<vmem>>, vector<1x16xf32>,
            %parallel_loop3A_705 = arith.constant 15 : i32
            %parallel_loop3A_706 = vector.broadcast %parallel_loop3A_705 : i32 to vector<16xi32>
            %parallel_loop3A_707 = tpu.iota {dimensions = array<i32: 0>} : vector<16xi32>
            %parallel_loop3A_708 = arith.subi %parallel_loop3A_706, %parallel_loop3A_707 : vector<16xi32>
            %parallel_loop3A_709 = tpu.dynamic_gather %parallel_loop3A_691[%parallel_loop3A_708] in [0] : vector<16xf32>, vector<16xi32> -> vector<16xf32>
            %parallel_loop3A_710 = arith.constant 127 : i32
            %parallel_loop3A_711 = arith.subi %parallel_loop3A_710, %parallel_loop3A_59 : i32
            %parallel_loop3A_712 = arith.constant 16 : i32
            %parallel_loop3A_713 = arith.muli %parallel_loop3A_711, %parallel_loop3A_712 : i32
            %parallel_loop3A_714 = arith.constant 14 : i32
            %parallel_loop3A_715 = arith.index_cast %parallel_loop3A_714 : i32 to index
            %parallel_loop3A_716 = arith.index_cast %parallel_loop3A_713 : i32 to index
            %parallel_loop3A_717 = tpu.vector_load %arg6[%parallel_loop3A_715, %parallel_loop3A_716] {strides = array<i32>} : memref<16x2048xf32, #tpu.memory_space<vmem>>, vector<1x16xf32>,
            %parallel_loop3A_718 = vector.shape_cast %parallel_loop3A_717 : vector<1x16xf32> to vector<16xf32>
            %parallel_loop3A_719 = vector.shape_cast %parallel_loop3A_709 : vector<16xf32> to vector<1x16xf32>
            tpu.vector_store %arg6[%parallel_loop3A_715, %parallel_loop3A_716], %parallel_loop3A_719 {strides = array<i32>} : memref<16x2048xf32, #tpu.memory_space<vmem>>, vector<1x16xf32>,
            %parallel_loop3A_720 = arith.constant 127 : i32
            %parallel_loop3A_721 = arith.subi %parallel_loop3A_720, %parallel_loop3A_59 : i32
            %parallel_loop3A_722 = arith.constant 16 : i32
            %parallel_loop3A_723 = arith.muli %parallel_loop3A_721, %parallel_loop3A_722 : i32
            %parallel_loop3A_724 = arith.constant 15 : i32
            %parallel_loop3A_725 = arith.index_cast %parallel_loop3A_724 : i32 to index
            %parallel_loop3A_726 = arith.index_cast %parallel_loop3A_723 : i32 to index
            %parallel_loop3A_727 = tpu.vector_load %arg6[%parallel_loop3A_725, %parallel_loop3A_726] {strides = array<i32>} : memref<16x2048xf32, #tpu.memory_space<vmem>>, vector<1x16xf32>,
            %parallel_loop3A_728 = vector.shape_cast %parallel_loop3A_727 : vector<1x16xf32> to vector<16xf32>
            %parallel_loop3A_729 = arith.constant 16 : i32
            %parallel_loop3A_730 = arith.muli %parallel_loop3A_59, %parallel_loop3A_729 : i32
            %parallel_loop3A_731 = arith.constant 15 : i32
            %parallel_loop3A_732 = arith.index_cast %parallel_loop3A_731 : i32 to index
            %parallel_loop3A_733 = arith.index_cast %parallel_loop3A_730 : i32 to index
            %parallel_loop3A_734 = tpu.vector_load %arg6[%parallel_loop3A_732, %parallel_loop3A_733] {strides = array<i32>} : memref<16x2048xf32, #tpu.memory_space<vmem>>, vector<1x16xf32>,
            %parallel_loop3A_735 = vector.shape_cast %parallel_loop3A_734 : vector<1x16xf32> to vector<16xf32>
            %parallel_loop3A_736 = arith.constant 15 : i32
            %parallel_loop3A_737 = vector.broadcast %parallel_loop3A_736 : i32 to vector<16xi32>
            %parallel_loop3A_738 = tpu.iota {dimensions = array<i32: 0>} : vector<16xi32>
            %parallel_loop3A_739 = arith.subi %parallel_loop3A_737, %parallel_loop3A_738 : vector<16xi32>
            %parallel_loop3A_740 = tpu.dynamic_gather %parallel_loop3A_728[%parallel_loop3A_739] in [0] : vector<16xf32>, vector<16xi32> -> vector<16xf32>
            %parallel_loop3A_741 = arith.constant 16 : i32
            %parallel_loop3A_742 = arith.muli %parallel_loop3A_59, %parallel_loop3A_741 : i32
            %parallel_loop3A_743 = arith.constant 15 : i32
            %parallel_loop3A_744 = arith.index_cast %parallel_loop3A_743 : i32 to index
            %parallel_loop3A_745 = arith.index_cast %parallel_loop3A_742 : i32 to index
            %parallel_loop3A_746 = tpu.vector_load %arg6[%parallel_loop3A_744, %parallel_loop3A_745] {strides = array<i32>} : memref<16x2048xf32, #tpu.memory_space<vmem>>, vector<1x16xf32>,
            %parallel_loop3A_747 = vector.shape_cast %parallel_loop3A_746 : vector<1x16xf32> to vector<16xf32>
            %parallel_loop3A_748 = vector.shape_cast %parallel_loop3A_740 : vector<16xf32> to vector<1x16xf32>
            tpu.vector_store %arg6[%parallel_loop3A_744, %parallel_loop3A_745], %parallel_loop3A_748 {strides = array<i32>} : memref<16x2048xf32, #tpu.memory_space<vmem>>, vector<1x16xf32>,
            %parallel_loop3A_749 = arith.constant 15 : i32
            %parallel_loop3A_750 = vector.broadcast %parallel_loop3A_749 : i32 to vector<16xi32>
            %parallel_loop3A_751 = tpu.iota {dimensions = array<i32: 0>} : vector<16xi32>
            %parallel_loop3A_752 = arith.subi %parallel_loop3A_750, %parallel_loop3A_751 : vector<16xi32>
            %parallel_loop3A_753 = tpu.dynamic_gather %parallel_loop3A_735[%parallel_loop3A_752] in [0] : vector<16xf32>, vector<16xi32> -> vector<16xf32>
            %parallel_loop3A_754 = arith.constant 127 : i32
            %parallel_loop3A_755 = arith.subi %parallel_loop3A_754, %parallel_loop3A_59 : i32
            %parallel_loop3A_756 = arith.constant 16 : i32
            %parallel_loop3A_757 = arith.muli %parallel_loop3A_755, %parallel_loop3A_756 : i32
            %parallel_loop3A_758 = arith.constant 15 : i32
            %parallel_loop3A_759 = arith.index_cast %parallel_loop3A_758 : i32 to index
            %parallel_loop3A_760 = arith.index_cast %parallel_loop3A_757 : i32 to index
            %parallel_loop3A_761 = tpu.vector_load %arg6[%parallel_loop3A_759, %parallel_loop3A_760] {strides = array<i32>} : memref<16x2048xf32, #tpu.memory_space<vmem>>, vector<1x16xf32>,
            %parallel_loop3A_762 = vector.shape_cast %parallel_loop3A_761 : vector<1x16xf32> to vector<16xf32>
            %parallel_loop3A_763 = vector.shape_cast %parallel_loop3A_753 : vector<16xf32> to vector<1x16xf32>
            tpu.vector_store %arg6[%parallel_loop3A_759, %parallel_loop3A_760], %parallel_loop3A_763 {strides = array<i32>} : memref<16x2048xf32, #tpu.memory_space<vmem>>, vector<1x16xf32>,
          } {sc.loop_unroll_factor = 4 : i64, sc.parallel_access}
          %mul3A_43 = arith.constant 16 : i32
          %mul3A_44 = arith.muli %scan3A_24, %mul3A_43 : i32
          %add3A_45 = arith.addi %mul3A_2, %mul3A_44 : i32
          %dma_start3A_46 = arith.constant 0 : i32
          %dma_start3A_47 = tpu.memref_slice %arg3[%add3A_45, %dma_start3A_46] : memref<16384x2048xf32, #tpu.memory_space<hbm>> -> memref<16x2048xf32, #tpu.memory_space<hbm>>
          %dma_start3A_48 = arith.constant 0 : i32
          %dma_start3A_49 = tpu.memref_slice %arg3[%add3A_45, %dma_start3A_48] : memref<16384x2048xf32, #tpu.memory_space<hbm>> -> memref<16x2048xf32, #tpu.memory_space<hbm>>
          tpu.enqueue_dma source(%arg6 : memref<16x2048xf32, #tpu.memory_space<vmem>>) target(%dma_start3A_49 : memref<16x2048xf32, #tpu.memory_space<hbm>>) target_semaphore(%arg12 : memref<!tpu.dma_semaphore, #tpu.memory_space<semaphore_mem>>)
          %ge3A = arith.constant 1 : i32
          %ge3A_50 = arith.cmpi sge, %scan3A_24, %ge3A : i32
          %convert_element_type3A = arith.extui %ge3A_50 : i1 to i32
          %cond3A_51 = arith.constant 0 : i32
          %cond3A_52 = arith.cmpi ne, %convert_element_type3A, %cond3A_51 : i32
          scf.if %cond3A_52 {
            %sub3A = arith.constant 1 : i32
            %sub3A_59 = arith.subi %scan3A_24, %sub3A : i32
            %mul3A_60 = arith.constant 16 : i32
            %mul3A_61 = arith.muli %sub3A_59, %mul3A_60 : i32
            %add3A_62 = arith.addi %mul3A_2, %mul3A_61 : i32
            %dma_wait3A_63 = arith.constant 0 : i32
            %dma_wait3A_64 = tpu.memref_slice %arg3[%add3A_62, %dma_wait3A_63] : memref<16384x2048xf32, #tpu.memory_space<hbm>> -> memref<16x2048xf32, #tpu.memory_space<hbm>>
            %dma_wait3A_65 = arith.constant 0 : i32
            %dma_wait3A_66 = tpu.memref_slice %arg3[%add3A_62, %dma_wait3A_65] : memref<16384x2048xf32, #tpu.memory_space<hbm>> -> memref<16x2048xf32, #tpu.memory_space<hbm>>
            tpu.wait_dma2 semaphore(%arg11 : memref<!tpu.dma_semaphore, #tpu.memory_space<semaphore_mem>>) src(%arg5 : memref<16x2048xf32, #tpu.memory_space<vmem>>) dst(%dma_wait3A_66 : memref<16x2048xf32, #tpu.memory_space<hbm>>)
          } else {
          }
          %add3A_53 = arith.constant 2 : i32
          %add3A_54 = arith.addi %scan3A_24, %add3A_53 : i32
          %lt3A = arith.constant 32 : i32
          %lt3A_55 = arith.cmpi slt, %add3A_54, %lt3A : i32
          %convert_element_type3A_56 = arith.extui %lt3A_55 : i1 to i32
          %cond3A_57 = arith.constant 0 : i32
          %cond3A_58 = arith.cmpi ne, %convert_element_type3A_56, %cond3A_57 : i32
          scf.if %cond3A_58 {
            %add3A_59 = arith.constant 2 : i32
            %add3A_60 = arith.addi %scan3A_24, %add3A_59 : i32
            %mul3A_61 = arith.constant 16 : i32
            %mul3A_62 = arith.muli %add3A_60, %mul3A_61 : i32
            %add3A_63 = arith.addi %mul3A_2, %mul3A_62 : i32
            %dma_start3A_64 = arith.constant 0 : i32
            %dma_start3A_65 = tpu.memref_slice %arg2[%add3A_63, %dma_start3A_64] : memref<16384x2048xf32, #tpu.memory_space<hbm>> -> memref<16x2048xf32, #tpu.memory_space<hbm>>
            %dma_start3A_66 = arith.constant 0 : i32
            %dma_start3A_67 = tpu.memref_slice %arg2[%add3A_63, %dma_start3A_66] : memref<16384x2048xf32, #tpu.memory_space<hbm>> -> memref<16x2048xf32, #tpu.memory_space<hbm>>
            tpu.enqueue_dma source(%dma_start3A_67 : memref<16x2048xf32, #tpu.memory_space<hbm>>) target(%arg5 : memref<16x2048xf32, #tpu.memory_space<vmem>>) target_semaphore(%arg8 : memref<!tpu.dma_semaphore, #tpu.memory_space<semaphore_mem>>)
          } else {
          }
        } else {
          %mul3A_34 = arith.constant 16 : i32
          %mul3A_35 = arith.muli %scan3A_24, %mul3A_34 : i32
          %add3A_36 = arith.addi %mul3A_2, %mul3A_35 : i32
          %dma_wait3A_37 = arith.constant 0 : i32
          %dma_wait3A_38 = tpu.memref_slice %arg2[%add3A_36, %dma_wait3A_37] : memref<16384x2048xf32, #tpu.memory_space<hbm>> -> memref<16x2048xf32, #tpu.memory_space<hbm>>
          %dma_wait3A_39 = arith.constant 0 : i32
          %dma_wait3A_40 = tpu.memref_slice %arg2[%add3A_36, %dma_wait3A_39] : memref<16384x2048xf32, #tpu.memory_space<hbm>> -> memref<16x2048xf32, #tpu.memory_space<hbm>>
          tpu.wait_dma2 semaphore(%arg8 : memref<!tpu.dma_semaphore, #tpu.memory_space<semaphore_mem>>) src(%dma_wait3A_40 : memref<16x2048xf32, #tpu.memory_space<hbm>>) dst(%arg5 : memref<16x2048xf32, #tpu.memory_space<vmem>>)
          %parallel_loop3A = arith.constant 0 : i32
          %parallel_loop3A_41 = arith.constant 64 : i32
          %parallel_loop3A_42 = arith.constant 1 : i32
          scf.for %parallel_loop3A_59 = %parallel_loop3A to %parallel_loop3A_41 step %parallel_loop3A_42  : i32 {
            %parallel_loop3A_60 = arith.constant 127 : i32
            %parallel_loop3A_61 = arith.subi %parallel_loop3A_60, %parallel_loop3A_59 : i32
            %parallel_loop3A_62 = arith.constant 16 : i32
            %parallel_loop3A_63 = arith.muli %parallel_loop3A_61, %parallel_loop3A_62 : i32
            %parallel_loop3A_64 = arith.constant 0 : i32
            %parallel_loop3A_65 = arith.index_cast %parallel_loop3A_64 : i32 to index
            %parallel_loop3A_66 = arith.index_cast %parallel_loop3A_63 : i32 to index
            %parallel_loop3A_67 = tpu.vector_load %arg5[%parallel_loop3A_65, %parallel_loop3A_66] {strides = array<i32>} : memref<16x2048xf32, #tpu.memory_space<vmem>>, vector<1x16xf32>,
            %parallel_loop3A_68 = vector.shape_cast %parallel_loop3A_67 : vector<1x16xf32> to vector<16xf32>
            %parallel_loop3A_69 = arith.constant 16 : i32
            %parallel_loop3A_70 = arith.muli %parallel_loop3A_59, %parallel_loop3A_69 : i32
            %parallel_loop3A_71 = arith.constant 0 : i32
            %parallel_loop3A_72 = arith.index_cast %parallel_loop3A_71 : i32 to index
            %parallel_loop3A_73 = arith.index_cast %parallel_loop3A_70 : i32 to index
            %parallel_loop3A_74 = tpu.vector_load %arg5[%parallel_loop3A_72, %parallel_loop3A_73] {strides = array<i32>} : memref<16x2048xf32, #tpu.memory_space<vmem>>, vector<1x16xf32>,
            %parallel_loop3A_75 = vector.shape_cast %parallel_loop3A_74 : vector<1x16xf32> to vector<16xf32>
            %parallel_loop3A_76 = arith.constant 15 : i32
            %parallel_loop3A_77 = vector.broadcast %parallel_loop3A_76 : i32 to vector<16xi32>
            %parallel_loop3A_78 = tpu.iota {dimensions = array<i32: 0>} : vector<16xi32>
            %parallel_loop3A_79 = arith.subi %parallel_loop3A_77, %parallel_loop3A_78 : vector<16xi32>
            %parallel_loop3A_80 = tpu.dynamic_gather %parallel_loop3A_68[%parallel_loop3A_79] in [0] : vector<16xf32>, vector<16xi32> -> vector<16xf32>
            %parallel_loop3A_81 = arith.constant 16 : i32
            %parallel_loop3A_82 = arith.muli %parallel_loop3A_59, %parallel_loop3A_81 : i32
            %parallel_loop3A_83 = arith.constant 0 : i32
            %parallel_loop3A_84 = arith.index_cast %parallel_loop3A_83 : i32 to index
            %parallel_loop3A_85 = arith.index_cast %parallel_loop3A_82 : i32 to index
            %parallel_loop3A_86 = tpu.vector_load %arg5[%parallel_loop3A_84, %parallel_loop3A_85] {strides = array<i32>} : memref<16x2048xf32, #tpu.memory_space<vmem>>, vector<1x16xf32>,
            %parallel_loop3A_87 = vector.shape_cast %parallel_loop3A_86 : vector<1x16xf32> to vector<16xf32>
            %parallel_loop3A_88 = vector.shape_cast %parallel_loop3A_80 : vector<16xf32> to vector<1x16xf32>
            tpu.vector_store %arg5[%parallel_loop3A_84, %parallel_loop3A_85], %parallel_loop3A_88 {strides = array<i32>} : memref<16x2048xf32, #tpu.memory_space<vmem>>, vector<1x16xf32>,
            %parallel_loop3A_89 = arith.constant 15 : i32
            %parallel_loop3A_90 = vector.broadcast %parallel_loop3A_89 : i32 to vector<16xi32>
            %parallel_loop3A_91 = tpu.iota {dimensions = array<i32: 0>} : vector<16xi32>
            %parallel_loop3A_92 = arith.subi %parallel_loop3A_90, %parallel_loop3A_91 : vector<16xi32>
            %parallel_loop3A_93 = tpu.dynamic_gather %parallel_loop3A_75[%parallel_loop3A_92] in [0] : vector<16xf32>, vector<16xi32> -> vector<16xf32>
            %parallel_loop3A_94 = arith.constant 127 : i32
            %parallel_loop3A_95 = arith.subi %parallel_loop3A_94, %parallel_loop3A_59 : i32
            %parallel_loop3A_96 = arith.constant 16 : i32
            %parallel_loop3A_97 = arith.muli %parallel_loop3A_95, %parallel_loop3A_96 : i32
            %parallel_loop3A_98 = arith.constant 0 : i32
            %parallel_loop3A_99 = arith.index_cast %parallel_loop3A_98 : i32 to index
            %parallel_loop3A_100 = arith.index_cast %parallel_loop3A_97 : i32 to index
            %parallel_loop3A_101 = tpu.vector_load %arg5[%parallel_loop3A_99, %parallel_loop3A_100] {strides = array<i32>} : memref<16x2048xf32, #tpu.memory_space<vmem>>, vector<1x16xf32>,
            %parallel_loop3A_102 = vector.shape_cast %parallel_loop3A_101 : vector<1x16xf32> to vector<16xf32>
            %parallel_loop3A_103 = vector.shape_cast %parallel_loop3A_93 : vector<16xf32> to vector<1x16xf32>
            tpu.vector_store %arg5[%parallel_loop3A_99, %parallel_loop3A_100], %parallel_loop3A_103 {strides = array<i32>} : memref<16x2048xf32, #tpu.memory_space<vmem>>, vector<1x16xf32>,
            %parallel_loop3A_104 = arith.constant 127 : i32
            %parallel_loop3A_105 = arith.subi %parallel_loop3A_104, %parallel_loop3A_59 : i32
            %parallel_loop3A_106 = arith.constant 16 : i32
            %parallel_loop3A_107 = arith.muli %parallel_loop3A_105, %parallel_loop3A_106 : i32
            %parallel_loop3A_108 = arith.constant 1 : i32
            %parallel_loop3A_109 = arith.index_cast %parallel_loop3A_108 : i32 to index
            %parallel_loop3A_110 = arith.index_cast %parallel_loop3A_107 : i32 to index
            %parallel_loop3A_111 = tpu.vector_load %arg5[%parallel_loop3A_109, %parallel_loop3A_110] {strides = array<i32>} : memref<16x2048xf32, #tpu.memory_space<vmem>>, vector<1x16xf32>,
            %parallel_loop3A_112 = vector.shape_cast %parallel_loop3A_111 : vector<1x16xf32> to vector<16xf32>
            %parallel_loop3A_113 = arith.constant 16 : i32
            %parallel_loop3A_114 = arith.muli %parallel_loop3A_59, %parallel_loop3A_113 : i32
            %parallel_loop3A_115 = arith.constant 1 : i32
            %parallel_loop3A_116 = arith.index_cast %parallel_loop3A_115 : i32 to index
            %parallel_loop3A_117 = arith.index_cast %parallel_loop3A_114 : i32 to index
            %parallel_loop3A_118 = tpu.vector_load %arg5[%parallel_loop3A_116, %parallel_loop3A_117] {strides = array<i32>} : memref<16x2048xf32, #tpu.memory_space<vmem>>, vector<1x16xf32>,
            %parallel_loop3A_119 = vector.shape_cast %parallel_loop3A_118 : vector<1x16xf32> to vector<16xf32>
            %parallel_loop3A_120 = arith.constant 15 : i32
            %parallel_loop3A_121 = vector.broadcast %parallel_loop3A_120 : i32 to vector<16xi32>
            %parallel_loop3A_122 = tpu.iota {dimensions = array<i32: 0>} : vector<16xi32>
            %parallel_loop3A_123 = arith.subi %parallel_loop3A_121, %parallel_loop3A_122 : vector<16xi32>
            %parallel_loop3A_124 = tpu.dynamic_gather %parallel_loop3A_112[%parallel_loop3A_123] in [0] : vector<16xf32>, vector<16xi32> -> vector<16xf32>
            %parallel_loop3A_125 = arith.constant 16 : i32
            %parallel_loop3A_126 = arith.muli %parallel_loop3A_59, %parallel_loop3A_125 : i32
            %parallel_loop3A_127 = arith.constant 1 : i32
            %parallel_loop3A_128 = arith.index_cast %parallel_loop3A_127 : i32 to index
            %parallel_loop3A_129 = arith.index_cast %parallel_loop3A_126 : i32 to index
            %parallel_loop3A_130 = tpu.vector_load %arg5[%parallel_loop3A_128, %parallel_loop3A_129] {strides = array<i32>} : memref<16x2048xf32, #tpu.memory_space<vmem>>, vector<1x16xf32>,
            %parallel_loop3A_131 = vector.shape_cast %parallel_loop3A_130 : vector<1x16xf32> to vector<16xf32>
            %parallel_loop3A_132 = vector.shape_cast %parallel_loop3A_124 : vector<16xf32> to vector<1x16xf32>
            tpu.vector_store %arg5[%parallel_loop3A_128, %parallel_loop3A_129], %parallel_loop3A_132 {strides = array<i32>} : memref<16x2048xf32, #tpu.memory_space<vmem>>, vector<1x16xf32>,
            %parallel_loop3A_133 = arith.constant 15 : i32
            %parallel_loop3A_134 = vector.broadcast %parallel_loop3A_133 : i32 to vector<16xi32>
            %parallel_loop3A_135 = tpu.iota {dimensions = array<i32: 0>} : vector<16xi32>
            %parallel_loop3A_136 = arith.subi %parallel_loop3A_134, %parallel_loop3A_135 : vector<16xi32>
            %parallel_loop3A_137 = tpu.dynamic_gather %parallel_loop3A_119[%parallel_loop3A_136] in [0] : vector<16xf32>, vector<16xi32> -> vector<16xf32>
            %parallel_loop3A_138 = arith.constant 127 : i32
            %parallel_loop3A_139 = arith.subi %parallel_loop3A_138, %parallel_loop3A_59 : i32
            %parallel_loop3A_140 = arith.constant 16 : i32
            %parallel_loop3A_141 = arith.muli %parallel_loop3A_139, %parallel_loop3A_140 : i32
            %parallel_loop3A_142 = arith.constant 1 : i32
            %parallel_loop3A_143 = arith.index_cast %parallel_loop3A_142 : i32 to index
            %parallel_loop3A_144 = arith.index_cast %parallel_loop3A_141 : i32 to index
            %parallel_loop3A_145 = tpu.vector_load %arg5[%parallel_loop3A_143, %parallel_loop3A_144] {strides = array<i32>} : memref<16x2048xf32, #tpu.memory_space<vmem>>, vector<1x16xf32>,
            %parallel_loop3A_146 = vector.shape_cast %parallel_loop3A_145 : vector<1x16xf32> to vector<16xf32>
            %parallel_loop3A_147 = vector.shape_cast %parallel_loop3A_137 : vector<16xf32> to vector<1x16xf32>
            tpu.vector_store %arg5[%parallel_loop3A_143, %parallel_loop3A_144], %parallel_loop3A_147 {strides = array<i32>} : memref<16x2048xf32, #tpu.memory_space<vmem>>, vector<1x16xf32>,
            %parallel_loop3A_148 = arith.constant 127 : i32
            %parallel_loop3A_149 = arith.subi %parallel_loop3A_148, %parallel_loop3A_59 : i32
            %parallel_loop3A_150 = arith.constant 16 : i32
            %parallel_loop3A_151 = arith.muli %parallel_loop3A_149, %parallel_loop3A_150 : i32
            %parallel_loop3A_152 = arith.constant 2 : i32
            %parallel_loop3A_153 = arith.index_cast %parallel_loop3A_152 : i32 to index
            %parallel_loop3A_154 = arith.index_cast %parallel_loop3A_151 : i32 to index
            %parallel_loop3A_155 = tpu.vector_load %arg5[%parallel_loop3A_153, %parallel_loop3A_154] {strides = array<i32>} : memref<16x2048xf32, #tpu.memory_space<vmem>>, vector<1x16xf32>,
            %parallel_loop3A_156 = vector.shape_cast %parallel_loop3A_155 : vector<1x16xf32> to vector<16xf32>
            %parallel_loop3A_157 = arith.constant 16 : i32
            %parallel_loop3A_158 = arith.muli %parallel_loop3A_59, %parallel_loop3A_157 : i32
            %parallel_loop3A_159 = arith.constant 2 : i32
            %parallel_loop3A_160 = arith.index_cast %parallel_loop3A_159 : i32 to index
            %parallel_loop3A_161 = arith.index_cast %parallel_loop3A_158 : i32 to index
            %parallel_loop3A_162 = tpu.vector_load %arg5[%parallel_loop3A_160, %parallel_loop3A_161] {strides = array<i32>} : memref<16x2048xf32, #tpu.memory_space<vmem>>, vector<1x16xf32>,
            %parallel_loop3A_163 = vector.shape_cast %parallel_loop3A_162 : vector<1x16xf32> to vector<16xf32>
            %parallel_loop3A_164 = arith.constant 15 : i32
            %parallel_loop3A_165 = vector.broadcast %parallel_loop3A_164 : i32 to vector<16xi32>
            %parallel_loop3A_166 = tpu.iota {dimensions = array<i32: 0>} : vector<16xi32>
            %parallel_loop3A_167 = arith.subi %parallel_loop3A_165, %parallel_loop3A_166 : vector<16xi32>
            %parallel_loop3A_168 = tpu.dynamic_gather %parallel_loop3A_156[%parallel_loop3A_167] in [0] : vector<16xf32>, vector<16xi32> -> vector<16xf32>
            %parallel_loop3A_169 = arith.constant 16 : i32
            %parallel_loop3A_170 = arith.muli %parallel_loop3A_59, %parallel_loop3A_169 : i32
            %parallel_loop3A_171 = arith.constant 2 : i32
            %parallel_loop3A_172 = arith.index_cast %parallel_loop3A_171 : i32 to index
            %parallel_loop3A_173 = arith.index_cast %parallel_loop3A_170 : i32 to index
            %parallel_loop3A_174 = tpu.vector_load %arg5[%parallel_loop3A_172, %parallel_loop3A_173] {strides = array<i32>} : memref<16x2048xf32, #tpu.memory_space<vmem>>, vector<1x16xf32>,
            %parallel_loop3A_175 = vector.shape_cast %parallel_loop3A_174 : vector<1x16xf32> to vector<16xf32>
            %parallel_loop3A_176 = vector.shape_cast %parallel_loop3A_168 : vector<16xf32> to vector<1x16xf32>
            tpu.vector_store %arg5[%parallel_loop3A_172, %parallel_loop3A_173], %parallel_loop3A_176 {strides = array<i32>} : memref<16x2048xf32, #tpu.memory_space<vmem>>, vector<1x16xf32>,
            %parallel_loop3A_177 = arith.constant 15 : i32
            %parallel_loop3A_178 = vector.broadcast %parallel_loop3A_177 : i32 to vector<16xi32>
            %parallel_loop3A_179 = tpu.iota {dimensions = array<i32: 0>} : vector<16xi32>
            %parallel_loop3A_180 = arith.subi %parallel_loop3A_178, %parallel_loop3A_179 : vector<16xi32>
            %parallel_loop3A_181 = tpu.dynamic_gather %parallel_loop3A_163[%parallel_loop3A_180] in [0] : vector<16xf32>, vector<16xi32> -> vector<16xf32>
            %parallel_loop3A_182 = arith.constant 127 : i32
            %parallel_loop3A_183 = arith.subi %parallel_loop3A_182, %parallel_loop3A_59 : i32
            %parallel_loop3A_184 = arith.constant 16 : i32
            %parallel_loop3A_185 = arith.muli %parallel_loop3A_183, %parallel_loop3A_184 : i32
            %parallel_loop3A_186 = arith.constant 2 : i32
            %parallel_loop3A_187 = arith.index_cast %parallel_loop3A_186 : i32 to index
            %parallel_loop3A_188 = arith.index_cast %parallel_loop3A_185 : i32 to index
            %parallel_loop3A_189 = tpu.vector_load %arg5[%parallel_loop3A_187, %parallel_loop3A_188] {strides = array<i32>} : memref<16x2048xf32, #tpu.memory_space<vmem>>, vector<1x16xf32>,
            %parallel_loop3A_190 = vector.shape_cast %parallel_loop3A_189 : vector<1x16xf32> to vector<16xf32>
            %parallel_loop3A_191 = vector.shape_cast %parallel_loop3A_181 : vector<16xf32> to vector<1x16xf32>
            tpu.vector_store %arg5[%parallel_loop3A_187, %parallel_loop3A_188], %parallel_loop3A_191 {strides = array<i32>} : memref<16x2048xf32, #tpu.memory_space<vmem>>, vector<1x16xf32>,
            %parallel_loop3A_192 = arith.constant 127 : i32
            %parallel_loop3A_193 = arith.subi %parallel_loop3A_192, %parallel_loop3A_59 : i32
            %parallel_loop3A_194 = arith.constant 16 : i32
            %parallel_loop3A_195 = arith.muli %parallel_loop3A_193, %parallel_loop3A_194 : i32
            %parallel_loop3A_196 = arith.constant 3 : i32
            %parallel_loop3A_197 = arith.index_cast %parallel_loop3A_196 : i32 to index
            %parallel_loop3A_198 = arith.index_cast %parallel_loop3A_195 : i32 to index
            %parallel_loop3A_199 = tpu.vector_load %arg5[%parallel_loop3A_197, %parallel_loop3A_198] {strides = array<i32>} : memref<16x2048xf32, #tpu.memory_space<vmem>>, vector<1x16xf32>,
            %parallel_loop3A_200 = vector.shape_cast %parallel_loop3A_199 : vector<1x16xf32> to vector<16xf32>
            %parallel_loop3A_201 = arith.constant 16 : i32
            %parallel_loop3A_202 = arith.muli %parallel_loop3A_59, %parallel_loop3A_201 : i32
            %parallel_loop3A_203 = arith.constant 3 : i32
            %parallel_loop3A_204 = arith.index_cast %parallel_loop3A_203 : i32 to index
            %parallel_loop3A_205 = arith.index_cast %parallel_loop3A_202 : i32 to index
            %parallel_loop3A_206 = tpu.vector_load %arg5[%parallel_loop3A_204, %parallel_loop3A_205] {strides = array<i32>} : memref<16x2048xf32, #tpu.memory_space<vmem>>, vector<1x16xf32>,
            %parallel_loop3A_207 = vector.shape_cast %parallel_loop3A_206 : vector<1x16xf32> to vector<16xf32>
            %parallel_loop3A_208 = arith.constant 15 : i32
            %parallel_loop3A_209 = vector.broadcast %parallel_loop3A_208 : i32 to vector<16xi32>
            %parallel_loop3A_210 = tpu.iota {dimensions = array<i32: 0>} : vector<16xi32>
            %parallel_loop3A_211 = arith.subi %parallel_loop3A_209, %parallel_loop3A_210 : vector<16xi32>
            %parallel_loop3A_212 = tpu.dynamic_gather %parallel_loop3A_200[%parallel_loop3A_211] in [0] : vector<16xf32>, vector<16xi32> -> vector<16xf32>
            %parallel_loop3A_213 = arith.constant 16 : i32
            %parallel_loop3A_214 = arith.muli %parallel_loop3A_59, %parallel_loop3A_213 : i32
            %parallel_loop3A_215 = arith.constant 3 : i32
            %parallel_loop3A_216 = arith.index_cast %parallel_loop3A_215 : i32 to index
            %parallel_loop3A_217 = arith.index_cast %parallel_loop3A_214 : i32 to index
            %parallel_loop3A_218 = tpu.vector_load %arg5[%parallel_loop3A_216, %parallel_loop3A_217] {strides = array<i32>} : memref<16x2048xf32, #tpu.memory_space<vmem>>, vector<1x16xf32>,
            %parallel_loop3A_219 = vector.shape_cast %parallel_loop3A_218 : vector<1x16xf32> to vector<16xf32>
            %parallel_loop3A_220 = vector.shape_cast %parallel_loop3A_212 : vector<16xf32> to vector<1x16xf32>
            tpu.vector_store %arg5[%parallel_loop3A_216, %parallel_loop3A_217], %parallel_loop3A_220 {strides = array<i32>} : memref<16x2048xf32, #tpu.memory_space<vmem>>, vector<1x16xf32>,
            %parallel_loop3A_221 = arith.constant 15 : i32
            %parallel_loop3A_222 = vector.broadcast %parallel_loop3A_221 : i32 to vector<16xi32>
            %parallel_loop3A_223 = tpu.iota {dimensions = array<i32: 0>} : vector<16xi32>
            %parallel_loop3A_224 = arith.subi %parallel_loop3A_222, %parallel_loop3A_223 : vector<16xi32>
            %parallel_loop3A_225 = tpu.dynamic_gather %parallel_loop3A_207[%parallel_loop3A_224] in [0] : vector<16xf32>, vector<16xi32> -> vector<16xf32>
            %parallel_loop3A_226 = arith.constant 127 : i32
            %parallel_loop3A_227 = arith.subi %parallel_loop3A_226, %parallel_loop3A_59 : i32
            %parallel_loop3A_228 = arith.constant 16 : i32
            %parallel_loop3A_229 = arith.muli %parallel_loop3A_227, %parallel_loop3A_228 : i32
            %parallel_loop3A_230 = arith.constant 3 : i32
            %parallel_loop3A_231 = arith.index_cast %parallel_loop3A_230 : i32 to index
            %parallel_loop3A_232 = arith.index_cast %parallel_loop3A_229 : i32 to index
            %parallel_loop3A_233 = tpu.vector_load %arg5[%parallel_loop3A_231, %parallel_loop3A_232] {strides = array<i32>} : memref<16x2048xf32, #tpu.memory_space<vmem>>, vector<1x16xf32>,
            %parallel_loop3A_234 = vector.shape_cast %parallel_loop3A_233 : vector<1x16xf32> to vector<16xf32>
            %parallel_loop3A_235 = vector.shape_cast %parallel_loop3A_225 : vector<16xf32> to vector<1x16xf32>
            tpu.vector_store %arg5[%parallel_loop3A_231, %parallel_loop3A_232], %parallel_loop3A_235 {strides = array<i32>} : memref<16x2048xf32, #tpu.memory_space<vmem>>, vector<1x16xf32>,
            %parallel_loop3A_236 = arith.constant 127 : i32
            %parallel_loop3A_237 = arith.subi %parallel_loop3A_236, %parallel_loop3A_59 : i32
            %parallel_loop3A_238 = arith.constant 16 : i32
            %parallel_loop3A_239 = arith.muli %parallel_loop3A_237, %parallel_loop3A_238 : i32
            %parallel_loop3A_240 = arith.constant 4 : i32
            %parallel_loop3A_241 = arith.index_cast %parallel_loop3A_240 : i32 to index
            %parallel_loop3A_242 = arith.index_cast %parallel_loop3A_239 : i32 to index
            %parallel_loop3A_243 = tpu.vector_load %arg5[%parallel_loop3A_241, %parallel_loop3A_242] {strides = array<i32>} : memref<16x2048xf32, #tpu.memory_space<vmem>>, vector<1x16xf32>,
            %parallel_loop3A_244 = vector.shape_cast %parallel_loop3A_243 : vector<1x16xf32> to vector<16xf32>
            %parallel_loop3A_245 = arith.constant 16 : i32
            %parallel_loop3A_246 = arith.muli %parallel_loop3A_59, %parallel_loop3A_245 : i32
            %parallel_loop3A_247 = arith.constant 4 : i32
            %parallel_loop3A_248 = arith.index_cast %parallel_loop3A_247 : i32 to index
            %parallel_loop3A_249 = arith.index_cast %parallel_loop3A_246 : i32 to index
            %parallel_loop3A_250 = tpu.vector_load %arg5[%parallel_loop3A_248, %parallel_loop3A_249] {strides = array<i32>} : memref<16x2048xf32, #tpu.memory_space<vmem>>, vector<1x16xf32>,
            %parallel_loop3A_251 = vector.shape_cast %parallel_loop3A_250 : vector<1x16xf32> to vector<16xf32>
            %parallel_loop3A_252 = arith.constant 15 : i32
            %parallel_loop3A_253 = vector.broadcast %parallel_loop3A_252 : i32 to vector<16xi32>
            %parallel_loop3A_254 = tpu.iota {dimensions = array<i32: 0>} : vector<16xi32>
            %parallel_loop3A_255 = arith.subi %parallel_loop3A_253, %parallel_loop3A_254 : vector<16xi32>
            %parallel_loop3A_256 = tpu.dynamic_gather %parallel_loop3A_244[%parallel_loop3A_255] in [0] : vector<16xf32>, vector<16xi32> -> vector<16xf32>
            %parallel_loop3A_257 = arith.constant 16 : i32
            %parallel_loop3A_258 = arith.muli %parallel_loop3A_59, %parallel_loop3A_257 : i32
            %parallel_loop3A_259 = arith.constant 4 : i32
            %parallel_loop3A_260 = arith.index_cast %parallel_loop3A_259 : i32 to index
            %parallel_loop3A_261 = arith.index_cast %parallel_loop3A_258 : i32 to index
            %parallel_loop3A_262 = tpu.vector_load %arg5[%parallel_loop3A_260, %parallel_loop3A_261] {strides = array<i32>} : memref<16x2048xf32, #tpu.memory_space<vmem>>, vector<1x16xf32>,
            %parallel_loop3A_263 = vector.shape_cast %parallel_loop3A_262 : vector<1x16xf32> to vector<16xf32>
            %parallel_loop3A_264 = vector.shape_cast %parallel_loop3A_256 : vector<16xf32> to vector<1x16xf32>
            tpu.vector_store %arg5[%parallel_loop3A_260, %parallel_loop3A_261], %parallel_loop3A_264 {strides = array<i32>} : memref<16x2048xf32, #tpu.memory_space<vmem>>, vector<1x16xf32>,
            %parallel_loop3A_265 = arith.constant 15 : i32
            %parallel_loop3A_266 = vector.broadcast %parallel_loop3A_265 : i32 to vector<16xi32>
            %parallel_loop3A_267 = tpu.iota {dimensions = array<i32: 0>} : vector<16xi32>
            %parallel_loop3A_268 = arith.subi %parallel_loop3A_266, %parallel_loop3A_267 : vector<16xi32>
            %parallel_loop3A_269 = tpu.dynamic_gather %parallel_loop3A_251[%parallel_loop3A_268] in [0] : vector<16xf32>, vector<16xi32> -> vector<16xf32>
            %parallel_loop3A_270 = arith.constant 127 : i32
            %parallel_loop3A_271 = arith.subi %parallel_loop3A_270, %parallel_loop3A_59 : i32
            %parallel_loop3A_272 = arith.constant 16 : i32
            %parallel_loop3A_273 = arith.muli %parallel_loop3A_271, %parallel_loop3A_272 : i32
            %parallel_loop3A_274 = arith.constant 4 : i32
            %parallel_loop3A_275 = arith.index_cast %parallel_loop3A_274 : i32 to index
            %parallel_loop3A_276 = arith.index_cast %parallel_loop3A_273 : i32 to index
            %parallel_loop3A_277 = tpu.vector_load %arg5[%parallel_loop3A_275, %parallel_loop3A_276] {strides = array<i32>} : memref<16x2048xf32, #tpu.memory_space<vmem>>, vector<1x16xf32>,
            %parallel_loop3A_278 = vector.shape_cast %parallel_loop3A_277 : vector<1x16xf32> to vector<16xf32>
            %parallel_loop3A_279 = vector.shape_cast %parallel_loop3A_269 : vector<16xf32> to vector<1x16xf32>
            tpu.vector_store %arg5[%parallel_loop3A_275, %parallel_loop3A_276], %parallel_loop3A_279 {strides = array<i32>} : memref<16x2048xf32, #tpu.memory_space<vmem>>, vector<1x16xf32>,
            %parallel_loop3A_280 = arith.constant 127 : i32
            %parallel_loop3A_281 = arith.subi %parallel_loop3A_280, %parallel_loop3A_59 : i32
            %parallel_loop3A_282 = arith.constant 16 : i32
            %parallel_loop3A_283 = arith.muli %parallel_loop3A_281, %parallel_loop3A_282 : i32
            %parallel_loop3A_284 = arith.constant 5 : i32
            %parallel_loop3A_285 = arith.index_cast %parallel_loop3A_284 : i32 to index
            %parallel_loop3A_286 = arith.index_cast %parallel_loop3A_283 : i32 to index
            %parallel_loop3A_287 = tpu.vector_load %arg5[%parallel_loop3A_285, %parallel_loop3A_286] {strides = array<i32>} : memref<16x2048xf32, #tpu.memory_space<vmem>>, vector<1x16xf32>,
            %parallel_loop3A_288 = vector.shape_cast %parallel_loop3A_287 : vector<1x16xf32> to vector<16xf32>
            %parallel_loop3A_289 = arith.constant 16 : i32
            %parallel_loop3A_290 = arith.muli %parallel_loop3A_59, %parallel_loop3A_289 : i32
            %parallel_loop3A_291 = arith.constant 5 : i32
            %parallel_loop3A_292 = arith.index_cast %parallel_loop3A_291 : i32 to index
            %parallel_loop3A_293 = arith.index_cast %parallel_loop3A_290 : i32 to index
            %parallel_loop3A_294 = tpu.vector_load %arg5[%parallel_loop3A_292, %parallel_loop3A_293] {strides = array<i32>} : memref<16x2048xf32, #tpu.memory_space<vmem>>, vector<1x16xf32>,
            %parallel_loop3A_295 = vector.shape_cast %parallel_loop3A_294 : vector<1x16xf32> to vector<16xf32>
            %parallel_loop3A_296 = arith.constant 15 : i32
            %parallel_loop3A_297 = vector.broadcast %parallel_loop3A_296 : i32 to vector<16xi32>
            %parallel_loop3A_298 = tpu.iota {dimensions = array<i32: 0>} : vector<16xi32>
            %parallel_loop3A_299 = arith.subi %parallel_loop3A_297, %parallel_loop3A_298 : vector<16xi32>
            %parallel_loop3A_300 = tpu.dynamic_gather %parallel_loop3A_288[%parallel_loop3A_299] in [0] : vector<16xf32>, vector<16xi32> -> vector<16xf32>
            %parallel_loop3A_301 = arith.constant 16 : i32
            %parallel_loop3A_302 = arith.muli %parallel_loop3A_59, %parallel_loop3A_301 : i32
            %parallel_loop3A_303 = arith.constant 5 : i32
            %parallel_loop3A_304 = arith.index_cast %parallel_loop3A_303 : i32 to index
            %parallel_loop3A_305 = arith.index_cast %parallel_loop3A_302 : i32 to index
            %parallel_loop3A_306 = tpu.vector_load %arg5[%parallel_loop3A_304, %parallel_loop3A_305] {strides = array<i32>} : memref<16x2048xf32, #tpu.memory_space<vmem>>, vector<1x16xf32>,
            %parallel_loop3A_307 = vector.shape_cast %parallel_loop3A_306 : vector<1x16xf32> to vector<16xf32>
            %parallel_loop3A_308 = vector.shape_cast %parallel_loop3A_300 : vector<16xf32> to vector<1x16xf32>
            tpu.vector_store %arg5[%parallel_loop3A_304, %parallel_loop3A_305], %parallel_loop3A_308 {strides = array<i32>} : memref<16x2048xf32, #tpu.memory_space<vmem>>, vector<1x16xf32>,
            %parallel_loop3A_309 = arith.constant 15 : i32
            %parallel_loop3A_310 = vector.broadcast %parallel_loop3A_309 : i32 to vector<16xi32>
            %parallel_loop3A_311 = tpu.iota {dimensions = array<i32: 0>} : vector<16xi32>
            %parallel_loop3A_312 = arith.subi %parallel_loop3A_310, %parallel_loop3A_311 : vector<16xi32>
            %parallel_loop3A_313 = tpu.dynamic_gather %parallel_loop3A_295[%parallel_loop3A_312] in [0] : vector<16xf32>, vector<16xi32> -> vector<16xf32>
            %parallel_loop3A_314 = arith.constant 127 : i32
            %parallel_loop3A_315 = arith.subi %parallel_loop3A_314, %parallel_loop3A_59 : i32
            %parallel_loop3A_316 = arith.constant 16 : i32
            %parallel_loop3A_317 = arith.muli %parallel_loop3A_315, %parallel_loop3A_316 : i32
            %parallel_loop3A_318 = arith.constant 5 : i32
            %parallel_loop3A_319 = arith.index_cast %parallel_loop3A_318 : i32 to index
            %parallel_loop3A_320 = arith.index_cast %parallel_loop3A_317 : i32 to index
            %parallel_loop3A_321 = tpu.vector_load %arg5[%parallel_loop3A_319, %parallel_loop3A_320] {strides = array<i32>} : memref<16x2048xf32, #tpu.memory_space<vmem>>, vector<1x16xf32>,
            %parallel_loop3A_322 = vector.shape_cast %parallel_loop3A_321 : vector<1x16xf32> to vector<16xf32>
            %parallel_loop3A_323 = vector.shape_cast %parallel_loop3A_313 : vector<16xf32> to vector<1x16xf32>
            tpu.vector_store %arg5[%parallel_loop3A_319, %parallel_loop3A_320], %parallel_loop3A_323 {strides = array<i32>} : memref<16x2048xf32, #tpu.memory_space<vmem>>, vector<1x16xf32>,
            %parallel_loop3A_324 = arith.constant 127 : i32
            %parallel_loop3A_325 = arith.subi %parallel_loop3A_324, %parallel_loop3A_59 : i32
            %parallel_loop3A_326 = arith.constant 16 : i32
            %parallel_loop3A_327 = arith.muli %parallel_loop3A_325, %parallel_loop3A_326 : i32
            %parallel_loop3A_328 = arith.constant 6 : i32
            %parallel_loop3A_329 = arith.index_cast %parallel_loop3A_328 : i32 to index
            %parallel_loop3A_330 = arith.index_cast %parallel_loop3A_327 : i32 to index
            %parallel_loop3A_331 = tpu.vector_load %arg5[%parallel_loop3A_329, %parallel_loop3A_330] {strides = array<i32>} : memref<16x2048xf32, #tpu.memory_space<vmem>>, vector<1x16xf32>,
            %parallel_loop3A_332 = vector.shape_cast %parallel_loop3A_331 : vector<1x16xf32> to vector<16xf32>
            %parallel_loop3A_333 = arith.constant 16 : i32
            %parallel_loop3A_334 = arith.muli %parallel_loop3A_59, %parallel_loop3A_333 : i32
            %parallel_loop3A_335 = arith.constant 6 : i32
            %parallel_loop3A_336 = arith.index_cast %parallel_loop3A_335 : i32 to index
            %parallel_loop3A_337 = arith.index_cast %parallel_loop3A_334 : i32 to index
            %parallel_loop3A_338 = tpu.vector_load %arg5[%parallel_loop3A_336, %parallel_loop3A_337] {strides = array<i32>} : memref<16x2048xf32, #tpu.memory_space<vmem>>, vector<1x16xf32>,
            %parallel_loop3A_339 = vector.shape_cast %parallel_loop3A_338 : vector<1x16xf32> to vector<16xf32>
            %parallel_loop3A_340 = arith.constant 15 : i32
            %parallel_loop3A_341 = vector.broadcast %parallel_loop3A_340 : i32 to vector<16xi32>
            %parallel_loop3A_342 = tpu.iota {dimensions = array<i32: 0>} : vector<16xi32>
            %parallel_loop3A_343 = arith.subi %parallel_loop3A_341, %parallel_loop3A_342 : vector<16xi32>
            %parallel_loop3A_344 = tpu.dynamic_gather %parallel_loop3A_332[%parallel_loop3A_343] in [0] : vector<16xf32>, vector<16xi32> -> vector<16xf32>
            %parallel_loop3A_345 = arith.constant 16 : i32
            %parallel_loop3A_346 = arith.muli %parallel_loop3A_59, %parallel_loop3A_345 : i32
            %parallel_loop3A_347 = arith.constant 6 : i32
            %parallel_loop3A_348 = arith.index_cast %parallel_loop3A_347 : i32 to index
            %parallel_loop3A_349 = arith.index_cast %parallel_loop3A_346 : i32 to index
            %parallel_loop3A_350 = tpu.vector_load %arg5[%parallel_loop3A_348, %parallel_loop3A_349] {strides = array<i32>} : memref<16x2048xf32, #tpu.memory_space<vmem>>, vector<1x16xf32>,
            %parallel_loop3A_351 = vector.shape_cast %parallel_loop3A_350 : vector<1x16xf32> to vector<16xf32>
            %parallel_loop3A_352 = vector.shape_cast %parallel_loop3A_344 : vector<16xf32> to vector<1x16xf32>
            tpu.vector_store %arg5[%parallel_loop3A_348, %parallel_loop3A_349], %parallel_loop3A_352 {strides = array<i32>} : memref<16x2048xf32, #tpu.memory_space<vmem>>, vector<1x16xf32>,
            %parallel_loop3A_353 = arith.constant 15 : i32
            %parallel_loop3A_354 = vector.broadcast %parallel_loop3A_353 : i32 to vector<16xi32>
            %parallel_loop3A_355 = tpu.iota {dimensions = array<i32: 0>} : vector<16xi32>
            %parallel_loop3A_356 = arith.subi %parallel_loop3A_354, %parallel_loop3A_355 : vector<16xi32>
            %parallel_loop3A_357 = tpu.dynamic_gather %parallel_loop3A_339[%parallel_loop3A_356] in [0] : vector<16xf32>, vector<16xi32> -> vector<16xf32>
            %parallel_loop3A_358 = arith.constant 127 : i32
            %parallel_loop3A_359 = arith.subi %parallel_loop3A_358, %parallel_loop3A_59 : i32
            %parallel_loop3A_360 = arith.constant 16 : i32
            %parallel_loop3A_361 = arith.muli %parallel_loop3A_359, %parallel_loop3A_360 : i32
            %parallel_loop3A_362 = arith.constant 6 : i32
            %parallel_loop3A_363 = arith.index_cast %parallel_loop3A_362 : i32 to index
            %parallel_loop3A_364 = arith.index_cast %parallel_loop3A_361 : i32 to index
            %parallel_loop3A_365 = tpu.vector_load %arg5[%parallel_loop3A_363, %parallel_loop3A_364] {strides = array<i32>} : memref<16x2048xf32, #tpu.memory_space<vmem>>, vector<1x16xf32>,
            %parallel_loop3A_366 = vector.shape_cast %parallel_loop3A_365 : vector<1x16xf32> to vector<16xf32>
            %parallel_loop3A_367 = vector.shape_cast %parallel_loop3A_357 : vector<16xf32> to vector<1x16xf32>
            tpu.vector_store %arg5[%parallel_loop3A_363, %parallel_loop3A_364], %parallel_loop3A_367 {strides = array<i32>} : memref<16x2048xf32, #tpu.memory_space<vmem>>, vector<1x16xf32>,
            %parallel_loop3A_368 = arith.constant 127 : i32
            %parallel_loop3A_369 = arith.subi %parallel_loop3A_368, %parallel_loop3A_59 : i32
            %parallel_loop3A_370 = arith.constant 16 : i32
            %parallel_loop3A_371 = arith.muli %parallel_loop3A_369, %parallel_loop3A_370 : i32
            %parallel_loop3A_372 = arith.constant 7 : i32
            %parallel_loop3A_373 = arith.index_cast %parallel_loop3A_372 : i32 to index
            %parallel_loop3A_374 = arith.index_cast %parallel_loop3A_371 : i32 to index
            %parallel_loop3A_375 = tpu.vector_load %arg5[%parallel_loop3A_373, %parallel_loop3A_374] {strides = array<i32>} : memref<16x2048xf32, #tpu.memory_space<vmem>>, vector<1x16xf32>,
            %parallel_loop3A_376 = vector.shape_cast %parallel_loop3A_375 : vector<1x16xf32> to vector<16xf32>
            %parallel_loop3A_377 = arith.constant 16 : i32
            %parallel_loop3A_378 = arith.muli %parallel_loop3A_59, %parallel_loop3A_377 : i32
            %parallel_loop3A_379 = arith.constant 7 : i32
            %parallel_loop3A_380 = arith.index_cast %parallel_loop3A_379 : i32 to index
            %parallel_loop3A_381 = arith.index_cast %parallel_loop3A_378 : i32 to index
            %parallel_loop3A_382 = tpu.vector_load %arg5[%parallel_loop3A_380, %parallel_loop3A_381] {strides = array<i32>} : memref<16x2048xf32, #tpu.memory_space<vmem>>, vector<1x16xf32>,
            %parallel_loop3A_383 = vector.shape_cast %parallel_loop3A_382 : vector<1x16xf32> to vector<16xf32>
            %parallel_loop3A_384 = arith.constant 15 : i32
            %parallel_loop3A_385 = vector.broadcast %parallel_loop3A_384 : i32 to vector<16xi32>
            %parallel_loop3A_386 = tpu.iota {dimensions = array<i32: 0>} : vector<16xi32>
            %parallel_loop3A_387 = arith.subi %parallel_loop3A_385, %parallel_loop3A_386 : vector<16xi32>
            %parallel_loop3A_388 = tpu.dynamic_gather %parallel_loop3A_376[%parallel_loop3A_387] in [0] : vector<16xf32>, vector<16xi32> -> vector<16xf32>
            %parallel_loop3A_389 = arith.constant 16 : i32
            %parallel_loop3A_390 = arith.muli %parallel_loop3A_59, %parallel_loop3A_389 : i32
            %parallel_loop3A_391 = arith.constant 7 : i32
            %parallel_loop3A_392 = arith.index_cast %parallel_loop3A_391 : i32 to index
            %parallel_loop3A_393 = arith.index_cast %parallel_loop3A_390 : i32 to index
            %parallel_loop3A_394 = tpu.vector_load %arg5[%parallel_loop3A_392, %parallel_loop3A_393] {strides = array<i32>} : memref<16x2048xf32, #tpu.memory_space<vmem>>, vector<1x16xf32>,
            %parallel_loop3A_395 = vector.shape_cast %parallel_loop3A_394 : vector<1x16xf32> to vector<16xf32>
            %parallel_loop3A_396 = vector.shape_cast %parallel_loop3A_388 : vector<16xf32> to vector<1x16xf32>
            tpu.vector_store %arg5[%parallel_loop3A_392, %parallel_loop3A_393], %parallel_loop3A_396 {strides = array<i32>} : memref<16x2048xf32, #tpu.memory_space<vmem>>, vector<1x16xf32>,
            %parallel_loop3A_397 = arith.constant 15 : i32
            %parallel_loop3A_398 = vector.broadcast %parallel_loop3A_397 : i32 to vector<16xi32>
            %parallel_loop3A_399 = tpu.iota {dimensions = array<i32: 0>} : vector<16xi32>
            %parallel_loop3A_400 = arith.subi %parallel_loop3A_398, %parallel_loop3A_399 : vector<16xi32>
            %parallel_loop3A_401 = tpu.dynamic_gather %parallel_loop3A_383[%parallel_loop3A_400] in [0] : vector<16xf32>, vector<16xi32> -> vector<16xf32>
            %parallel_loop3A_402 = arith.constant 127 : i32
            %parallel_loop3A_403 = arith.subi %parallel_loop3A_402, %parallel_loop3A_59 : i32
            %parallel_loop3A_404 = arith.constant 16 : i32
            %parallel_loop3A_405 = arith.muli %parallel_loop3A_403, %parallel_loop3A_404 : i32
            %parallel_loop3A_406 = arith.constant 7 : i32
            %parallel_loop3A_407 = arith.index_cast %parallel_loop3A_406 : i32 to index
            %parallel_loop3A_408 = arith.index_cast %parallel_loop3A_405 : i32 to index
            %parallel_loop3A_409 = tpu.vector_load %arg5[%parallel_loop3A_407, %parallel_loop3A_408] {strides = array<i32>} : memref<16x2048xf32, #tpu.memory_space<vmem>>, vector<1x16xf32>,
            %parallel_loop3A_410 = vector.shape_cast %parallel_loop3A_409 : vector<1x16xf32> to vector<16xf32>
            %parallel_loop3A_411 = vector.shape_cast %parallel_loop3A_401 : vector<16xf32> to vector<1x16xf32>
            tpu.vector_store %arg5[%parallel_loop3A_407, %parallel_loop3A_408], %parallel_loop3A_411 {strides = array<i32>} : memref<16x2048xf32, #tpu.memory_space<vmem>>, vector<1x16xf32>,
            %parallel_loop3A_412 = arith.constant 127 : i32
            %parallel_loop3A_413 = arith.subi %parallel_loop3A_412, %parallel_loop3A_59 : i32
            %parallel_loop3A_414 = arith.constant 16 : i32
            %parallel_loop3A_415 = arith.muli %parallel_loop3A_413, %parallel_loop3A_414 : i32
            %parallel_loop3A_416 = arith.constant 8 : i32
            %parallel_loop3A_417 = arith.index_cast %parallel_loop3A_416 : i32 to index
            %parallel_loop3A_418 = arith.index_cast %parallel_loop3A_415 : i32 to index
            %parallel_loop3A_419 = tpu.vector_load %arg5[%parallel_loop3A_417, %parallel_loop3A_418] {strides = array<i32>} : memref<16x2048xf32, #tpu.memory_space<vmem>>, vector<1x16xf32>,
            %parallel_loop3A_420 = vector.shape_cast %parallel_loop3A_419 : vector<1x16xf32> to vector<16xf32>
            %parallel_loop3A_421 = arith.constant 16 : i32
            %parallel_loop3A_422 = arith.muli %parallel_loop3A_59, %parallel_loop3A_421 : i32
            %parallel_loop3A_423 = arith.constant 8 : i32
            %parallel_loop3A_424 = arith.index_cast %parallel_loop3A_423 : i32 to index
            %parallel_loop3A_425 = arith.index_cast %parallel_loop3A_422 : i32 to index
            %parallel_loop3A_426 = tpu.vector_load %arg5[%parallel_loop3A_424, %parallel_loop3A_425] {strides = array<i32>} : memref<16x2048xf32, #tpu.memory_space<vmem>>, vector<1x16xf32>,
            %parallel_loop3A_427 = vector.shape_cast %parallel_loop3A_426 : vector<1x16xf32> to vector<16xf32>
            %parallel_loop3A_428 = arith.constant 15 : i32
            %parallel_loop3A_429 = vector.broadcast %parallel_loop3A_428 : i32 to vector<16xi32>
            %parallel_loop3A_430 = tpu.iota {dimensions = array<i32: 0>} : vector<16xi32>
            %parallel_loop3A_431 = arith.subi %parallel_loop3A_429, %parallel_loop3A_430 : vector<16xi32>
            %parallel_loop3A_432 = tpu.dynamic_gather %parallel_loop3A_420[%parallel_loop3A_431] in [0] : vector<16xf32>, vector<16xi32> -> vector<16xf32>
            %parallel_loop3A_433 = arith.constant 16 : i32
            %parallel_loop3A_434 = arith.muli %parallel_loop3A_59, %parallel_loop3A_433 : i32
            %parallel_loop3A_435 = arith.constant 8 : i32
            %parallel_loop3A_436 = arith.index_cast %parallel_loop3A_435 : i32 to index
            %parallel_loop3A_437 = arith.index_cast %parallel_loop3A_434 : i32 to index
            %parallel_loop3A_438 = tpu.vector_load %arg5[%parallel_loop3A_436, %parallel_loop3A_437] {strides = array<i32>} : memref<16x2048xf32, #tpu.memory_space<vmem>>, vector<1x16xf32>,
            %parallel_loop3A_439 = vector.shape_cast %parallel_loop3A_438 : vector<1x16xf32> to vector<16xf32>
            %parallel_loop3A_440 = vector.shape_cast %parallel_loop3A_432 : vector<16xf32> to vector<1x16xf32>
            tpu.vector_store %arg5[%parallel_loop3A_436, %parallel_loop3A_437], %parallel_loop3A_440 {strides = array<i32>} : memref<16x2048xf32, #tpu.memory_space<vmem>>, vector<1x16xf32>,
            %parallel_loop3A_441 = arith.constant 15 : i32
            %parallel_loop3A_442 = vector.broadcast %parallel_loop3A_441 : i32 to vector<16xi32>
            %parallel_loop3A_443 = tpu.iota {dimensions = array<i32: 0>} : vector<16xi32>
            %parallel_loop3A_444 = arith.subi %parallel_loop3A_442, %parallel_loop3A_443 : vector<16xi32>
            %parallel_loop3A_445 = tpu.dynamic_gather %parallel_loop3A_427[%parallel_loop3A_444] in [0] : vector<16xf32>, vector<16xi32> -> vector<16xf32>
            %parallel_loop3A_446 = arith.constant 127 : i32
            %parallel_loop3A_447 = arith.subi %parallel_loop3A_446, %parallel_loop3A_59 : i32
            %parallel_loop3A_448 = arith.constant 16 : i32
            %parallel_loop3A_449 = arith.muli %parallel_loop3A_447, %parallel_loop3A_448 : i32
            %parallel_loop3A_450 = arith.constant 8 : i32
            %parallel_loop3A_451 = arith.index_cast %parallel_loop3A_450 : i32 to index
            %parallel_loop3A_452 = arith.index_cast %parallel_loop3A_449 : i32 to index
            %parallel_loop3A_453 = tpu.vector_load %arg5[%parallel_loop3A_451, %parallel_loop3A_452] {strides = array<i32>} : memref<16x2048xf32, #tpu.memory_space<vmem>>, vector<1x16xf32>,
            %parallel_loop3A_454 = vector.shape_cast %parallel_loop3A_453 : vector<1x16xf32> to vector<16xf32>
            %parallel_loop3A_455 = vector.shape_cast %parallel_loop3A_445 : vector<16xf32> to vector<1x16xf32>
            tpu.vector_store %arg5[%parallel_loop3A_451, %parallel_loop3A_452], %parallel_loop3A_455 {strides = array<i32>} : memref<16x2048xf32, #tpu.memory_space<vmem>>, vector<1x16xf32>,
            %parallel_loop3A_456 = arith.constant 127 : i32
            %parallel_loop3A_457 = arith.subi %parallel_loop3A_456, %parallel_loop3A_59 : i32
            %parallel_loop3A_458 = arith.constant 16 : i32
            %parallel_loop3A_459 = arith.muli %parallel_loop3A_457, %parallel_loop3A_458 : i32
            %parallel_loop3A_460 = arith.constant 9 : i32
            %parallel_loop3A_461 = arith.index_cast %parallel_loop3A_460 : i32 to index
            %parallel_loop3A_462 = arith.index_cast %parallel_loop3A_459 : i32 to index
            %parallel_loop3A_463 = tpu.vector_load %arg5[%parallel_loop3A_461, %parallel_loop3A_462] {strides = array<i32>} : memref<16x2048xf32, #tpu.memory_space<vmem>>, vector<1x16xf32>,
            %parallel_loop3A_464 = vector.shape_cast %parallel_loop3A_463 : vector<1x16xf32> to vector<16xf32>
            %parallel_loop3A_465 = arith.constant 16 : i32
            %parallel_loop3A_466 = arith.muli %parallel_loop3A_59, %parallel_loop3A_465 : i32
            %parallel_loop3A_467 = arith.constant 9 : i32
            %parallel_loop3A_468 = arith.index_cast %parallel_loop3A_467 : i32 to index
            %parallel_loop3A_469 = arith.index_cast %parallel_loop3A_466 : i32 to index
            %parallel_loop3A_470 = tpu.vector_load %arg5[%parallel_loop3A_468, %parallel_loop3A_469] {strides = array<i32>} : memref<16x2048xf32, #tpu.memory_space<vmem>>, vector<1x16xf32>,
            %parallel_loop3A_471 = vector.shape_cast %parallel_loop3A_470 : vector<1x16xf32> to vector<16xf32>
            %parallel_loop3A_472 = arith.constant 15 : i32
            %parallel_loop3A_473 = vector.broadcast %parallel_loop3A_472 : i32 to vector<16xi32>
            %parallel_loop3A_474 = tpu.iota {dimensions = array<i32: 0>} : vector<16xi32>
            %parallel_loop3A_475 = arith.subi %parallel_loop3A_473, %parallel_loop3A_474 : vector<16xi32>
            %parallel_loop3A_476 = tpu.dynamic_gather %parallel_loop3A_464[%parallel_loop3A_475] in [0] : vector<16xf32>, vector<16xi32> -> vector<16xf32>
            %parallel_loop3A_477 = arith.constant 16 : i32
            %parallel_loop3A_478 = arith.muli %parallel_loop3A_59, %parallel_loop3A_477 : i32
            %parallel_loop3A_479 = arith.constant 9 : i32
            %parallel_loop3A_480 = arith.index_cast %parallel_loop3A_479 : i32 to index
            %parallel_loop3A_481 = arith.index_cast %parallel_loop3A_478 : i32 to index
            %parallel_loop3A_482 = tpu.vector_load %arg5[%parallel_loop3A_480, %parallel_loop3A_481] {strides = array<i32>} : memref<16x2048xf32, #tpu.memory_space<vmem>>, vector<1x16xf32>,
            %parallel_loop3A_483 = vector.shape_cast %parallel_loop3A_482 : vector<1x16xf32> to vector<16xf32>
            %parallel_loop3A_484 = vector.shape_cast %parallel_loop3A_476 : vector<16xf32> to vector<1x16xf32>
            tpu.vector_store %arg5[%parallel_loop3A_480, %parallel_loop3A_481], %parallel_loop3A_484 {strides = array<i32>} : memref<16x2048xf32, #tpu.memory_space<vmem>>, vector<1x16xf32>,
            %parallel_loop3A_485 = arith.constant 15 : i32
            %parallel_loop3A_486 = vector.broadcast %parallel_loop3A_485 : i32 to vector<16xi32>
            %parallel_loop3A_487 = tpu.iota {dimensions = array<i32: 0>} : vector<16xi32>
            %parallel_loop3A_488 = arith.subi %parallel_loop3A_486, %parallel_loop3A_487 : vector<16xi32>
            %parallel_loop3A_489 = tpu.dynamic_gather %parallel_loop3A_471[%parallel_loop3A_488] in [0] : vector<16xf32>, vector<16xi32> -> vector<16xf32>
            %parallel_loop3A_490 = arith.constant 127 : i32
            %parallel_loop3A_491 = arith.subi %parallel_loop3A_490, %parallel_loop3A_59 : i32
            %parallel_loop3A_492 = arith.constant 16 : i32
            %parallel_loop3A_493 = arith.muli %parallel_loop3A_491, %parallel_loop3A_492 : i32
            %parallel_loop3A_494 = arith.constant 9 : i32
            %parallel_loop3A_495 = arith.index_cast %parallel_loop3A_494 : i32 to index
            %parallel_loop3A_496 = arith.index_cast %parallel_loop3A_493 : i32 to index
            %parallel_loop3A_497 = tpu.vector_load %arg5[%parallel_loop3A_495, %parallel_loop3A_496] {strides = array<i32>} : memref<16x2048xf32, #tpu.memory_space<vmem>>, vector<1x16xf32>,
            %parallel_loop3A_498 = vector.shape_cast %parallel_loop3A_497 : vector<1x16xf32> to vector<16xf32>
            %parallel_loop3A_499 = vector.shape_cast %parallel_loop3A_489 : vector<16xf32> to vector<1x16xf32>
            tpu.vector_store %arg5[%parallel_loop3A_495, %parallel_loop3A_496], %parallel_loop3A_499 {strides = array<i32>} : memref<16x2048xf32, #tpu.memory_space<vmem>>, vector<1x16xf32>,
            %parallel_loop3A_500 = arith.constant 127 : i32
            %parallel_loop3A_501 = arith.subi %parallel_loop3A_500, %parallel_loop3A_59 : i32
            %parallel_loop3A_502 = arith.constant 16 : i32
            %parallel_loop3A_503 = arith.muli %parallel_loop3A_501, %parallel_loop3A_502 : i32
            %parallel_loop3A_504 = arith.constant 10 : i32
            %parallel_loop3A_505 = arith.index_cast %parallel_loop3A_504 : i32 to index
            %parallel_loop3A_506 = arith.index_cast %parallel_loop3A_503 : i32 to index
            %parallel_loop3A_507 = tpu.vector_load %arg5[%parallel_loop3A_505, %parallel_loop3A_506] {strides = array<i32>} : memref<16x2048xf32, #tpu.memory_space<vmem>>, vector<1x16xf32>,
            %parallel_loop3A_508 = vector.shape_cast %parallel_loop3A_507 : vector<1x16xf32> to vector<16xf32>
            %parallel_loop3A_509 = arith.constant 16 : i32
            %parallel_loop3A_510 = arith.muli %parallel_loop3A_59, %parallel_loop3A_509 : i32
            %parallel_loop3A_511 = arith.constant 10 : i32
            %parallel_loop3A_512 = arith.index_cast %parallel_loop3A_511 : i32 to index
            %parallel_loop3A_513 = arith.index_cast %parallel_loop3A_510 : i32 to index
            %parallel_loop3A_514 = tpu.vector_load %arg5[%parallel_loop3A_512, %parallel_loop3A_513] {strides = array<i32>} : memref<16x2048xf32, #tpu.memory_space<vmem>>, vector<1x16xf32>,
            %parallel_loop3A_515 = vector.shape_cast %parallel_loop3A_514 : vector<1x16xf32> to vector<16xf32>
            %parallel_loop3A_516 = arith.constant 15 : i32
            %parallel_loop3A_517 = vector.broadcast %parallel_loop3A_516 : i32 to vector<16xi32>
            %parallel_loop3A_518 = tpu.iota {dimensions = array<i32: 0>} : vector<16xi32>
            %parallel_loop3A_519 = arith.subi %parallel_loop3A_517, %parallel_loop3A_518 : vector<16xi32>
            %parallel_loop3A_520 = tpu.dynamic_gather %parallel_loop3A_508[%parallel_loop3A_519] in [0] : vector<16xf32>, vector<16xi32> -> vector<16xf32>
            %parallel_loop3A_521 = arith.constant 16 : i32
            %parallel_loop3A_522 = arith.muli %parallel_loop3A_59, %parallel_loop3A_521 : i32
            %parallel_loop3A_523 = arith.constant 10 : i32
            %parallel_loop3A_524 = arith.index_cast %parallel_loop3A_523 : i32 to index
            %parallel_loop3A_525 = arith.index_cast %parallel_loop3A_522 : i32 to index
            %parallel_loop3A_526 = tpu.vector_load %arg5[%parallel_loop3A_524, %parallel_loop3A_525] {strides = array<i32>} : memref<16x2048xf32, #tpu.memory_space<vmem>>, vector<1x16xf32>,
            %parallel_loop3A_527 = vector.shape_cast %parallel_loop3A_526 : vector<1x16xf32> to vector<16xf32>
            %parallel_loop3A_528 = vector.shape_cast %parallel_loop3A_520 : vector<16xf32> to vector<1x16xf32>
            tpu.vector_store %arg5[%parallel_loop3A_524, %parallel_loop3A_525], %parallel_loop3A_528 {strides = array<i32>} : memref<16x2048xf32, #tpu.memory_space<vmem>>, vector<1x16xf32>,
            %parallel_loop3A_529 = arith.constant 15 : i32
            %parallel_loop3A_530 = vector.broadcast %parallel_loop3A_529 : i32 to vector<16xi32>
            %parallel_loop3A_531 = tpu.iota {dimensions = array<i32: 0>} : vector<16xi32>
            %parallel_loop3A_532 = arith.subi %parallel_loop3A_530, %parallel_loop3A_531 : vector<16xi32>
            %parallel_loop3A_533 = tpu.dynamic_gather %parallel_loop3A_515[%parallel_loop3A_532] in [0] : vector<16xf32>, vector<16xi32> -> vector<16xf32>
            %parallel_loop3A_534 = arith.constant 127 : i32
            %parallel_loop3A_535 = arith.subi %parallel_loop3A_534, %parallel_loop3A_59 : i32
            %parallel_loop3A_536 = arith.constant 16 : i32
            %parallel_loop3A_537 = arith.muli %parallel_loop3A_535, %parallel_loop3A_536 : i32
            %parallel_loop3A_538 = arith.constant 10 : i32
            %parallel_loop3A_539 = arith.index_cast %parallel_loop3A_538 : i32 to index
            %parallel_loop3A_540 = arith.index_cast %parallel_loop3A_537 : i32 to index
            %parallel_loop3A_541 = tpu.vector_load %arg5[%parallel_loop3A_539, %parallel_loop3A_540] {strides = array<i32>} : memref<16x2048xf32, #tpu.memory_space<vmem>>, vector<1x16xf32>,
            %parallel_loop3A_542 = vector.shape_cast %parallel_loop3A_541 : vector<1x16xf32> to vector<16xf32>
            %parallel_loop3A_543 = vector.shape_cast %parallel_loop3A_533 : vector<16xf32> to vector<1x16xf32>
            tpu.vector_store %arg5[%parallel_loop3A_539, %parallel_loop3A_540], %parallel_loop3A_543 {strides = array<i32>} : memref<16x2048xf32, #tpu.memory_space<vmem>>, vector<1x16xf32>,
            %parallel_loop3A_544 = arith.constant 127 : i32
            %parallel_loop3A_545 = arith.subi %parallel_loop3A_544, %parallel_loop3A_59 : i32
            %parallel_loop3A_546 = arith.constant 16 : i32
            %parallel_loop3A_547 = arith.muli %parallel_loop3A_545, %parallel_loop3A_546 : i32
            %parallel_loop3A_548 = arith.constant 11 : i32
            %parallel_loop3A_549 = arith.index_cast %parallel_loop3A_548 : i32 to index
            %parallel_loop3A_550 = arith.index_cast %parallel_loop3A_547 : i32 to index
            %parallel_loop3A_551 = tpu.vector_load %arg5[%parallel_loop3A_549, %parallel_loop3A_550] {strides = array<i32>} : memref<16x2048xf32, #tpu.memory_space<vmem>>, vector<1x16xf32>,
            %parallel_loop3A_552 = vector.shape_cast %parallel_loop3A_551 : vector<1x16xf32> to vector<16xf32>
            %parallel_loop3A_553 = arith.constant 16 : i32
            %parallel_loop3A_554 = arith.muli %parallel_loop3A_59, %parallel_loop3A_553 : i32
            %parallel_loop3A_555 = arith.constant 11 : i32
            %parallel_loop3A_556 = arith.index_cast %parallel_loop3A_555 : i32 to index
            %parallel_loop3A_557 = arith.index_cast %parallel_loop3A_554 : i32 to index
            %parallel_loop3A_558 = tpu.vector_load %arg5[%parallel_loop3A_556, %parallel_loop3A_557] {strides = array<i32>} : memref<16x2048xf32, #tpu.memory_space<vmem>>, vector<1x16xf32>,
            %parallel_loop3A_559 = vector.shape_cast %parallel_loop3A_558 : vector<1x16xf32> to vector<16xf32>
            %parallel_loop3A_560 = arith.constant 15 : i32
            %parallel_loop3A_561 = vector.broadcast %parallel_loop3A_560 : i32 to vector<16xi32>
            %parallel_loop3A_562 = tpu.iota {dimensions = array<i32: 0>} : vector<16xi32>
            %parallel_loop3A_563 = arith.subi %parallel_loop3A_561, %parallel_loop3A_562 : vector<16xi32>
            %parallel_loop3A_564 = tpu.dynamic_gather %parallel_loop3A_552[%parallel_loop3A_563] in [0] : vector<16xf32>, vector<16xi32> -> vector<16xf32>
            %parallel_loop3A_565 = arith.constant 16 : i32
            %parallel_loop3A_566 = arith.muli %parallel_loop3A_59, %parallel_loop3A_565 : i32
            %parallel_loop3A_567 = arith.constant 11 : i32
            %parallel_loop3A_568 = arith.index_cast %parallel_loop3A_567 : i32 to index
            %parallel_loop3A_569 = arith.index_cast %parallel_loop3A_566 : i32 to index
            %parallel_loop3A_570 = tpu.vector_load %arg5[%parallel_loop3A_568, %parallel_loop3A_569] {strides = array<i32>} : memref<16x2048xf32, #tpu.memory_space<vmem>>, vector<1x16xf32>,
            %parallel_loop3A_571 = vector.shape_cast %parallel_loop3A_570 : vector<1x16xf32> to vector<16xf32>
            %parallel_loop3A_572 = vector.shape_cast %parallel_loop3A_564 : vector<16xf32> to vector<1x16xf32>
            tpu.vector_store %arg5[%parallel_loop3A_568, %parallel_loop3A_569], %parallel_loop3A_572 {strides = array<i32>} : memref<16x2048xf32, #tpu.memory_space<vmem>>, vector<1x16xf32>,
            %parallel_loop3A_573 = arith.constant 15 : i32
            %parallel_loop3A_574 = vector.broadcast %parallel_loop3A_573 : i32 to vector<16xi32>
            %parallel_loop3A_575 = tpu.iota {dimensions = array<i32: 0>} : vector<16xi32>
            %parallel_loop3A_576 = arith.subi %parallel_loop3A_574, %parallel_loop3A_575 : vector<16xi32>
            %parallel_loop3A_577 = tpu.dynamic_gather %parallel_loop3A_559[%parallel_loop3A_576] in [0] : vector<16xf32>, vector<16xi32> -> vector<16xf32>
            %parallel_loop3A_578 = arith.constant 127 : i32
            %parallel_loop3A_579 = arith.subi %parallel_loop3A_578, %parallel_loop3A_59 : i32
            %parallel_loop3A_580 = arith.constant 16 : i32
            %parallel_loop3A_581 = arith.muli %parallel_loop3A_579, %parallel_loop3A_580 : i32
            %parallel_loop3A_582 = arith.constant 11 : i32
            %parallel_loop3A_583 = arith.index_cast %parallel_loop3A_582 : i32 to index
            %parallel_loop3A_584 = arith.index_cast %parallel_loop3A_581 : i32 to index
            %parallel_loop3A_585 = tpu.vector_load %arg5[%parallel_loop3A_583, %parallel_loop3A_584] {strides = array<i32>} : memref<16x2048xf32, #tpu.memory_space<vmem>>, vector<1x16xf32>,
            %parallel_loop3A_586 = vector.shape_cast %parallel_loop3A_585 : vector<1x16xf32> to vector<16xf32>
            %parallel_loop3A_587 = vector.shape_cast %parallel_loop3A_577 : vector<16xf32> to vector<1x16xf32>
            tpu.vector_store %arg5[%parallel_loop3A_583, %parallel_loop3A_584], %parallel_loop3A_587 {strides = array<i32>} : memref<16x2048xf32, #tpu.memory_space<vmem>>, vector<1x16xf32>,
            %parallel_loop3A_588 = arith.constant 127 : i32
            %parallel_loop3A_589 = arith.subi %parallel_loop3A_588, %parallel_loop3A_59 : i32
            %parallel_loop3A_590 = arith.constant 16 : i32
            %parallel_loop3A_591 = arith.muli %parallel_loop3A_589, %parallel_loop3A_590 : i32
            %parallel_loop3A_592 = arith.constant 12 : i32
            %parallel_loop3A_593 = arith.index_cast %parallel_loop3A_592 : i32 to index
            %parallel_loop3A_594 = arith.index_cast %parallel_loop3A_591 : i32 to index
            %parallel_loop3A_595 = tpu.vector_load %arg5[%parallel_loop3A_593, %parallel_loop3A_594] {strides = array<i32>} : memref<16x2048xf32, #tpu.memory_space<vmem>>, vector<1x16xf32>,
            %parallel_loop3A_596 = vector.shape_cast %parallel_loop3A_595 : vector<1x16xf32> to vector<16xf32>
            %parallel_loop3A_597 = arith.constant 16 : i32
            %parallel_loop3A_598 = arith.muli %parallel_loop3A_59, %parallel_loop3A_597 : i32
            %parallel_loop3A_599 = arith.constant 12 : i32
            %parallel_loop3A_600 = arith.index_cast %parallel_loop3A_599 : i32 to index
            %parallel_loop3A_601 = arith.index_cast %parallel_loop3A_598 : i32 to index
            %parallel_loop3A_602 = tpu.vector_load %arg5[%parallel_loop3A_600, %parallel_loop3A_601] {strides = array<i32>} : memref<16x2048xf32, #tpu.memory_space<vmem>>, vector<1x16xf32>,
            %parallel_loop3A_603 = vector.shape_cast %parallel_loop3A_602 : vector<1x16xf32> to vector<16xf32>
            %parallel_loop3A_604 = arith.constant 15 : i32
            %parallel_loop3A_605 = vector.broadcast %parallel_loop3A_604 : i32 to vector<16xi32>
            %parallel_loop3A_606 = tpu.iota {dimensions = array<i32: 0>} : vector<16xi32>
            %parallel_loop3A_607 = arith.subi %parallel_loop3A_605, %parallel_loop3A_606 : vector<16xi32>
            %parallel_loop3A_608 = tpu.dynamic_gather %parallel_loop3A_596[%parallel_loop3A_607] in [0] : vector<16xf32>, vector<16xi32> -> vector<16xf32>
            %parallel_loop3A_609 = arith.constant 16 : i32
            %parallel_loop3A_610 = arith.muli %parallel_loop3A_59, %parallel_loop3A_609 : i32
            %parallel_loop3A_611 = arith.constant 12 : i32
            %parallel_loop3A_612 = arith.index_cast %parallel_loop3A_611 : i32 to index
            %parallel_loop3A_613 = arith.index_cast %parallel_loop3A_610 : i32 to index
            %parallel_loop3A_614 = tpu.vector_load %arg5[%parallel_loop3A_612, %parallel_loop3A_613] {strides = array<i32>} : memref<16x2048xf32, #tpu.memory_space<vmem>>, vector<1x16xf32>,
            %parallel_loop3A_615 = vector.shape_cast %parallel_loop3A_614 : vector<1x16xf32> to vector<16xf32>
            %parallel_loop3A_616 = vector.shape_cast %parallel_loop3A_608 : vector<16xf32> to vector<1x16xf32>
            tpu.vector_store %arg5[%parallel_loop3A_612, %parallel_loop3A_613], %parallel_loop3A_616 {strides = array<i32>} : memref<16x2048xf32, #tpu.memory_space<vmem>>, vector<1x16xf32>,
            %parallel_loop3A_617 = arith.constant 15 : i32
            %parallel_loop3A_618 = vector.broadcast %parallel_loop3A_617 : i32 to vector<16xi32>
            %parallel_loop3A_619 = tpu.iota {dimensions = array<i32: 0>} : vector<16xi32>
            %parallel_loop3A_620 = arith.subi %parallel_loop3A_618, %parallel_loop3A_619 : vector<16xi32>
            %parallel_loop3A_621 = tpu.dynamic_gather %parallel_loop3A_603[%parallel_loop3A_620] in [0] : vector<16xf32>, vector<16xi32> -> vector<16xf32>
            %parallel_loop3A_622 = arith.constant 127 : i32
            %parallel_loop3A_623 = arith.subi %parallel_loop3A_622, %parallel_loop3A_59 : i32
            %parallel_loop3A_624 = arith.constant 16 : i32
            %parallel_loop3A_625 = arith.muli %parallel_loop3A_623, %parallel_loop3A_624 : i32
            %parallel_loop3A_626 = arith.constant 12 : i32
            %parallel_loop3A_627 = arith.index_cast %parallel_loop3A_626 : i32 to index
            %parallel_loop3A_628 = arith.index_cast %parallel_loop3A_625 : i32 to index
            %parallel_loop3A_629 = tpu.vector_load %arg5[%parallel_loop3A_627, %parallel_loop3A_628] {strides = array<i32>} : memref<16x2048xf32, #tpu.memory_space<vmem>>, vector<1x16xf32>,
            %parallel_loop3A_630 = vector.shape_cast %parallel_loop3A_629 : vector<1x16xf32> to vector<16xf32>
            %parallel_loop3A_631 = vector.shape_cast %parallel_loop3A_621 : vector<16xf32> to vector<1x16xf32>
            tpu.vector_store %arg5[%parallel_loop3A_627, %parallel_loop3A_628], %parallel_loop3A_631 {strides = array<i32>} : memref<16x2048xf32, #tpu.memory_space<vmem>>, vector<1x16xf32>,
            %parallel_loop3A_632 = arith.constant 127 : i32
            %parallel_loop3A_633 = arith.subi %parallel_loop3A_632, %parallel_loop3A_59 : i32
            %parallel_loop3A_634 = arith.constant 16 : i32
            %parallel_loop3A_635 = arith.muli %parallel_loop3A_633, %parallel_loop3A_634 : i32
            %parallel_loop3A_636 = arith.constant 13 : i32
            %parallel_loop3A_637 = arith.index_cast %parallel_loop3A_636 : i32 to index
            %parallel_loop3A_638 = arith.index_cast %parallel_loop3A_635 : i32 to index
            %parallel_loop3A_639 = tpu.vector_load %arg5[%parallel_loop3A_637, %parallel_loop3A_638] {strides = array<i32>} : memref<16x2048xf32, #tpu.memory_space<vmem>>, vector<1x16xf32>,
            %parallel_loop3A_640 = vector.shape_cast %parallel_loop3A_639 : vector<1x16xf32> to vector<16xf32>
            %parallel_loop3A_641 = arith.constant 16 : i32
            %parallel_loop3A_642 = arith.muli %parallel_loop3A_59, %parallel_loop3A_641 : i32
            %parallel_loop3A_643 = arith.constant 13 : i32
            %parallel_loop3A_644 = arith.index_cast %parallel_loop3A_643 : i32 to index
            %parallel_loop3A_645 = arith.index_cast %parallel_loop3A_642 : i32 to index
            %parallel_loop3A_646 = tpu.vector_load %arg5[%parallel_loop3A_644, %parallel_loop3A_645] {strides = array<i32>} : memref<16x2048xf32, #tpu.memory_space<vmem>>, vector<1x16xf32>,
            %parallel_loop3A_647 = vector.shape_cast %parallel_loop3A_646 : vector<1x16xf32> to vector<16xf32>
            %parallel_loop3A_648 = arith.constant 15 : i32
            %parallel_loop3A_649 = vector.broadcast %parallel_loop3A_648 : i32 to vector<16xi32>
            %parallel_loop3A_650 = tpu.iota {dimensions = array<i32: 0>} : vector<16xi32>
            %parallel_loop3A_651 = arith.subi %parallel_loop3A_649, %parallel_loop3A_650 : vector<16xi32>
            %parallel_loop3A_652 = tpu.dynamic_gather %parallel_loop3A_640[%parallel_loop3A_651] in [0] : vector<16xf32>, vector<16xi32> -> vector<16xf32>
            %parallel_loop3A_653 = arith.constant 16 : i32
            %parallel_loop3A_654 = arith.muli %parallel_loop3A_59, %parallel_loop3A_653 : i32
            %parallel_loop3A_655 = arith.constant 13 : i32
            %parallel_loop3A_656 = arith.index_cast %parallel_loop3A_655 : i32 to index
            %parallel_loop3A_657 = arith.index_cast %parallel_loop3A_654 : i32 to index
            %parallel_loop3A_658 = tpu.vector_load %arg5[%parallel_loop3A_656, %parallel_loop3A_657] {strides = array<i32>} : memref<16x2048xf32, #tpu.memory_space<vmem>>, vector<1x16xf32>,
            %parallel_loop3A_659 = vector.shape_cast %parallel_loop3A_658 : vector<1x16xf32> to vector<16xf32>
            %parallel_loop3A_660 = vector.shape_cast %parallel_loop3A_652 : vector<16xf32> to vector<1x16xf32>
            tpu.vector_store %arg5[%parallel_loop3A_656, %parallel_loop3A_657], %parallel_loop3A_660 {strides = array<i32>} : memref<16x2048xf32, #tpu.memory_space<vmem>>, vector<1x16xf32>,
            %parallel_loop3A_661 = arith.constant 15 : i32
            %parallel_loop3A_662 = vector.broadcast %parallel_loop3A_661 : i32 to vector<16xi32>
            %parallel_loop3A_663 = tpu.iota {dimensions = array<i32: 0>} : vector<16xi32>
            %parallel_loop3A_664 = arith.subi %parallel_loop3A_662, %parallel_loop3A_663 : vector<16xi32>
            %parallel_loop3A_665 = tpu.dynamic_gather %parallel_loop3A_647[%parallel_loop3A_664] in [0] : vector<16xf32>, vector<16xi32> -> vector<16xf32>
            %parallel_loop3A_666 = arith.constant 127 : i32
            %parallel_loop3A_667 = arith.subi %parallel_loop3A_666, %parallel_loop3A_59 : i32
            %parallel_loop3A_668 = arith.constant 16 : i32
            %parallel_loop3A_669 = arith.muli %parallel_loop3A_667, %parallel_loop3A_668 : i32
            %parallel_loop3A_670 = arith.constant 13 : i32
            %parallel_loop3A_671 = arith.index_cast %parallel_loop3A_670 : i32 to index
            %parallel_loop3A_672 = arith.index_cast %parallel_loop3A_669 : i32 to index
            %parallel_loop3A_673 = tpu.vector_load %arg5[%parallel_loop3A_671, %parallel_loop3A_672] {strides = array<i32>} : memref<16x2048xf32, #tpu.memory_space<vmem>>, vector<1x16xf32>,
            %parallel_loop3A_674 = vector.shape_cast %parallel_loop3A_673 : vector<1x16xf32> to vector<16xf32>
            %parallel_loop3A_675 = vector.shape_cast %parallel_loop3A_665 : vector<16xf32> to vector<1x16xf32>
            tpu.vector_store %arg5[%parallel_loop3A_671, %parallel_loop3A_672], %parallel_loop3A_675 {strides = array<i32>} : memref<16x2048xf32, #tpu.memory_space<vmem>>, vector<1x16xf32>,
            %parallel_loop3A_676 = arith.constant 127 : i32
            %parallel_loop3A_677 = arith.subi %parallel_loop3A_676, %parallel_loop3A_59 : i32
            %parallel_loop3A_678 = arith.constant 16 : i32
            %parallel_loop3A_679 = arith.muli %parallel_loop3A_677, %parallel_loop3A_678 : i32
            %parallel_loop3A_680 = arith.constant 14 : i32
            %parallel_loop3A_681 = arith.index_cast %parallel_loop3A_680 : i32 to index
            %parallel_loop3A_682 = arith.index_cast %parallel_loop3A_679 : i32 to index
            %parallel_loop3A_683 = tpu.vector_load %arg5[%parallel_loop3A_681, %parallel_loop3A_682] {strides = array<i32>} : memref<16x2048xf32, #tpu.memory_space<vmem>>, vector<1x16xf32>,
            %parallel_loop3A_684 = vector.shape_cast %parallel_loop3A_683 : vector<1x16xf32> to vector<16xf32>
            %parallel_loop3A_685 = arith.constant 16 : i32
            %parallel_loop3A_686 = arith.muli %parallel_loop3A_59, %parallel_loop3A_685 : i32
            %parallel_loop3A_687 = arith.constant 14 : i32
            %parallel_loop3A_688 = arith.index_cast %parallel_loop3A_687 : i32 to index
            %parallel_loop3A_689 = arith.index_cast %parallel_loop3A_686 : i32 to index
            %parallel_loop3A_690 = tpu.vector_load %arg5[%parallel_loop3A_688, %parallel_loop3A_689] {strides = array<i32>} : memref<16x2048xf32, #tpu.memory_space<vmem>>, vector<1x16xf32>,
            %parallel_loop3A_691 = vector.shape_cast %parallel_loop3A_690 : vector<1x16xf32> to vector<16xf32>
            %parallel_loop3A_692 = arith.constant 15 : i32
            %parallel_loop3A_693 = vector.broadcast %parallel_loop3A_692 : i32 to vector<16xi32>
            %parallel_loop3A_694 = tpu.iota {dimensions = array<i32: 0>} : vector<16xi32>
            %parallel_loop3A_695 = arith.subi %parallel_loop3A_693, %parallel_loop3A_694 : vector<16xi32>
            %parallel_loop3A_696 = tpu.dynamic_gather %parallel_loop3A_684[%parallel_loop3A_695] in [0] : vector<16xf32>, vector<16xi32> -> vector<16xf32>
            %parallel_loop3A_697 = arith.constant 16 : i32
            %parallel_loop3A_698 = arith.muli %parallel_loop3A_59, %parallel_loop3A_697 : i32
            %parallel_loop3A_699 = arith.constant 14 : i32
            %parallel_loop3A_700 = arith.index_cast %parallel_loop3A_699 : i32 to index
            %parallel_loop3A_701 = arith.index_cast %parallel_loop3A_698 : i32 to index
            %parallel_loop3A_702 = tpu.vector_load %arg5[%parallel_loop3A_700, %parallel_loop3A_701] {strides = array<i32>} : memref<16x2048xf32, #tpu.memory_space<vmem>>, vector<1x16xf32>,
            %parallel_loop3A_703 = vector.shape_cast %parallel_loop3A_702 : vector<1x16xf32> to vector<16xf32>
            %parallel_loop3A_704 = vector.shape_cast %parallel_loop3A_696 : vector<16xf32> to vector<1x16xf32>
            tpu.vector_store %arg5[%parallel_loop3A_700, %parallel_loop3A_701], %parallel_loop3A_704 {strides = array<i32>} : memref<16x2048xf32, #tpu.memory_space<vmem>>, vector<1x16xf32>,
            %parallel_loop3A_705 = arith.constant 15 : i32
            %parallel_loop3A_706 = vector.broadcast %parallel_loop3A_705 : i32 to vector<16xi32>
            %parallel_loop3A_707 = tpu.iota {dimensions = array<i32: 0>} : vector<16xi32>
            %parallel_loop3A_708 = arith.subi %parallel_loop3A_706, %parallel_loop3A_707 : vector<16xi32>
            %parallel_loop3A_709 = tpu.dynamic_gather %parallel_loop3A_691[%parallel_loop3A_708] in [0] : vector<16xf32>, vector<16xi32> -> vector<16xf32>
            %parallel_loop3A_710 = arith.constant 127 : i32
            %parallel_loop3A_711 = arith.subi %parallel_loop3A_710, %parallel_loop3A_59 : i32
            %parallel_loop3A_712 = arith.constant 16 : i32
            %parallel_loop3A_713 = arith.muli %parallel_loop3A_711, %parallel_loop3A_712 : i32
            %parallel_loop3A_714 = arith.constant 14 : i32
            %parallel_loop3A_715 = arith.index_cast %parallel_loop3A_714 : i32 to index
            %parallel_loop3A_716 = arith.index_cast %parallel_loop3A_713 : i32 to index
            %parallel_loop3A_717 = tpu.vector_load %arg5[%parallel_loop3A_715, %parallel_loop3A_716] {strides = array<i32>} : memref<16x2048xf32, #tpu.memory_space<vmem>>, vector<1x16xf32>,
            %parallel_loop3A_718 = vector.shape_cast %parallel_loop3A_717 : vector<1x16xf32> to vector<16xf32>
            %parallel_loop3A_719 = vector.shape_cast %parallel_loop3A_709 : vector<16xf32> to vector<1x16xf32>
            tpu.vector_store %arg5[%parallel_loop3A_715, %parallel_loop3A_716], %parallel_loop3A_719 {strides = array<i32>} : memref<16x2048xf32, #tpu.memory_space<vmem>>, vector<1x16xf32>,
            %parallel_loop3A_720 = arith.constant 127 : i32
            %parallel_loop3A_721 = arith.subi %parallel_loop3A_720, %parallel_loop3A_59 : i32
            %parallel_loop3A_722 = arith.constant 16 : i32
            %parallel_loop3A_723 = arith.muli %parallel_loop3A_721, %parallel_loop3A_722 : i32
            %parallel_loop3A_724 = arith.constant 15 : i32
            %parallel_loop3A_725 = arith.index_cast %parallel_loop3A_724 : i32 to index
            %parallel_loop3A_726 = arith.index_cast %parallel_loop3A_723 : i32 to index
            %parallel_loop3A_727 = tpu.vector_load %arg5[%parallel_loop3A_725, %parallel_loop3A_726] {strides = array<i32>} : memref<16x2048xf32, #tpu.memory_space<vmem>>, vector<1x16xf32>,
            %parallel_loop3A_728 = vector.shape_cast %parallel_loop3A_727 : vector<1x16xf32> to vector<16xf32>
            %parallel_loop3A_729 = arith.constant 16 : i32
            %parallel_loop3A_730 = arith.muli %parallel_loop3A_59, %parallel_loop3A_729 : i32
            %parallel_loop3A_731 = arith.constant 15 : i32
            %parallel_loop3A_732 = arith.index_cast %parallel_loop3A_731 : i32 to index
            %parallel_loop3A_733 = arith.index_cast %parallel_loop3A_730 : i32 to index
            %parallel_loop3A_734 = tpu.vector_load %arg5[%parallel_loop3A_732, %parallel_loop3A_733] {strides = array<i32>} : memref<16x2048xf32, #tpu.memory_space<vmem>>, vector<1x16xf32>,
            %parallel_loop3A_735 = vector.shape_cast %parallel_loop3A_734 : vector<1x16xf32> to vector<16xf32>
            %parallel_loop3A_736 = arith.constant 15 : i32
            %parallel_loop3A_737 = vector.broadcast %parallel_loop3A_736 : i32 to vector<16xi32>
            %parallel_loop3A_738 = tpu.iota {dimensions = array<i32: 0>} : vector<16xi32>
            %parallel_loop3A_739 = arith.subi %parallel_loop3A_737, %parallel_loop3A_738 : vector<16xi32>
            %parallel_loop3A_740 = tpu.dynamic_gather %parallel_loop3A_728[%parallel_loop3A_739] in [0] : vector<16xf32>, vector<16xi32> -> vector<16xf32>
            %parallel_loop3A_741 = arith.constant 16 : i32
            %parallel_loop3A_742 = arith.muli %parallel_loop3A_59, %parallel_loop3A_741 : i32
            %parallel_loop3A_743 = arith.constant 15 : i32
            %parallel_loop3A_744 = arith.index_cast %parallel_loop3A_743 : i32 to index
            %parallel_loop3A_745 = arith.index_cast %parallel_loop3A_742 : i32 to index
            %parallel_loop3A_746 = tpu.vector_load %arg5[%parallel_loop3A_744, %parallel_loop3A_745] {strides = array<i32>} : memref<16x2048xf32, #tpu.memory_space<vmem>>, vector<1x16xf32>,
            %parallel_loop3A_747 = vector.shape_cast %parallel_loop3A_746 : vector<1x16xf32> to vector<16xf32>
            %parallel_loop3A_748 = vector.shape_cast %parallel_loop3A_740 : vector<16xf32> to vector<1x16xf32>
            tpu.vector_store %arg5[%parallel_loop3A_744, %parallel_loop3A_745], %parallel_loop3A_748 {strides = array<i32>} : memref<16x2048xf32, #tpu.memory_space<vmem>>, vector<1x16xf32>,
            %parallel_loop3A_749 = arith.constant 15 : i32
            %parallel_loop3A_750 = vector.broadcast %parallel_loop3A_749 : i32 to vector<16xi32>
            %parallel_loop3A_751 = tpu.iota {dimensions = array<i32: 0>} : vector<16xi32>
            %parallel_loop3A_752 = arith.subi %parallel_loop3A_750, %parallel_loop3A_751 : vector<16xi32>
            %parallel_loop3A_753 = tpu.dynamic_gather %parallel_loop3A_735[%parallel_loop3A_752] in [0] : vector<16xf32>, vector<16xi32> -> vector<16xf32>
            %parallel_loop3A_754 = arith.constant 127 : i32
            %parallel_loop3A_755 = arith.subi %parallel_loop3A_754, %parallel_loop3A_59 : i32
            %parallel_loop3A_756 = arith.constant 16 : i32
            %parallel_loop3A_757 = arith.muli %parallel_loop3A_755, %parallel_loop3A_756 : i32
            %parallel_loop3A_758 = arith.constant 15 : i32
            %parallel_loop3A_759 = arith.index_cast %parallel_loop3A_758 : i32 to index
            %parallel_loop3A_760 = arith.index_cast %parallel_loop3A_757 : i32 to index
            %parallel_loop3A_761 = tpu.vector_load %arg5[%parallel_loop3A_759, %parallel_loop3A_760] {strides = array<i32>} : memref<16x2048xf32, #tpu.memory_space<vmem>>, vector<1x16xf32>,
            %parallel_loop3A_762 = vector.shape_cast %parallel_loop3A_761 : vector<1x16xf32> to vector<16xf32>
            %parallel_loop3A_763 = vector.shape_cast %parallel_loop3A_753 : vector<16xf32> to vector<1x16xf32>
            tpu.vector_store %arg5[%parallel_loop3A_759, %parallel_loop3A_760], %parallel_loop3A_763 {strides = array<i32>} : memref<16x2048xf32, #tpu.memory_space<vmem>>, vector<1x16xf32>,
          } {sc.loop_unroll_factor = 4 : i64, sc.parallel_access}
          %mul3A_43 = arith.constant 16 : i32
          %mul3A_44 = arith.muli %scan3A_24, %mul3A_43 : i32
          %add3A_45 = arith.addi %mul3A_2, %mul3A_44 : i32
          %dma_start3A_46 = arith.constant 0 : i32
          %dma_start3A_47 = tpu.memref_slice %arg3[%add3A_45, %dma_start3A_46] : memref<16384x2048xf32, #tpu.memory_space<hbm>> -> memref<16x2048xf32, #tpu.memory_space<hbm>>
          %dma_start3A_48 = arith.constant 0 : i32
          %dma_start3A_49 = tpu.memref_slice %arg3[%add3A_45, %dma_start3A_48] : memref<16384x2048xf32, #tpu.memory_space<hbm>> -> memref<16x2048xf32, #tpu.memory_space<hbm>>
          tpu.enqueue_dma source(%arg5 : memref<16x2048xf32, #tpu.memory_space<vmem>>) target(%dma_start3A_49 : memref<16x2048xf32, #tpu.memory_space<hbm>>) target_semaphore(%arg11 : memref<!tpu.dma_semaphore, #tpu.memory_space<semaphore_mem>>)
          %ge3A = arith.constant 1 : i32
          %ge3A_50 = arith.cmpi sge, %scan3A_24, %ge3A : i32
          %convert_element_type3A = arith.extui %ge3A_50 : i1 to i32
          %cond3A_51 = arith.constant 0 : i32
          %cond3A_52 = arith.cmpi ne, %convert_element_type3A, %cond3A_51 : i32
          scf.if %cond3A_52 {
            %sub3A = arith.constant 1 : i32
            %sub3A_59 = arith.subi %scan3A_24, %sub3A : i32
            %mul3A_60 = arith.constant 16 : i32
            %mul3A_61 = arith.muli %sub3A_59, %mul3A_60 : i32
            %add3A_62 = arith.addi %mul3A_2, %mul3A_61 : i32
            %dma_wait3A_63 = arith.constant 0 : i32
            %dma_wait3A_64 = tpu.memref_slice %arg3[%add3A_62, %dma_wait3A_63] : memref<16384x2048xf32, #tpu.memory_space<hbm>> -> memref<16x2048xf32, #tpu.memory_space<hbm>>
            %dma_wait3A_65 = arith.constant 0 : i32
            %dma_wait3A_66 = tpu.memref_slice %arg3[%add3A_62, %dma_wait3A_65] : memref<16384x2048xf32, #tpu.memory_space<hbm>> -> memref<16x2048xf32, #tpu.memory_space<hbm>>
            tpu.wait_dma2 semaphore(%arg10 : memref<!tpu.dma_semaphore, #tpu.memory_space<semaphore_mem>>) src(%arg4 : memref<16x2048xf32, #tpu.memory_space<vmem>>) dst(%dma_wait3A_66 : memref<16x2048xf32, #tpu.memory_space<hbm>>)
          } else {
          }
          %add3A_53 = arith.constant 2 : i32
          %add3A_54 = arith.addi %scan3A_24, %add3A_53 : i32
          %lt3A = arith.constant 32 : i32
          %lt3A_55 = arith.cmpi slt, %add3A_54, %lt3A : i32
          %convert_element_type3A_56 = arith.extui %lt3A_55 : i1 to i32
          %cond3A_57 = arith.constant 0 : i32
          %cond3A_58 = arith.cmpi ne, %convert_element_type3A_56, %cond3A_57 : i32
          scf.if %cond3A_58 {
            %add3A_59 = arith.constant 2 : i32
            %add3A_60 = arith.addi %scan3A_24, %add3A_59 : i32
            %mul3A_61 = arith.constant 16 : i32
            %mul3A_62 = arith.muli %add3A_60, %mul3A_61 : i32
            %add3A_63 = arith.addi %mul3A_2, %mul3A_62 : i32
            %dma_start3A_64 = arith.constant 0 : i32
            %dma_start3A_65 = tpu.memref_slice %arg2[%add3A_63, %dma_start3A_64] : memref<16384x2048xf32, #tpu.memory_space<hbm>> -> memref<16x2048xf32, #tpu.memory_space<hbm>>
            %dma_start3A_66 = arith.constant 0 : i32
            %dma_start3A_67 = tpu.memref_slice %arg2[%add3A_63, %dma_start3A_66] : memref<16384x2048xf32, #tpu.memory_space<hbm>> -> memref<16x2048xf32, #tpu.memory_space<hbm>>
            tpu.enqueue_dma source(%dma_start3A_67 : memref<16x2048xf32, #tpu.memory_space<hbm>>) target(%arg4 : memref<16x2048xf32, #tpu.memory_space<vmem>>) target_semaphore(%arg7 : memref<!tpu.dma_semaphore, #tpu.memory_space<semaphore_mem>>)
          } else {
          }
        }
      } else {
        %mul3A_30 = arith.constant 16 : i32
        %mul3A_31 = arith.muli %scan3A_24, %mul3A_30 : i32
        %add3A_32 = arith.addi %mul3A_2, %mul3A_31 : i32
        %dma_wait3A_33 = arith.constant 0 : i32
        %dma_wait3A_34 = tpu.memref_slice %arg2[%add3A_32, %dma_wait3A_33] : memref<16384x2048xf32, #tpu.memory_space<hbm>> -> memref<16x2048xf32, #tpu.memory_space<hbm>>
        %dma_wait3A_35 = arith.constant 0 : i32
        %dma_wait3A_36 = tpu.memref_slice %arg2[%add3A_32, %dma_wait3A_35] : memref<16384x2048xf32, #tpu.memory_space<hbm>> -> memref<16x2048xf32, #tpu.memory_space<hbm>>
        tpu.wait_dma2 semaphore(%arg7 : memref<!tpu.dma_semaphore, #tpu.memory_space<semaphore_mem>>) src(%dma_wait3A_36 : memref<16x2048xf32, #tpu.memory_space<hbm>>) dst(%arg4 : memref<16x2048xf32, #tpu.memory_space<vmem>>)
        %parallel_loop3A = arith.constant 0 : i32
        %parallel_loop3A_37 = arith.constant 64 : i32
        %parallel_loop3A_38 = arith.constant 1 : i32
        scf.for %parallel_loop3A_55 = %parallel_loop3A to %parallel_loop3A_37 step %parallel_loop3A_38  : i32 {
          %parallel_loop3A_56 = arith.constant 127 : i32
          %parallel_loop3A_57 = arith.subi %parallel_loop3A_56, %parallel_loop3A_55 : i32
          %parallel_loop3A_58 = arith.constant 16 : i32
          %parallel_loop3A_59 = arith.muli %parallel_loop3A_57, %parallel_loop3A_58 : i32
          %parallel_loop3A_60 = arith.constant 0 : i32
          %parallel_loop3A_61 = arith.index_cast %parallel_loop3A_60 : i32 to index
          %parallel_loop3A_62 = arith.index_cast %parallel_loop3A_59 : i32 to index
          %parallel_loop3A_63 = tpu.vector_load %arg4[%parallel_loop3A_61, %parallel_loop3A_62] {strides = array<i32>} : memref<16x2048xf32, #tpu.memory_space<vmem>>, vector<1x16xf32>,
          %parallel_loop3A_64 = vector.shape_cast %parallel_loop3A_63 : vector<1x16xf32> to vector<16xf32>
          %parallel_loop3A_65 = arith.constant 16 : i32
          %parallel_loop3A_66 = arith.muli %parallel_loop3A_55, %parallel_loop3A_65 : i32
          %parallel_loop3A_67 = arith.constant 0 : i32
          %parallel_loop3A_68 = arith.index_cast %parallel_loop3A_67 : i32 to index
          %parallel_loop3A_69 = arith.index_cast %parallel_loop3A_66 : i32 to index
          %parallel_loop3A_70 = tpu.vector_load %arg4[%parallel_loop3A_68, %parallel_loop3A_69] {strides = array<i32>} : memref<16x2048xf32, #tpu.memory_space<vmem>>, vector<1x16xf32>,
          %parallel_loop3A_71 = vector.shape_cast %parallel_loop3A_70 : vector<1x16xf32> to vector<16xf32>
          %parallel_loop3A_72 = arith.constant 15 : i32
          %parallel_loop3A_73 = vector.broadcast %parallel_loop3A_72 : i32 to vector<16xi32>
          %parallel_loop3A_74 = tpu.iota {dimensions = array<i32: 0>} : vector<16xi32>
          %parallel_loop3A_75 = arith.subi %parallel_loop3A_73, %parallel_loop3A_74 : vector<16xi32>
          %parallel_loop3A_76 = tpu.dynamic_gather %parallel_loop3A_64[%parallel_loop3A_75] in [0] : vector<16xf32>, vector<16xi32> -> vector<16xf32>
          %parallel_loop3A_77 = arith.constant 16 : i32
          %parallel_loop3A_78 = arith.muli %parallel_loop3A_55, %parallel_loop3A_77 : i32
          %parallel_loop3A_79 = arith.constant 0 : i32
          %parallel_loop3A_80 = arith.index_cast %parallel_loop3A_79 : i32 to index
          %parallel_loop3A_81 = arith.index_cast %parallel_loop3A_78 : i32 to index
          %parallel_loop3A_82 = tpu.vector_load %arg4[%parallel_loop3A_80, %parallel_loop3A_81] {strides = array<i32>} : memref<16x2048xf32, #tpu.memory_space<vmem>>, vector<1x16xf32>,
          %parallel_loop3A_83 = vector.shape_cast %parallel_loop3A_82 : vector<1x16xf32> to vector<16xf32>
          %parallel_loop3A_84 = vector.shape_cast %parallel_loop3A_76 : vector<16xf32> to vector<1x16xf32>
          tpu.vector_store %arg4[%parallel_loop3A_80, %parallel_loop3A_81], %parallel_loop3A_84 {strides = array<i32>} : memref<16x2048xf32, #tpu.memory_space<vmem>>, vector<1x16xf32>,
          %parallel_loop3A_85 = arith.constant 15 : i32
          %parallel_loop3A_86 = vector.broadcast %parallel_loop3A_85 : i32 to vector<16xi32>
          %parallel_loop3A_87 = tpu.iota {dimensions = array<i32: 0>} : vector<16xi32>
          %parallel_loop3A_88 = arith.subi %parallel_loop3A_86, %parallel_loop3A_87 : vector<16xi32>
          %parallel_loop3A_89 = tpu.dynamic_gather %parallel_loop3A_71[%parallel_loop3A_88] in [0] : vector<16xf32>, vector<16xi32> -> vector<16xf32>
          %parallel_loop3A_90 = arith.constant 127 : i32
          %parallel_loop3A_91 = arith.subi %parallel_loop3A_90, %parallel_loop3A_55 : i32
          %parallel_loop3A_92 = arith.constant 16 : i32
          %parallel_loop3A_93 = arith.muli %parallel_loop3A_91, %parallel_loop3A_92 : i32
          %parallel_loop3A_94 = arith.constant 0 : i32
          %parallel_loop3A_95 = arith.index_cast %parallel_loop3A_94 : i32 to index
          %parallel_loop3A_96 = arith.index_cast %parallel_loop3A_93 : i32 to index
          %parallel_loop3A_97 = tpu.vector_load %arg4[%parallel_loop3A_95, %parallel_loop3A_96] {strides = array<i32>} : memref<16x2048xf32, #tpu.memory_space<vmem>>, vector<1x16xf32>,
          %parallel_loop3A_98 = vector.shape_cast %parallel_loop3A_97 : vector<1x16xf32> to vector<16xf32>
          %parallel_loop3A_99 = vector.shape_cast %parallel_loop3A_89 : vector<16xf32> to vector<1x16xf32>
          tpu.vector_store %arg4[%parallel_loop3A_95, %parallel_loop3A_96], %parallel_loop3A_99 {strides = array<i32>} : memref<16x2048xf32, #tpu.memory_space<vmem>>, vector<1x16xf32>,
          %parallel_loop3A_100 = arith.constant 127 : i32
          %parallel_loop3A_101 = arith.subi %parallel_loop3A_100, %parallel_loop3A_55 : i32
          %parallel_loop3A_102 = arith.constant 16 : i32
          %parallel_loop3A_103 = arith.muli %parallel_loop3A_101, %parallel_loop3A_102 : i32
          %parallel_loop3A_104 = arith.constant 1 : i32
          %parallel_loop3A_105 = arith.index_cast %parallel_loop3A_104 : i32 to index
          %parallel_loop3A_106 = arith.index_cast %parallel_loop3A_103 : i32 to index
          %parallel_loop3A_107 = tpu.vector_load %arg4[%parallel_loop3A_105, %parallel_loop3A_106] {strides = array<i32>} : memref<16x2048xf32, #tpu.memory_space<vmem>>, vector<1x16xf32>,
          %parallel_loop3A_108 = vector.shape_cast %parallel_loop3A_107 : vector<1x16xf32> to vector<16xf32>
          %parallel_loop3A_109 = arith.constant 16 : i32
          %parallel_loop3A_110 = arith.muli %parallel_loop3A_55, %parallel_loop3A_109 : i32
          %parallel_loop3A_111 = arith.constant 1 : i32
          %parallel_loop3A_112 = arith.index_cast %parallel_loop3A_111 : i32 to index
          %parallel_loop3A_113 = arith.index_cast %parallel_loop3A_110 : i32 to index
          %parallel_loop3A_114 = tpu.vector_load %arg4[%parallel_loop3A_112, %parallel_loop3A_113] {strides = array<i32>} : memref<16x2048xf32, #tpu.memory_space<vmem>>, vector<1x16xf32>,
          %parallel_loop3A_115 = vector.shape_cast %parallel_loop3A_114 : vector<1x16xf32> to vector<16xf32>
          %parallel_loop3A_116 = arith.constant 15 : i32
          %parallel_loop3A_117 = vector.broadcast %parallel_loop3A_116 : i32 to vector<16xi32>
          %parallel_loop3A_118 = tpu.iota {dimensions = array<i32: 0>} : vector<16xi32>
          %parallel_loop3A_119 = arith.subi %parallel_loop3A_117, %parallel_loop3A_118 : vector<16xi32>
          %parallel_loop3A_120 = tpu.dynamic_gather %parallel_loop3A_108[%parallel_loop3A_119] in [0] : vector<16xf32>, vector<16xi32> -> vector<16xf32>
          %parallel_loop3A_121 = arith.constant 16 : i32
          %parallel_loop3A_122 = arith.muli %parallel_loop3A_55, %parallel_loop3A_121 : i32
          %parallel_loop3A_123 = arith.constant 1 : i32
          %parallel_loop3A_124 = arith.index_cast %parallel_loop3A_123 : i32 to index
          %parallel_loop3A_125 = arith.index_cast %parallel_loop3A_122 : i32 to index
          %parallel_loop3A_126 = tpu.vector_load %arg4[%parallel_loop3A_124, %parallel_loop3A_125] {strides = array<i32>} : memref<16x2048xf32, #tpu.memory_space<vmem>>, vector<1x16xf32>,
          %parallel_loop3A_127 = vector.shape_cast %parallel_loop3A_126 : vector<1x16xf32> to vector<16xf32>
          %parallel_loop3A_128 = vector.shape_cast %parallel_loop3A_120 : vector<16xf32> to vector<1x16xf32>
          tpu.vector_store %arg4[%parallel_loop3A_124, %parallel_loop3A_125], %parallel_loop3A_128 {strides = array<i32>} : memref<16x2048xf32, #tpu.memory_space<vmem>>, vector<1x16xf32>,
          %parallel_loop3A_129 = arith.constant 15 : i32
          %parallel_loop3A_130 = vector.broadcast %parallel_loop3A_129 : i32 to vector<16xi32>
          %parallel_loop3A_131 = tpu.iota {dimensions = array<i32: 0>} : vector<16xi32>
          %parallel_loop3A_132 = arith.subi %parallel_loop3A_130, %parallel_loop3A_131 : vector<16xi32>
          %parallel_loop3A_133 = tpu.dynamic_gather %parallel_loop3A_115[%parallel_loop3A_132] in [0] : vector<16xf32>, vector<16xi32> -> vector<16xf32>
          %parallel_loop3A_134 = arith.constant 127 : i32
          %parallel_loop3A_135 = arith.subi %parallel_loop3A_134, %parallel_loop3A_55 : i32
          %parallel_loop3A_136 = arith.constant 16 : i32
          %parallel_loop3A_137 = arith.muli %parallel_loop3A_135, %parallel_loop3A_136 : i32
          %parallel_loop3A_138 = arith.constant 1 : i32
          %parallel_loop3A_139 = arith.index_cast %parallel_loop3A_138 : i32 to index
          %parallel_loop3A_140 = arith.index_cast %parallel_loop3A_137 : i32 to index
          %parallel_loop3A_141 = tpu.vector_load %arg4[%parallel_loop3A_139, %parallel_loop3A_140] {strides = array<i32>} : memref<16x2048xf32, #tpu.memory_space<vmem>>, vector<1x16xf32>,
          %parallel_loop3A_142 = vector.shape_cast %parallel_loop3A_141 : vector<1x16xf32> to vector<16xf32>
          %parallel_loop3A_143 = vector.shape_cast %parallel_loop3A_133 : vector<16xf32> to vector<1x16xf32>
          tpu.vector_store %arg4[%parallel_loop3A_139, %parallel_loop3A_140], %parallel_loop3A_143 {strides = array<i32>} : memref<16x2048xf32, #tpu.memory_space<vmem>>, vector<1x16xf32>,
          %parallel_loop3A_144 = arith.constant 127 : i32
          %parallel_loop3A_145 = arith.subi %parallel_loop3A_144, %parallel_loop3A_55 : i32
          %parallel_loop3A_146 = arith.constant 16 : i32
          %parallel_loop3A_147 = arith.muli %parallel_loop3A_145, %parallel_loop3A_146 : i32
          %parallel_loop3A_148 = arith.constant 2 : i32
          %parallel_loop3A_149 = arith.index_cast %parallel_loop3A_148 : i32 to index
          %parallel_loop3A_150 = arith.index_cast %parallel_loop3A_147 : i32 to index
          %parallel_loop3A_151 = tpu.vector_load %arg4[%parallel_loop3A_149, %parallel_loop3A_150] {strides = array<i32>} : memref<16x2048xf32, #tpu.memory_space<vmem>>, vector<1x16xf32>,
          %parallel_loop3A_152 = vector.shape_cast %parallel_loop3A_151 : vector<1x16xf32> to vector<16xf32>
          %parallel_loop3A_153 = arith.constant 16 : i32
          %parallel_loop3A_154 = arith.muli %parallel_loop3A_55, %parallel_loop3A_153 : i32
          %parallel_loop3A_155 = arith.constant 2 : i32
          %parallel_loop3A_156 = arith.index_cast %parallel_loop3A_155 : i32 to index
          %parallel_loop3A_157 = arith.index_cast %parallel_loop3A_154 : i32 to index
          %parallel_loop3A_158 = tpu.vector_load %arg4[%parallel_loop3A_156, %parallel_loop3A_157] {strides = array<i32>} : memref<16x2048xf32, #tpu.memory_space<vmem>>, vector<1x16xf32>,
          %parallel_loop3A_159 = vector.shape_cast %parallel_loop3A_158 : vector<1x16xf32> to vector<16xf32>
          %parallel_loop3A_160 = arith.constant 15 : i32
          %parallel_loop3A_161 = vector.broadcast %parallel_loop3A_160 : i32 to vector<16xi32>
          %parallel_loop3A_162 = tpu.iota {dimensions = array<i32: 0>} : vector<16xi32>
          %parallel_loop3A_163 = arith.subi %parallel_loop3A_161, %parallel_loop3A_162 : vector<16xi32>
          %parallel_loop3A_164 = tpu.dynamic_gather %parallel_loop3A_152[%parallel_loop3A_163] in [0] : vector<16xf32>, vector<16xi32> -> vector<16xf32>
          %parallel_loop3A_165 = arith.constant 16 : i32
          %parallel_loop3A_166 = arith.muli %parallel_loop3A_55, %parallel_loop3A_165 : i32
          %parallel_loop3A_167 = arith.constant 2 : i32
          %parallel_loop3A_168 = arith.index_cast %parallel_loop3A_167 : i32 to index
          %parallel_loop3A_169 = arith.index_cast %parallel_loop3A_166 : i32 to index
          %parallel_loop3A_170 = tpu.vector_load %arg4[%parallel_loop3A_168, %parallel_loop3A_169] {strides = array<i32>} : memref<16x2048xf32, #tpu.memory_space<vmem>>, vector<1x16xf32>,
          %parallel_loop3A_171 = vector.shape_cast %parallel_loop3A_170 : vector<1x16xf32> to vector<16xf32>
          %parallel_loop3A_172 = vector.shape_cast %parallel_loop3A_164 : vector<16xf32> to vector<1x16xf32>
          tpu.vector_store %arg4[%parallel_loop3A_168, %parallel_loop3A_169], %parallel_loop3A_172 {strides = array<i32>} : memref<16x2048xf32, #tpu.memory_space<vmem>>, vector<1x16xf32>,
          %parallel_loop3A_173 = arith.constant 15 : i32
          %parallel_loop3A_174 = vector.broadcast %parallel_loop3A_173 : i32 to vector<16xi32>
          %parallel_loop3A_175 = tpu.iota {dimensions = array<i32: 0>} : vector<16xi32>
          %parallel_loop3A_176 = arith.subi %parallel_loop3A_174, %parallel_loop3A_175 : vector<16xi32>
          %parallel_loop3A_177 = tpu.dynamic_gather %parallel_loop3A_159[%parallel_loop3A_176] in [0] : vector<16xf32>, vector<16xi32> -> vector<16xf32>
          %parallel_loop3A_178 = arith.constant 127 : i32
          %parallel_loop3A_179 = arith.subi %parallel_loop3A_178, %parallel_loop3A_55 : i32
          %parallel_loop3A_180 = arith.constant 16 : i32
          %parallel_loop3A_181 = arith.muli %parallel_loop3A_179, %parallel_loop3A_180 : i32
          %parallel_loop3A_182 = arith.constant 2 : i32
          %parallel_loop3A_183 = arith.index_cast %parallel_loop3A_182 : i32 to index
          %parallel_loop3A_184 = arith.index_cast %parallel_loop3A_181 : i32 to index
          %parallel_loop3A_185 = tpu.vector_load %arg4[%parallel_loop3A_183, %parallel_loop3A_184] {strides = array<i32>} : memref<16x2048xf32, #tpu.memory_space<vmem>>, vector<1x16xf32>,
          %parallel_loop3A_186 = vector.shape_cast %parallel_loop3A_185 : vector<1x16xf32> to vector<16xf32>
          %parallel_loop3A_187 = vector.shape_cast %parallel_loop3A_177 : vector<16xf32> to vector<1x16xf32>
          tpu.vector_store %arg4[%parallel_loop3A_183, %parallel_loop3A_184], %parallel_loop3A_187 {strides = array<i32>} : memref<16x2048xf32, #tpu.memory_space<vmem>>, vector<1x16xf32>,
          %parallel_loop3A_188 = arith.constant 127 : i32
          %parallel_loop3A_189 = arith.subi %parallel_loop3A_188, %parallel_loop3A_55 : i32
          %parallel_loop3A_190 = arith.constant 16 : i32
          %parallel_loop3A_191 = arith.muli %parallel_loop3A_189, %parallel_loop3A_190 : i32
          %parallel_loop3A_192 = arith.constant 3 : i32
          %parallel_loop3A_193 = arith.index_cast %parallel_loop3A_192 : i32 to index
          %parallel_loop3A_194 = arith.index_cast %parallel_loop3A_191 : i32 to index
          %parallel_loop3A_195 = tpu.vector_load %arg4[%parallel_loop3A_193, %parallel_loop3A_194] {strides = array<i32>} : memref<16x2048xf32, #tpu.memory_space<vmem>>, vector<1x16xf32>,
          %parallel_loop3A_196 = vector.shape_cast %parallel_loop3A_195 : vector<1x16xf32> to vector<16xf32>
          %parallel_loop3A_197 = arith.constant 16 : i32
          %parallel_loop3A_198 = arith.muli %parallel_loop3A_55, %parallel_loop3A_197 : i32
          %parallel_loop3A_199 = arith.constant 3 : i32
          %parallel_loop3A_200 = arith.index_cast %parallel_loop3A_199 : i32 to index
          %parallel_loop3A_201 = arith.index_cast %parallel_loop3A_198 : i32 to index
          %parallel_loop3A_202 = tpu.vector_load %arg4[%parallel_loop3A_200, %parallel_loop3A_201] {strides = array<i32>} : memref<16x2048xf32, #tpu.memory_space<vmem>>, vector<1x16xf32>,
          %parallel_loop3A_203 = vector.shape_cast %parallel_loop3A_202 : vector<1x16xf32> to vector<16xf32>
          %parallel_loop3A_204 = arith.constant 15 : i32
          %parallel_loop3A_205 = vector.broadcast %parallel_loop3A_204 : i32 to vector<16xi32>
          %parallel_loop3A_206 = tpu.iota {dimensions = array<i32: 0>} : vector<16xi32>
          %parallel_loop3A_207 = arith.subi %parallel_loop3A_205, %parallel_loop3A_206 : vector<16xi32>
          %parallel_loop3A_208 = tpu.dynamic_gather %parallel_loop3A_196[%parallel_loop3A_207] in [0] : vector<16xf32>, vector<16xi32> -> vector<16xf32>
          %parallel_loop3A_209 = arith.constant 16 : i32
          %parallel_loop3A_210 = arith.muli %parallel_loop3A_55, %parallel_loop3A_209 : i32
          %parallel_loop3A_211 = arith.constant 3 : i32
          %parallel_loop3A_212 = arith.index_cast %parallel_loop3A_211 : i32 to index
          %parallel_loop3A_213 = arith.index_cast %parallel_loop3A_210 : i32 to index
          %parallel_loop3A_214 = tpu.vector_load %arg4[%parallel_loop3A_212, %parallel_loop3A_213] {strides = array<i32>} : memref<16x2048xf32, #tpu.memory_space<vmem>>, vector<1x16xf32>,
          %parallel_loop3A_215 = vector.shape_cast %parallel_loop3A_214 : vector<1x16xf32> to vector<16xf32>
          %parallel_loop3A_216 = vector.shape_cast %parallel_loop3A_208 : vector<16xf32> to vector<1x16xf32>
          tpu.vector_store %arg4[%parallel_loop3A_212, %parallel_loop3A_213], %parallel_loop3A_216 {strides = array<i32>} : memref<16x2048xf32, #tpu.memory_space<vmem>>, vector<1x16xf32>,
          %parallel_loop3A_217 = arith.constant 15 : i32
          %parallel_loop3A_218 = vector.broadcast %parallel_loop3A_217 : i32 to vector<16xi32>
          %parallel_loop3A_219 = tpu.iota {dimensions = array<i32: 0>} : vector<16xi32>
          %parallel_loop3A_220 = arith.subi %parallel_loop3A_218, %parallel_loop3A_219 : vector<16xi32>
          %parallel_loop3A_221 = tpu.dynamic_gather %parallel_loop3A_203[%parallel_loop3A_220] in [0] : vector<16xf32>, vector<16xi32> -> vector<16xf32>
          %parallel_loop3A_222 = arith.constant 127 : i32
          %parallel_loop3A_223 = arith.subi %parallel_loop3A_222, %parallel_loop3A_55 : i32
          %parallel_loop3A_224 = arith.constant 16 : i32
          %parallel_loop3A_225 = arith.muli %parallel_loop3A_223, %parallel_loop3A_224 : i32
          %parallel_loop3A_226 = arith.constant 3 : i32
          %parallel_loop3A_227 = arith.index_cast %parallel_loop3A_226 : i32 to index
          %parallel_loop3A_228 = arith.index_cast %parallel_loop3A_225 : i32 to index
          %parallel_loop3A_229 = tpu.vector_load %arg4[%parallel_loop3A_227, %parallel_loop3A_228] {strides = array<i32>} : memref<16x2048xf32, #tpu.memory_space<vmem>>, vector<1x16xf32>,
          %parallel_loop3A_230 = vector.shape_cast %parallel_loop3A_229 : vector<1x16xf32> to vector<16xf32>
          %parallel_loop3A_231 = vector.shape_cast %parallel_loop3A_221 : vector<16xf32> to vector<1x16xf32>
          tpu.vector_store %arg4[%parallel_loop3A_227, %parallel_loop3A_228], %parallel_loop3A_231 {strides = array<i32>} : memref<16x2048xf32, #tpu.memory_space<vmem>>, vector<1x16xf32>,
          %parallel_loop3A_232 = arith.constant 127 : i32
          %parallel_loop3A_233 = arith.subi %parallel_loop3A_232, %parallel_loop3A_55 : i32
          %parallel_loop3A_234 = arith.constant 16 : i32
          %parallel_loop3A_235 = arith.muli %parallel_loop3A_233, %parallel_loop3A_234 : i32
          %parallel_loop3A_236 = arith.constant 4 : i32
          %parallel_loop3A_237 = arith.index_cast %parallel_loop3A_236 : i32 to index
          %parallel_loop3A_238 = arith.index_cast %parallel_loop3A_235 : i32 to index
          %parallel_loop3A_239 = tpu.vector_load %arg4[%parallel_loop3A_237, %parallel_loop3A_238] {strides = array<i32>} : memref<16x2048xf32, #tpu.memory_space<vmem>>, vector<1x16xf32>,
          %parallel_loop3A_240 = vector.shape_cast %parallel_loop3A_239 : vector<1x16xf32> to vector<16xf32>
          %parallel_loop3A_241 = arith.constant 16 : i32
          %parallel_loop3A_242 = arith.muli %parallel_loop3A_55, %parallel_loop3A_241 : i32
          %parallel_loop3A_243 = arith.constant 4 : i32
          %parallel_loop3A_244 = arith.index_cast %parallel_loop3A_243 : i32 to index
          %parallel_loop3A_245 = arith.index_cast %parallel_loop3A_242 : i32 to index
          %parallel_loop3A_246 = tpu.vector_load %arg4[%parallel_loop3A_244, %parallel_loop3A_245] {strides = array<i32>} : memref<16x2048xf32, #tpu.memory_space<vmem>>, vector<1x16xf32>,
          %parallel_loop3A_247 = vector.shape_cast %parallel_loop3A_246 : vector<1x16xf32> to vector<16xf32>
          %parallel_loop3A_248 = arith.constant 15 : i32
          %parallel_loop3A_249 = vector.broadcast %parallel_loop3A_248 : i32 to vector<16xi32>
          %parallel_loop3A_250 = tpu.iota {dimensions = array<i32: 0>} : vector<16xi32>
          %parallel_loop3A_251 = arith.subi %parallel_loop3A_249, %parallel_loop3A_250 : vector<16xi32>
          %parallel_loop3A_252 = tpu.dynamic_gather %parallel_loop3A_240[%parallel_loop3A_251] in [0] : vector<16xf32>, vector<16xi32> -> vector<16xf32>
          %parallel_loop3A_253 = arith.constant 16 : i32
          %parallel_loop3A_254 = arith.muli %parallel_loop3A_55, %parallel_loop3A_253 : i32
          %parallel_loop3A_255 = arith.constant 4 : i32
          %parallel_loop3A_256 = arith.index_cast %parallel_loop3A_255 : i32 to index
          %parallel_loop3A_257 = arith.index_cast %parallel_loop3A_254 : i32 to index
          %parallel_loop3A_258 = tpu.vector_load %arg4[%parallel_loop3A_256, %parallel_loop3A_257] {strides = array<i32>} : memref<16x2048xf32, #tpu.memory_space<vmem>>, vector<1x16xf32>,
          %parallel_loop3A_259 = vector.shape_cast %parallel_loop3A_258 : vector<1x16xf32> to vector<16xf32>
          %parallel_loop3A_260 = vector.shape_cast %parallel_loop3A_252 : vector<16xf32> to vector<1x16xf32>
          tpu.vector_store %arg4[%parallel_loop3A_256, %parallel_loop3A_257], %parallel_loop3A_260 {strides = array<i32>} : memref<16x2048xf32, #tpu.memory_space<vmem>>, vector<1x16xf32>,
          %parallel_loop3A_261 = arith.constant 15 : i32
          %parallel_loop3A_262 = vector.broadcast %parallel_loop3A_261 : i32 to vector<16xi32>
          %parallel_loop3A_263 = tpu.iota {dimensions = array<i32: 0>} : vector<16xi32>
          %parallel_loop3A_264 = arith.subi %parallel_loop3A_262, %parallel_loop3A_263 : vector<16xi32>
          %parallel_loop3A_265 = tpu.dynamic_gather %parallel_loop3A_247[%parallel_loop3A_264] in [0] : vector<16xf32>, vector<16xi32> -> vector<16xf32>
          %parallel_loop3A_266 = arith.constant 127 : i32
          %parallel_loop3A_267 = arith.subi %parallel_loop3A_266, %parallel_loop3A_55 : i32
          %parallel_loop3A_268 = arith.constant 16 : i32
          %parallel_loop3A_269 = arith.muli %parallel_loop3A_267, %parallel_loop3A_268 : i32
          %parallel_loop3A_270 = arith.constant 4 : i32
          %parallel_loop3A_271 = arith.index_cast %parallel_loop3A_270 : i32 to index
          %parallel_loop3A_272 = arith.index_cast %parallel_loop3A_269 : i32 to index
          %parallel_loop3A_273 = tpu.vector_load %arg4[%parallel_loop3A_271, %parallel_loop3A_272] {strides = array<i32>} : memref<16x2048xf32, #tpu.memory_space<vmem>>, vector<1x16xf32>,
          %parallel_loop3A_274 = vector.shape_cast %parallel_loop3A_273 : vector<1x16xf32> to vector<16xf32>
          %parallel_loop3A_275 = vector.shape_cast %parallel_loop3A_265 : vector<16xf32> to vector<1x16xf32>
          tpu.vector_store %arg4[%parallel_loop3A_271, %parallel_loop3A_272], %parallel_loop3A_275 {strides = array<i32>} : memref<16x2048xf32, #tpu.memory_space<vmem>>, vector<1x16xf32>,
          %parallel_loop3A_276 = arith.constant 127 : i32
          %parallel_loop3A_277 = arith.subi %parallel_loop3A_276, %parallel_loop3A_55 : i32
          %parallel_loop3A_278 = arith.constant 16 : i32
          %parallel_loop3A_279 = arith.muli %parallel_loop3A_277, %parallel_loop3A_278 : i32
          %parallel_loop3A_280 = arith.constant 5 : i32
          %parallel_loop3A_281 = arith.index_cast %parallel_loop3A_280 : i32 to index
          %parallel_loop3A_282 = arith.index_cast %parallel_loop3A_279 : i32 to index
          %parallel_loop3A_283 = tpu.vector_load %arg4[%parallel_loop3A_281, %parallel_loop3A_282] {strides = array<i32>} : memref<16x2048xf32, #tpu.memory_space<vmem>>, vector<1x16xf32>,
          %parallel_loop3A_284 = vector.shape_cast %parallel_loop3A_283 : vector<1x16xf32> to vector<16xf32>
          %parallel_loop3A_285 = arith.constant 16 : i32
          %parallel_loop3A_286 = arith.muli %parallel_loop3A_55, %parallel_loop3A_285 : i32
          %parallel_loop3A_287 = arith.constant 5 : i32
          %parallel_loop3A_288 = arith.index_cast %parallel_loop3A_287 : i32 to index
          %parallel_loop3A_289 = arith.index_cast %parallel_loop3A_286 : i32 to index
          %parallel_loop3A_290 = tpu.vector_load %arg4[%parallel_loop3A_288, %parallel_loop3A_289] {strides = array<i32>} : memref<16x2048xf32, #tpu.memory_space<vmem>>, vector<1x16xf32>,
          %parallel_loop3A_291 = vector.shape_cast %parallel_loop3A_290 : vector<1x16xf32> to vector<16xf32>
          %parallel_loop3A_292 = arith.constant 15 : i32
          %parallel_loop3A_293 = vector.broadcast %parallel_loop3A_292 : i32 to vector<16xi32>
          %parallel_loop3A_294 = tpu.iota {dimensions = array<i32: 0>} : vector<16xi32>
          %parallel_loop3A_295 = arith.subi %parallel_loop3A_293, %parallel_loop3A_294 : vector<16xi32>
          %parallel_loop3A_296 = tpu.dynamic_gather %parallel_loop3A_284[%parallel_loop3A_295] in [0] : vector<16xf32>, vector<16xi32> -> vector<16xf32>
          %parallel_loop3A_297 = arith.constant 16 : i32
          %parallel_loop3A_298 = arith.muli %parallel_loop3A_55, %parallel_loop3A_297 : i32
          %parallel_loop3A_299 = arith.constant 5 : i32
          %parallel_loop3A_300 = arith.index_cast %parallel_loop3A_299 : i32 to index
          %parallel_loop3A_301 = arith.index_cast %parallel_loop3A_298 : i32 to index
          %parallel_loop3A_302 = tpu.vector_load %arg4[%parallel_loop3A_300, %parallel_loop3A_301] {strides = array<i32>} : memref<16x2048xf32, #tpu.memory_space<vmem>>, vector<1x16xf32>,
          %parallel_loop3A_303 = vector.shape_cast %parallel_loop3A_302 : vector<1x16xf32> to vector<16xf32>
          %parallel_loop3A_304 = vector.shape_cast %parallel_loop3A_296 : vector<16xf32> to vector<1x16xf32>
          tpu.vector_store %arg4[%parallel_loop3A_300, %parallel_loop3A_301], %parallel_loop3A_304 {strides = array<i32>} : memref<16x2048xf32, #tpu.memory_space<vmem>>, vector<1x16xf32>,
          %parallel_loop3A_305 = arith.constant 15 : i32
          %parallel_loop3A_306 = vector.broadcast %parallel_loop3A_305 : i32 to vector<16xi32>
          %parallel_loop3A_307 = tpu.iota {dimensions = array<i32: 0>} : vector<16xi32>
          %parallel_loop3A_308 = arith.subi %parallel_loop3A_306, %parallel_loop3A_307 : vector<16xi32>
          %parallel_loop3A_309 = tpu.dynamic_gather %parallel_loop3A_291[%parallel_loop3A_308] in [0] : vector<16xf32>, vector<16xi32> -> vector<16xf32>
          %parallel_loop3A_310 = arith.constant 127 : i32
          %parallel_loop3A_311 = arith.subi %parallel_loop3A_310, %parallel_loop3A_55 : i32
          %parallel_loop3A_312 = arith.constant 16 : i32
          %parallel_loop3A_313 = arith.muli %parallel_loop3A_311, %parallel_loop3A_312 : i32
          %parallel_loop3A_314 = arith.constant 5 : i32
          %parallel_loop3A_315 = arith.index_cast %parallel_loop3A_314 : i32 to index
          %parallel_loop3A_316 = arith.index_cast %parallel_loop3A_313 : i32 to index
          %parallel_loop3A_317 = tpu.vector_load %arg4[%parallel_loop3A_315, %parallel_loop3A_316] {strides = array<i32>} : memref<16x2048xf32, #tpu.memory_space<vmem>>, vector<1x16xf32>,
          %parallel_loop3A_318 = vector.shape_cast %parallel_loop3A_317 : vector<1x16xf32> to vector<16xf32>
          %parallel_loop3A_319 = vector.shape_cast %parallel_loop3A_309 : vector<16xf32> to vector<1x16xf32>
          tpu.vector_store %arg4[%parallel_loop3A_315, %parallel_loop3A_316], %parallel_loop3A_319 {strides = array<i32>} : memref<16x2048xf32, #tpu.memory_space<vmem>>, vector<1x16xf32>,
          %parallel_loop3A_320 = arith.constant 127 : i32
          %parallel_loop3A_321 = arith.subi %parallel_loop3A_320, %parallel_loop3A_55 : i32
          %parallel_loop3A_322 = arith.constant 16 : i32
          %parallel_loop3A_323 = arith.muli %parallel_loop3A_321, %parallel_loop3A_322 : i32
          %parallel_loop3A_324 = arith.constant 6 : i32
          %parallel_loop3A_325 = arith.index_cast %parallel_loop3A_324 : i32 to index
          %parallel_loop3A_326 = arith.index_cast %parallel_loop3A_323 : i32 to index
          %parallel_loop3A_327 = tpu.vector_load %arg4[%parallel_loop3A_325, %parallel_loop3A_326] {strides = array<i32>} : memref<16x2048xf32, #tpu.memory_space<vmem>>, vector<1x16xf32>,
          %parallel_loop3A_328 = vector.shape_cast %parallel_loop3A_327 : vector<1x16xf32> to vector<16xf32>
          %parallel_loop3A_329 = arith.constant 16 : i32
          %parallel_loop3A_330 = arith.muli %parallel_loop3A_55, %parallel_loop3A_329 : i32
          %parallel_loop3A_331 = arith.constant 6 : i32
          %parallel_loop3A_332 = arith.index_cast %parallel_loop3A_331 : i32 to index
          %parallel_loop3A_333 = arith.index_cast %parallel_loop3A_330 : i32 to index
          %parallel_loop3A_334 = tpu.vector_load %arg4[%parallel_loop3A_332, %parallel_loop3A_333] {strides = array<i32>} : memref<16x2048xf32, #tpu.memory_space<vmem>>, vector<1x16xf32>,
          %parallel_loop3A_335 = vector.shape_cast %parallel_loop3A_334 : vector<1x16xf32> to vector<16xf32>
          %parallel_loop3A_336 = arith.constant 15 : i32
          %parallel_loop3A_337 = vector.broadcast %parallel_loop3A_336 : i32 to vector<16xi32>
          %parallel_loop3A_338 = tpu.iota {dimensions = array<i32: 0>} : vector<16xi32>
          %parallel_loop3A_339 = arith.subi %parallel_loop3A_337, %parallel_loop3A_338 : vector<16xi32>
          %parallel_loop3A_340 = tpu.dynamic_gather %parallel_loop3A_328[%parallel_loop3A_339] in [0] : vector<16xf32>, vector<16xi32> -> vector<16xf32>
          %parallel_loop3A_341 = arith.constant 16 : i32
          %parallel_loop3A_342 = arith.muli %parallel_loop3A_55, %parallel_loop3A_341 : i32
          %parallel_loop3A_343 = arith.constant 6 : i32
          %parallel_loop3A_344 = arith.index_cast %parallel_loop3A_343 : i32 to index
          %parallel_loop3A_345 = arith.index_cast %parallel_loop3A_342 : i32 to index
          %parallel_loop3A_346 = tpu.vector_load %arg4[%parallel_loop3A_344, %parallel_loop3A_345] {strides = array<i32>} : memref<16x2048xf32, #tpu.memory_space<vmem>>, vector<1x16xf32>,
          %parallel_loop3A_347 = vector.shape_cast %parallel_loop3A_346 : vector<1x16xf32> to vector<16xf32>
          %parallel_loop3A_348 = vector.shape_cast %parallel_loop3A_340 : vector<16xf32> to vector<1x16xf32>
          tpu.vector_store %arg4[%parallel_loop3A_344, %parallel_loop3A_345], %parallel_loop3A_348 {strides = array<i32>} : memref<16x2048xf32, #tpu.memory_space<vmem>>, vector<1x16xf32>,
          %parallel_loop3A_349 = arith.constant 15 : i32
          %parallel_loop3A_350 = vector.broadcast %parallel_loop3A_349 : i32 to vector<16xi32>
          %parallel_loop3A_351 = tpu.iota {dimensions = array<i32: 0>} : vector<16xi32>
          %parallel_loop3A_352 = arith.subi %parallel_loop3A_350, %parallel_loop3A_351 : vector<16xi32>
          %parallel_loop3A_353 = tpu.dynamic_gather %parallel_loop3A_335[%parallel_loop3A_352] in [0] : vector<16xf32>, vector<16xi32> -> vector<16xf32>
          %parallel_loop3A_354 = arith.constant 127 : i32
          %parallel_loop3A_355 = arith.subi %parallel_loop3A_354, %parallel_loop3A_55 : i32
          %parallel_loop3A_356 = arith.constant 16 : i32
          %parallel_loop3A_357 = arith.muli %parallel_loop3A_355, %parallel_loop3A_356 : i32
          %parallel_loop3A_358 = arith.constant 6 : i32
          %parallel_loop3A_359 = arith.index_cast %parallel_loop3A_358 : i32 to index
          %parallel_loop3A_360 = arith.index_cast %parallel_loop3A_357 : i32 to index
          %parallel_loop3A_361 = tpu.vector_load %arg4[%parallel_loop3A_359, %parallel_loop3A_360] {strides = array<i32>} : memref<16x2048xf32, #tpu.memory_space<vmem>>, vector<1x16xf32>,
          %parallel_loop3A_362 = vector.shape_cast %parallel_loop3A_361 : vector<1x16xf32> to vector<16xf32>
          %parallel_loop3A_363 = vector.shape_cast %parallel_loop3A_353 : vector<16xf32> to vector<1x16xf32>
          tpu.vector_store %arg4[%parallel_loop3A_359, %parallel_loop3A_360], %parallel_loop3A_363 {strides = array<i32>} : memref<16x2048xf32, #tpu.memory_space<vmem>>, vector<1x16xf32>,
          %parallel_loop3A_364 = arith.constant 127 : i32
          %parallel_loop3A_365 = arith.subi %parallel_loop3A_364, %parallel_loop3A_55 : i32
          %parallel_loop3A_366 = arith.constant 16 : i32
          %parallel_loop3A_367 = arith.muli %parallel_loop3A_365, %parallel_loop3A_366 : i32
          %parallel_loop3A_368 = arith.constant 7 : i32
          %parallel_loop3A_369 = arith.index_cast %parallel_loop3A_368 : i32 to index
          %parallel_loop3A_370 = arith.index_cast %parallel_loop3A_367 : i32 to index
          %parallel_loop3A_371 = tpu.vector_load %arg4[%parallel_loop3A_369, %parallel_loop3A_370] {strides = array<i32>} : memref<16x2048xf32, #tpu.memory_space<vmem>>, vector<1x16xf32>,
          %parallel_loop3A_372 = vector.shape_cast %parallel_loop3A_371 : vector<1x16xf32> to vector<16xf32>
          %parallel_loop3A_373 = arith.constant 16 : i32
          %parallel_loop3A_374 = arith.muli %parallel_loop3A_55, %parallel_loop3A_373 : i32
          %parallel_loop3A_375 = arith.constant 7 : i32
          %parallel_loop3A_376 = arith.index_cast %parallel_loop3A_375 : i32 to index
          %parallel_loop3A_377 = arith.index_cast %parallel_loop3A_374 : i32 to index
          %parallel_loop3A_378 = tpu.vector_load %arg4[%parallel_loop3A_376, %parallel_loop3A_377] {strides = array<i32>} : memref<16x2048xf32, #tpu.memory_space<vmem>>, vector<1x16xf32>,
          %parallel_loop3A_379 = vector.shape_cast %parallel_loop3A_378 : vector<1x16xf32> to vector<16xf32>
          %parallel_loop3A_380 = arith.constant 15 : i32
          %parallel_loop3A_381 = vector.broadcast %parallel_loop3A_380 : i32 to vector<16xi32>
          %parallel_loop3A_382 = tpu.iota {dimensions = array<i32: 0>} : vector<16xi32>
          %parallel_loop3A_383 = arith.subi %parallel_loop3A_381, %parallel_loop3A_382 : vector<16xi32>
          %parallel_loop3A_384 = tpu.dynamic_gather %parallel_loop3A_372[%parallel_loop3A_383] in [0] : vector<16xf32>, vector<16xi32> -> vector<16xf32>
          %parallel_loop3A_385 = arith.constant 16 : i32
          %parallel_loop3A_386 = arith.muli %parallel_loop3A_55, %parallel_loop3A_385 : i32
          %parallel_loop3A_387 = arith.constant 7 : i32
          %parallel_loop3A_388 = arith.index_cast %parallel_loop3A_387 : i32 to index
          %parallel_loop3A_389 = arith.index_cast %parallel_loop3A_386 : i32 to index
          %parallel_loop3A_390 = tpu.vector_load %arg4[%parallel_loop3A_388, %parallel_loop3A_389] {strides = array<i32>} : memref<16x2048xf32, #tpu.memory_space<vmem>>, vector<1x16xf32>,
          %parallel_loop3A_391 = vector.shape_cast %parallel_loop3A_390 : vector<1x16xf32> to vector<16xf32>
          %parallel_loop3A_392 = vector.shape_cast %parallel_loop3A_384 : vector<16xf32> to vector<1x16xf32>
          tpu.vector_store %arg4[%parallel_loop3A_388, %parallel_loop3A_389], %parallel_loop3A_392 {strides = array<i32>} : memref<16x2048xf32, #tpu.memory_space<vmem>>, vector<1x16xf32>,
          %parallel_loop3A_393 = arith.constant 15 : i32
          %parallel_loop3A_394 = vector.broadcast %parallel_loop3A_393 : i32 to vector<16xi32>
          %parallel_loop3A_395 = tpu.iota {dimensions = array<i32: 0>} : vector<16xi32>
          %parallel_loop3A_396 = arith.subi %parallel_loop3A_394, %parallel_loop3A_395 : vector<16xi32>
          %parallel_loop3A_397 = tpu.dynamic_gather %parallel_loop3A_379[%parallel_loop3A_396] in [0] : vector<16xf32>, vector<16xi32> -> vector<16xf32>
          %parallel_loop3A_398 = arith.constant 127 : i32
          %parallel_loop3A_399 = arith.subi %parallel_loop3A_398, %parallel_loop3A_55 : i32
          %parallel_loop3A_400 = arith.constant 16 : i32
          %parallel_loop3A_401 = arith.muli %parallel_loop3A_399, %parallel_loop3A_400 : i32
          %parallel_loop3A_402 = arith.constant 7 : i32
          %parallel_loop3A_403 = arith.index_cast %parallel_loop3A_402 : i32 to index
          %parallel_loop3A_404 = arith.index_cast %parallel_loop3A_401 : i32 to index
          %parallel_loop3A_405 = tpu.vector_load %arg4[%parallel_loop3A_403, %parallel_loop3A_404] {strides = array<i32>} : memref<16x2048xf32, #tpu.memory_space<vmem>>, vector<1x16xf32>,
          %parallel_loop3A_406 = vector.shape_cast %parallel_loop3A_405 : vector<1x16xf32> to vector<16xf32>
          %parallel_loop3A_407 = vector.shape_cast %parallel_loop3A_397 : vector<16xf32> to vector<1x16xf32>
          tpu.vector_store %arg4[%parallel_loop3A_403, %parallel_loop3A_404], %parallel_loop3A_407 {strides = array<i32>} : memref<16x2048xf32, #tpu.memory_space<vmem>>, vector<1x16xf32>,
          %parallel_loop3A_408 = arith.constant 127 : i32
          %parallel_loop3A_409 = arith.subi %parallel_loop3A_408, %parallel_loop3A_55 : i32
          %parallel_loop3A_410 = arith.constant 16 : i32
          %parallel_loop3A_411 = arith.muli %parallel_loop3A_409, %parallel_loop3A_410 : i32
          %parallel_loop3A_412 = arith.constant 8 : i32
          %parallel_loop3A_413 = arith.index_cast %parallel_loop3A_412 : i32 to index
          %parallel_loop3A_414 = arith.index_cast %parallel_loop3A_411 : i32 to index
          %parallel_loop3A_415 = tpu.vector_load %arg4[%parallel_loop3A_413, %parallel_loop3A_414] {strides = array<i32>} : memref<16x2048xf32, #tpu.memory_space<vmem>>, vector<1x16xf32>,
          %parallel_loop3A_416 = vector.shape_cast %parallel_loop3A_415 : vector<1x16xf32> to vector<16xf32>
          %parallel_loop3A_417 = arith.constant 16 : i32
          %parallel_loop3A_418 = arith.muli %parallel_loop3A_55, %parallel_loop3A_417 : i32
          %parallel_loop3A_419 = arith.constant 8 : i32
          %parallel_loop3A_420 = arith.index_cast %parallel_loop3A_419 : i32 to index
          %parallel_loop3A_421 = arith.index_cast %parallel_loop3A_418 : i32 to index
          %parallel_loop3A_422 = tpu.vector_load %arg4[%parallel_loop3A_420, %parallel_loop3A_421] {strides = array<i32>} : memref<16x2048xf32, #tpu.memory_space<vmem>>, vector<1x16xf32>,
          %parallel_loop3A_423 = vector.shape_cast %parallel_loop3A_422 : vector<1x16xf32> to vector<16xf32>
          %parallel_loop3A_424 = arith.constant 15 : i32
          %parallel_loop3A_425 = vector.broadcast %parallel_loop3A_424 : i32 to vector<16xi32>
          %parallel_loop3A_426 = tpu.iota {dimensions = array<i32: 0>} : vector<16xi32>
          %parallel_loop3A_427 = arith.subi %parallel_loop3A_425, %parallel_loop3A_426 : vector<16xi32>
          %parallel_loop3A_428 = tpu.dynamic_gather %parallel_loop3A_416[%parallel_loop3A_427] in [0] : vector<16xf32>, vector<16xi32> -> vector<16xf32>
          %parallel_loop3A_429 = arith.constant 16 : i32
          %parallel_loop3A_430 = arith.muli %parallel_loop3A_55, %parallel_loop3A_429 : i32
          %parallel_loop3A_431 = arith.constant 8 : i32
          %parallel_loop3A_432 = arith.index_cast %parallel_loop3A_431 : i32 to index
          %parallel_loop3A_433 = arith.index_cast %parallel_loop3A_430 : i32 to index
          %parallel_loop3A_434 = tpu.vector_load %arg4[%parallel_loop3A_432, %parallel_loop3A_433] {strides = array<i32>} : memref<16x2048xf32, #tpu.memory_space<vmem>>, vector<1x16xf32>,
          %parallel_loop3A_435 = vector.shape_cast %parallel_loop3A_434 : vector<1x16xf32> to vector<16xf32>
          %parallel_loop3A_436 = vector.shape_cast %parallel_loop3A_428 : vector<16xf32> to vector<1x16xf32>
          tpu.vector_store %arg4[%parallel_loop3A_432, %parallel_loop3A_433], %parallel_loop3A_436 {strides = array<i32>} : memref<16x2048xf32, #tpu.memory_space<vmem>>, vector<1x16xf32>,
          %parallel_loop3A_437 = arith.constant 15 : i32
          %parallel_loop3A_438 = vector.broadcast %parallel_loop3A_437 : i32 to vector<16xi32>
          %parallel_loop3A_439 = tpu.iota {dimensions = array<i32: 0>} : vector<16xi32>
          %parallel_loop3A_440 = arith.subi %parallel_loop3A_438, %parallel_loop3A_439 : vector<16xi32>
          %parallel_loop3A_441 = tpu.dynamic_gather %parallel_loop3A_423[%parallel_loop3A_440] in [0] : vector<16xf32>, vector<16xi32> -> vector<16xf32>
          %parallel_loop3A_442 = arith.constant 127 : i32
          %parallel_loop3A_443 = arith.subi %parallel_loop3A_442, %parallel_loop3A_55 : i32
          %parallel_loop3A_444 = arith.constant 16 : i32
          %parallel_loop3A_445 = arith.muli %parallel_loop3A_443, %parallel_loop3A_444 : i32
          %parallel_loop3A_446 = arith.constant 8 : i32
          %parallel_loop3A_447 = arith.index_cast %parallel_loop3A_446 : i32 to index
          %parallel_loop3A_448 = arith.index_cast %parallel_loop3A_445 : i32 to index
          %parallel_loop3A_449 = tpu.vector_load %arg4[%parallel_loop3A_447, %parallel_loop3A_448] {strides = array<i32>} : memref<16x2048xf32, #tpu.memory_space<vmem>>, vector<1x16xf32>,
          %parallel_loop3A_450 = vector.shape_cast %parallel_loop3A_449 : vector<1x16xf32> to vector<16xf32>
          %parallel_loop3A_451 = vector.shape_cast %parallel_loop3A_441 : vector<16xf32> to vector<1x16xf32>
          tpu.vector_store %arg4[%parallel_loop3A_447, %parallel_loop3A_448], %parallel_loop3A_451 {strides = array<i32>} : memref<16x2048xf32, #tpu.memory_space<vmem>>, vector<1x16xf32>,
          %parallel_loop3A_452 = arith.constant 127 : i32
          %parallel_loop3A_453 = arith.subi %parallel_loop3A_452, %parallel_loop3A_55 : i32
          %parallel_loop3A_454 = arith.constant 16 : i32
          %parallel_loop3A_455 = arith.muli %parallel_loop3A_453, %parallel_loop3A_454 : i32
          %parallel_loop3A_456 = arith.constant 9 : i32
          %parallel_loop3A_457 = arith.index_cast %parallel_loop3A_456 : i32 to index
          %parallel_loop3A_458 = arith.index_cast %parallel_loop3A_455 : i32 to index
          %parallel_loop3A_459 = tpu.vector_load %arg4[%parallel_loop3A_457, %parallel_loop3A_458] {strides = array<i32>} : memref<16x2048xf32, #tpu.memory_space<vmem>>, vector<1x16xf32>,
          %parallel_loop3A_460 = vector.shape_cast %parallel_loop3A_459 : vector<1x16xf32> to vector<16xf32>
          %parallel_loop3A_461 = arith.constant 16 : i32
          %parallel_loop3A_462 = arith.muli %parallel_loop3A_55, %parallel_loop3A_461 : i32
          %parallel_loop3A_463 = arith.constant 9 : i32
          %parallel_loop3A_464 = arith.index_cast %parallel_loop3A_463 : i32 to index
          %parallel_loop3A_465 = arith.index_cast %parallel_loop3A_462 : i32 to index
          %parallel_loop3A_466 = tpu.vector_load %arg4[%parallel_loop3A_464, %parallel_loop3A_465] {strides = array<i32>} : memref<16x2048xf32, #tpu.memory_space<vmem>>, vector<1x16xf32>,
          %parallel_loop3A_467 = vector.shape_cast %parallel_loop3A_466 : vector<1x16xf32> to vector<16xf32>
          %parallel_loop3A_468 = arith.constant 15 : i32
          %parallel_loop3A_469 = vector.broadcast %parallel_loop3A_468 : i32 to vector<16xi32>
          %parallel_loop3A_470 = tpu.iota {dimensions = array<i32: 0>} : vector<16xi32>
          %parallel_loop3A_471 = arith.subi %parallel_loop3A_469, %parallel_loop3A_470 : vector<16xi32>
          %parallel_loop3A_472 = tpu.dynamic_gather %parallel_loop3A_460[%parallel_loop3A_471] in [0] : vector<16xf32>, vector<16xi32> -> vector<16xf32>
          %parallel_loop3A_473 = arith.constant 16 : i32
          %parallel_loop3A_474 = arith.muli %parallel_loop3A_55, %parallel_loop3A_473 : i32
          %parallel_loop3A_475 = arith.constant 9 : i32
          %parallel_loop3A_476 = arith.index_cast %parallel_loop3A_475 : i32 to index
          %parallel_loop3A_477 = arith.index_cast %parallel_loop3A_474 : i32 to index
          %parallel_loop3A_478 = tpu.vector_load %arg4[%parallel_loop3A_476, %parallel_loop3A_477] {strides = array<i32>} : memref<16x2048xf32, #tpu.memory_space<vmem>>, vector<1x16xf32>,
          %parallel_loop3A_479 = vector.shape_cast %parallel_loop3A_478 : vector<1x16xf32> to vector<16xf32>
          %parallel_loop3A_480 = vector.shape_cast %parallel_loop3A_472 : vector<16xf32> to vector<1x16xf32>
          tpu.vector_store %arg4[%parallel_loop3A_476, %parallel_loop3A_477], %parallel_loop3A_480 {strides = array<i32>} : memref<16x2048xf32, #tpu.memory_space<vmem>>, vector<1x16xf32>,
          %parallel_loop3A_481 = arith.constant 15 : i32
          %parallel_loop3A_482 = vector.broadcast %parallel_loop3A_481 : i32 to vector<16xi32>
          %parallel_loop3A_483 = tpu.iota {dimensions = array<i32: 0>} : vector<16xi32>
          %parallel_loop3A_484 = arith.subi %parallel_loop3A_482, %parallel_loop3A_483 : vector<16xi32>
          %parallel_loop3A_485 = tpu.dynamic_gather %parallel_loop3A_467[%parallel_loop3A_484] in [0] : vector<16xf32>, vector<16xi32> -> vector<16xf32>
          %parallel_loop3A_486 = arith.constant 127 : i32
          %parallel_loop3A_487 = arith.subi %parallel_loop3A_486, %parallel_loop3A_55 : i32
          %parallel_loop3A_488 = arith.constant 16 : i32
          %parallel_loop3A_489 = arith.muli %parallel_loop3A_487, %parallel_loop3A_488 : i32
          %parallel_loop3A_490 = arith.constant 9 : i32
          %parallel_loop3A_491 = arith.index_cast %parallel_loop3A_490 : i32 to index
          %parallel_loop3A_492 = arith.index_cast %parallel_loop3A_489 : i32 to index
          %parallel_loop3A_493 = tpu.vector_load %arg4[%parallel_loop3A_491, %parallel_loop3A_492] {strides = array<i32>} : memref<16x2048xf32, #tpu.memory_space<vmem>>, vector<1x16xf32>,
          %parallel_loop3A_494 = vector.shape_cast %parallel_loop3A_493 : vector<1x16xf32> to vector<16xf32>
          %parallel_loop3A_495 = vector.shape_cast %parallel_loop3A_485 : vector<16xf32> to vector<1x16xf32>
          tpu.vector_store %arg4[%parallel_loop3A_491, %parallel_loop3A_492], %parallel_loop3A_495 {strides = array<i32>} : memref<16x2048xf32, #tpu.memory_space<vmem>>, vector<1x16xf32>,
          %parallel_loop3A_496 = arith.constant 127 : i32
          %parallel_loop3A_497 = arith.subi %parallel_loop3A_496, %parallel_loop3A_55 : i32
          %parallel_loop3A_498 = arith.constant 16 : i32
          %parallel_loop3A_499 = arith.muli %parallel_loop3A_497, %parallel_loop3A_498 : i32
          %parallel_loop3A_500 = arith.constant 10 : i32
          %parallel_loop3A_501 = arith.index_cast %parallel_loop3A_500 : i32 to index
          %parallel_loop3A_502 = arith.index_cast %parallel_loop3A_499 : i32 to index
          %parallel_loop3A_503 = tpu.vector_load %arg4[%parallel_loop3A_501, %parallel_loop3A_502] {strides = array<i32>} : memref<16x2048xf32, #tpu.memory_space<vmem>>, vector<1x16xf32>,
          %parallel_loop3A_504 = vector.shape_cast %parallel_loop3A_503 : vector<1x16xf32> to vector<16xf32>
          %parallel_loop3A_505 = arith.constant 16 : i32
          %parallel_loop3A_506 = arith.muli %parallel_loop3A_55, %parallel_loop3A_505 : i32
          %parallel_loop3A_507 = arith.constant 10 : i32
          %parallel_loop3A_508 = arith.index_cast %parallel_loop3A_507 : i32 to index
          %parallel_loop3A_509 = arith.index_cast %parallel_loop3A_506 : i32 to index
          %parallel_loop3A_510 = tpu.vector_load %arg4[%parallel_loop3A_508, %parallel_loop3A_509] {strides = array<i32>} : memref<16x2048xf32, #tpu.memory_space<vmem>>, vector<1x16xf32>,
          %parallel_loop3A_511 = vector.shape_cast %parallel_loop3A_510 : vector<1x16xf32> to vector<16xf32>
          %parallel_loop3A_512 = arith.constant 15 : i32
          %parallel_loop3A_513 = vector.broadcast %parallel_loop3A_512 : i32 to vector<16xi32>
          %parallel_loop3A_514 = tpu.iota {dimensions = array<i32: 0>} : vector<16xi32>
          %parallel_loop3A_515 = arith.subi %parallel_loop3A_513, %parallel_loop3A_514 : vector<16xi32>
          %parallel_loop3A_516 = tpu.dynamic_gather %parallel_loop3A_504[%parallel_loop3A_515] in [0] : vector<16xf32>, vector<16xi32> -> vector<16xf32>
          %parallel_loop3A_517 = arith.constant 16 : i32
          %parallel_loop3A_518 = arith.muli %parallel_loop3A_55, %parallel_loop3A_517 : i32
          %parallel_loop3A_519 = arith.constant 10 : i32
          %parallel_loop3A_520 = arith.index_cast %parallel_loop3A_519 : i32 to index
          %parallel_loop3A_521 = arith.index_cast %parallel_loop3A_518 : i32 to index
          %parallel_loop3A_522 = tpu.vector_load %arg4[%parallel_loop3A_520, %parallel_loop3A_521] {strides = array<i32>} : memref<16x2048xf32, #tpu.memory_space<vmem>>, vector<1x16xf32>,
          %parallel_loop3A_523 = vector.shape_cast %parallel_loop3A_522 : vector<1x16xf32> to vector<16xf32>
          %parallel_loop3A_524 = vector.shape_cast %parallel_loop3A_516 : vector<16xf32> to vector<1x16xf32>
          tpu.vector_store %arg4[%parallel_loop3A_520, %parallel_loop3A_521], %parallel_loop3A_524 {strides = array<i32>} : memref<16x2048xf32, #tpu.memory_space<vmem>>, vector<1x16xf32>,
          %parallel_loop3A_525 = arith.constant 15 : i32
          %parallel_loop3A_526 = vector.broadcast %parallel_loop3A_525 : i32 to vector<16xi32>
          %parallel_loop3A_527 = tpu.iota {dimensions = array<i32: 0>} : vector<16xi32>
          %parallel_loop3A_528 = arith.subi %parallel_loop3A_526, %parallel_loop3A_527 : vector<16xi32>
          %parallel_loop3A_529 = tpu.dynamic_gather %parallel_loop3A_511[%parallel_loop3A_528] in [0] : vector<16xf32>, vector<16xi32> -> vector<16xf32>
          %parallel_loop3A_530 = arith.constant 127 : i32
          %parallel_loop3A_531 = arith.subi %parallel_loop3A_530, %parallel_loop3A_55 : i32
          %parallel_loop3A_532 = arith.constant 16 : i32
          %parallel_loop3A_533 = arith.muli %parallel_loop3A_531, %parallel_loop3A_532 : i32
          %parallel_loop3A_534 = arith.constant 10 : i32
          %parallel_loop3A_535 = arith.index_cast %parallel_loop3A_534 : i32 to index
          %parallel_loop3A_536 = arith.index_cast %parallel_loop3A_533 : i32 to index
          %parallel_loop3A_537 = tpu.vector_load %arg4[%parallel_loop3A_535, %parallel_loop3A_536] {strides = array<i32>} : memref<16x2048xf32, #tpu.memory_space<vmem>>, vector<1x16xf32>,
          %parallel_loop3A_538 = vector.shape_cast %parallel_loop3A_537 : vector<1x16xf32> to vector<16xf32>
          %parallel_loop3A_539 = vector.shape_cast %parallel_loop3A_529 : vector<16xf32> to vector<1x16xf32>
          tpu.vector_store %arg4[%parallel_loop3A_535, %parallel_loop3A_536], %parallel_loop3A_539 {strides = array<i32>} : memref<16x2048xf32, #tpu.memory_space<vmem>>, vector<1x16xf32>,
          %parallel_loop3A_540 = arith.constant 127 : i32
          %parallel_loop3A_541 = arith.subi %parallel_loop3A_540, %parallel_loop3A_55 : i32
          %parallel_loop3A_542 = arith.constant 16 : i32
          %parallel_loop3A_543 = arith.muli %parallel_loop3A_541, %parallel_loop3A_542 : i32
          %parallel_loop3A_544 = arith.constant 11 : i32
          %parallel_loop3A_545 = arith.index_cast %parallel_loop3A_544 : i32 to index
          %parallel_loop3A_546 = arith.index_cast %parallel_loop3A_543 : i32 to index
          %parallel_loop3A_547 = tpu.vector_load %arg4[%parallel_loop3A_545, %parallel_loop3A_546] {strides = array<i32>} : memref<16x2048xf32, #tpu.memory_space<vmem>>, vector<1x16xf32>,
          %parallel_loop3A_548 = vector.shape_cast %parallel_loop3A_547 : vector<1x16xf32> to vector<16xf32>
          %parallel_loop3A_549 = arith.constant 16 : i32
          %parallel_loop3A_550 = arith.muli %parallel_loop3A_55, %parallel_loop3A_549 : i32
          %parallel_loop3A_551 = arith.constant 11 : i32
          %parallel_loop3A_552 = arith.index_cast %parallel_loop3A_551 : i32 to index
          %parallel_loop3A_553 = arith.index_cast %parallel_loop3A_550 : i32 to index
          %parallel_loop3A_554 = tpu.vector_load %arg4[%parallel_loop3A_552, %parallel_loop3A_553] {strides = array<i32>} : memref<16x2048xf32, #tpu.memory_space<vmem>>, vector<1x16xf32>,
          %parallel_loop3A_555 = vector.shape_cast %parallel_loop3A_554 : vector<1x16xf32> to vector<16xf32>
          %parallel_loop3A_556 = arith.constant 15 : i32
          %parallel_loop3A_557 = vector.broadcast %parallel_loop3A_556 : i32 to vector<16xi32>
          %parallel_loop3A_558 = tpu.iota {dimensions = array<i32: 0>} : vector<16xi32>
          %parallel_loop3A_559 = arith.subi %parallel_loop3A_557, %parallel_loop3A_558 : vector<16xi32>
          %parallel_loop3A_560 = tpu.dynamic_gather %parallel_loop3A_548[%parallel_loop3A_559] in [0] : vector<16xf32>, vector<16xi32> -> vector<16xf32>
          %parallel_loop3A_561 = arith.constant 16 : i32
          %parallel_loop3A_562 = arith.muli %parallel_loop3A_55, %parallel_loop3A_561 : i32
          %parallel_loop3A_563 = arith.constant 11 : i32
          %parallel_loop3A_564 = arith.index_cast %parallel_loop3A_563 : i32 to index
          %parallel_loop3A_565 = arith.index_cast %parallel_loop3A_562 : i32 to index
          %parallel_loop3A_566 = tpu.vector_load %arg4[%parallel_loop3A_564, %parallel_loop3A_565] {strides = array<i32>} : memref<16x2048xf32, #tpu.memory_space<vmem>>, vector<1x16xf32>,
          %parallel_loop3A_567 = vector.shape_cast %parallel_loop3A_566 : vector<1x16xf32> to vector<16xf32>
          %parallel_loop3A_568 = vector.shape_cast %parallel_loop3A_560 : vector<16xf32> to vector<1x16xf32>
          tpu.vector_store %arg4[%parallel_loop3A_564, %parallel_loop3A_565], %parallel_loop3A_568 {strides = array<i32>} : memref<16x2048xf32, #tpu.memory_space<vmem>>, vector<1x16xf32>,
          %parallel_loop3A_569 = arith.constant 15 : i32
          %parallel_loop3A_570 = vector.broadcast %parallel_loop3A_569 : i32 to vector<16xi32>
          %parallel_loop3A_571 = tpu.iota {dimensions = array<i32: 0>} : vector<16xi32>
          %parallel_loop3A_572 = arith.subi %parallel_loop3A_570, %parallel_loop3A_571 : vector<16xi32>
          %parallel_loop3A_573 = tpu.dynamic_gather %parallel_loop3A_555[%parallel_loop3A_572] in [0] : vector<16xf32>, vector<16xi32> -> vector<16xf32>
          %parallel_loop3A_574 = arith.constant 127 : i32
          %parallel_loop3A_575 = arith.subi %parallel_loop3A_574, %parallel_loop3A_55 : i32
          %parallel_loop3A_576 = arith.constant 16 : i32
          %parallel_loop3A_577 = arith.muli %parallel_loop3A_575, %parallel_loop3A_576 : i32
          %parallel_loop3A_578 = arith.constant 11 : i32
          %parallel_loop3A_579 = arith.index_cast %parallel_loop3A_578 : i32 to index
          %parallel_loop3A_580 = arith.index_cast %parallel_loop3A_577 : i32 to index
          %parallel_loop3A_581 = tpu.vector_load %arg4[%parallel_loop3A_579, %parallel_loop3A_580] {strides = array<i32>} : memref<16x2048xf32, #tpu.memory_space<vmem>>, vector<1x16xf32>,
          %parallel_loop3A_582 = vector.shape_cast %parallel_loop3A_581 : vector<1x16xf32> to vector<16xf32>
          %parallel_loop3A_583 = vector.shape_cast %parallel_loop3A_573 : vector<16xf32> to vector<1x16xf32>
          tpu.vector_store %arg4[%parallel_loop3A_579, %parallel_loop3A_580], %parallel_loop3A_583 {strides = array<i32>} : memref<16x2048xf32, #tpu.memory_space<vmem>>, vector<1x16xf32>,
          %parallel_loop3A_584 = arith.constant 127 : i32
          %parallel_loop3A_585 = arith.subi %parallel_loop3A_584, %parallel_loop3A_55 : i32
          %parallel_loop3A_586 = arith.constant 16 : i32
          %parallel_loop3A_587 = arith.muli %parallel_loop3A_585, %parallel_loop3A_586 : i32
          %parallel_loop3A_588 = arith.constant 12 : i32
          %parallel_loop3A_589 = arith.index_cast %parallel_loop3A_588 : i32 to index
          %parallel_loop3A_590 = arith.index_cast %parallel_loop3A_587 : i32 to index
          %parallel_loop3A_591 = tpu.vector_load %arg4[%parallel_loop3A_589, %parallel_loop3A_590] {strides = array<i32>} : memref<16x2048xf32, #tpu.memory_space<vmem>>, vector<1x16xf32>,
          %parallel_loop3A_592 = vector.shape_cast %parallel_loop3A_591 : vector<1x16xf32> to vector<16xf32>
          %parallel_loop3A_593 = arith.constant 16 : i32
          %parallel_loop3A_594 = arith.muli %parallel_loop3A_55, %parallel_loop3A_593 : i32
          %parallel_loop3A_595 = arith.constant 12 : i32
          %parallel_loop3A_596 = arith.index_cast %parallel_loop3A_595 : i32 to index
          %parallel_loop3A_597 = arith.index_cast %parallel_loop3A_594 : i32 to index
          %parallel_loop3A_598 = tpu.vector_load %arg4[%parallel_loop3A_596, %parallel_loop3A_597] {strides = array<i32>} : memref<16x2048xf32, #tpu.memory_space<vmem>>, vector<1x16xf32>,
          %parallel_loop3A_599 = vector.shape_cast %parallel_loop3A_598 : vector<1x16xf32> to vector<16xf32>
          %parallel_loop3A_600 = arith.constant 15 : i32
          %parallel_loop3A_601 = vector.broadcast %parallel_loop3A_600 : i32 to vector<16xi32>
          %parallel_loop3A_602 = tpu.iota {dimensions = array<i32: 0>} : vector<16xi32>
          %parallel_loop3A_603 = arith.subi %parallel_loop3A_601, %parallel_loop3A_602 : vector<16xi32>
          %parallel_loop3A_604 = tpu.dynamic_gather %parallel_loop3A_592[%parallel_loop3A_603] in [0] : vector<16xf32>, vector<16xi32> -> vector<16xf32>
          %parallel_loop3A_605 = arith.constant 16 : i32
          %parallel_loop3A_606 = arith.muli %parallel_loop3A_55, %parallel_loop3A_605 : i32
          %parallel_loop3A_607 = arith.constant 12 : i32
          %parallel_loop3A_608 = arith.index_cast %parallel_loop3A_607 : i32 to index
          %parallel_loop3A_609 = arith.index_cast %parallel_loop3A_606 : i32 to index
          %parallel_loop3A_610 = tpu.vector_load %arg4[%parallel_loop3A_608, %parallel_loop3A_609] {strides = array<i32>} : memref<16x2048xf32, #tpu.memory_space<vmem>>, vector<1x16xf32>,
          %parallel_loop3A_611 = vector.shape_cast %parallel_loop3A_610 : vector<1x16xf32> to vector<16xf32>
          %parallel_loop3A_612 = vector.shape_cast %parallel_loop3A_604 : vector<16xf32> to vector<1x16xf32>
          tpu.vector_store %arg4[%parallel_loop3A_608, %parallel_loop3A_609], %parallel_loop3A_612 {strides = array<i32>} : memref<16x2048xf32, #tpu.memory_space<vmem>>, vector<1x16xf32>,
          %parallel_loop3A_613 = arith.constant 15 : i32
          %parallel_loop3A_614 = vector.broadcast %parallel_loop3A_613 : i32 to vector<16xi32>
          %parallel_loop3A_615 = tpu.iota {dimensions = array<i32: 0>} : vector<16xi32>
          %parallel_loop3A_616 = arith.subi %parallel_loop3A_614, %parallel_loop3A_615 : vector<16xi32>
          %parallel_loop3A_617 = tpu.dynamic_gather %parallel_loop3A_599[%parallel_loop3A_616] in [0] : vector<16xf32>, vector<16xi32> -> vector<16xf32>
          %parallel_loop3A_618 = arith.constant 127 : i32
          %parallel_loop3A_619 = arith.subi %parallel_loop3A_618, %parallel_loop3A_55 : i32
          %parallel_loop3A_620 = arith.constant 16 : i32
          %parallel_loop3A_621 = arith.muli %parallel_loop3A_619, %parallel_loop3A_620 : i32
          %parallel_loop3A_622 = arith.constant 12 : i32
          %parallel_loop3A_623 = arith.index_cast %parallel_loop3A_622 : i32 to index
          %parallel_loop3A_624 = arith.index_cast %parallel_loop3A_621 : i32 to index
          %parallel_loop3A_625 = tpu.vector_load %arg4[%parallel_loop3A_623, %parallel_loop3A_624] {strides = array<i32>} : memref<16x2048xf32, #tpu.memory_space<vmem>>, vector<1x16xf32>,
          %parallel_loop3A_626 = vector.shape_cast %parallel_loop3A_625 : vector<1x16xf32> to vector<16xf32>
          %parallel_loop3A_627 = vector.shape_cast %parallel_loop3A_617 : vector<16xf32> to vector<1x16xf32>
          tpu.vector_store %arg4[%parallel_loop3A_623, %parallel_loop3A_624], %parallel_loop3A_627 {strides = array<i32>} : memref<16x2048xf32, #tpu.memory_space<vmem>>, vector<1x16xf32>,
          %parallel_loop3A_628 = arith.constant 127 : i32
          %parallel_loop3A_629 = arith.subi %parallel_loop3A_628, %parallel_loop3A_55 : i32
          %parallel_loop3A_630 = arith.constant 16 : i32
          %parallel_loop3A_631 = arith.muli %parallel_loop3A_629, %parallel_loop3A_630 : i32
          %parallel_loop3A_632 = arith.constant 13 : i32
          %parallel_loop3A_633 = arith.index_cast %parallel_loop3A_632 : i32 to index
          %parallel_loop3A_634 = arith.index_cast %parallel_loop3A_631 : i32 to index
          %parallel_loop3A_635 = tpu.vector_load %arg4[%parallel_loop3A_633, %parallel_loop3A_634] {strides = array<i32>} : memref<16x2048xf32, #tpu.memory_space<vmem>>, vector<1x16xf32>,
          %parallel_loop3A_636 = vector.shape_cast %parallel_loop3A_635 : vector<1x16xf32> to vector<16xf32>
          %parallel_loop3A_637 = arith.constant 16 : i32
          %parallel_loop3A_638 = arith.muli %parallel_loop3A_55, %parallel_loop3A_637 : i32
          %parallel_loop3A_639 = arith.constant 13 : i32
          %parallel_loop3A_640 = arith.index_cast %parallel_loop3A_639 : i32 to index
          %parallel_loop3A_641 = arith.index_cast %parallel_loop3A_638 : i32 to index
          %parallel_loop3A_642 = tpu.vector_load %arg4[%parallel_loop3A_640, %parallel_loop3A_641] {strides = array<i32>} : memref<16x2048xf32, #tpu.memory_space<vmem>>, vector<1x16xf32>,
          %parallel_loop3A_643 = vector.shape_cast %parallel_loop3A_642 : vector<1x16xf32> to vector<16xf32>
          %parallel_loop3A_644 = arith.constant 15 : i32
          %parallel_loop3A_645 = vector.broadcast %parallel_loop3A_644 : i32 to vector<16xi32>
          %parallel_loop3A_646 = tpu.iota {dimensions = array<i32: 0>} : vector<16xi32>
          %parallel_loop3A_647 = arith.subi %parallel_loop3A_645, %parallel_loop3A_646 : vector<16xi32>
          %parallel_loop3A_648 = tpu.dynamic_gather %parallel_loop3A_636[%parallel_loop3A_647] in [0] : vector<16xf32>, vector<16xi32> -> vector<16xf32>
          %parallel_loop3A_649 = arith.constant 16 : i32
          %parallel_loop3A_650 = arith.muli %parallel_loop3A_55, %parallel_loop3A_649 : i32
          %parallel_loop3A_651 = arith.constant 13 : i32
          %parallel_loop3A_652 = arith.index_cast %parallel_loop3A_651 : i32 to index
          %parallel_loop3A_653 = arith.index_cast %parallel_loop3A_650 : i32 to index
          %parallel_loop3A_654 = tpu.vector_load %arg4[%parallel_loop3A_652, %parallel_loop3A_653] {strides = array<i32>} : memref<16x2048xf32, #tpu.memory_space<vmem>>, vector<1x16xf32>,
          %parallel_loop3A_655 = vector.shape_cast %parallel_loop3A_654 : vector<1x16xf32> to vector<16xf32>
          %parallel_loop3A_656 = vector.shape_cast %parallel_loop3A_648 : vector<16xf32> to vector<1x16xf32>
          tpu.vector_store %arg4[%parallel_loop3A_652, %parallel_loop3A_653], %parallel_loop3A_656 {strides = array<i32>} : memref<16x2048xf32, #tpu.memory_space<vmem>>, vector<1x16xf32>,
          %parallel_loop3A_657 = arith.constant 15 : i32
          %parallel_loop3A_658 = vector.broadcast %parallel_loop3A_657 : i32 to vector<16xi32>
          %parallel_loop3A_659 = tpu.iota {dimensions = array<i32: 0>} : vector<16xi32>
          %parallel_loop3A_660 = arith.subi %parallel_loop3A_658, %parallel_loop3A_659 : vector<16xi32>
          %parallel_loop3A_661 = tpu.dynamic_gather %parallel_loop3A_643[%parallel_loop3A_660] in [0] : vector<16xf32>, vector<16xi32> -> vector<16xf32>
          %parallel_loop3A_662 = arith.constant 127 : i32
          %parallel_loop3A_663 = arith.subi %parallel_loop3A_662, %parallel_loop3A_55 : i32
          %parallel_loop3A_664 = arith.constant 16 : i32
          %parallel_loop3A_665 = arith.muli %parallel_loop3A_663, %parallel_loop3A_664 : i32
          %parallel_loop3A_666 = arith.constant 13 : i32
          %parallel_loop3A_667 = arith.index_cast %parallel_loop3A_666 : i32 to index
          %parallel_loop3A_668 = arith.index_cast %parallel_loop3A_665 : i32 to index
          %parallel_loop3A_669 = tpu.vector_load %arg4[%parallel_loop3A_667, %parallel_loop3A_668] {strides = array<i32>} : memref<16x2048xf32, #tpu.memory_space<vmem>>, vector<1x16xf32>,
          %parallel_loop3A_670 = vector.shape_cast %parallel_loop3A_669 : vector<1x16xf32> to vector<16xf32>
          %parallel_loop3A_671 = vector.shape_cast %parallel_loop3A_661 : vector<16xf32> to vector<1x16xf32>
          tpu.vector_store %arg4[%parallel_loop3A_667, %parallel_loop3A_668], %parallel_loop3A_671 {strides = array<i32>} : memref<16x2048xf32, #tpu.memory_space<vmem>>, vector<1x16xf32>,
          %parallel_loop3A_672 = arith.constant 127 : i32
          %parallel_loop3A_673 = arith.subi %parallel_loop3A_672, %parallel_loop3A_55 : i32
          %parallel_loop3A_674 = arith.constant 16 : i32
          %parallel_loop3A_675 = arith.muli %parallel_loop3A_673, %parallel_loop3A_674 : i32
          %parallel_loop3A_676 = arith.constant 14 : i32
          %parallel_loop3A_677 = arith.index_cast %parallel_loop3A_676 : i32 to index
          %parallel_loop3A_678 = arith.index_cast %parallel_loop3A_675 : i32 to index
          %parallel_loop3A_679 = tpu.vector_load %arg4[%parallel_loop3A_677, %parallel_loop3A_678] {strides = array<i32>} : memref<16x2048xf32, #tpu.memory_space<vmem>>, vector<1x16xf32>,
          %parallel_loop3A_680 = vector.shape_cast %parallel_loop3A_679 : vector<1x16xf32> to vector<16xf32>
          %parallel_loop3A_681 = arith.constant 16 : i32
          %parallel_loop3A_682 = arith.muli %parallel_loop3A_55, %parallel_loop3A_681 : i32
          %parallel_loop3A_683 = arith.constant 14 : i32
          %parallel_loop3A_684 = arith.index_cast %parallel_loop3A_683 : i32 to index
          %parallel_loop3A_685 = arith.index_cast %parallel_loop3A_682 : i32 to index
          %parallel_loop3A_686 = tpu.vector_load %arg4[%parallel_loop3A_684, %parallel_loop3A_685] {strides = array<i32>} : memref<16x2048xf32, #tpu.memory_space<vmem>>, vector<1x16xf32>,
          %parallel_loop3A_687 = vector.shape_cast %parallel_loop3A_686 : vector<1x16xf32> to vector<16xf32>
          %parallel_loop3A_688 = arith.constant 15 : i32
          %parallel_loop3A_689 = vector.broadcast %parallel_loop3A_688 : i32 to vector<16xi32>
          %parallel_loop3A_690 = tpu.iota {dimensions = array<i32: 0>} : vector<16xi32>
          %parallel_loop3A_691 = arith.subi %parallel_loop3A_689, %parallel_loop3A_690 : vector<16xi32>
          %parallel_loop3A_692 = tpu.dynamic_gather %parallel_loop3A_680[%parallel_loop3A_691] in [0] : vector<16xf32>, vector<16xi32> -> vector<16xf32>
          %parallel_loop3A_693 = arith.constant 16 : i32
          %parallel_loop3A_694 = arith.muli %parallel_loop3A_55, %parallel_loop3A_693 : i32
          %parallel_loop3A_695 = arith.constant 14 : i32
          %parallel_loop3A_696 = arith.index_cast %parallel_loop3A_695 : i32 to index
          %parallel_loop3A_697 = arith.index_cast %parallel_loop3A_694 : i32 to index
          %parallel_loop3A_698 = tpu.vector_load %arg4[%parallel_loop3A_696, %parallel_loop3A_697] {strides = array<i32>} : memref<16x2048xf32, #tpu.memory_space<vmem>>, vector<1x16xf32>,
          %parallel_loop3A_699 = vector.shape_cast %parallel_loop3A_698 : vector<1x16xf32> to vector<16xf32>
          %parallel_loop3A_700 = vector.shape_cast %parallel_loop3A_692 : vector<16xf32> to vector<1x16xf32>
          tpu.vector_store %arg4[%parallel_loop3A_696, %parallel_loop3A_697], %parallel_loop3A_700 {strides = array<i32>} : memref<16x2048xf32, #tpu.memory_space<vmem>>, vector<1x16xf32>,
          %parallel_loop3A_701 = arith.constant 15 : i32
          %parallel_loop3A_702 = vector.broadcast %parallel_loop3A_701 : i32 to vector<16xi32>
          %parallel_loop3A_703 = tpu.iota {dimensions = array<i32: 0>} : vector<16xi32>
          %parallel_loop3A_704 = arith.subi %parallel_loop3A_702, %parallel_loop3A_703 : vector<16xi32>
          %parallel_loop3A_705 = tpu.dynamic_gather %parallel_loop3A_687[%parallel_loop3A_704] in [0] : vector<16xf32>, vector<16xi32> -> vector<16xf32>
          %parallel_loop3A_706 = arith.constant 127 : i32
          %parallel_loop3A_707 = arith.subi %parallel_loop3A_706, %parallel_loop3A_55 : i32
          %parallel_loop3A_708 = arith.constant 16 : i32
          %parallel_loop3A_709 = arith.muli %parallel_loop3A_707, %parallel_loop3A_708 : i32
          %parallel_loop3A_710 = arith.constant 14 : i32
          %parallel_loop3A_711 = arith.index_cast %parallel_loop3A_710 : i32 to index
          %parallel_loop3A_712 = arith.index_cast %parallel_loop3A_709 : i32 to index
          %parallel_loop3A_713 = tpu.vector_load %arg4[%parallel_loop3A_711, %parallel_loop3A_712] {strides = array<i32>} : memref<16x2048xf32, #tpu.memory_space<vmem>>, vector<1x16xf32>,
          %parallel_loop3A_714 = vector.shape_cast %parallel_loop3A_713 : vector<1x16xf32> to vector<16xf32>
          %parallel_loop3A_715 = vector.shape_cast %parallel_loop3A_705 : vector<16xf32> to vector<1x16xf32>
          tpu.vector_store %arg4[%parallel_loop3A_711, %parallel_loop3A_712], %parallel_loop3A_715 {strides = array<i32>} : memref<16x2048xf32, #tpu.memory_space<vmem>>, vector<1x16xf32>,
          %parallel_loop3A_716 = arith.constant 127 : i32
          %parallel_loop3A_717 = arith.subi %parallel_loop3A_716, %parallel_loop3A_55 : i32
          %parallel_loop3A_718 = arith.constant 16 : i32
          %parallel_loop3A_719 = arith.muli %parallel_loop3A_717, %parallel_loop3A_718 : i32
          %parallel_loop3A_720 = arith.constant 15 : i32
          %parallel_loop3A_721 = arith.index_cast %parallel_loop3A_720 : i32 to index
          %parallel_loop3A_722 = arith.index_cast %parallel_loop3A_719 : i32 to index
          %parallel_loop3A_723 = tpu.vector_load %arg4[%parallel_loop3A_721, %parallel_loop3A_722] {strides = array<i32>} : memref<16x2048xf32, #tpu.memory_space<vmem>>, vector<1x16xf32>,
          %parallel_loop3A_724 = vector.shape_cast %parallel_loop3A_723 : vector<1x16xf32> to vector<16xf32>
          %parallel_loop3A_725 = arith.constant 16 : i32
          %parallel_loop3A_726 = arith.muli %parallel_loop3A_55, %parallel_loop3A_725 : i32
          %parallel_loop3A_727 = arith.constant 15 : i32
          %parallel_loop3A_728 = arith.index_cast %parallel_loop3A_727 : i32 to index
          %parallel_loop3A_729 = arith.index_cast %parallel_loop3A_726 : i32 to index
          %parallel_loop3A_730 = tpu.vector_load %arg4[%parallel_loop3A_728, %parallel_loop3A_729] {strides = array<i32>} : memref<16x2048xf32, #tpu.memory_space<vmem>>, vector<1x16xf32>,
          %parallel_loop3A_731 = vector.shape_cast %parallel_loop3A_730 : vector<1x16xf32> to vector<16xf32>
          %parallel_loop3A_732 = arith.constant 15 : i32
          %parallel_loop3A_733 = vector.broadcast %parallel_loop3A_732 : i32 to vector<16xi32>
          %parallel_loop3A_734 = tpu.iota {dimensions = array<i32: 0>} : vector<16xi32>
          %parallel_loop3A_735 = arith.subi %parallel_loop3A_733, %parallel_loop3A_734 : vector<16xi32>
          %parallel_loop3A_736 = tpu.dynamic_gather %parallel_loop3A_724[%parallel_loop3A_735] in [0] : vector<16xf32>, vector<16xi32> -> vector<16xf32>
          %parallel_loop3A_737 = arith.constant 16 : i32
          %parallel_loop3A_738 = arith.muli %parallel_loop3A_55, %parallel_loop3A_737 : i32
          %parallel_loop3A_739 = arith.constant 15 : i32
          %parallel_loop3A_740 = arith.index_cast %parallel_loop3A_739 : i32 to index
          %parallel_loop3A_741 = arith.index_cast %parallel_loop3A_738 : i32 to index
          %parallel_loop3A_742 = tpu.vector_load %arg4[%parallel_loop3A_740, %parallel_loop3A_741] {strides = array<i32>} : memref<16x2048xf32, #tpu.memory_space<vmem>>, vector<1x16xf32>,
          %parallel_loop3A_743 = vector.shape_cast %parallel_loop3A_742 : vector<1x16xf32> to vector<16xf32>
          %parallel_loop3A_744 = vector.shape_cast %parallel_loop3A_736 : vector<16xf32> to vector<1x16xf32>
          tpu.vector_store %arg4[%parallel_loop3A_740, %parallel_loop3A_741], %parallel_loop3A_744 {strides = array<i32>} : memref<16x2048xf32, #tpu.memory_space<vmem>>, vector<1x16xf32>,
          %parallel_loop3A_745 = arith.constant 15 : i32
          %parallel_loop3A_746 = vector.broadcast %parallel_loop3A_745 : i32 to vector<16xi32>
          %parallel_loop3A_747 = tpu.iota {dimensions = array<i32: 0>} : vector<16xi32>
          %parallel_loop3A_748 = arith.subi %parallel_loop3A_746, %parallel_loop3A_747 : vector<16xi32>
          %parallel_loop3A_749 = tpu.dynamic_gather %parallel_loop3A_731[%parallel_loop3A_748] in [0] : vector<16xf32>, vector<16xi32> -> vector<16xf32>
          %parallel_loop3A_750 = arith.constant 127 : i32
          %parallel_loop3A_751 = arith.subi %parallel_loop3A_750, %parallel_loop3A_55 : i32
          %parallel_loop3A_752 = arith.constant 16 : i32
          %parallel_loop3A_753 = arith.muli %parallel_loop3A_751, %parallel_loop3A_752 : i32
          %parallel_loop3A_754 = arith.constant 15 : i32
          %parallel_loop3A_755 = arith.index_cast %parallel_loop3A_754 : i32 to index
          %parallel_loop3A_756 = arith.index_cast %parallel_loop3A_753 : i32 to index
          %parallel_loop3A_757 = tpu.vector_load %arg4[%parallel_loop3A_755, %parallel_loop3A_756] {strides = array<i32>} : memref<16x2048xf32, #tpu.memory_space<vmem>>, vector<1x16xf32>,
          %parallel_loop3A_758 = vector.shape_cast %parallel_loop3A_757 : vector<1x16xf32> to vector<16xf32>
          %parallel_loop3A_759 = vector.shape_cast %parallel_loop3A_749 : vector<16xf32> to vector<1x16xf32>
          tpu.vector_store %arg4[%parallel_loop3A_755, %parallel_loop3A_756], %parallel_loop3A_759 {strides = array<i32>} : memref<16x2048xf32, #tpu.memory_space<vmem>>, vector<1x16xf32>,
        } {sc.loop_unroll_factor = 4 : i64, sc.parallel_access}
        %mul3A_39 = arith.constant 16 : i32
        %mul3A_40 = arith.muli %scan3A_24, %mul3A_39 : i32
        %add3A_41 = arith.addi %mul3A_2, %mul3A_40 : i32
        %dma_start3A_42 = arith.constant 0 : i32
        %dma_start3A_43 = tpu.memref_slice %arg3[%add3A_41, %dma_start3A_42] : memref<16384x2048xf32, #tpu.memory_space<hbm>> -> memref<16x2048xf32, #tpu.memory_space<hbm>>
        %dma_start3A_44 = arith.constant 0 : i32
        %dma_start3A_45 = tpu.memref_slice %arg3[%add3A_41, %dma_start3A_44] : memref<16384x2048xf32, #tpu.memory_space<hbm>> -> memref<16x2048xf32, #tpu.memory_space<hbm>>
        tpu.enqueue_dma source(%arg4 : memref<16x2048xf32, #tpu.memory_space<vmem>>) target(%dma_start3A_45 : memref<16x2048xf32, #tpu.memory_space<hbm>>) target_semaphore(%arg10 : memref<!tpu.dma_semaphore, #tpu.memory_space<semaphore_mem>>)
        %ge3A = arith.constant 1 : i32
        %ge3A_46 = arith.cmpi sge, %scan3A_24, %ge3A : i32
        %convert_element_type3A = arith.extui %ge3A_46 : i1 to i32
        %cond3A_47 = arith.constant 0 : i32
        %cond3A_48 = arith.cmpi ne, %convert_element_type3A, %cond3A_47 : i32
        scf.if %cond3A_48 {
          %sub3A = arith.constant 1 : i32
          %sub3A_55 = arith.subi %scan3A_24, %sub3A : i32
          %mul3A_56 = arith.constant 16 : i32
          %mul3A_57 = arith.muli %sub3A_55, %mul3A_56 : i32
          %add3A_58 = arith.addi %mul3A_2, %mul3A_57 : i32
          %dma_wait3A_59 = arith.constant 0 : i32
          %dma_wait3A_60 = tpu.memref_slice %arg3[%add3A_58, %dma_wait3A_59] : memref<16384x2048xf32, #tpu.memory_space<hbm>> -> memref<16x2048xf32, #tpu.memory_space<hbm>>
          %dma_wait3A_61 = arith.constant 0 : i32
          %dma_wait3A_62 = tpu.memref_slice %arg3[%add3A_58, %dma_wait3A_61] : memref<16384x2048xf32, #tpu.memory_space<hbm>> -> memref<16x2048xf32, #tpu.memory_space<hbm>>
          tpu.wait_dma2 semaphore(%arg12 : memref<!tpu.dma_semaphore, #tpu.memory_space<semaphore_mem>>) src(%arg6 : memref<16x2048xf32, #tpu.memory_space<vmem>>) dst(%dma_wait3A_62 : memref<16x2048xf32, #tpu.memory_space<hbm>>)
        } else {
        }
        %add3A_49 = arith.constant 2 : i32
        %add3A_50 = arith.addi %scan3A_24, %add3A_49 : i32
        %lt3A = arith.constant 32 : i32
        %lt3A_51 = arith.cmpi slt, %add3A_50, %lt3A : i32
        %convert_element_type3A_52 = arith.extui %lt3A_51 : i1 to i32
        %cond3A_53 = arith.constant 0 : i32
        %cond3A_54 = arith.cmpi ne, %convert_element_type3A_52, %cond3A_53 : i32
        scf.if %cond3A_54 {
          %add3A_55 = arith.constant 2 : i32
          %add3A_56 = arith.addi %scan3A_24, %add3A_55 : i32
          %mul3A_57 = arith.constant 16 : i32
          %mul3A_58 = arith.muli %add3A_56, %mul3A_57 : i32
          %add3A_59 = arith.addi %mul3A_2, %mul3A_58 : i32
          %dma_start3A_60 = arith.constant 0 : i32
          %dma_start3A_61 = tpu.memref_slice %arg2[%add3A_59, %dma_start3A_60] : memref<16384x2048xf32, #tpu.memory_space<hbm>> -> memref<16x2048xf32, #tpu.memory_space<hbm>>
          %dma_start3A_62 = arith.constant 0 : i32
          %dma_start3A_63 = tpu.memref_slice %arg2[%add3A_59, %dma_start3A_62] : memref<16384x2048xf32, #tpu.memory_space<hbm>> -> memref<16x2048xf32, #tpu.memory_space<hbm>>
          tpu.enqueue_dma source(%dma_start3A_63 : memref<16x2048xf32, #tpu.memory_space<hbm>>) target(%arg6 : memref<16x2048xf32, #tpu.memory_space<vmem>>) target_semaphore(%arg9 : memref<!tpu.dma_semaphore, #tpu.memory_space<semaphore_mem>>)
        } else {
        }
      }
    }
    %scan3A_18 = arith.constant 32 : i32
    %add3A_19 = arith.constant 496 : i32
    %add3A_20 = arith.addi %mul3A_2, %add3A_19 : i32
    %dma_wait3A = arith.constant 0 : i32
    %dma_wait3A_21 = tpu.memref_slice %arg3[%add3A_20, %dma_wait3A] : memref<16384x2048xf32, #tpu.memory_space<hbm>> -> memref<16x2048xf32, #tpu.memory_space<hbm>>
    %dma_wait3A_22 = arith.constant 0 : i32
    %dma_wait3A_23 = tpu.memref_slice %arg3[%add3A_20, %dma_wait3A_22] : memref<16384x2048xf32, #tpu.memory_space<hbm>> -> memref<16x2048xf32, #tpu.memory_space<hbm>>
    tpu.wait_dma2 semaphore(%arg11 : memref<!tpu.dma_semaphore, #tpu.memory_space<semaphore_mem>>) src(%arg5 : memref<16x2048xf32, #tpu.memory_space<vmem>>) dst(%dma_wait3A_23 : memref<16x2048xf32, #tpu.memory_space<hbm>>)
    return
  }
}

</mosaic_0001>

<sc_bundles>
// kernel: kernel.3.cloned.1.call-start
scs
__scs_entry_jumppad:
0x0: {  	(pc) =	sbr.rel $0x88, $3  }
0x1: {  	(tag) =	ssettag $0x0;
	lr =	simm.s32 $0x1  }
0x2: {  	[smem:$0x3FA0] =	sst lr;
	_ =	strace $0xD0000000  }
0x3: {  	_ = 	snop  }
0x4: {  	_ = 	snop  }
0x5: {  	_ = 	snop  }
0x6: {  	_ = 	snop  }
0x7: {  	_ = 	snop  }
__scs_overlays_trampoline_lowered:
0x8: {  	[smem:$0x3FAF] =	sst s0  }
0x9: {  	[smem:$0x3FB0] =	sst s1  }
0xa: {  	[smem:$0x3FB1] =	sst s2  }
0xb: {  	[smem:$0x3FB2] =	sst s3  }
0xc: {  	[smem:$0x3FB3] =	sst s4  }
0xd: {  	[smem:$0x3FB4] =	sst s5  }
0xe: {  	[smem:$0x3FB5] =	sst s6  }
0xf: {  	[smem:$0x3FB6] =	sst s7  }
0x10: {  	[smem:$0x3FB7] =	sst s8  }
0x11: {  	[smem:$0x3FB8] =	sst s9;
	s0 =	simm.s32 @!p0 $0x0  }
0x12: {  	s1 =	sld [smem:$0x3F9E];
	s0 =	simm.s32 @p0 $0x1  }
0x13: {  	[smem:$0x3FB9] =	sst s0;
	s0 =	simm.s32 @!p1 $0x0  }
0x14: {  	s2 =	sld [smem:$0x3F9D];
	s0 =	simm.s32 @p1 $0x1  }
0x15: {  	[smem:$0x3FBA] =	sst s0;
	s0 =	simm.s32 @!p2 $0x0  }
0x16: {  	s3 =	sld [smem:$0x3FDB];
	s0 =	simm.s32 @p2 $0x1  }
0x17: {  	s4 =	simm.s32 $0x1BF5;
	[smem:$0x3FBC] =	sst s0  }
0x18: {  	s0 =	sld [smem:$0x3F9F];
	_ =	swait.ge [sflag:s4], $0x0  }
0x19: {  	s7 =	sld [smem:$0x3FA0]  }
0x1a: {  	s8 =	sadd.s32 $0xFFFFE003, lr  }
0x1b: {  	s9 =	sadd.s32 $0xFFFFFEF7, lr;
	s5 =	simm.s32 $0xFFFFFFFF;
	p2 =	slt.u32 s8, $0xFFFFF086  }
0x1c: {  	p1 =	slt.u32 s9, $0xF7A;
	s5 =	simm.s32 @!p2 $0x0  }
0x1d: {  	s5 =	simm.s32 @p1 $0x1;
	p0 =	seq.s32 s7, s2  }
0x1e: {  	s7 =	smul.u32 @!p0 $0xF7A, s2;
	p2 =	seq.s32 @!p0 s5, $0x0  }
0x1f: {  	s9 =	smul.u32 $0xF7A, s1;
	s8 =	simm.s32 @!p0 $0x1BF5;
	p2 =	por !p2, p0  }
0x20: {  	[sflag:s8] =	ssyncset.s32 @!p0 $0xFFFFF086;
	s6 =	sadd.s32 @!p0 s3, s7;
	s7 =	simm.s32 @!p0 $0x108  }
0x21: {  	s3 =	sadd.s32 s3, s9;
	s6 =	sadd.s32 @!p0 $0x88, s6;
	s7 =	simm.s32 @p2 $0x1082  }
0x22: {  	[simem:s7], [sflag:s8] =	dma.local @!p0 [hbm:s6], $0xF7A  }
0x23: {  	s9 =	sor.u32 $0xD0000000, s2;
	s6 =	simm.s32 $0x108;
	_ =	swait.ge @!p0 [sflag:s8], $0x0  }
0x24: {  	s3 =	sadd.s32 $0x88, s3;
	s6 =	simm.s32 @!p1 $0x1082;
	[sflag:s4] =	ssyncset.s32 $0xFFFFF086  }
0x25: {  	[simem:s6], [sflag:s4] =	dma.local [hbm:s3], $0xF7A  }
0x26: {  	[smem:$0x3FA0] =	sst s1;
	(tag) =	ssettag s2;
	_ =	strace s9  }
0x27: {  	s1 =	sld [smem:$0x3FB0]  }
0x28: {  	s2 =	sld [smem:$0x3FB1]  }
0x29: {  	s4 =	sld [smem:$0x3FB3]  }
0x2a: {  	p0 =	seq.s32 s5, $0x0;
	s5 =	sld [smem:$0x3FB4]  }
0x2b: {  	s6 =	sld [smem:$0x3FB5]  }
0x2c: {  	s7 =	sld [smem:$0x3FB6]  }
0x2d: {  	s3 =	simm.s32 $0x108;
	s8 =	sld [smem:$0x3FB7]  }
0x2e: {  	s3 =	simm.s32 @!p0 $0x1082;
	s9 =	sld [smem:$0x3FB8]  }
0x2f: {  	lr =	sadd.s32 s0, s3;
	s0 =	sld [smem:$0x3FAF]  }
0x30: {  	s3 =	sld [smem:$0x3FB2]  }
0x31: {  	[smem:$0x3FBB] =	sst s10  }
0x32: {  	s10 =	sld [smem:$0x3FB9];
	_ =	sdelay $0x3  }
0x33: {  	p0 =	seq.s32 s10, $0x1;
	s10 =	sld [smem:$0x3FBB];
	_ =	sdelay $0x3  }
0x34: {  	[smem:$0x3FBB] =	sst s10  }
0x35: {  	s10 =	sld [smem:$0x3FBA];
	_ =	sdelay $0x3  }
0x36: {  	p1 =	seq.s32 s10, $0x1;
	s10 =	sld [smem:$0x3FBB];
	_ =	sdelay $0x3  }
0x37: {  	[smem:$0x3FBB] =	sst s10  }
0x38: {  	s10 =	sld [smem:$0x3FBC]  }
0x39: {  	_ = 	snop;
	(pc) =	sbr.ind lr, $3  }
0x3a: {  	_ = 	snop  }
0x3b: {  	_ = 	snop  }
0x3c: {  	p2 =	seq.s32 s10, $0x1;
	s10 =	sld [smem:$0x3FBB]  }
0x3d: {  	_ =	shalt  }
0x3e: {  	_ =	shalt  }
0x3f: {  	_ =	shalt  }
0x40: {  	_ =	shalt  }
0x41: {  	_ =	shalt  }
0x42: {  	_ =	shalt  }
0x43: {  	_ =	shalt  }
0x44: {  	_ =	shalt  }
0x45: {  	_ =	shalt  }
0x46: {  	_ =	shalt  }
0x47: {  	_ =	shalt  }
0x48: {  	_ =	shalt  }
0x49: {  	_ =	shalt  }
0x4a: {  	_ =	shalt  }
0x4b: {  	_ =	shalt  }
0x4c: {  	_ =	shalt  }
0x4d: {  	_ =	shalt  }
0x4e: {  	_ =	shalt  }
0x4f: {  	_ =	shalt  }
0x50: {  	_ =	shalt  }
0x51: {  	_ =	shalt  }
0x52: {  	_ =	shalt  }
0x53: {  	_ =	shalt  }
0x54: {  	_ =	shalt  }
0x55: {  	_ =	shalt  }
0x56: {  	_ =	shalt  }
0x57: {  	_ =	shalt  }
0x58: {  	_ =	shalt  }
0x59: {  	_ =	shalt  }
0x5a: {  	_ =	shalt  }
0x5b: {  	_ =	shalt  }
0x5c: {  	_ =	shalt  }
0x5d: {  	_ =	shalt  }
0x5e: {  	_ =	shalt  }
0x5f: {  	_ =	shalt  }
0x60: {  	_ =	shalt  }
0x61: {  	_ =	shalt  }
0x62: {  	_ =	shalt  }
0x63: {  	_ =	shalt  }
0x64: {  	_ =	shalt  }
0x65: {  	_ =	shalt  }
0x66: {  	_ =	shalt  }
0x67: {  	_ =	shalt  }
0x68: {  	_ =	shalt  }
0x69: {  	_ =	shalt  }
0x6a: {  	_ =	shalt  }
0x6b: {  	_ =	shalt  }
0x6c: {  	_ =	shalt  }
0x6d: {  	_ =	shalt  }
0x6e: {  	_ =	shalt  }
0x6f: {  	_ =	shalt  }
0x70: {  	_ =	shalt  }
0x71: {  	_ =	shalt  }
0x72: {  	_ =	shalt  }
0x73: {  	_ =	shalt  }
0x74: {  	_ =	shalt  }
0x75: {  	_ =	shalt  }
0x76: {  	_ =	shalt  }
0x77: {  	_ =	shalt  }
0x78: {  	_ =	shalt  }
0x79: {  	_ =	shalt  }
0x7a: {  	_ =	shalt  }
0x7b: {  	_ =	shalt  }
0x7c: {  	_ =	shalt  }
0x7d: {  	_ =	shalt  }
0x7e: {  	_ =	shalt  }
0x7f: {  	_ =	shalt  }
0x80: {  	_ =	shalt  }
0x81: {  	_ =	shalt  }
0x82: {  	_ =	shalt  }
0x83: {  	_ =	shalt  }
0x84: {  	_ =	shalt  }
0x85: {  	_ =	shalt  }
0x86: {  	_ =	shalt  }
0x87: {  	_ =	shalt  }
.Lfunc_end0:
.L_simem_size_0:
called_computation_lowered:
.L_overlay_start_0:
0x88: {  	s2 =	sld [smem:$0x3FD9]  }
0x89: {  	s3 =	sld [smem:$0x3FFE];
	_ =	sdelay $0x1  }
0x8a: {  	s1 =	srdreg.scid  }
0x8b: {  	s0 =	sand.u32 $0x1, s1  }
0x8c: {  	s18 =	sshll.u32 s0, $0xA;
	s2 =	sadd.s32 s3, s2  }
0x8d: {  	s2 =	sadd.s32 s2, s18  }
0x8e: {  	[smem:$0x3FC7] =	sst s2  }
0x8f: {  	_ = 	snop  }
0x90: {  	s2 =	sld [smem:$0x3FC9]  }
0x91: {  	s19 =	sld [smem:$0x3FD0];
	(tm) =	ssettm $0x1  }
0x92: {  	s4 =	sld [smem:$0x3FFB];
	_ =	sdelay $0x3  }
0x93: {  	_ =	strace s4  }
0x94: {  	s4 =	sld [smem:$0x3FFC];
	_ =	sdelay $0x3  }
0x95: {  	_ =	strace s4  }
0x96: {  	s4 =	sld [smem:$0x3FFD];
	_ =	sdelay $0x3  }
0x97: {  	_ =	strace s4  }
0x98: {  	_ =	strace $0x8FFFFFFF  }
0x99: {  	s20 =	sld [smem:$0x3FDB];
	_ =	sdelay $0x1  }
0x9a: {  	s5 =	simm.s32 $_scs_section_size  }
0x9b: {  	s6 =	simm.s32 $_size__tile_overlayer_lowered;
	s7 =	simm.s32 $_tile_overlayer_lowered  }
0x9c: {  	s23 =	simm.s32 $0x1BFF;
	s22 =	sshll.u32 s7, $0x1;
	s4 =	sadd.s32 s5, s20  }
0x9d: {  	s8 =	simm.s32 $0x0;
	s21 =	sshll.u32 s6, $0x1;
	s6 =	sadd.s32 s22, s4  }
0x9e: {  	[timem:s8], [sflag:s23] =	dma.local [hbm:s6], s21  }
0x9f: {  	_ =	swait.ge [sflag:s23], s21  }
0xa0: {  	s5 =	ssub.s32 $0x0, s21;
	[sflag:s23] =	ssyncset.done $0x0  }
0xa1: {  	[sflag:s23] =	ssyncadd.s32 s5;
	_ =	sdelay $0x1  }
0xa2: {  	s24 =	simm.s32 $0x1B8B  }
0xa3: {  	_ =	swait.ge [sflag:s24], $0x1  }
0xa4: {  	[sflag:s24] =	ssyncset.done $0x0  }
0xa5: {  	s25 =	simm.s32 $0x1B8E;
	[sflag:s24] =	ssyncadd.s32 $0xFFFFFFFF  }
0xa6: {  	s26 =	simm.s32 $execute0_lowered;
	[smem:$0x3FD2] =	sst s25  }
0xa7: {  	s5 =	sshll.u32 s26, $0x1;
	_ =	strace $0x80000046;
	[dreg:$0x1] =	wrdreg $0xFFFFFFFF  }
0xa8: {  	s28 =	simm.s32 $_size_execute0_lowered;
	s4 =	sadd.s32 s4, s5;
	[dreg:$0x0] =	wrdreg $0x0  }
0xa9: {  	s5 =	sshll.u32 s28, $0x1;
	[dreg:$0x2] =	wrdreg s4  }
0xaa: {  	[dreg:$0x3] =	wrdreg s5  }
0xab: {  	[dreg:$0x4] =	wrdreg $0xC0  }
0xac: {  	_ =	task [dreg:s8], $0x5FFFF  }
0xad: {  	[dreg:$0x1] =	wrdreg $0xFFFFFFFF  }
0xae: {  	[dreg:$0x0] =	wrdreg $0x60  }
0xaf: {  	[dreg:$0x2] =	wrdreg s2  }
0xb0: {  	[dreg:$0x3] =	wrdreg s19  }
0xb1: {  	[dreg:$0x4] =	wrdreg $0x9  }
0xb2: {  	_ =	task.clear_ibuf [dreg:s8], $0x5FFFF;
	_ =	strace $0x90000046  }
0xb3: {  	s29 =	simm.s32 $0x9;
	_ =	strace $0x80000048  }
0xb4: {  	_ =	swait.ge [sflag:s29], $0x1  }
0xb5: {  	[sflag:s29] =	ssyncadd.s32 $0xFFFFFFFF  }
0xb6: {  	_ =	strace $0x90000048  }
0xb7: {  	_ =	sfence  }
0xb8: {  	s30 =	sld [smem:$0x0];
	_ =	sdelay $0x2  }
0xb9: {  	s31 =	sshll.u32 s1, $0xD;
	s1 =	sshrl.u32 s1, $0x2  }
0xba: {  	s3 =	sand.u32 $0x4000, s31;
	s1 =	sadd.s32 s1, s30  }
0xbb: {  	s0 =	sor.u32 s3, s0;
	s1 =	sshll.u32 s1, $0x11  }
0xbc: {  	s0 =	sor.u32 s1, s0  }
0xbd: {  	s0 =	sadd.s32 $0x8F2B, s0  }
0xbe: {  	[sflag:s0] =	ssyncadd.remote.s32 $0x1  }
0xbf: {  	_ =	sfence.sel $0xFFFF  }
0xc0: {  	[dreg:$0x0] =	wrdreg $0xFFFFFFFF;
	(pc) =	sbr.abs _section_cstart, $3  }
0xc1: {  	[dreg:$0x1] =	wrdreg $0xFFFFFFFF  }
0xc2: {  	_ =	task.clear_ibuf [dreg:s8], $0x2FFFF;
	_ =	strace $0x9FFFFFFF  }
0xc3: {  	(tm) =	ssettm $0x7FFFFFFF  }
tec
execute0_lowered:
.L_overlay_start_1:
0x0: {  	(tag) =	ssettag $0x1  }
0x1: {  	s1 =	rddreg [dreg:$0x1];
	s2 =	srdreg.scid  }
0x2: {  	s5 =	simm.s32 $0x0;
	s4 =	stileid.u32;
	s2 =	sand.u32 $0x1, s2  }
0x3: {  	s4 =	sshll.u32 s4, $0x12;
	s3 =	ssub.s32 $0x2, s2;
	s2 =	sshll.u32 s2, $0x11  }
0x4: {  	[smem:$0x7FF] =	sst s5;
	s2 =	sor.u32 s2, s4  }
0x5: {  	s0 =	rddreg [dreg:$0x0];
	_ =	strace $0x80000047;
	s1 =	sadd.s32 s1, s2  }
.Ltmp0:
0x6: {  	s0 =	sadd.s32 s0, s2;
	[smem:$0x7FA] =	sst s1;
	(pc) =	sbr.rel .LBB2_1-.Ltmp0, $4  }
0x7: {  	v0 =	vlaneseq.u32;
	s29 =	sshrl.u32 s3, $0x1;
	s30 =	sadd.s32 $0x1000, s0;
	[smem:$0x7FB] =	sst s0  }
0x8: {  	v0 =	vmul.u32 $0xFFFFFFFF, v0;
	s3 =	ssub.s32 s3, s29;
	s0 =	sadd.s32 $0x2000, s0;
	[smem:$0x7F9] =	sst s30  }
0x9: {  	s31 =	smax.u32 s3, $0x1;
	[smem:$0x7FC] =	sst s0  }
0xa: {  	v0 =	vadd.s32 $0xF, v0;
	s2 =	simm.s32 $0x0;
	[smem:$0x7FD] =	sst s31  }
.LBB2_15:
0xb: {  	s1 =	simm.s32 $0x5  }
0xc: {  	_ =	swait.ge [sflag:s1], $0x8000  }
0xd: {  	s2 =	sld [smem:$0x7F8]  }
0xe: {  	s0 =	sld [smem:$0x7FD];
	_ =	sdelay $0x1  }
0xf: {  	s2 =	sadd.s32 $0x1, s2  }
0x10: {  	p0 =	sne.s32 s2, s0  }
.Ltmp1:
0x11: {  	_ = 	snop;
	(pc) =	sbr.rel @!p0 .LBB2_16-.Ltmp1, $3  }
0x12: {  	_ =	sdelay $0x1  }
0x13: {  	[sflag:s1] =	ssyncset.done $0x0  }
0x14: {  	[sflag:s1] =	ssyncadd.s32 $0xFFFF8000  }
.LBB2_1:
0x15: {  	s1 =	sld [smem:$0x7FB]  }
.Ltmp2:
0x16: {  	_ = 	snop;
	(pc) =	sbr.rel .LBB2_2-.Ltmp2, $4  }
0x17: {  	s0 =	simm.s32 $0x0;
	s30 =	sld [smem:$0x7F9]  }
0x18: {  	[tilespmem:s0], [sflag:$0x1] =	stream.linear.gather [hbm4b:s1+s0], $0x8000, $0x38;
	[tilespmem:$0x18000] =	vst v63  }
0x19: {  	[smem:$0x7F8] =	sst s2;
	s31 =	simm.s32 $0x8000;
	s4 =	simm.s32 $0x0  }
0x1a: {  	[tilespmem:s31], [sflag:$0x2] =	stream.linear.gather [hbm4b:s30+s0], $0x8000, $0x38;
	[tilespmem:$0x18000] =	vst v63  }
.LBB2_14:
0x1b: {  	s4 =	sadd.s32 $0x1, s4  }
0x1c: {  	p0 =	sne.s32 s4, $0x20  }
.Ltmp3:
0x1d: {  	_ = 	snop;
	(pc) =	sbr.rel @!p0 .LBB2_15-.Ltmp3, $1  }
0x1e: {  	_ =	sdelay $0x3  }
.LBB2_2:
0x1f: {  	s0 =	smul.u32 $0xAB, s4;
	_ =	sdelay $0x1  }
0x20: {  	s0 =	sshrl.u32 s0, $0x9  }
0x21: {  	s0 =	sand.u32 $0x7F, s0  }
0x22: {  	s0 =	smul.u32 $0x3, s0;
	_ =	sdelay $0x1  }
0x23: {  	s0 =	ssub.s32 s4, s0  }
0x24: {  	s0 =	sand.u32 $0xFF, s0  }
0x25: {  	p0 =	seq.s32 s0, $0x0  }
.Ltmp4:
0x26: {  	_ = 	snop;
	(pc) =	sbr.rel @p0 .LBB2_11-.Ltmp4, $2  }
0x27: {  	_ =	sdelay $0x2  }
0x28: {  	[smem:$0x7F7] =	sst s4  }
0x29: {  	p0 =	seq.s32 s0, $0x1  }
.Ltmp5:
0x2a: {  	_ = 	snop;
	(pc) =	sbr.rel @!p0 .LBB2_4-.Ltmp5, $1  }
0x2b: {  	_ =	sdelay $0x3  }
0x2c: {  	s0 =	simm.s32 $0x2;
	s18 =	simm.s32 $0x7C0  }
0x2d: {  	s2 =	simm.s32 $0x0;
	s3 =	simm.s32 $0x3E00;
	_ =	swait.ge [sflag:s0], $0x8000  }
0x2e: {  	s11 =	sand.u32 $0x40, s18;
	s15 =	sand.u32 $0x40, s2;
	s1 =	sand.u32 $0x1C00, s2  }
0x2f: {  	s19 =	sand.u32 $0x3C00, s3;
	[sflag:s0] =	ssyncset.done $0x0;
	s8 =	sor.u32 $0x8000, s1  }
0x30: {  	s5 =	sor.u32 $0x30, s15;
	[sflag:s0] =	ssyncadd.s32 $0xFFFF8000;
	s0 =	sor.u32 s11, s19  }
0x31: {  	s12 =	sor.u32 s5, s8;
	v1 =	vld [tilespmem:s0+$0x8000]  }
0x32: {  	s20 =	simm.s32 $0x7F0;
	s4 =	simm.s32 $0x3F80;
	s21 =	simm.s32 $0x7E0;
	v2 =	vld [tilespmem:s12+$0x0]  }
0x33: {  	s22 =	simm.s32 $0x3F00;
	s3 =	sand.u32 $0x70, s20;
	s4 =	sand.u32 $0x3C00, s4  }
0x34: {  	s10 =	sand.u32 $0x60, s21;
	s9 =	sor.u32 s3, s4;
	s4 =	sand.u32 $0x3C00, s22  }
0x35: {  	s4 =	sor.u32 s10, s4;
	v3 =	vld [tilespmem:s9+$0x8000]  }
0x36: {  	s22 =	sor.u32 $0x10, s15;
	s6 =	sor.u32 s15, s8;
	v5 =	vld [tilespmem:s4+$0x8000];
	v1 =	vperm.xlane v1, v0  }
0x37: {  	s23 =	sor.u32 s22, s8;
	v4 =	vld [tilespmem:s6+$0x0];
	v2 =	vperm.xlane v2, v0  }
0x38: {  	v6 =	vld [tilespmem:s23+$0x0];
	[tilespmem:s12+$0x0] =	vst v1  }
0x39: {  	s7 =	simm.s32 $0x7D0;
	s13 =	simm.s32 $0x3E80;
	[tilespmem:s0+$0x8000] =	vst v2;
	v1 =	vld [tilespmem:s0+$0x8080]  }
0x3a: {  	s14 =	sand.u32 $0x50, s7;
	s13 =	sand.u32 $0x3C00, s13;
	v3 =	vperm.xlane v3, v0;
	v2 =	vld [tilespmem:s12+$0x80]  }
0x3b: {  	s7 =	sor.u32 $0x20, s15;
	s21 =	sor.u32 s14, s13;
	v5 =	vperm.xlane v5, v0  }
0x3c: {  	s8 =	sor.u32 s7, s8;
	v7 =	vld [tilespmem:s21+$0x8000];
	v4 =	vperm.xlane v4, v0;
	[tilespmem:s6+$0x0] =	vst v3  }
0x3d: {  	v6 =	vperm.xlane v6, v0;
	v3 =	vld [tilespmem:s8+$0x0];
	[tilespmem:s23+$0x0] =	vst v5  }
0x3e: {  	[tilespmem:s9+$0x8000] =	vst v4;
	v4 =	vld [tilespmem:s9+$0x8080];
	v1 =	vperm.xlane v1, v0  }
0x3f: {  	[tilespmem:s4+$0x8000] =	vst v6;
	v6 =	vld [tilespmem:s4+$0x8080];
	v2 =	vperm.xlane v2, v0  }
0x40: {  	[tilespmem:s12+$0x80] =	vst v1;
	v1 =	vld [tilespmem:s6+$0x80]  }
0x41: {  	v5 =	vperm.xlane v7, v0;
	[tilespmem:s0+$0x8080] =	vst v2;
	v2 =	vld [tilespmem:s0+$0x8100]  }
0x42: {  	v3 =	vperm.xlane v3, v0;
	v7 =	vld [tilespmem:s12+$0x100]  }
0x43: {  	[tilespmem:s8+$0x0] =	vst v5;
	v5 =	vld [tilespmem:s23+$0x80];
	v4 =	vperm.xlane v4, v0  }
0x44: {  	v6 =	vperm.xlane v6, v0;
	[tilespmem:s21+$0x8000] =	vst v3;
	v3 =	vld [tilespmem:s21+$0x8080]  }
0x45: {  	[tilespmem:s6+$0x80] =	vst v4;
	v4 =	vld [tilespmem:s8+$0x80];
	v1 =	vperm.xlane v1, v0  }
0x46: {  	[tilespmem:s23+$0x80] =	vst v6;
	v2 =	vperm.xlane v2, v0  }
0x47: {  	[tilespmem:s9+$0x8080] =	vst v1;
	v1 =	vperm.xlane v7, v0;
	v7 =	vld [tilespmem:s9+$0x8100]  }
0x48: {  	v5 =	vperm.xlane v5, v0;
	[tilespmem:s12+$0x100] =	vst v2;
	v2 =	vld [tilespmem:s6+$0x100]  }
0x49: {  	v3 =	vperm.xlane v3, v0;
	[tilespmem:s0+$0x8100] =	vst v1;
	v1 =	vld [tilespmem:s0+$0x8180]  }
0x4a: {  	[tilespmem:s4+$0x8080] =	vst v5;
	v4 =	vperm.xlane v4, v0;
	v6 =	vld [tilespmem:s12+$0x180]  }
0x4b: {  	v5 =	vld [tilespmem:s4+$0x8100];
	[tilespmem:s8+$0x80] =	vst v3  }
0x4c: {  	[tilespmem:s21+$0x8080] =	vst v4;
	v4 =	vld [tilespmem:s21+$0x8100];
	v3 =	vperm.xlane v7, v0  }
0x4d: {  	p0 =	por $0x0, $0x0;
	s13 =	simm.s32 $0x1;
	v7 =	vld [tilespmem:s23+$0x100];
	v2 =	vperm.xlane v2, v0  }
0x4e: {  	s13 =	simm.s32 @!p0 $0x0;
	[tilespmem:s6+$0x100] =	vst v3;
	v1 =	vperm.xlane v1, v0  }
0x4f: {  	s13 =	sshll.u32 s13, $0x6;
	v3 =	vld [tilespmem:s8+$0x100];
	[tilespmem:s9+$0x8100] =	vst v2;
	v2 =	vperm.xlane v6, v0  }
0x50: {  	s11 =	sadd.s32 $0x3E00, s11;
	s13 =	sadd.s32 $0x0, s13;
	v6 =	vld [tilespmem:s9+$0x8180];
	[tilespmem:s12+$0x180] =	vst v1  }
0x51: {  	s24 =	sor.u32 $0x200, s11;
	v5 =	vperm.xlane v5, v0;
	v1 =	vld [tilespmem:s6+$0x180];
	s12 =	sadd.s32 $0x30, s13;
	[tilespmem:s0+$0x8180] =	vst v2  }
0x52: {  	v7 =	vperm.xlane v7, v0;
	v2 =	vperm.xlane v4, v0;
	s16 =	sor.u32 $0x200, s12;
	v4 =	vld [tilespmem:s24+$0x8000]  }
0x53: {  	[tilespmem:s23+$0x100] =	vst v5;
	v5 =	vld [tilespmem:s16+$0x8000]  }
0x54: {  	[tilespmem:s4+$0x8100] =	vst v7;
	v3 =	vperm.xlane v3, v0;
	v7 =	vld [tilespmem:s4+$0x8180]  }
0x55: {  	[tilespmem:s8+$0x100] =	vst v2;
	v2 =	vperm.xlane v6, v0;
	v6 =	vld [tilespmem:s23+$0x180]  }
0x56: {  	[tilespmem:s21+$0x8100] =	vst v3;
	v1 =	vperm.xlane v1, v0;
	v3 =	vld [tilespmem:s21+$0x8180]  }
0x57: {  	[tilespmem:s6+$0x180] =	vst v2;
	v4 =	vperm.xlane v4, v0  }
0x58: {  	v2 =	vld [tilespmem:s8+$0x180];
	[tilespmem:s9+$0x8180] =	vst v1;
	v1 =	vperm.xlane v5, v0  }
0x59: {  	s17 =	sor.u32 $0x200, s13;
	v5 =	vld [tilespmem:s9+$0x8200];
	v7 =	vperm.xlane v7, v0;
	[tilespmem:s16+$0x8000] =	vst v4  }
0x5a: {  	s25 =	sor.u32 $0x280, s11;
	v4 =	vld [tilespmem:s17+$0x8000];
	v6 =	vperm.xlane v6, v0;
	[tilespmem:s24+$0x8000] =	vst v1  }
0x5b: {  	s26 =	sor.u32 $0x280, s12;
	[tilespmem:s23+$0x180] =	vst v7;
	v1 =	vperm.xlane v3, v0;
	v3 =	vld [tilespmem:s25+$0x8000]  }
0x5c: {  	s6 =	sadd.s32 $0x10, s13;
	[tilespmem:s4+$0x8180] =	vst v6;
	v6 =	vld [tilespmem:s26+$0x8000]  }
0x5d: {  	s30 =	sor.u32 $0x200, s6;
	v2 =	vperm.xlane v2, v0;
	v7 =	vld [tilespmem:s4+$0x8200]  }
0x5e: {  	[tilespmem:s8+$0x180] =	vst v1;
	s8 =	sadd.s32 $0x20, s13;
	v1 =	vperm.xlane v5, v0;
	v5 =	vld [tilespmem:s30+$0x8000]  }
0x5f: {  	[tilespmem:s21+$0x8180] =	vst v2;
	s18 =	sor.u32 $0x200, s8;
	v2 =	vperm.xlane v4, v0;
	v4 =	vld [tilespmem:s21+$0x8200]  }
0x60: {  	[tilespmem:s17+$0x8000] =	vst v1;
	v1 =	vld [tilespmem:s18+$0x8000];
	v3 =	vperm.xlane v3, v0  }
0x61: {  	[tilespmem:s9+$0x8200] =	vst v2;
	v2 =	vperm.xlane v6, v0  }
0x62: {  	s31 =	sor.u32 $0x280, s13;
	v6 =	vld [tilespmem:s9+$0x8280];
	v7 =	vperm.xlane v7, v0;
	[tilespmem:s26+$0x8000] =	vst v3  }
0x63: {  	s3 =	sor.u32 $0x300, s11;
	v5 =	vperm.xlane v5, v0;
	v3 =	vld [tilespmem:s31+$0x8000];
	[tilespmem:s25+$0x8000] =	vst v2  }
0x64: {  	s20 =	simm.s32 $0x7D0;
	s23 =	sor.u32 $0x300, s12;
	[tilespmem:s30+$0x8000] =	vst v7;
	v2 =	vperm.xlane v4, v0;
	v4 =	vld [tilespmem:s3+$0x8000]  }
0x65: {  	s10 =	sand.u32 $0x70, s20;
	[tilespmem:s4+$0x8200] =	vst v5;
	v1 =	vperm.xlane v1, v0;
	v5 =	vld [tilespmem:s23+$0x8000]  }
0x66: {  	s10 =	sadd.s32 $0x3E80, s10;
	s19 =	sor.u32 $0x280, s6;
	v7 =	vld [tilespmem:s4+$0x8280];
	[tilespmem:s18+$0x8000] =	vst v2  }
0x67: {  	s24 =	sor.u32 $0x280, s10;
	v2 =	vperm.xlane v6, v0;
	v6 =	vld [tilespmem:s19+$0x8000];
	[tilespmem:s21+$0x8200] =	vst v1  }
0x68: {  	s20 =	sor.u32 $0x280, s8;
	v1 =	vperm.xlane v3, v0;
	v3 =	vld [tilespmem:s24+$0x8000]  }
0x69: {  	[tilespmem:s31+$0x8000] =	vst v2;
	v2 =	vld [tilespmem:s20+$0x8000];
	v4 =	vperm.xlane v4, v0  }
0x6a: {  	s13 =	sor.u32 $0x300, s13;
	[tilespmem:s9+$0x8280] =	vst v1;
	v1 =	vperm.xlane v5, v0;
	v5 =	vld [tilespmem:s9+$0x8300]  }
0x6b: {  	s25 =	simm.s32 $0x7E0;
	v7 =	vperm.xlane v7, v0;
	[tilespmem:s23+$0x8000] =	vst v4;
	v4 =	vld [tilespmem:s13+$0x8000]  }
0x6c: {  	s11 =	sor.u32 $0x380, s11;
	s26 =	sand.u32 $0x60, s25;
	v6 =	vperm.xlane v6, v0;
	[tilespmem:s3+$0x8000] =	vst v1  }
0x6d: {  	s12 =	sor.u32 $0x380, s12;
	s30 =	sadd.s32 $0x3F00, s26;
	[tilespmem:s19+$0x8000] =	vst v7;
	v1 =	vperm.xlane v3, v0;
	v3 =	vld [tilespmem:s11+$0x8000]  }
0x6e: {  	s16 =	sor.u32 $0x300, s30;
	[tilespmem:s4+$0x8280] =	vst v6;
	v2 =	vperm.xlane v2, v0;
	v6 =	vld [tilespmem:s12+$0x8000]  }
0x6f: {  	s31 =	sor.u32 $0x300, s6;
	s3 =	simm.s32 $0x7F0;
	v7 =	vld [tilespmem:s16+$0x8000];
	[tilespmem:s20+$0x8000] =	vst v1;
	v1 =	vperm.xlane v5, v0  }
0x70: {  	s19 =	sand.u32 $0x70, s3;
	v5 =	vld [tilespmem:s31+$0x8000];
	[tilespmem:s24+$0x8000] =	vst v2;
	v2 =	vperm.xlane v4, v0  }
0x71: {  	s20 =	sor.u32 $0x300, s8;
	s18 =	sadd.s32 $0x3F80, s19;
	v4 =	vld [tilespmem:s21+$0x8300];
	[tilespmem:s13+$0x8000] =	vst v1  }
0x72: {  	s2 =	sor.u32 s2, s2;
	s23 =	sor.u32 $0x200, s18;
	v1 =	vld [tilespmem:s20+$0x8000];
	v3 =	vperm.xlane v3, v0;
	[tilespmem:s9+$0x8300] =	vst v2  }
0x73: {  	s2 =	sor.u32 $0x380, s2;
	v2 =	vperm.xlane v6, v0;
	v6 =	vld [tilespmem:s23+$0x8000]  }
0x74: {  	v7 =	vperm.xlane v7, v0;
	[tilespmem:s12+$0x8000] =	vst v3;
	v3 =	vld [tilespmem:s2+$0x8000]  }
0x75: {  	s24 =	sor.u32 $0xC000, s1;
	v5 =	vperm.xlane v5, v0;
	[tilespmem:s11+$0x8000] =	vst v2  }
0x76: {  	s25 =	sor.u32 s5, s24;
	[tilespmem:s31+$0x8000] =	vst v7;
	v2 =	vperm.xlane v4, v0;
	v4 =	vld [tilespmem:s0+$0xC000]  }
0x77: {  	s14 =	sor.u32 $0x380, s30;
	[tilespmem:s16+$0x8000] =	vst v5;
	v1 =	vperm.xlane v1, v0;
	v5 =	vld [tilespmem:s25+$0x0]  }
0x78: {  	s6 =	sor.u32 $0x380, s6;
	v7 =	vld [tilespmem:s14+$0x8000];
	[tilespmem:s20+$0x8000] =	vst v2;
	v2 =	vperm.xlane v6, v0  }
0x79: {  	s10 =	sor.u32 $0x380, s10;
	v6 =	vld [tilespmem:s6+$0x8000];
	[tilespmem:s21+$0x8300] =	vst v1;
	v1 =	vperm.xlane v3, v0  }
0x7a: {  	s8 =	sor.u32 $0x380, s8;
	v3 =	vld [tilespmem:s10+$0x8000];
	[tilespmem:s2+$0x8000] =	vst v2  }
0x7b: {  	v2 =	vld [tilespmem:s8+$0x8000];
	v4 =	vperm.xlane v4, v0;
	[tilespmem:s23+$0x8000] =	vst v1  }
0x7c: {  	s26 =	sor.u32 s15, s24;
	v1 =	vperm.xlane v5, v0;
	v5 =	vld [tilespmem:s9+$0xC000]  }
0x7d: {  	s30 =	sor.u32 $0xC080, s1;
	v7 =	vperm.xlane v7, v0;
	[tilespmem:s25+$0x0] =	vst v4;
	v4 =	vld [tilespmem:s26+$0x0]  }
0x7e: {  	s31 =	sor.u32 s5, s30;
	v6 =	vperm.xlane v6, v0;
	[tilespmem:s0+$0xC000] =	vst v1;
	v1 =	vld [tilespmem:s0+$0xC080]  }
0x7f: {  	[tilespmem:s6+$0x8000] =	vst v7;
	v3 =	vperm.xlane v3, v0;
	v7 =	vld [tilespmem:s31+$0x0]  }
0x80: {  	[tilespmem:s14+$0x8000] =	vst v6;
	v2 =	vperm.xlane v2, v0  }
0x81: {  	s3 =	sor.u32 s22, s24;
	v6 =	vld [tilespmem:s4+$0xC000];
	[tilespmem:s8+$0x8000] =	vst v3;
	v3 =	vperm.xlane v5, v0  }
0x82: {  	v5 =	vld [tilespmem:s3+$0x0];
	[tilespmem:s10+$0x8000] =	vst v2;
	v2 =	vperm.xlane v4, v0  }
0x83: {  	s14 =	sor.u32 s7, s24;
	v4 =	vld [tilespmem:s21+$0xC000];
	[tilespmem:s26+$0x0] =	vst v3;
	v1 =	vperm.xlane v1, v0  }
0x84: {  	v3 =	vld [tilespmem:s14+$0x0];
	[tilespmem:s9+$0xC000] =	vst v2;
	v2 =	vperm.xlane v7, v0  }
0x85: {  	s16 =	sor.u32 $0xC100, s1;
	v7 =	vld [tilespmem:s9+$0xC080];
	[tilespmem:s31+$0x0] =	vst v1  }
0x86: {  	s17 =	sor.u32 s5, s16;
	v1 =	vperm.xlane v6, v0;
	[tilespmem:s0+$0xC080] =	vst v2;
	v2 =	vld [tilespmem:s0+$0xC100]  }
0x87: {  	s18 =	sor.u32 s15, s30;
	v5 =	vperm.xlane v5, v0;
	v6 =	vld [tilespmem:s17+$0x0]  }
0x88: {  	[tilespmem:s3+$0x0] =	vst v1;
	v1 =	vperm.xlane v4, v0;
	v4 =	vld [tilespmem:s18+$0x0]  }
0x89: {  	s19 =	sor.u32 s22, s30;
	[tilespmem:s4+$0xC000] =	vst v5;
	v3 =	vperm.xlane v3, v0;
	v5 =	vld [tilespmem:s4+$0xC080]  }
0x8a: {  	[tilespmem:s14+$0x0] =	vst v1;
	v1 =	vperm.xlane v7, v0;
	v7 =	vld [tilespmem:s19+$0x0]  }
0x8b: {  	s20 =	sor.u32 s7, s30;
	[tilespmem:s21+$0xC000] =	vst v3;
	v3 =	vld [tilespmem:s21+$0xC080];
	v2 =	vperm.xlane v2, v0  }
0x8c: {  	[tilespmem:s18+$0x0] =	vst v1;
	v1 =	vld [tilespmem:s20+$0x0];
	v6 =	vperm.xlane v6, v0  }
0x8d: {  	s23 =	sor.u32 $0xC180, s1;
	v4 =	vperm.xlane v4, v0;
	[tilespmem:s17+$0x0] =	vst v2;
	v2 =	vld [tilespmem:s9+$0xC100]  }
0x8e: {  	s24 =	sor.u32 s5, s23;
	v5 =	vperm.xlane v5, v0;
	[tilespmem:s0+$0xC100] =	vst v6;
	v6 =	vld [tilespmem:s0+$0xC180]  }
0x8f: {  	s25 =	sor.u32 s15, s16;
	[tilespmem:s9+$0xC080] =	vst v4;
	v4 =	vperm.xlane v7, v0;
	v7 =	vld [tilespmem:s24+$0x0]  }
0x90: {  	[tilespmem:s19+$0x0] =	vst v5;
	v3 =	vperm.xlane v3, v0;
	v5 =	vld [tilespmem:s25+$0x0]  }
0x91: {  	s26 =	sor.u32 s22, s16;
	[tilespmem:s4+$0xC080] =	vst v4;
	v1 =	vperm.xlane v1, v0;
	v4 =	vld [tilespmem:s4+$0xC100]  }
0x92: {  	[tilespmem:s20+$0x0] =	vst v3;
	v3 =	vld [tilespmem:s26+$0x0];
	v2 =	vperm.xlane v2, v0  }
0x93: {  	s2 =	sor.u32 s7, s16;
	[tilespmem:s21+$0xC080] =	vst v1;
	v1 =	vld [tilespmem:s21+$0xC100];
	v6 =	vperm.xlane v6, v0  }
0x94: {  	[tilespmem:s25+$0x0] =	vst v2;
	v2 =	vld [tilespmem:s2+$0x0];
	v7 =	vperm.xlane v7, v0  }
0x95: {  	s30 =	sor.u32 $0xC200, s1;
	v5 =	vperm.xlane v5, v0;
	[tilespmem:s24+$0x0] =	vst v6;
	v6 =	vld [tilespmem:s9+$0xC180]  }
0x96: {  	s31 =	sor.u32 s5, s30;
	v4 =	vperm.xlane v4, v0;
	[tilespmem:s0+$0xC180] =	vst v7;
	v7 =	vld [tilespmem:s0+$0xC200]  }
0x97: {  	s3 =	sor.u32 s15, s23;
	[tilespmem:s9+$0xC100] =	vst v5;
	v3 =	vperm.xlane v3, v0;
	v5 =	vld [tilespmem:s31+$0x0]  }
0x98: {  	[tilespmem:s26+$0x0] =	vst v4;
	v1 =	vperm.xlane v1, v0;
	v4 =	vld [tilespmem:s3+$0x0]  }
0x99: {  	s13 =	sor.u32 s22, s23;
	[tilespmem:s4+$0xC100] =	vst v3;
	v3 =	vld [tilespmem:s4+$0xC180];
	v2 =	vperm.xlane v2, v0  }
0x9a: {  	[tilespmem:s2+$0x0] =	vst v1;
	v1 =	vperm.xlane v6, v0;
	v6 =	vld [tilespmem:s13+$0x0]  }
0x9b: {  	s14 =	sor.u32 s7, s23;
	[tilespmem:s21+$0xC100] =	vst v2;
	v2 =	vld [tilespmem:s21+$0xC180];
	v7 =	vperm.xlane v7, v0  }
0x9c: {  	[tilespmem:s3+$0x0] =	vst v1;
	v1 =	vld [tilespmem:s14+$0x0];
	v5 =	vperm.xlane v5, v0  }
0x9d: {  	s8 =	sor.u32 $0xC280, s1;
	v4 =	vperm.xlane v4, v0;
	[tilespmem:s31+$0x0] =	vst v7;
	v7 =	vld [tilespmem:s9+$0xC200]  }
0x9e: {  	s16 =	sor.u32 s5, s8;
	v3 =	vperm.xlane v3, v0;
	[tilespmem:s0+$0xC200] =	vst v5;
	v5 =	vld [tilespmem:s0+$0xC280]  }
0x9f: {  	s17 =	sor.u32 s15, s30;
	[tilespmem:s9+$0xC180] =	vst v4;
	v4 =	vperm.xlane v6, v0;
	v6 =	vld [tilespmem:s16+$0x0]  }
0xa0: {  	[tilespmem:s13+$0x0] =	vst v3;
	v3 =	vld [tilespmem:s17+$0x0];
	v2 =	vperm.xlane v2, v0  }
0xa1: {  	s18 =	sor.u32 s22, s30;
	[tilespmem:s4+$0xC180] =	vst v4;
	v1 =	vperm.xlane v1, v0;
	v4 =	vld [tilespmem:s4+$0xC200]  }
0xa2: {  	[tilespmem:s14+$0x0] =	vst v2;
	v2 =	vperm.xlane v7, v0;
	v7 =	vld [tilespmem:s18+$0x0]  }
0xa3: {  	[tilespmem:s21+$0xC180] =	vst v1;
	v5 =	vperm.xlane v5, v0  }
0xa4: {  	s11 =	sor.u32 s7, s30;
	v1 =	vld [tilespmem:s21+$0xC200];
	[tilespmem:s17+$0x0] =	vst v2;
	v6 =	vperm.xlane v6, v0  }
0xa5: {  	s28 =	simm.s32 $0x780;
	s30 =	simm.s32 $0x40;
	v2 =	vld [tilespmem:s11+$0x0];
	v3 =	vperm.xlane v3, v0;
	[tilespmem:s16+$0x0] =	vst v5  }
0xa6: {  	s6 =	sand.u32 $0x40, s28;
	s23 =	sand.u32 $0x40, s30;
	s2 =	sor.u32 $0xC300, s1;
	v8 =	vld [tilespmem:s9+$0xC280];
	v4 =	vperm.xlane v4, v0;
	[tilespmem:s0+$0xC280] =	vst v6  }
0xa7: {  	s25 =	simm.s32 $0x200;
	s26 =	simm.s32 $0x3C00;
	s20 =	sor.u32 s5, s2;
	v5 =	vld [tilespmem:s0+$0xC300];
	[tilespmem:s9+$0xC200] =	vst v3;
	v3 =	vperm.xlane v7, v0  }
0xa8: {  	s19 =	sor.u32 s15, s8;
	s24 =	sand.u32 $0x1C00, s25;
	s3 =	sand.u32 $0x3C00, s26;
	v6 =	vld [tilespmem:s20+$0x0];
	[tilespmem:s18+$0x0] =	vst v4  }
0xa9: {  	s31 =	simm.s32 $0x3C00;
	s29 =	sor.u32 s6, s3;
	s13 =	sor.u32 s22, s8;
	v7 =	vld [tilespmem:s19+$0x0];
	[tilespmem:s4+$0xC200] =	vst v3  }
0xaa: {  	s14 =	simm.s32 $0x7B0;
	s17 =	simm.s32 $0x3D80;
	v1 =	vperm.xlane v1, v0;
	v4 =	vld [tilespmem:s4+$0xC280];
	[dreg:$0x10] =	wrdreg s31  }
0xab: {  	s10 =	sand.u32 $0x70, s14;
	s16 =	sor.u32 $0x8000, s24;
	s18 =	sand.u32 $0x3C00, s17;
	v3 =	vperm.xlane v2, v0;
	v2 =	vld [tilespmem:s13+$0x0]  }
0xac: {  	s26 =	sor.u32 $0x30, s23;
	s18 =	sor.u32 s10, s18;
	s10 =	sor.u32 s23, s16;
	[tilespmem:s11+$0x0] =	vst v1;
	v1 =	vld [tilespmem:s29+$0x8000]  }
0xad: {  	s11 =	sor.u32 s26, s16;
	v11 =	vld [tilespmem:s10+$0x0]  }
0xae: {  	v8 =	vperm.xlane v8, v0;
	v9 =	vld [tilespmem:s11+$0x0]  }
0xaf: {  	s8 =	sor.u32 s7, s8;
	v5 =	vperm.xlane v5, v0;
	[tilespmem:s21+$0xC200] =	vst v3;
	v10 =	vld [tilespmem:s21+$0xC280]  }
0xb0: {  	[tilespmem:s19+$0x0] =	vst v8;
	v7 =	vperm.xlane v7, v0;
	v3 =	vld [tilespmem:s8+$0x0]  }
0xb1: {  	v8 =	vld [tilespmem:s9+$0xC300];
	[tilespmem:s20+$0x0] =	vst v5  }
0xb2: {  	[tilespmem:s9+$0xC280] =	vst v7;
	v7 =	vld [tilespmem:s18+$0x8000];
	v1 =	vperm.xlane v1, v0  }
0xb3: {  	s12 =	sor.u32 s15, s2;
	v5 =	vld [tilespmem:s0+$0xC380];
	v9 =	vperm.xlane v9, v0  }
0xb4: {  	s19 =	simm.s32 $0x7A0;
	s20 =	simm.s32 $0x3D00;
	v4 =	vperm.xlane v4, v0;
	[tilespmem:s11+$0x0] =	vst v1;
	v1 =	vld [tilespmem:s12+$0x0]  }
0xb5: {  	s25 =	simm.s32 $0x790;
	s14 =	sand.u32 $0x60, s19;
	s17 =	sand.u32 $0x3C00, s20;
	[tilespmem:s29+$0x8000] =	vst v9;
	v9 =	vperm.xlane v10, v0;
	v10 =	vld [tilespmem:s29+$0x8080]  }
0xb6: {  	s3 =	simm.s32 $0x3C80;
	s31 =	sor.u32 $0x10, s23;
	s20 =	sor.u32 s14, s17;
	[tilespmem:s13+$0x0] =	vst v4;
	v4 =	vperm.xlane v8, v0;
	v8 =	vld [tilespmem:s11+$0x80]  }
0xb7: {  	s19 =	sor.u32 s31, s16;
	s17 =	sand.u32 $0x50, s25;
	s14 =	sand.u32 $0x3C00, s3;
	v7 =	vperm.xlane v7, v0;
	[tilespmem:s8+$0x0] =	vst v9;
	v9 =	vld [tilespmem:s20+$0x8000]  }
0xb8: {  	v6 =	vperm.xlane v6, v0;
	s25 =	sor.u32 s17, s14;
	[tilespmem:s12+$0x0] =	vst v4;
	v4 =	vld [tilespmem:s19+$0x0]  }
0xb9: {  	s3 =	sor.u32 $0x20, s23;
	v11 =	vperm.xlane v11, v0;
	[tilespmem:s10+$0x0] =	vst v7;
	v7 =	vld [tilespmem:s25+$0x8000]  }
0xba: {  	[tilespmem:s0+$0xC300] =	vst v6;
	s12 =	sor.u32 s3, s16;
	v6 =	vld [tilespmem:s18+$0x8080];
	v10 =	vperm.xlane v10, v0  }
0xbb: {  	s8 =	sor.u32 $0xC380, s1;
	[tilespmem:s18+$0x8000] =	vst v11;
	v11 =	vld [tilespmem:s12+$0x0];
	v8 =	vperm.xlane v8, v0  }
0xbc: {  	s1 =	sor.u32 s5, s8;
	[tilespmem:s11+$0x80] =	vst v10;
	v10 =	vld [tilespmem:s10+$0x80];
	v9 =	vperm.xlane v9, v0  }
0xbd: {  	v4 =	vperm.xlane v4, v0;
	[tilespmem:s29+$0x8080] =	vst v8;
	v8 =	vld [tilespmem:s1+$0x0]  }
0xbe: {  	v7 =	vperm.xlane v7, v0;
	[tilespmem:s19+$0x0] =	vst v9;
	v9 =	vld [tilespmem:s29+$0x8100]  }
0xbf: {  	v6 =	vperm.xlane v6, v0;
	[tilespmem:s20+$0x8000] =	vst v4;
	v4 =	vld [tilespmem:s11+$0x100]  }
0xc0: {  	v5 =	vperm.xlane v5, v0;
	[tilespmem:s12+$0x0] =	vst v7;
	v7 =	vld [tilespmem:s20+$0x8080]  }
0xc1: {  	v11 =	vperm.xlane v11, v0;
	[tilespmem:s10+$0x80] =	vst v6;
	v6 =	vld [tilespmem:s25+$0x8080]  }
0xc2: {  	[tilespmem:s1+$0x0] =	vst v5;
	v5 =	vld [tilespmem:s18+$0x8100];
	v10 =	vperm.xlane v10, v0  }
0xc3: {  	[tilespmem:s25+$0x8000] =	vst v11;
	v11 =	vld [tilespmem:s19+$0x80];
	v9 =	vperm.xlane v9, v0  }
0xc4: {  	[tilespmem:s18+$0x8080] =	vst v10;
	v4 =	vperm.xlane v4, v0  }
0xc5: {  	v10 =	vld [tilespmem:s12+$0x80];
	v7 =	vperm.xlane v7, v0;
	[tilespmem:s11+$0x100] =	vst v9  }
0xc6: {  	v6 =	vperm.xlane v6, v0;
	v9 =	vld [tilespmem:s10+$0x100];
	[tilespmem:s29+$0x8100] =	vst v4  }
0xc7: {  	v5 =	vperm.xlane v5, v0;
	[tilespmem:s19+$0x80] =	vst v7;
	v7 =	vld [tilespmem:s29+$0x8180]  }
0xc8: {  	v4 =	vperm.xlane v11, v0;
	[tilespmem:s12+$0x80] =	vst v6;
	v6 =	vld [tilespmem:s20+$0x8100]  }
0xc9: {  	v8 =	vperm.xlane v8, v0;
	[tilespmem:s10+$0x100] =	vst v5;
	v5 =	vld [tilespmem:s25+$0x8100]  }
0xca: {  	[tilespmem:s20+$0x8080] =	vst v4;
	v4 =	vld [tilespmem:s11+$0x180];
	v10 =	vperm.xlane v10, v0  }
0xcb: {  	[tilespmem:s0+$0xC380] =	vst v8;
	v9 =	vperm.xlane v9, v0  }
0xcc: {  	[tilespmem:s25+$0x8080] =	vst v10;
	v10 =	vld [tilespmem:s19+$0x100];
	v7 =	vperm.xlane v7, v0  }
0xcd: {  	p0 =	por !p0, !p0;
	s1 =	simm.s32 $0x1;
	v8 =	vld [tilespmem:s18+$0x8180];
	[tilespmem:s18+$0x8100] =	vst v9;
	v6 =	vperm.xlane v6, v0  }
0xce: {  	s1 =	simm.s32 @!p0 $0x0;
	v9 =	vld [tilespmem:s12+$0x100];
	v5 =	vperm.xlane v5, v0;
	[tilespmem:s11+$0x180] =	vst v7  }
0xcf: {  	s14 =	sshll.u32 s1, $0x6;
	v4 =	vperm.xlane v4, v0;
	v7 =	vld [tilespmem:s10+$0x180];
	[tilespmem:s19+$0x100] =	vst v6  }
0xd0: {  	s5 =	sadd.s32 $0x3C00, s6;
	s11 =	sadd.s32 $0x200, s14;
	[tilespmem:s12+$0x100] =	vst v5  }
0xd1: {  	s16 =	sor.u32 $0x200, s5;
	s6 =	sadd.s32 $0x30, s11;
	[tilespmem:s29+$0x8180] =	vst v4;
	v10 =	vperm.xlane v10, v0;
	v5 =	vld [tilespmem:s20+$0x8180]  }
0xd2: {  	v8 =	vperm.xlane v8, v0;
	s17 =	sor.u32 $0x200, s6;
	v6 =	vld [tilespmem:s16+$0x8000]  }
0xd3: {  	[tilespmem:s20+$0x8100] =	vst v10;
	v9 =	vperm.xlane v9, v0;
	v10 =	vld [tilespmem:s17+$0x8000]  }
0xd4: {  	[tilespmem:s10+$0x180] =	vst v8;
	v8 =	vld [tilespmem:s25+$0x8180];
	v7 =	vperm.xlane v7, v0  }
0xd5: {  	v2 =	vperm.xlane v2, v0;
	[tilespmem:s25+$0x8100] =	vst v9;
	v9 =	vld [tilespmem:s19+$0x180]  }
0xd6: {  	[tilespmem:s18+$0x8180] =	vst v7;
	v7 =	vld [tilespmem:s12+$0x180];
	v5 =	vperm.xlane v5, v0  }
0xd7: {  	[tilespmem:s4+$0xC280] =	vst v2;
	s14 =	sor.u32 s22, s2;
	v11 =	vld [tilespmem:s18+$0x8200];
	v6 =	vperm.xlane v6, v0  }
0xd8: {  	v2 =	vld [tilespmem:s14+$0x0];
	s10 =	sor.u32 $0x200, s11;
	v10 =	vperm.xlane v10, v0;
	[tilespmem:s19+$0x180] =	vst v5  }
0xd9: {  	v5 =	vperm.xlane v8, v0;
	[tilespmem:s17+$0x8000] =	vst v6;
	v6 =	vld [tilespmem:s10+$0x8000]  }
0xda: {  	[tilespmem:s16+$0x8000] =	vst v10;
	v9 =	vperm.xlane v9, v0;
	s16 =	sor.u32 $0x280, s5;
	v10 =	vld [tilespmem:s20+$0x8200]  }
0xdb: {  	s1 =	sadd.s32 $0x10, s11;
	s19 =	sor.u32 $0x280, s6;
	[tilespmem:s12+$0x180] =	vst v5;
	v8 =	vld [tilespmem:s16+$0x8000];
	v7 =	vperm.xlane v7, v0  }
0xdc: {  	s17 =	sor.u32 $0x200, s1;
	v5 =	vperm.xlane v11, v0;
	[tilespmem:s20+$0x8180] =	vst v9;
	v9 =	vld [tilespmem:s19+$0x8000]  }
0xdd: {  	v3 =	vperm.xlane v3, v0;
	[tilespmem:s25+$0x8180] =	vst v7;
	v7 =	vld [tilespmem:s17+$0x8000]  }
0xde: {  	s0 =	sadd.s32 $0x20, s11;
	v4 =	vld [tilespmem:s4+$0xC300];
	[tilespmem:s10+$0x8000] =	vst v5;
	v5 =	vperm.xlane v6, v0  }
0xdf: {  	[tilespmem:s21+$0xC280] =	vst v3;
	s10 =	sor.u32 $0x200, s0;
	v6 =	vld [tilespmem:s25+$0x8200];
	v10 =	vperm.xlane v10, v0  }
0xe0: {  	v3 =	vld [tilespmem:s10+$0x8000];
	v8 =	vperm.xlane v8, v0;
	[tilespmem:s18+$0x8200] =	vst v5  }
0xe1: {  	v5 =	vld [tilespmem:s21+$0xC300];
	v9 =	vperm.xlane v9, v0;
	[tilespmem:s17+$0x8000] =	vst v10  }
0xe2: {  	s13 =	sor.u32 $0x280, s11;
	[tilespmem:s19+$0x8000] =	vst v8;
	v8 =	vld [tilespmem:s18+$0x8280];
	v7 =	vperm.xlane v7, v0  }
0xe3: {  	[tilespmem:s16+$0x8000] =	vst v9;
	v9 =	vld [tilespmem:s13+$0x8000];
	s16 =	sor.u32 $0x300, s5  }
0xe4: {  	s12 =	sor.u32 $0x300, s6;
	s17 =	simm.s32 $0x790;
	v6 =	vperm.xlane v6, v0;
	v10 =	vld [tilespmem:s16+$0x8000];
	[tilespmem:s20+$0x8200] =	vst v7  }
0xe5: {  	v4 =	vperm.xlane v4, v0;
	s19 =	simm.s32 $0x790;
	v7 =	vld [tilespmem:s12+$0x8000];
	[dreg:$0x12] =	wrdreg s17  }
0xe6: {  	v3 =	vperm.xlane v3, v0;
	s19 =	sand.u32 $0x70, s19;
	[tilespmem:s10+$0x8000] =	vst v6  }
0xe7: {  	s17 =	sor.u32 $0x280, s1;
	s10 =	sadd.s32 $0x3C80, s19;
	v6 =	vld [tilespmem:s20+$0x8280];
	[tilespmem:s14+$0x0] =	vst v4;
	v8 =	vperm.xlane v8, v0  }
0xe8: {  	v11 =	vld [tilespmem:s17+$0x8000];
	[tilespmem:s25+$0x8200] =	vst v3;
	s19 =	sor.u32 $0x280, s10;
	v3 =	vperm.xlane v9, v0  }
0xe9: {  	s14 =	sor.u32 $0x280, s0;
	v4 =	vld [tilespmem:s19+$0x8000];
	[tilespmem:s13+$0x8000] =	vst v8;
	v9 =	vperm.xlane v10, v0  }
0xea: {  	s2 =	sor.u32 s7, s2;
	v8 =	vld [tilespmem:s14+$0x8000];
	v7 =	vperm.xlane v7, v0;
	[tilespmem:s18+$0x8280] =	vst v3  }
0xeb: {  	v3 =	vld [tilespmem:s2+$0x0];
	[tilespmem:s12+$0x8000] =	vst v9  }
0xec: {  	s11 =	sor.u32 $0x300, s11;
	v9 =	vld [tilespmem:s18+$0x8300];
	v6 =	vperm.xlane v6, v0;
	[tilespmem:s16+$0x8000] =	vst v7;
	s16 =	simm.s32 $0x7A0  }
0xed: {  	s13 =	simm.s32 $0x7A0;
	v10 =	vperm.xlane v11, v0;
	v7 =	vld [tilespmem:s11+$0x8000];
	[dreg:$0x14] =	wrdreg s16  }
0xee: {  	s5 =	sor.u32 $0x380, s5;
	s16 =	sand.u32 $0x60, s13;
	v4 =	vperm.xlane v4, v0;
	[tilespmem:s17+$0x8000] =	vst v6  }
0xef: {  	s6 =	sor.u32 $0x380, s6;
	s12 =	sadd.s32 $0x3D00, s16;
	v6 =	vld [tilespmem:s5+$0x8000];
	v8 =	vperm.xlane v8, v0;
	[tilespmem:s20+$0x8280] =	vst v10  }
0xf0: {  	v10 =	vld [tilespmem:s6+$0x8000];
	s17 =	sor.u32 $0x300, s12;
	[tilespmem:s14+$0x8000] =	vst v4;
	v4 =	vperm.xlane v5, v0  }
0xf1: {  	s14 =	sor.u32 $0x300, s1;
	v5 =	vld [tilespmem:s17+$0x8000];
	[tilespmem:s19+$0x8000] =	vst v8;
	v8 =	vperm.xlane v9, v0  }
0xf2: {  	v9 =	vld [tilespmem:s14+$0x8000];
	[tilespmem:s2+$0x0] =	vst v4;
	v4 =	vperm.xlane v7, v0  }
0xf3: {  	s13 =	simm.s32 $0x7B0;
	v7 =	vld [tilespmem:s25+$0x8300];
	[tilespmem:s11+$0x8000] =	vst v8  }
0xf4: {  	s19 =	sand.u32 $0x70, s13;
	s13 =	simm.s32 $0x200;
	v8 =	vld [tilespmem:s9+$0xC380];
	s11 =	sor.u32 $0x300, s0;
	[tilespmem:s18+$0x8300] =	vst v4  }
0xf5: {  	s2 =	sadd.s32 $0x3D80, s19;
	s19 =	simm.s32 $0x40;
	v6 =	vperm.xlane v6, v0;
	v4 =	vld [tilespmem:s11+$0x8000];
	[dreg:$0xa] =	wrdreg s13  }
0xf6: {  	v1 =	vperm.xlane v1, v0;
	[dreg:$0xe] =	wrdreg s19;
	s13 =	simm.s32 $0x200  }
0xf7: {  	s2 =	sor.u32 $0x200, s2;
	v10 =	vperm.xlane v10, v0;
	s16 =	sor.u32 s13, s30;
	[tilespmem:s6+$0x8000] =	vst v6  }
0xf8: {  	v6 =	vld [tilespmem:s2+$0x8000];
	v5 =	vperm.xlane v5, v0;
	[tilespmem:s9+$0xC300] =	vst v1;
	s6 =	sor.u32 $0x380, s16  }
0xf9: {  	v9 =	vperm.xlane v9, v0;
	[tilespmem:s5+$0x8000] =	vst v10;
	s5 =	sor.u32 $0xC000, s24;
	v10 =	vld [tilespmem:s6+$0x8000]  }
0xfa: {  	[tilespmem:s14+$0x8000] =	vst v5;
	v5 =	vperm.xlane v7, v0;
	v7 =	vld [tilespmem:s29+$0xC000];
	s19 =	sor.u32 s26, s5  }
0xfb: {  	v2 =	vperm.xlane v2, v0;
	s12 =	sor.u32 $0x380, s12;
	[tilespmem:s17+$0x8000] =	vst v9;
	v9 =	vld [tilespmem:s19+$0x0]  }
0xfc: {  	s1 =	sor.u32 $0x380, s1;
	v4 =	vperm.xlane v4, v0;
	[tilespmem:s11+$0x8000] =	vst v5;
	v5 =	vld [tilespmem:s12+$0x8000]  }
0xfd: {  	s30 =	sor.u32 s15, s8;
	[tilespmem:s4+$0xC300] =	vst v2;
	v1 =	vperm.xlane v6, v0;
	v6 =	vld [tilespmem:s1+$0x8000]  }
0xfe: {  	s10 =	sor.u32 $0x380, s10;
	[tilespmem:s25+$0x8300] =	vst v4;
	v4 =	vld [tilespmem:s30+$0x0];
	v10 =	vperm.xlane v10, v0  }
0xff: {  	s0 =	sor.u32 $0x380, s0;
	[tilespmem:s6+$0x8000] =	vst v1;
	v1 =	vld [tilespmem:s10+$0x8000];
	v7 =	vperm.xlane v7, v0  }
0x100: {  	v9 =	vperm.xlane v9, v0;
	[tilespmem:s2+$0x8000] =	vst v10;
	v10 =	vld [tilespmem:s0+$0x8000]  }
0x101: {  	s6 =	sor.u32 s23, s5;
	[tilespmem:s19+$0x0] =	vst v7;
	v5 =	vperm.xlane v5, v0;
	v7 =	vld [tilespmem:s18+$0xC000]  }
0x102: {  	s14 =	sor.u32 $0xC080, s24;
	[tilespmem:s29+$0xC000] =	vst v9;
	v9 =	vld [tilespmem:s6+$0x0];
	v6 =	vperm.xlane v6, v0  }
0x103: {  	s15 =	sor.u32 s26, s14;
	[tilespmem:s1+$0x8000] =	vst v5;
	v5 =	vperm.xlane v8, v0;
	v8 =	vld [tilespmem:s29+$0xC080]  }
0x104: {  	[tilespmem:s12+$0x8000] =	vst v6;
	v1 =	vperm.xlane v1, v0;
	v6 =	vld [tilespmem:s15+$0x0]  }
0x105: {  	s17 =	sor.u32 s31, s5;
	[tilespmem:s30+$0x0] =	vst v5;
	v5 =	vperm.xlane v10, v0;
	v10 =	vld [tilespmem:s20+$0xC000]  }
0x106: {  	[tilespmem:s0+$0x8000] =	vst v1;
	v1 =	vperm.xlane v7, v0;
	v7 =	vld [tilespmem:s17+$0x0]  }
0x107: {  	[tilespmem:s10+$0x8000] =	vst v5;
	v5 =	vperm.xlane v9, v0  }
0x108: {  	s19 =	sor.u32 s3, s5;
	v8 =	vperm.xlane v8, v0;
	[tilespmem:s6+$0x0] =	vst v1;
	v1 =	vld [tilespmem:s25+$0xC000]  }
0x109: {  	v6 =	vperm.xlane v6, v0;
	[tilespmem:s18+$0xC000] =	vst v5;
	v5 =	vld [tilespmem:s19+$0x0]  }
0x10a: {  	s30 =	sor.u32 $0xC100, s24;
	[tilespmem:s15+$0x0] =	vst v8;
	v9 =	vld [tilespmem:s18+$0xC080];
	v8 =	vperm.xlane v10, v0  }
0x10b: {  	v4 =	vperm.xlane v4, v0;
	s10 =	sor.u32 s26, s30;
	[tilespmem:s29+$0xC080] =	vst v6;
	v6 =	vperm.xlane v7, v0;
	v7 =	vld [tilespmem:s29+$0xC100]  }
0x10c: {  	[tilespmem:s17+$0x0] =	vst v8;
	v8 =	vld [tilespmem:s10+$0x0]  }
0x10d: {  	s12 =	sor.u32 s23, s14;
	[tilespmem:s9+$0xC380] =	vst v4;
	v1 =	vperm.xlane v1, v0;
	v4 =	vld [tilespmem:s20+$0xC080]  }
0x10e: {  	s11 =	sor.u32 s31, s14;
	[tilespmem:s20+$0xC000] =	vst v6;
	v6 =	vld [tilespmem:s12+$0x0];
	v5 =	vperm.xlane v5, v0  }
0x10f: {  	v9 =	vperm.xlane v9, v0;
	[tilespmem:s19+$0x0] =	vst v1;
	v1 =	vld [tilespmem:s11+$0x0]  }
0x110: {  	[tilespmem:s25+$0xC000] =	vst v5;
	v2 =	vld [tilespmem:s25+$0xC080];
	v5 =	vperm.xlane v7, v0  }
0x111: {  	s6 =	sor.u32 s3, s14;
	[tilespmem:s12+$0x0] =	vst v9;
	v8 =	vperm.xlane v8, v0  }
0x112: {  	v9 =	vld [tilespmem:s6+$0x0];
	[tilespmem:s10+$0x0] =	vst v5;
	v4 =	vperm.xlane v4, v0  }
0x113: {  	s14 =	sor.u32 $0xC180, s24;
	v5 =	vld [tilespmem:s18+$0xC100];
	v6 =	vperm.xlane v6, v0;
	[tilespmem:s29+$0xC100] =	vst v8  }
0x114: {  	s15 =	sor.u32 s26, s14;
	v8 =	vld [tilespmem:s29+$0xC180];
	v1 =	vperm.xlane v1, v0;
	[tilespmem:s11+$0x0] =	vst v4  }
0x115: {  	v4 =	vld [tilespmem:s15+$0x0];
	[tilespmem:s18+$0xC080] =	vst v6;
	v2 =	vperm.xlane v2, v0  }
0x116: {  	s17 =	sor.u32 s23, s30;
	[tilespmem:s20+$0xC080] =	vst v1;
	v1 =	vperm.xlane v3, v0;
	v3 =	vld [tilespmem:s20+$0xC100]  }
0x117: {  	s19 =	sor.u32 s31, s30;
	v6 =	vperm.xlane v9, v0;
	[tilespmem:s6+$0x0] =	vst v2;
	v2 =	vld [tilespmem:s17+$0x0]  }
0x118: {  	[tilespmem:s21+$0xC300] =	vst v1;
	v1 =	vperm.xlane v5, v0;
	v5 =	vld [tilespmem:s19+$0x0]  }
0x119: {  	v7 =	vld [tilespmem:s4+$0xC380];
	[tilespmem:s25+$0xC080] =	vst v6;
	v6 =	vperm.xlane v8, v0  }
0x11a: {  	s22 =	sor.u32 s22, s8;
	s13 =	smov.u32 s3;
	v8 =	vld [tilespmem:s25+$0xC100];
	[tilespmem:s17+$0x0] =	vst v1;
	v1 =	vperm.xlane v4, v0  }
0x11b: {  	s1 =	sor.u32 s13, s30;
	v9 =	vld [tilespmem:s22+$0x0];
	[tilespmem:s15+$0x0] =	vst v6;
	v3 =	vperm.xlane v3, v0  }
0x11c: {  	v4 =	vld [tilespmem:s1+$0x0];
	v2 =	vperm.xlane v2, v0;
	[tilespmem:s29+$0xC180] =	vst v1  }
0x11d: {  	s30 =	sor.u32 $0xC200, s24;
	v6 =	vld [tilespmem:s18+$0xC180];
	v5 =	vperm.xlane v5, v0;
	[tilespmem:s19+$0x0] =	vst v3  }
0x11e: {  	s9 =	sor.u32 s26, s30;
	v1 =	vld [tilespmem:s29+$0xC200];
	v3 =	vperm.xlane v7, v0;
	[tilespmem:s18+$0xC100] =	vst v2  }
0x11f: {  	s10 =	sor.u32 s23, s14;
	v8 =	vperm.xlane v8, v0;
	v2 =	vld [tilespmem:s9+$0x0];
	[tilespmem:s20+$0xC100] =	vst v5  }
0x120: {  	v7 =	vld [tilespmem:s10+$0x0];
	[tilespmem:s22+$0x0] =	vst v3  }
0x121: {  	s11 =	sor.u32 s31, s14;
	v3 =	vld [tilespmem:s20+$0xC180];
	v4 =	vperm.xlane v4, v0;
	[tilespmem:s1+$0x0] =	vst v8  }
0x122: {  	v5 =	vperm.xlane v6, v0;
	v6 =	vld [tilespmem:s11+$0x0];
	[dreg:$0x4] =	wrdreg s21  }
0x123: {  	[tilespmem:s25+$0xC100] =	vst v4;
	v1 =	vperm.xlane v1, v0  }
0x124: {  	s0 =	sor.u32 s13, s14;
	v4 =	vld [tilespmem:s25+$0xC180];
	[tilespmem:s10+$0x0] =	vst v5;
	v2 =	vperm.xlane v2, v0  }
0x125: {  	v5 =	vld [tilespmem:s0+$0x0];
	[tilespmem:s9+$0x0] =	vst v1;
	v7 =	vperm.xlane v7, v0  }
0x126: {  	s12 =	sor.u32 $0xC280, s24;
	v1 =	vld [tilespmem:s18+$0xC200];
	v3 =	vperm.xlane v3, v0;
	[tilespmem:s29+$0xC200] =	vst v2  }
0x127: {  	s14 =	sor.u32 s26, s12;
	v2 =	vld [tilespmem:s29+$0xC280];
	v6 =	vperm.xlane v6, v0;
	[tilespmem:s18+$0xC180] =	vst v7  }
0x128: {  	s15 =	sor.u32 s23, s30;
	v7 =	vperm.xlane v9, v0;
	v9 =	vld [tilespmem:s14+$0x0];
	[tilespmem:s11+$0x0] =	vst v3  }
0x129: {  	v4 =	vperm.xlane v4, v0;
	v3 =	vld [tilespmem:s15+$0x0];
	[tilespmem:s20+$0xC180] =	vst v6  }
0x12a: {  	v6 =	vld [tilespmem:s20+$0xC200];
	v5 =	vperm.xlane v5, v0;
	[tilespmem:s4+$0xC380] =	vst v7  }
0x12b: {  	s17 =	sor.u32 s31, s30;
	v8 =	vld [tilespmem:s21+$0xC380];
	v1 =	vperm.xlane v1, v0;
	[tilespmem:s0+$0x0] =	vst v4  }
0x12c: {  	s19 =	sor.u32 s7, s8;
	v7 =	vld [tilespmem:s17+$0x0];
	[tilespmem:s25+$0xC180] =	vst v5;
	v2 =	vperm.xlane v2, v0  }
0x12d: {  	v10 =	vld [tilespmem:s19+$0x0];
	[tilespmem:s15+$0x0] =	vst v1;
	v1 =	vperm.xlane v9, v0  }
0x12e: {  	s21 =	sor.u32 s13, s30;
	v5 =	vld [tilespmem:s25+$0xC200];
	v3 =	vperm.xlane v3, v0;
	[tilespmem:s14+$0x0] =	vst v2  }
0x12f: {  	v9 =	vld [tilespmem:s21+$0x0];
	v4 =	vperm.xlane v6, v0;
	[tilespmem:s29+$0xC280] =	vst v1  }
0x130: {  	s22 =	sor.u32 $0xC300, s24;
	v11 =	vld [tilespmem:s18+$0xC280];
	[tilespmem:s18+$0xC200] =	vst v3  }
0x131: {  	s30 =	simm.s32 $0x4;
	s11 =	sor.u32 s26, s22;
	v2 =	vld [tilespmem:s29+$0xC300];
	v1 =	vperm.xlane v7, v0;
	[tilespmem:s17+$0x0] =	vst v4  }
0x132: {  	s5 =	sor.u32 s23, s12;
	v6 =	vperm.xlane v8, v0;
	v3 =	vld [tilespmem:s11+$0x0];
	[dreg:$0x17] =	wrdreg s30  }
0x133: {  	s16 =	smov.u32 s20;
	s3 =	simm.s32 $0x770;
	s2 =	sor.u32 s31, s12;
	v12 =	vperm.xlane v5, v0;
	v4 =	vld [tilespmem:s5+$0x0];
	[tilespmem:s20+$0xC200] =	vst v1  }
0x134: {  	s1 =	sor.u32 s23, s22;
	s7 =	sor.u32 s13, s22;
	s9 =	sor.u32 s31, s22;
	v1 =	vperm.xlane v10, v0;
	[tilespmem:s19+$0x0] =	vst v6;
	v6 =	vld [tilespmem:s20+$0xC280]  }
0x135: {  	s0 =	sor.u32 s13, s12;
	s15 =	smov.u32 s23;
	s20 =	smov.u32 s31;
	v8 =	vperm.xlane v9, v0;
	v7 =	vperm.xlane v11, v0;
	[tilespmem:s21+$0x0] =	vst v12;
	v5 =	vld [tilespmem:s2+$0x0]  }
.LBB2_9:
0x136: {  	[smem:$0x7E3] =	sst s13  }
0x137: {  	[dreg:$0x1a] =	wrdreg s3  }
0x138: {  	s12 =	rddreg [dreg:$0x12]  }
0x139: {  	s4 =	rddreg [dreg:$0x14]  }
0x13a: {  	s17 =	rddreg [dreg:$0xa]  }
0x13b: {  	s6 =	sand.u32 $0x70, s3;
	s19 =	rddreg [dreg:$0xe]  }
0x13c: {  	s10 =	sor.u32 $0xC380, s24;
	s28 =	sadd.s32 $0xFFFFFFC0, s28;
	s23 =	rddreg [dreg:$0x10];
	[tilespmem:s5+$0x0] =	vst v7  }
0x13d: {  	s3 =	sadd.s32 $0xFFFFFFC0, s12;
	s4 =	sadd.s32 $0xFFFFFFC0, s4;
	s21 =	sand.u32 $0x40, s28;
	v9 =	vld [tilespmem:s18+$0xC300];
	v2 =	vperm.xlane v2, v0  }
0x13e: {  	[tilespmem:s25+$0xC200] =	vst v8;
	v8 =	vld [tilespmem:s25+$0xC280];
	s5 =	sor.u32 s26, s10;
	s23 =	sadd.s32 $0xFFFFFE00, s23;
	[dreg:$0x12] =	wrdreg s3;
	v3 =	vperm.xlane v3, v0  }
0x13f: {  	s14 =	sand.u32 $0x70, s3;
	[dreg:$0x14] =	wrdreg s4;
	v7 =	vld [tilespmem:s0+$0x0];
	s3 =	sadd.s32 $0x200, s17;
	v4 =	vperm.xlane v4, v0;
	[tilespmem:s11+$0x0] =	vst v2  }
0x140: {  	s13 =	sand.u32 $0x60, s4;
	s4 =	sadd.s32 $0x40, s19;
	s12 =	sand.u32 $0x1C00, s3;
	v2 =	vperm.xlane v6, v0;
	[tilespmem:s29+$0xC300] =	vst v3;
	v3 =	vld [tilespmem:s29+$0xC380]  }
0x141: {  	s8 =	sand.u32 $0x3C00, s23;
	[dreg:$0x1e] =	wrdreg s12;
	s11 =	sand.u32 $0x40, s4;
	[tilespmem:s18+$0xC280] =	vst v4;
	v4 =	vperm.xlane v5, v0;
	v5 =	vld [tilespmem:s5+$0x0]  }
0x142: {  	s19 =	sor.u32 $0x8000, s12;
	s12 =	sor.u32 s21, s8;
	s22 =	sor.u32 $0x30, s11;
	v6 =	vld [tilespmem:s1+$0x0];
	v9 =	vperm.xlane v9, v0;
	[tilespmem:s2+$0x0] =	vst v2  }
0x143: {  	v2 =	vperm.xlane v8, v0;
	v8 =	vld [tilespmem:s12+$0x8000];
	s17 =	sor.u32 s22, s19;
	[tilespmem:s16+$0xC280] =	vst v4  }
0x144: {  	[smem:$0x7E2] =	sst s13;
	s13 =	smov.u32 s16;
	v4 =	vperm.xlane v7, v0;
	v7 =	vld [tilespmem:s17+$0x0];
	[tilespmem:s1+$0x0] =	vst v9  }
0x145: {  	[tilespmem:s0+$0x0] =	vst v2;
	v2 =	vld [tilespmem:s13+$0xC300];
	v3 =	vperm.xlane v3, v0  }
0x146: {  	s24 =	sadd.s32 $0x30, s28;
	[smem:$0x7E4] =	sst s21;
	s21 =	sadd.s32 $0x180, s23;
	[tilespmem:s25+$0xC280] =	vst v4;
	v4 =	vld [tilespmem:s9+$0x0];
	v5 =	vperm.xlane v5, v0  }
0x147: {  	s31 =	rddreg [dreg:$0x17];
	s2 =	sand.u32 $0x3C00, s21;
	s0 =	sand.u32 $0x70, s24;
	v9 =	vld [tilespmem:s25+$0xC300];
	v6 =	vperm.xlane v6, v0;
	[tilespmem:s5+$0x0] =	vst v3  }
0x148: {  	[dreg:$0xc] =	wrdreg s28;
	s2 =	sor.u32 s0, s2;
	v3 =	vperm.xlane v8, v0;
	v8 =	vld [tilespmem:s7+$0x0];
	[tilespmem:s29+$0xC380] =	vst v5  }
0x149: {  	s26 =	sadd.s32 $0x20, s28;
	s30 =	sadd.s32 $0x10, s28;
	s1 =	sor.u32 s11, s19;
	v7 =	vperm.xlane v7, v0;
	v5 =	vld [tilespmem:s2+$0x8000];
	[tilespmem:s18+$0xC300] =	vst v6  }
0x14a: {  	s31 =	sadd.s32 $0x4, s31;
	[smem:$0x7E5] =	sst s22;
	s22 =	sadd.s32 $0x100, s23;
	v2 =	vperm.xlane v2, v0;
	v6 =	vld [tilespmem:s1+$0x0];
	[tilespmem:s17+$0x0] =	vst v3  }
0x14b: {  	s30 =	sand.u32 $0x50, s30;
	s8 =	sand.u32 $0x60, s26;
	s26 =	sand.u32 $0x3C00, s22;
	v4 =	vperm.xlane v4, v0;
	[tilespmem:s12+$0x8000] =	vst v7;
	v3 =	vld [tilespmem:s12+$0x8080]  }
0x14c: {  	s28 =	sor.u32 $0x10, s11;
	s24 =	sadd.s32 $0x80, s23;
	s8 =	sor.u32 s8, s26;
	[tilespmem:s9+$0x0] =	vst v2;
	v2 =	vperm.xlane v9, v0;
	v7 =	vld [tilespmem:s17+$0x80]  }
0x14d: {  	[dreg:$0x17] =	wrdreg s31;
	s16 =	sor.u32 s28, s19;
	s5 =	sand.u32 $0x3C00, s24;
	v9 =	vld [tilespmem:s8+$0x8000];
	[tilespmem:s13+$0xC300] =	vst v4;
	v4 =	vperm.xlane v8, v0  }
0x14e: {  	p1 =	slt.u32 s31, $0x3C;
	s31 =	sor.u32 $0x20, s11;
	s0 =	sor.u32 s30, s5;
	v8 =	vld [tilespmem:s16+$0x0];
	[tilespmem:s7+$0x0] =	vst v2;
	v5 =	vperm.xlane v5, v0  }
0x14f: {  	s5 =	sor.u32 s31, s19;
	v2 =	vperm.xlane v6, v0;
	v6 =	vld [tilespmem:s0+$0x8000];
	[tilespmem:s25+$0xC300] =	vst v4  }
0x150: {  	[tilespmem:s1+$0x0] =	vst v5;
	v4 =	vld [tilespmem:s5+$0x0];
	v3 =	vperm.xlane v3, v0  }
0x151: {  	[tilespmem:s2+$0x8000] =	vst v2;
	v2 =	vld [tilespmem:s2+$0x8080];
	v5 =	vperm.xlane v7, v0  }
0x152: {  	s29 =	smov.u32 s12;
	v9 =	vperm.xlane v9, v0;
	v7 =	vld [tilespmem:s1+$0x80];
	[tilespmem:s17+$0x80] =	vst v3  }
0x153: {  	v3 =	vperm.xlane v8, v0;
	[tilespmem:s29+$0x8080] =	vst v5;
	v5 =	vld [tilespmem:s29+$0x8100]  }
0x154: {  	[tilespmem:s16+$0x0] =	vst v9;
	v6 =	vperm.xlane v6, v0;
	v8 =	vld [tilespmem:s17+$0x100]  }
0x155: {  	[tilespmem:s8+$0x8000] =	vst v3;
	v3 =	vld [tilespmem:s8+$0x8080];
	v4 =	vperm.xlane v4, v0  }
0x156: {  	v9 =	vld [tilespmem:s16+$0x80];
	v2 =	vperm.xlane v2, v0;
	[tilespmem:s5+$0x0] =	vst v6  }
0x157: {  	v6 =	vperm.xlane v7, v0;
	[tilespmem:s0+$0x8000] =	vst v4;
	v4 =	vld [tilespmem:s0+$0x8080]  }
0x158: {  	[tilespmem:s1+$0x80] =	vst v2;
	v2 =	vld [tilespmem:s5+$0x80];
	v5 =	vperm.xlane v5, v0  }
0x159: {  	s6 =	sadd.s32 s6, s21;
	s21 =	sld [smem:$0x7E2];
	[tilespmem:s2+$0x8080] =	vst v6;
	v6 =	vld [tilespmem:s2+$0x8100];
	v7 =	vperm.xlane v8, v0  }
0x15a: {  	[dreg:$0xe] =	wrdreg s4;
	s6 =	sor.u32 $0x200, s6;
	s14 =	sadd.s32 s14, s24;
	v3 =	vperm.xlane v3, v0;
	v8 =	vld [tilespmem:s1+$0x100];
	[tilespmem:s17+$0x100] =	vst v5  }
0x15b: {  	p0 =	por !p0, !p0;
	[smem:$0x7E9] =	sst s6;
	s6 =	sor.u32 $0x380, s14;
	v5 =	vperm.xlane v9, v0;
	[tilespmem:s29+$0x8100] =	vst v7;
	v7 =	vld [tilespmem:s29+$0x8180]  }
0x15c: {  	s19 =	sadd.s32 s21, s22;
	s22 =	sor.u32 $0x280, s14;
	s14 =	sld [smem:$0x7E3];
	[tilespmem:s16+$0x80] =	vst v3;
	v3 =	vperm.xlane v4, v0;
	v4 =	vld [tilespmem:s17+$0x180]  }
0x15d: {  	s26 =	sor.u32 $0x300, s19;
	s30 =	sor.u32 $0x380, s19;
	s19 =	sld [smem:$0x7E4];
	[tilespmem:s8+$0x8080] =	vst v5;
	v5 =	vld [tilespmem:s8+$0x8100];
	v2 =	vperm.xlane v2, v0  }
0x15e: {  	s20 =	sor.u32 s20, s10;
	s24 =	sor.u32 s3, s4;
	[smem:$0x7E8] =	sst s26;
	v9 =	vld [tilespmem:s16+$0x100];
	v6 =	vperm.xlane v6, v0;
	[tilespmem:s5+$0x80] =	vst v3  }
0x15f: {  	s26 =	sor.u32 s15, s10;
	s4 =	sor.u32 s14, s10;
	s10 =	simm.s32 $0x1;
	v3 =	vperm.xlane v8, v0;
	[tilespmem:s0+$0x8080] =	vst v2;
	v2 =	vld [tilespmem:s0+$0x8100]  }
0x160: {  	[dreg:$0x10] =	wrdreg s23;
	s10 =	simm.s32 @!p0 $0x0;
	[tilespmem:s1+$0x100] =	vst v6;
	v6 =	vld [tilespmem:s5+$0x100];
	v7 =	vperm.xlane v7, v0  }
0x161: {  	[dreg:$0xa] =	wrdreg s3;
	s15 =	sshll.u32 s10, $0x6;
	[tilespmem:s2+$0x8100] =	vst v3;
	v3 =	vld [tilespmem:s2+$0x8180];
	v4 =	vperm.xlane v4, v0  }
0x162: {  	s7 =	smov.u32 s11;
	s10 =	sadd.s32 s23, s19;
	s11 =	sadd.s32 s15, s3;
	v5 =	vperm.xlane v5, v0;
	v8 =	vld [tilespmem:s1+$0x180];
	[tilespmem:s17+$0x180] =	vst v7  }
0x163: {  	[smem:$0x7E6] =	sst s13;
	s23 =	sor.u32 $0x200, s10;
	s19 =	sadd.s32 $0x30, s11;
	v7 =	vperm.xlane v9, v0;
	[tilespmem:s29+$0x8180] =	vst v4;
	v4 =	vld [tilespmem:s18+$0xC380]  }
0x164: {  	[dreg:$0x1f] =	wrdreg s4;
	s4 =	sor.u32 $0x200, s19;
	[tilespmem:s16+$0x100] =	vst v5;
	v2 =	vperm.xlane v2, v0;
	v5 =	vld [tilespmem:s23+$0x8000]  }
0x165: {  	[smem:$0x7E7] =	sst s22;
	s9 =	sor.u32 $0x380, s24;
	s14 =	smov.u32 s28;
	[tilespmem:s8+$0x8100] =	vst v7;
	v7 =	vld [tilespmem:s4+$0x8000];
	v6 =	vperm.xlane v6, v0  }
0x166: {  	s13 =	smov.u32 s31;
	s21 =	sadd.s32 $0x10, s11;
	s3 =	sadd.s32 $0x20, s11;
	v9 =	vld [tilespmem:s8+$0x8180];
	v3 =	vperm.xlane v3, v0;
	[tilespmem:s5+$0x100] =	vst v2  }
0x167: {  	s22 =	sor.u32 $0x200, s21;
	s12 =	sor.u32 $0x280, s21;
	s31 =	sor.u32 $0x200, s3;
	v2 =	vperm.xlane v8, v0;
	v8 =	vld [tilespmem:s16+$0x180];
	[tilespmem:s0+$0x8100] =	vst v6  }
0x168: {  	s24 =	sor.u32 $0x300, s21;
	s28 =	sor.u32 $0x280, s3;
	s15 =	sor.u32 $0x380, s3;
	[tilespmem:s1+$0x180] =	vst v3;
	v3 =	vld [tilespmem:s0+$0x8180]  }
0x169: {  	s17 =	sor.u32 $0x380, s21;
	s21 =	sor.u32 $0x300, s3;
	s3 =	rddreg [dreg:$0x4];
	[tilespmem:s2+$0x8180] =	vst v2;
	v2 =	vld [tilespmem:s5+$0x180];
	v5 =	vperm.xlane v5, v0  }
0x16a: {  	[smem:$0x7EB] =	sst s6;
	s6 =	sor.u32 $0x200, s11;
	v6 =	vld [tilespmem:s2+$0x8200];
	v7 =	vperm.xlane v7, v0;
	[tilespmem:s3+$0xC380] =	vst v1  }
0x16b: {  	v9 =	vperm.xlane v9, v0;
	v1 =	vld [tilespmem:s6+$0x8000];
	[tilespmem:s4+$0x8000] =	vst v5  }
0x16c: {  	v5 =	vperm.xlane v8, v0;
	[tilespmem:s23+$0x8000] =	vst v7;
	s23 =	smov.u32 s7;
	s7 =	sor.u32 $0x280, s10;
	v7 =	vld [tilespmem:s26+$0x0]  }
0x16d: {  	[tilespmem:s16+$0x180] =	vst v9;
	s4 =	sor.u32 $0x280, s19;
	v3 =	vperm.xlane v3, v0;
	v8 =	vld [tilespmem:s7+$0x8000]  }
0x16e: {  	[tilespmem:s8+$0x8180] =	vst v5;
	v2 =	vperm.xlane v2, v0;
	v5 =	vld [tilespmem:s4+$0x8000]  }
0x16f: {  	s3 =	smov.u32 s25;
	s25 =	smov.u32 s0;
	v9 =	vld [tilespmem:s8+$0x8200];
	v6 =	vperm.xlane v6, v0;
	[tilespmem:s5+$0x180] =	vst v3  }
0x170: {  	v1 =	vperm.xlane v1, v0;
	v3 =	vld [tilespmem:s22+$0x8000];
	[tilespmem:s25+$0x8180] =	vst v2  }
0x171: {  	v4 =	vperm.xlane v4, v0;
	[tilespmem:s6+$0x8000] =	vst v6;
	v2 =	vld [tilespmem:s25+$0x8200]  }
0x172: {  	v6 =	vperm.xlane v7, v0;
	[tilespmem:s2+$0x8200] =	vst v1;
	v1 =	vld [tilespmem:s31+$0x8000];
	v7 =	vperm.xlane v8, v0  }
0x173: {  	[smem:$0x7EA] =	sst s30;
	v8 =	vld [tilespmem:s2+$0x8280];
	[tilespmem:s26+$0x0] =	vst v4;
	v5 =	vperm.xlane v5, v0  }
0x174: {  	s30 =	sor.u32 $0x280, s11;
	[tilespmem:s4+$0x8000] =	vst v7;
	s4 =	sld [smem:$0x7E6]  }
0x175: {  	s5 =	sor.u32 $0x300, s10;
	v9 =	vperm.xlane v9, v0;
	v4 =	vld [tilespmem:s30+$0x8000];
	[tilespmem:s7+$0x8000] =	vst v5  }
0x176: {  	v3 =	vperm.xlane v3, v0;
	v7 =	vld [tilespmem:s5+$0x8000]  }
0x177: {  	s6 =	sor.u32 $0x300, s19;
	v2 =	vperm.xlane v2, v0;
	v5 =	vld [tilespmem:s4+$0xC380];
	[tilespmem:s22+$0x8000] =	vst v9  }
0x178: {  	s7 =	sld [smem:$0x7E7];
	v1 =	vperm.xlane v1, v0;
	[tilespmem:s8+$0x8200] =	vst v3;
	v3 =	vld [tilespmem:s6+$0x8000]  }
0x179: {  	v8 =	vperm.xlane v8, v0;
	[tilespmem:s31+$0x8000] =	vst v2;
	v9 =	vld [tilespmem:s8+$0x8280]  }
0x17a: {  	v2 =	vperm.xlane v4, v0;
	[tilespmem:s25+$0x8200] =	vst v1;
	v4 =	vld [tilespmem:s12+$0x8000]  }
0x17b: {  	[tilespmem:s30+$0x8000] =	vst v8;
	v1 =	vld [tilespmem:s7+$0x8000]  }
0x17c: {  	[tilespmem:s2+$0x8280] =	vst v2;
	v2 =	vld [tilespmem:s28+$0x8000];
	v7 =	vperm.xlane v7, v0  }
0x17d: {  	s11 =	sor.u32 $0x300, s11;
	v8 =	vld [tilespmem:s2+$0x8300];
	[tilespmem:s18+$0xC380] =	vst v6;
	v3 =	vperm.xlane v3, v0  }
0x17e: {  	v6 =	vld [tilespmem:s11+$0x8000];
	v9 =	vperm.xlane v9, v0;
	[tilespmem:s6+$0x8000] =	vst v7  }
0x17f: {  	s16 =	sor.u32 $0x380, s10;
	s30 =	sld [smem:$0x7E8];
	v4 =	vperm.xlane v4, v0;
	[tilespmem:s5+$0x8000] =	vst v3;
	v3 =	vld [tilespmem:s20+$0x0]  }
0x180: {  	s22 =	sor.u32 $0x380, s19;
	v1 =	vperm.xlane v1, v0;
	[tilespmem:s12+$0x8000] =	vst v9;
	v7 =	vld [tilespmem:s16+$0x8000]  }
0x181: {  	v2 =	vperm.xlane v2, v0;
	[tilespmem:s8+$0x8280] =	vst v4;
	v4 =	vld [tilespmem:s22+$0x8000]  }
0x182: {  	v8 =	vperm.xlane v8, v0;
	[tilespmem:s28+$0x8000] =	vst v1;
	v9 =	vld [tilespmem:s30+$0x8000]  }
0x183: {  	s31 =	sld [smem:$0x7E9];
	v1 =	vperm.xlane v6, v0;
	v6 =	vld [tilespmem:s24+$0x8000];
	[tilespmem:s7+$0x8000] =	vst v2  }
0x184: {  	s18 =	smov.u32 s2;
	v5 =	vperm.xlane v5, v0;
	[tilespmem:s11+$0x8000] =	vst v8;
	v2 =	vld [tilespmem:s25+$0x8300]  }
0x185: {  	[tilespmem:s18+$0x8300] =	vst v1;
	v1 =	vld [tilespmem:s21+$0x8000];
	v7 =	vperm.xlane v7, v0  }
0x186: {  	s26 =	sld [smem:$0x7E5];
	[tilespmem:s20+$0x0] =	vst v5;
	v8 =	vld [tilespmem:s31+$0x8000];
	v4 =	vperm.xlane v4, v0  }
0x187: {  	s5 =	rddreg [dreg:$0x1e];
	v5 =	vld [tilespmem:s9+$0x8000];
	v9 =	vperm.xlane v9, v0;
	[tilespmem:s22+$0x8000] =	vst v7  }
0x188: {  	s10 =	sor.u32 $0xC000, s5;
	s20 =	sld [smem:$0x7EA];
	v6 =	vperm.xlane v6, v0;
	[tilespmem:s16+$0x8000] =	vst v4;
	v4 =	vld [tilespmem:s3+$0xC380]  }
0x189: {  	s19 =	sor.u32 s26, s10;
	v2 =	vperm.xlane v2, v0;
	[tilespmem:s24+$0x8000] =	vst v9;
	v7 =	vld [tilespmem:s29+$0xC000]  }
0x18a: {  	s22 =	sld [smem:$0x7EB];
	v1 =	vperm.xlane v1, v0;
	[tilespmem:s30+$0x8000] =	vst v6;
	v6 =	vld [tilespmem:s19+$0x0]  }
0x18b: {  	v8 =	vperm.xlane v8, v0;
	[tilespmem:s21+$0x8000] =	vst v2;
	v9 =	vld [tilespmem:s20+$0x8000]  }
0x18c: {  	v2 =	vperm.xlane v5, v0;
	v5 =	vld [tilespmem:s17+$0x8000];
	[tilespmem:s25+$0x8300] =	vst v1  }
0x18d: {  	v3 =	vperm.xlane v3, v0;
	[tilespmem:s9+$0x8000] =	vst v8;
	v1 =	vld [tilespmem:s22+$0x8000]  }
0x18e: {  	[tilespmem:s31+$0x8000] =	vst v2;
	v2 =	vld [tilespmem:s15+$0x8000];
	v7 =	vperm.xlane v7, v0  }
0x18f: {  	s11 =	sor.u32 s23, s10;
	s24 =	smov.u32 s5;
	[tilespmem:s4+$0xC380] =	vst v3;
	v8 =	vld [tilespmem:s18+$0xC000];
	v6 =	vperm.xlane v6, v0  }
0x190: {  	s30 =	sor.u32 $0xC080, s24;
	v3 =	vld [tilespmem:s11+$0x0];
	v9 =	vperm.xlane v9, v0;
	[tilespmem:s19+$0x0] =	vst v7  }
0x191: {  	s12 =	sor.u32 s26, s30;
	v5 =	vperm.xlane v5, v0;
	[tilespmem:s29+$0xC000] =	vst v6;
	v6 =	vld [tilespmem:s29+$0xC080]  }
0x192: {  	s0 =	sor.u32 s13, s10;
	s5 =	sor.u32 s14, s10;
	s10 =	rddreg [dreg:$0x1f];
	v1 =	vperm.xlane v1, v0;
	[tilespmem:s17+$0x8000] =	vst v9;
	v7 =	vld [tilespmem:s12+$0x0]  }
0x193: {  	s16 =	smov.u32 s8;
	v2 =	vperm.xlane v2, v0;
	[tilespmem:s20+$0x8000] =	vst v5;
	v5 =	vld [tilespmem:s10+$0x0]  }
0x194: {  	v8 =	vperm.xlane v8, v0;
	[tilespmem:s15+$0x8000] =	vst v1;
	v9 =	vld [tilespmem:s16+$0xC000]  }
0x195: {  	v1 =	vperm.xlane v3, v0;
	v3 =	vld [tilespmem:s5+$0x0];
	[tilespmem:s22+$0x8000] =	vst v2  }
0x196: {  	[tilespmem:s11+$0x0] =	vst v8;
	v2 =	vld [tilespmem:s25+$0xC000];
	v6 =	vperm.xlane v6, v0  }
0x197: {  	v8 =	vld [tilespmem:s0+$0x0];
	[tilespmem:s18+$0xC000] =	vst v1;
	v7 =	vperm.xlane v7, v0  }
0x198: {  	v4 =	vperm.xlane v4, v0;
	s11 =	sor.u32 $0xC100, s24;
	v10 =	vld [tilespmem:s18+$0xC080];
	[tilespmem:s12+$0x0] =	vst v6  }
0x199: {  	s20 =	sor.u32 s26, s11;
	v1 =	vperm.xlane v5, v0;
	v5 =	vperm.xlane v9, v0;
	[tilespmem:s29+$0xC080] =	vst v7;
	v6 =	vld [tilespmem:s29+$0xC100]  }
0x19a: {  	s31 =	sor.u32 s23, s30;
	[tilespmem:s10+$0x0] =	vst v4;
	v3 =	vperm.xlane v3, v0;
	v7 =	vld [tilespmem:s20+$0x0]  }
0x19b: {  	v4 =	vld [tilespmem:s31+$0x0];
	v2 =	vperm.xlane v2, v0;
	[tilespmem:s5+$0x0] =	vst v5  }
0x19c: {  	s2 =	sor.u32 s14, s30;
	v5 =	vperm.xlane v8, v0;
	[tilespmem:s16+$0xC000] =	vst v3;
	v3 =	vld [tilespmem:s16+$0xC080]  }
0x19d: {  	v8 =	vperm.xlane v10, v0;
	[tilespmem:s0+$0x0] =	vst v2;
	v9 =	vld [tilespmem:s2+$0x0]  }
0x19e: {  	s19 =	sor.u32 s13, s30;
	[tilespmem:s25+$0xC000] =	vst v5;
	v2 =	vld [tilespmem:s25+$0xC080];
	v5 =	vperm.xlane v6, v0  }
0x19f: {  	[tilespmem:s31+$0x0] =	vst v8;
	v6 =	vld [tilespmem:s19+$0x0];
	v7 =	vperm.xlane v7, v0  }
0x1a0: {  	s21 =	sor.u32 $0xC180, s24;
	v4 =	vperm.xlane v4, v0;
	v8 =	vld [tilespmem:s18+$0xC100];
	[tilespmem:s20+$0x0] =	vst v5  }
0x1a1: {  	s31 =	sor.u32 s26, s21;
	v3 =	vperm.xlane v3, v0;
	[tilespmem:s29+$0xC100] =	vst v7;
	v5 =	vld [tilespmem:s29+$0xC180]  }
0x1a2: {  	s12 =	sor.u32 s23, s11;
	[tilespmem:s18+$0xC080] =	vst v4;
	v4 =	vperm.xlane v9, v0;
	v7 =	vld [tilespmem:s31+$0x0]  }
0x1a3: {  	v9 =	vld [tilespmem:s12+$0x0];
	v2 =	vperm.xlane v2, v0;
	[tilespmem:s2+$0x0] =	vst v3  }
0x1a4: {  	s15 =	sor.u32 s14, s11;
	[tilespmem:s16+$0xC080] =	vst v4;
	v3 =	vld [tilespmem:s16+$0xC100];
	v4 =	vperm.xlane v6, v0  }
0x1a5: {  	v6 =	vperm.xlane v8, v0;
	[tilespmem:s19+$0x0] =	vst v2;
	v8 =	vld [tilespmem:s15+$0x0]  }
0x1a6: {  	s1 =	sor.u32 s13, s11;
	v2 =	vld [tilespmem:s25+$0xC100];
	[tilespmem:s25+$0xC080] =	vst v4;
	v4 =	vperm.xlane v5, v0  }
0x1a7: {  	[tilespmem:s12+$0x0] =	vst v6;
	v5 =	vld [tilespmem:s1+$0x0];
	v6 =	vperm.xlane v7, v0  }
0x1a8: {  	s8 =	sor.u32 $0xC200, s24;
	v7 =	vperm.xlane v9, v0;
	v9 =	vld [tilespmem:s18+$0xC180];
	[tilespmem:s31+$0x0] =	vst v4  }
0x1a9: {  	s17 =	sor.u32 s26, s8;
	v3 =	vperm.xlane v3, v0;
	[tilespmem:s29+$0xC180] =	vst v6;
	v4 =	vld [tilespmem:s29+$0xC200]  }
0x1aa: {  	s22 =	sor.u32 s23, s21;
	[tilespmem:s18+$0xC100] =	vst v7;
	v6 =	vperm.xlane v8, v0;
	v7 =	vld [tilespmem:s17+$0x0]  }
0x1ab: {  	v2 =	vperm.xlane v2, v0;
	v8 =	vld [tilespmem:s22+$0x0];
	[tilespmem:s15+$0x0] =	vst v3  }
0x1ac: {  	s30 =	sor.u32 s14, s21;
	[tilespmem:s16+$0xC100] =	vst v6;
	v3 =	vld [tilespmem:s16+$0xC180];
	v5 =	vperm.xlane v5, v0  }
0x1ad: {  	[tilespmem:s1+$0x0] =	vst v2;
	v6 =	vperm.xlane v9, v0;
	v9 =	vld [tilespmem:s30+$0x0]  }
0x1ae: {  	s4 =	sor.u32 s13, s21;
	v2 =	vld [tilespmem:s25+$0xC180];
	[tilespmem:s25+$0xC100] =	vst v5;
	v4 =	vperm.xlane v4, v0  }
0x1af: {  	[tilespmem:s22+$0x0] =	vst v6;
	v5 =	vld [tilespmem:s4+$0x0];
	v6 =	vperm.xlane v7, v0  }
0x1b0: {  	s21 =	sor.u32 $0xC280, s24;
	v7 =	vperm.xlane v8, v0;
	v8 =	vld [tilespmem:s18+$0xC200];
	[tilespmem:s17+$0x0] =	vst v4  }
0x1b1: {  	s22 =	sor.u32 s26, s21;
	v3 =	vperm.xlane v3, v0;
	[tilespmem:s29+$0xC200] =	vst v6;
	v4 =	vld [tilespmem:s29+$0xC280]  }
0x1b2: {  	s10 =	sor.u32 s23, s8;
	[tilespmem:s18+$0xC180] =	vst v7;
	v6 =	vperm.xlane v9, v0;
	v7 =	vld [tilespmem:s22+$0x0]  }
0x1b3: {  	v2 =	vperm.xlane v2, v0;
	v9 =	vld [tilespmem:s10+$0x0];
	[tilespmem:s30+$0x0] =	vst v3  }
0x1b4: {  	s12 =	sor.u32 s14, s8;
	[tilespmem:s16+$0xC180] =	vst v6;
	v3 =	vld [tilespmem:s16+$0xC200];
	v5 =	vperm.xlane v5, v0  }
0x1b5: {  	[tilespmem:s4+$0x0] =	vst v2;
	v6 =	vperm.xlane v8, v0;
	v8 =	vld [tilespmem:s12+$0x0]  }
0x1b6: {  	s19 =	sor.u32 s13, s8;
	[tilespmem:s25+$0xC180] =	vst v5;
	v5 =	vld [tilespmem:s25+$0xC200];
	v2 =	vperm.xlane v4, v0  }
0x1b7: {  	[tilespmem:s10+$0x0] =	vst v6;
	v10 =	vld [tilespmem:s19+$0x0];
	v4 =	vperm.xlane v7, v0  }
0x1b8: {  	s30 =	sor.u32 $0xC300, s24;
	v6 =	vperm.xlane v9, v0;
	v7 =	vld [tilespmem:s18+$0xC280];
	[tilespmem:s22+$0x0] =	vst v2  }
.Ltmp6:
0x1b9: {  	[dreg:$0x4] =	wrdreg s3;
	s11 =	sor.u32 s26, s30;
	v9 =	vperm.xlane v3, v0;
	[tilespmem:s29+$0xC280] =	vst v4;
	v2 =	vld [tilespmem:s29+$0xC300];
	(pc) =	sbr.rel @p1 .LBB2_9-.Ltmp6, $4  }
0x1ba: {  	s28 =	rddreg [dreg:$0xc];
	s5 =	sor.u32 s23, s21;
	[tilespmem:s18+$0xC200] =	vst v6;
	v6 =	vperm.xlane v8, v0;
	v3 =	vld [tilespmem:s11+$0x0]  }
0x1bb: {  	s0 =	sor.u32 s13, s21;
	s20 =	smov.u32 s14;
	s31 =	rddreg [dreg:$0x1a];
	v4 =	vld [tilespmem:s5+$0x0];
	[tilespmem:s12+$0x0] =	vst v9;
	v9 =	vperm.xlane v5, v0  }
0x1bc: {  	s2 =	sor.u32 s14, s21;
	s3 =	sadd.s32 $0xFFFFFFC0, s31;
	s15 =	smov.u32 s23;
	[tilespmem:s16+$0xC200] =	vst v6;
	v6 =	vld [tilespmem:s16+$0xC280]  }
0x1bd: {  	s1 =	sor.u32 s23, s30;
	s9 =	sor.u32 s14, s30;
	s7 =	sor.u32 s13, s30;
	v8 =	vperm.xlane v10, v0;
	v7 =	vperm.xlane v7, v0;
	v5 =	vld [tilespmem:s2+$0x0];
	[tilespmem:s19+$0x0] =	vst v9  }
0x1be: {  	v47 =	vld [tilespmem:s25+$0xC280]  }
0x1bf: {  	v2 =	vperm.xlane v2, v0;
	[tilespmem:s25+$0xC200] =	vst v8  }
0x1c0: {  	[tilespmem:s5+$0x0] =	vst v7;
	v9 =	vld [tilespmem:s0+$0x0];
	v4 =	vperm.xlane v4, v0  }
0x1c1: {  	v7 =	vld [tilespmem:s18+$0xC300];
	[tilespmem:s11+$0x0] =	vst v2;
	v6 =	vperm.xlane v6, v0  }
0x1c2: {  	v55 =	vld [tilespmem:s29+$0xC380];
	[tilespmem:s18+$0xC280] =	vst v4;
	v48 =	vperm.xlane v5, v0  }
0x1c3: {  	[tilespmem:s2+$0x0] =	vst v6;
	v49 =	vperm.xlane v47, v0;
	v50 =	vld [tilespmem:s1+$0x0]  }
0x1c4: {  	v3 =	vperm.xlane v3, v0;
	[tilespmem:s16+$0xC280] =	vst v48;
	v52 =	vld [tilespmem:s16+$0xC300]  }
0x1c5: {  	s24 =	sor.u32 $0xC380, s24;
	v51 =	vperm.xlane v9, v0;
	[tilespmem:s0+$0x0] =	vst v49;
	v53 =	vld [tilespmem:s9+$0x0]  }
0x1c6: {  	s26 =	sor.u32 s26, s24;
	[tilespmem:s29+$0xC300] =	vst v3;
	v3 =	vperm.xlane v7, v0;
	v2 =	vld [tilespmem:s25+$0xC300]  }
0x1c7: {  	v56 =	vld [tilespmem:s26+$0x0];
	v59 =	vperm.xlane v55, v0;
	[tilespmem:s25+$0xC280] =	vst v51  }
0x1c8: {  	[tilespmem:s1+$0x0] =	vst v3;
	v54 =	vld [tilespmem:s7+$0x0];
	v6 =	vperm.xlane v50, v0  }
0x1c9: {  	[tilespmem:s26+$0x0] =	vst v59;
	v3 =	vperm.xlane v52, v0  }
0x1ca: {  	[tilespmem:s18+$0xC300] =	vst v6;
	v4 =	vperm.xlane v53, v0  }
0x1cb: {  	s28 =	sor.u32 s15, s24;
	[tilespmem:s9+$0x0] =	vst v3;
	v2 =	vperm.xlane v2, v0;
	v3 =	vld [tilespmem:s18+$0xC380]  }
0x1cc: {  	v60 =	vperm.xlane v56, v0;
	v58 =	vld [tilespmem:s28+$0x0];
	[tilespmem:s16+$0xC300] =	vst v4  }
0x1cd: {  	s3 =	sor.u32 s20, s24;
	v57 =	vperm.xlane v54, v0;
	[tilespmem:s7+$0x0] =	vst v2;
	v2 =	vld [tilespmem:s16+$0xC380]  }
0x1ce: {  	[tilespmem:s29+$0xC380] =	vst v60;
	v61 =	vld [tilespmem:s3+$0x0]  }
0x1cf: {  	s0 =	sor.u32 s13, s24;
	v62 =	vld [tilespmem:s25+$0xC380];
	[tilespmem:s25+$0xC300] =	vst v57  }
0x1d0: {  	v3 =	vperm.xlane v3, v0;
	v63 =	vld [tilespmem:s0+$0x0];
	s2 =	rddreg [dreg:$0x4]  }
0x1d1: {  	[tilespmem:s2+$0xC380] =	vst v1;
	v1 =	vperm.xlane v58, v0  }
0x1d2: {  	[tilespmem:s28+$0x0] =	vst v3;
	v2 =	vperm.xlane v2, v0  }
0x1d3: {  	[tilespmem:s18+$0xC380] =	vst v1;
	v1 =	vperm.xlane v61, v0  }
0x1d4: {  	[tilespmem:s3+$0x0] =	vst v2;
	v2 =	vperm.xlane v62, v0  }
0x1d5: {  	[tilespmem:s16+$0xC380] =	vst v1;
	v1 =	vperm.xlane v63, v0  }
0x1d6: {  	[tilespmem:s0+$0x0] =	vst v2  }
0x1d7: {  	s4 =	sld [smem:$0x7F7];
	[tilespmem:s25+$0xC380] =	vst v1  }
0x1d8: {  	s1 =	sld [smem:$0x7FA];
	_ =	sdelay $0x1  }
0x1d9: {  	s30 =	simm.s32 $0x8000;
	s0 =	sshll.u32 s4, $0xC  }
0x1da: {  	s31 =	simm.s32 $0x4;
	s29 =	simm.s32 $0x0;
	s1 =	sadd.s32 s0, s1  }
0x1db: {  	[hbm4b:s1+s29] =	stream.linear.scatter [tilespmem:s30], [sflag:$0x5], $0x8000, $0x38;
	[tilespmem:$0x18000] =	vst v63  }
0x1dc: {  	_ =	swait.ge [sflag:s31], $0x8000  }
.Ltmp7:
0x1dd: {  	s1 =	sld [smem:$0x7FC];
	(pc) =	sbr.rel .LBB2_14-.Ltmp7, $4  }
0x1de: {  	_ = 	snop  }
0x1df: {  	p0 =	sgt.u32 s4, $0x1D;
	[sflag:s31] =	ssyncset.done $0x0  }
0x1e0: {  	[sflag:s31] =	ssyncadd.s32 $0xFFFF8000;
	s0 =	sadd.s32 @!p0 s0, s1;
	s1 =	simm.s32 @!p0 $0x0  }
0x1e1: {  	[tilespmem:s1], [sflag:$0x1] =	stream.linear.gather @!p0 [hbm4b:s0+s1], $0x8000, $0x38;
	[tilespmem:$0x18000] =	vst v63  }
.LBB2_11:
0x1e2: {  	s0 =	simm.s32 $0x1  }
0x1e3: {  	s2 =	simm.s32 $0x0;
	s13 =	simm.s32 $0x7C0;
	s1 =	simm.s32 $0x3E00  }
0x1e4: {  	_ =	swait.ge [sflag:s0], $0x8000;
	s10 =	sand.u32 $0x40, s13;
	s3 =	sand.u32 $0x40, s2  }
0x1e5: {  	s14 =	sand.u32 $0x3C00, s1;
	s5 =	sand.u32 $0x1C00, s2;
	[sflag:s0] =	ssyncset.done $0x0  }
0x1e6: {  	s11 =	sor.u32 s10, s14;
	s8 =	sor.u32 $0x30, s3;
	[sflag:s0] =	ssyncadd.s32 $0xFFFF8000  }
0x1e7: {  	s13 =	sor.u32 s8, s5;
	v1 =	vld [tilespmem:s11+$0x0]  }
0x1e8: {  	v2 =	vld [tilespmem:s13+$0x0];
	_ =	sdelay $0x1  }
0x1e9: {  	s15 =	simm.s32 $0x7F0;
	s16 =	simm.s32 $0x3F80;
	s4 =	simm.s32 $0x7E0  }
0x1ea: {  	s6 =	simm.s32 $0x3F00;
	s1 =	sand.u32 $0x3C00, s16;
	s0 =	sand.u32 $0x70, s15  }
0x1eb: {  	s7 =	sand.u32 $0x60, s4;
	s6 =	sand.u32 $0x3C00, s6;
	s4 =	sor.u32 s0, s1;
	v1 =	vperm.xlane v1, v0  }
0x1ec: {  	s0 =	sor.u32 s7, s6;
	v3 =	vld [tilespmem:s4+$0x0];
	v2 =	vperm.xlane v2, v0  }
0x1ed: {  	v4 =	vld [tilespmem:s0+$0x0];
	[tilespmem:s13+$0x0] =	vst v1  }
0x1ee: {  	s17 =	simm.s32 $0x7D0;
	s18 =	simm.s32 $0x3E80;
	s7 =	sor.u32 $0x10, s3;
	[tilespmem:s11+$0x0] =	vst v2;
	v1 =	vld [tilespmem:s11+$0x80]  }
0x1ef: {  	s9 =	sand.u32 $0x50, s17;
	s12 =	sand.u32 $0x3C00, s18;
	s19 =	sor.u32 s7, s5;
	v2 =	vld [tilespmem:s13+$0x80]  }
0x1f0: {  	s25 =	sor.u32 s9, s12;
	s1 =	sor.u32 $0x20, s3;
	v5 =	vld [tilespmem:s19+$0x0]  }
0x1f1: {  	v6 =	vld [tilespmem:s25+$0x0];
	s20 =	sor.u32 s1, s5;
	v3 =	vperm.xlane v3, v0  }
0x1f2: {  	s14 =	sor.u32 s3, s5;
	v7 =	vld [tilespmem:s20+$0x0];
	v4 =	vperm.xlane v4, v0  }
0x1f3: {  	v8 =	vld [tilespmem:s14+$0x0];
	[tilespmem:s14+$0x0] =	vst v3;
	v1 =	vperm.xlane v1, v0  }
0x1f4: {  	[tilespmem:s19+$0x0] =	vst v4;
	v3 =	vld [tilespmem:s4+$0x80];
	v2 =	vperm.xlane v2, v0  }
0x1f5: {  	v4 =	vperm.xlane v5, v0;
	[tilespmem:s13+$0x80] =	vst v1;
	v1 =	vld [tilespmem:s0+$0x80]  }
0x1f6: {  	v5 =	vperm.xlane v6, v0;
	[tilespmem:s11+$0x80] =	vst v2;
	v2 =	vld [tilespmem:s11+$0x100]  }
0x1f7: {  	[tilespmem:s0+$0x0] =	vst v4;
	v4 =	vperm.xlane v7, v0;
	v6 =	vld [tilespmem:s13+$0x100]  }
0x1f8: {  	[tilespmem:s20+$0x0] =	vst v5;
	v5 =	vperm.xlane v8, v0  }
0x1f9: {  	[tilespmem:s25+$0x0] =	vst v4;
	v4 =	vld [tilespmem:s25+$0x80];
	v3 =	vperm.xlane v3, v0  }
0x1fa: {  	v7 =	vld [tilespmem:s19+$0x80];
	[tilespmem:s4+$0x0] =	vst v5;
	v1 =	vperm.xlane v1, v0  }
0x1fb: {  	v8 =	vld [tilespmem:s14+$0x80];
	[tilespmem:s14+$0x80] =	vst v3;
	v2 =	vperm.xlane v2, v0  }
0x1fc: {  	v5 =	vld [tilespmem:s20+$0x80];
	v3 =	vperm.xlane v6, v0;
	[tilespmem:s19+$0x80] =	vst v1  }
0x1fd: {  	[tilespmem:s13+$0x100] =	vst v2  }
0x1fe: {  	v1 =	vperm.xlane v4, v0;
	[tilespmem:s11+$0x100] =	vst v3;
	v3 =	vld [tilespmem:s11+$0x180]  }
0x1ff: {  	v2 =	vperm.xlane v7, v0;
	v4 =	vld [tilespmem:s13+$0x180]  }
0x200: {  	v6 =	vld [tilespmem:s4+$0x100];
	[tilespmem:s20+$0x80] =	vst v1;
	v1 =	vperm.xlane v8, v0  }
0x201: {  	[tilespmem:s0+$0x80] =	vst v2;
	v2 =	vperm.xlane v5, v0;
	v5 =	vld [tilespmem:s0+$0x100]  }
0x202: {  	p0 =	por $0x0, $0x0;
	s12 =	simm.s32 $0x1;
	v7 =	vld [tilespmem:s19+$0x100];
	[tilespmem:s4+$0x80] =	vst v1  }
0x203: {  	s12 =	simm.s32 @!p0 $0x0;
	[tilespmem:s25+$0x80] =	vst v2;
	v2 =	vld [tilespmem:s25+$0x100];
	v3 =	vperm.xlane v3, v0  }
0x204: {  	s15 =	sshll.u32 s12, $0x6;
	v8 =	vld [tilespmem:s14+$0x100];
	v4 =	vperm.xlane v4, v0  }
0x205: {  	s12 =	sadd.s32 $0x3E00, s10;
	s10 =	sadd.s32 $0x0, s15;
	v6 =	vperm.xlane v6, v0;
	v1 =	vld [tilespmem:s20+$0x100];
	[tilespmem:s13+$0x180] =	vst v3  }
0x206: {  	s21 =	sor.u32 $0x200, s12;
	v3 =	vperm.xlane v5, v0;
	s13 =	sadd.s32 $0x30, s10;
	[tilespmem:s11+$0x180] =	vst v4  }
0x207: {  	[tilespmem:s14+$0x100] =	vst v6;
	v4 =	vperm.xlane v7, v0;
	s16 =	sor.u32 $0x200, s13;
	v5 =	vld [tilespmem:s21+$0x0]  }
0x208: {  	v2 =	vperm.xlane v2, v0;
	[tilespmem:s19+$0x100] =	vst v3;
	v3 =	vld [tilespmem:s16+$0x0]  }
0x209: {  	v6 =	vld [tilespmem:s4+$0x180];
	v7 =	vperm.xlane v8, v0;
	[tilespmem:s0+$0x100] =	vst v4  }
0x20a: {  	v1 =	vperm.xlane v1, v0;
	v4 =	vld [tilespmem:s0+$0x180];
	[tilespmem:s20+$0x100] =	vst v2  }
0x20b: {  	[tilespmem:s4+$0x100] =	vst v7;
	v2 =	vld [tilespmem:s19+$0x180]  }
0x20c: {  	[tilespmem:s25+$0x100] =	vst v1;
	v1 =	vld [tilespmem:s25+$0x180];
	v5 =	vperm.xlane v5, v0  }
0x20d: {  	v7 =	vld [tilespmem:s14+$0x180];
	v3 =	vperm.xlane v3, v0  }
0x20e: {  	v6 =	vperm.xlane v6, v0;
	v8 =	vld [tilespmem:s20+$0x180];
	[tilespmem:s16+$0x0] =	vst v5  }
0x20f: {  	s22 =	sor.u32 $0x280, s12;
	v4 =	vperm.xlane v4, v0;
	[tilespmem:s21+$0x0] =	vst v3  }
0x210: {  	s23 =	sor.u32 $0x280, s13;
	[tilespmem:s14+$0x180] =	vst v6;
	v2 =	vperm.xlane v2, v0;
	v3 =	vld [tilespmem:s22+$0x0]  }
0x211: {  	v1 =	vperm.xlane v1, v0;
	[tilespmem:s19+$0x180] =	vst v4;
	v4 =	vld [tilespmem:s23+$0x0]  }
0x212: {  	s6 =	sadd.s32 $0x10, s10;
	v5 =	vld [tilespmem:s4+$0x200];
	v6 =	vperm.xlane v7, v0;
	[tilespmem:s0+$0x180] =	vst v2  }
0x213: {  	s24 =	sor.u32 $0x200, s6;
	v2 =	vld [tilespmem:s0+$0x200];
	[tilespmem:s20+$0x180] =	vst v1;
	v1 =	vperm.xlane v8, v0  }
0x214: {  	s17 =	sor.u32 $0x200, s10;
	[tilespmem:s4+$0x180] =	vst v6;
	v6 =	vld [tilespmem:s24+$0x0]  }
0x215: {  	s9 =	sadd.s32 $0x20, s10;
	v7 =	vld [tilespmem:s17+$0x0];
	[tilespmem:s25+$0x180] =	vst v1;
	v1 =	vperm.xlane v3, v0  }
0x216: {  	s18 =	sor.u32 $0x200, s9;
	v3 =	vld [tilespmem:s25+$0x200];
	v4 =	vperm.xlane v4, v0  }
0x217: {  	v5 =	vperm.xlane v5, v0;
	v8 =	vld [tilespmem:s18+$0x0];
	[tilespmem:s23+$0x0] =	vst v1  }
0x218: {  	s26 =	sor.u32 $0x300, s12;
	v1 =	vperm.xlane v2, v0;
	[tilespmem:s22+$0x0] =	vst v4  }
0x219: {  	s29 =	sor.u32 $0x300, s13;
	[tilespmem:s17+$0x0] =	vst v5;
	v2 =	vperm.xlane v6, v0;
	v4 =	vld [tilespmem:s26+$0x0]  }
0x21a: {  	[tilespmem:s24+$0x0] =	vst v1;
	v1 =	vperm.xlane v7, v0;
	v5 =	vld [tilespmem:s29+$0x0]  }
0x21b: {  	s20 =	simm.s32 $0x7D0;
	v6 =	vld [tilespmem:s4+$0x280];
	[tilespmem:s0+$0x200] =	vst v2;
	v2 =	vperm.xlane v3, v0  }
0x21c: {  	s21 =	sor.u32 $0x280, s10;
	s14 =	sand.u32 $0x70, s20;
	v3 =	vld [tilespmem:s0+$0x280];
	[tilespmem:s4+$0x200] =	vst v1;
	v1 =	vperm.xlane v8, v0  }
0x21d: {  	s19 =	sor.u32 $0x280, s6;
	s14 =	sadd.s32 $0x3E80, s14;
	v7 =	vld [tilespmem:s21+$0x0];
	[tilespmem:s18+$0x0] =	vst v2  }
0x21e: {  	s22 =	sor.u32 $0x280, s14;
	v2 =	vld [tilespmem:s19+$0x0];
	[tilespmem:s25+$0x200] =	vst v1;
	v1 =	vperm.xlane v4, v0  }
0x21f: {  	s20 =	sor.u32 $0x280, s9;
	v4 =	vld [tilespmem:s22+$0x0];
	v5 =	vperm.xlane v5, v0  }
0x220: {  	v6 =	vperm.xlane v6, v0;
	v8 =	vld [tilespmem:s20+$0x0];
	[tilespmem:s29+$0x0] =	vst v1  }
0x221: {  	s12 =	sor.u32 $0x380, s12;
	v1 =	vperm.xlane v3, v0;
	[tilespmem:s26+$0x0] =	vst v5  }
0x222: {  	s13 =	sor.u32 $0x380, s13;
	s23 =	simm.s32 $0x7E0;
	[tilespmem:s21+$0x0] =	vst v6;
	v3 =	vperm.xlane v7, v0;
	v5 =	vld [tilespmem:s12+$0x0]  }
0x223: {  	s15 =	sand.u32 $0x60, s23;
	[tilespmem:s19+$0x0] =	vst v1;
	v1 =	vperm.xlane v2, v0;
	v2 =	vld [tilespmem:s13+$0x0]  }
0x224: {  	s15 =	sadd.s32 $0x3F00, s15;
	s24 =	sor.u32 $0x300, s10;
	v6 =	vld [tilespmem:s4+$0x300];
	[tilespmem:s4+$0x280] =	vst v3;
	v3 =	vperm.xlane v4, v0  }
0x225: {  	s17 =	sor.u32 $0x300, s15;
	[tilespmem:s0+$0x280] =	vst v1;
	v1 =	vperm.xlane v8, v0;
	v4 =	vld [tilespmem:s24+$0x0]  }
0x226: {  	s26 =	sor.u32 $0x300, s6;
	[tilespmem:s20+$0x0] =	vst v3;
	v3 =	vld [tilespmem:s17+$0x0]  }
0x227: {  	[tilespmem:s22+$0x0] =	vst v1;
	v1 =	vld [tilespmem:s26+$0x0];
	v5 =	vperm.xlane v5, v0  }
0x228: {  	s29 =	sor.u32 $0x300, s9;
	v7 =	vld [tilespmem:s25+$0x300];
	v2 =	vperm.xlane v2, v0  }
0x229: {  	v6 =	vperm.xlane v6, v0;
	s20 =	simm.s32 $0x7F0;
	v8 =	vld [tilespmem:s29+$0x0];
	[tilespmem:s13+$0x0] =	vst v5  }
0x22a: {  	s21 =	sand.u32 $0x70, s20;
	s22 =	sor.u32 $0x4000, s5;
	v4 =	vperm.xlane v4, v0;
	[tilespmem:s12+$0x0] =	vst v2  }
0x22b: {  	[tilespmem:s24+$0x0] =	vst v6;
	s23 =	sadd.s32 $0x3F80, s21;
	s24 =	sor.u32 s8, s22;
	v2 =	vperm.xlane v3, v0;
	v3 =	vld [tilespmem:s11+$0x4000]  }
0x22c: {  	s2 =	sor.u32 s2, s2;
	s12 =	sor.u32 $0x200, s23;
	[tilespmem:s4+$0x300] =	vst v4;
	v1 =	vperm.xlane v1, v0;
	v4 =	vld [tilespmem:s24+$0x0]  }
0x22d: {  	s2 =	sor.u32 $0x380, s2;
	[tilespmem:s26+$0x0] =	vst v2;
	v2 =	vperm.xlane v7, v0;
	v5 =	vld [tilespmem:s12+$0x0]  }
0x22e: {  	s15 =	sor.u32 $0x380, s15;
	v6 =	vld [tilespmem:s2+$0x0];
	[tilespmem:s17+$0x0] =	vst v1;
	v1 =	vperm.xlane v8, v0  }
0x22f: {  	s6 =	sor.u32 $0x380, s6;
	[tilespmem:s29+$0x0] =	vst v2;
	v2 =	vld [tilespmem:s15+$0x0]  }
0x230: {  	s14 =	sor.u32 $0x380, s14;
	[tilespmem:s25+$0x300] =	vst v1;
	v1 =	vld [tilespmem:s6+$0x0];
	v3 =	vperm.xlane v3, v0  }
0x231: {  	s9 =	sor.u32 $0x380, s9;
	v7 =	vld [tilespmem:s14+$0x0];
	v4 =	vperm.xlane v4, v0  }
0x232: {  	s26 =	sor.u32 $0x4080, s5;
	v8 =	vld [tilespmem:s9+$0x0];
	v5 =	vperm.xlane v5, v0;
	[tilespmem:s24+$0x0] =	vst v3  }
0x233: {  	s29 =	sor.u32 s8, s26;
	v3 =	vperm.xlane v6, v0;
	[tilespmem:s11+$0x4000] =	vst v4;
	v4 =	vld [tilespmem:s11+$0x4080]  }
0x234: {  	[tilespmem:s2+$0x0] =	vst v5;
	v2 =	vperm.xlane v2, v0;
	v5 =	vld [tilespmem:s29+$0x0]  }
0x235: {  	[tilespmem:s12+$0x0] =	vst v3;
	v1 =	vperm.xlane v1, v0  }
0x236: {  	s2 =	sor.u32 s3, s22;
	v3 =	vld [tilespmem:s4+$0x4000];
	[tilespmem:s6+$0x0] =	vst v2;
	v2 =	vperm.xlane v7, v0  }
0x237: {  	v6 =	vld [tilespmem:s2+$0x0];
	[tilespmem:s15+$0x0] =	vst v1;
	v1 =	vperm.xlane v8, v0  }
0x238: {  	s17 =	sor.u32 s7, s22;
	v7 =	vld [tilespmem:s0+$0x4000];
	[tilespmem:s9+$0x0] =	vst v2;
	v2 =	vperm.xlane v4, v0  }
0x239: {  	v4 =	vld [tilespmem:s17+$0x0];
	[tilespmem:s14+$0x0] =	vst v1;
	v1 =	vperm.xlane v5, v0  }
0x23a: {  	s18 =	sor.u32 $0x4100, s5;
	v5 =	vld [tilespmem:s25+$0x4000];
	[tilespmem:s29+$0x0] =	vst v2  }
0x23b: {  	s19 =	sor.u32 s8, s18;
	v2 =	vperm.xlane v3, v0;
	[tilespmem:s11+$0x4080] =	vst v1;
	v1 =	vld [tilespmem:s11+$0x4100]  }
0x23c: {  	s10 =	sor.u32 s1, s22;
	v3 =	vperm.xlane v6, v0;
	v6 =	vld [tilespmem:s19+$0x0]  }
0x23d: {  	[tilespmem:s2+$0x0] =	vst v2;
	v2 =	vperm.xlane v7, v0;
	v7 =	vld [tilespmem:s10+$0x0]  }
0x23e: {  	s20 =	sor.u32 s3, s26;
	[tilespmem:s4+$0x4000] =	vst v3;
	v3 =	vld [tilespmem:s4+$0x4080];
	v4 =	vperm.xlane v4, v0  }
0x23f: {  	v8 =	vld [tilespmem:s20+$0x0];
	[tilespmem:s17+$0x0] =	vst v2;
	v2 =	vperm.xlane v5, v0  }
0x240: {  	s21 =	sor.u32 s7, s26;
	[tilespmem:s0+$0x4000] =	vst v4;
	v4 =	vld [tilespmem:s0+$0x4080];
	v1 =	vperm.xlane v1, v0  }
0x241: {  	v5 =	vld [tilespmem:s21+$0x0];
	[tilespmem:s10+$0x0] =	vst v2;
	v2 =	vperm.xlane v6, v0  }
0x242: {  	s22 =	sor.u32 $0x4180, s5;
	v6 =	vperm.xlane v7, v0;
	v7 =	vld [tilespmem:s25+$0x4080];
	[tilespmem:s19+$0x0] =	vst v1  }
0x243: {  	s23 =	sor.u32 s8, s22;
	v1 =	vperm.xlane v3, v0;
	[tilespmem:s11+$0x4100] =	vst v2;
	v2 =	vld [tilespmem:s11+$0x4180]  }
0x244: {  	s24 =	sor.u32 s1, s26;
	v3 =	vperm.xlane v8, v0;
	[tilespmem:s25+$0x4000] =	vst v6;
	v6 =	vld [tilespmem:s23+$0x0]  }
0x245: {  	[tilespmem:s20+$0x0] =	vst v1;
	v1 =	vperm.xlane v4, v0;
	v4 =	vld [tilespmem:s24+$0x0]  }
0x246: {  	s26 =	sor.u32 s3, s18;
	[tilespmem:s4+$0x4080] =	vst v3;
	v3 =	vld [tilespmem:s4+$0x4100];
	v5 =	vperm.xlane v5, v0  }
0x247: {  	v8 =	vld [tilespmem:s26+$0x0];
	[tilespmem:s21+$0x0] =	vst v1;
	v1 =	vperm.xlane v7, v0  }
0x248: {  	s29 =	sor.u32 s7, s18;
	[tilespmem:s0+$0x4080] =	vst v5;
	v5 =	vld [tilespmem:s0+$0x4100];
	v2 =	vperm.xlane v2, v0  }
0x249: {  	v7 =	vld [tilespmem:s29+$0x0];
	[tilespmem:s24+$0x0] =	vst v1;
	v1 =	vperm.xlane v6, v0  }
0x24a: {  	s12 =	sor.u32 $0x4200, s5;
	v4 =	vperm.xlane v4, v0;
	v6 =	vld [tilespmem:s25+$0x4100];
	[tilespmem:s23+$0x0] =	vst v2  }
0x24b: {  	s15 =	sor.u32 s8, s12;
	v2 =	vperm.xlane v3, v0;
	[tilespmem:s11+$0x4180] =	vst v1;
	v1 =	vld [tilespmem:s11+$0x4200]  }
0x24c: {  	s2 =	sor.u32 s1, s18;
	v3 =	vperm.xlane v8, v0;
	[tilespmem:s25+$0x4080] =	vst v4;
	v4 =	vld [tilespmem:s15+$0x0]  }
0x24d: {  	[tilespmem:s26+$0x0] =	vst v2;
	v2 =	vperm.xlane v5, v0;
	v5 =	vld [tilespmem:s2+$0x0]  }
0x24e: {  	s16 =	sor.u32 s3, s22;
	[tilespmem:s4+$0x4100] =	vst v3;
	v3 =	vld [tilespmem:s4+$0x4180];
	v7 =	vperm.xlane v7, v0  }
0x24f: {  	v8 =	vld [tilespmem:s16+$0x0];
	[tilespmem:s29+$0x0] =	vst v2;
	v2 =	vperm.xlane v6, v0  }
0x250: {  	s17 =	sor.u32 s7, s22;
	[tilespmem:s0+$0x4100] =	vst v7;
	v6 =	vld [tilespmem:s0+$0x4180];
	v1 =	vperm.xlane v1, v0  }
0x251: {  	v7 =	vld [tilespmem:s17+$0x0];
	[tilespmem:s2+$0x0] =	vst v2;
	v2 =	vperm.xlane v4, v0  }
0x252: {  	v4 =	vperm.xlane v5, v0;
	v5 =	vld [tilespmem:s25+$0x4180];
	[tilespmem:s15+$0x0] =	vst v1  }
0x253: {  	s2 =	sor.u32 $0x4280, s5;
	v1 =	vperm.xlane v3, v0;
	[tilespmem:s11+$0x4200] =	vst v2;
	v2 =	vld [tilespmem:s11+$0x4280]  }
0x254: {  	s18 =	sor.u32 s8, s2;
	v3 =	vperm.xlane v8, v0;
	[tilespmem:s25+$0x4100] =	vst v4  }
0x255: {  	s6 =	sor.u32 s1, s22;
	v4 =	vld [tilespmem:s18+$0x0];
	[tilespmem:s16+$0x0] =	vst v1;
	v1 =	vperm.xlane v6, v0  }
0x256: {  	v6 =	vld [tilespmem:s6+$0x0];
	[tilespmem:s4+$0x4180] =	vst v3;
	v7 =	vperm.xlane v7, v0  }
0x257: {  	s19 =	sor.u32 s3, s12;
	v3 =	vld [tilespmem:s4+$0x4200];
	[tilespmem:s17+$0x0] =	vst v1;
	v1 =	vperm.xlane v5, v0  }
0x258: {  	s31 =	simm.s32 $0x780;
	v8 =	vld [tilespmem:s19+$0x0];
	[tilespmem:s0+$0x4180] =	vst v7;
	v2 =	vperm.xlane v2, v0  }
0x259: {  	s9 =	sand.u32 $0x40, s31;
	s22 =	sor.u32 s7, s12;
	s24 =	simm.s32 $0x200;
	v5 =	vld [tilespmem:s0+$0x4200];
	[tilespmem:s6+$0x0] =	vst v1  }
0x25a: {  	s23 =	simm.s32 $0x3C00;
	s26 =	simm.s32 $0x40;
	s29 =	simm.s32 $0x3C00;
	v7 =	vld [tilespmem:s22+$0x0];
	[tilespmem:s18+$0x0] =	vst v2  }
0x25b: {  	s20 =	sand.u32 $0x40, s26;
	s15 =	sand.u32 $0x3C00, s23;
	v1 =	vperm.xlane v4, v0;
	v4 =	vld [tilespmem:s25+$0x4200];
	[dreg:$0x8] =	wrdreg s29  }
0x25c: {  	s30 =	sand.u32 $0x1C00, s24;
	s21 =	sor.u32 $0x30, s20;
	s28 =	sor.u32 s9, s15;
	v2 =	vperm.xlane v6, v0;
	v6 =	vld [tilespmem:s11+$0x4300]  }
0x25d: {  	s10 =	sor.u32 s21, s30;
	s6 =	sor.u32 $0x4300, s5;
	[tilespmem:s11+$0x4280] =	vst v1;
	v1 =	vld [tilespmem:s28+$0x0]  }
0x25e: {  	s15 =	sor.u32 s8, s6;
	v3 =	vperm.xlane v3, v0;
	[tilespmem:s25+$0x4180] =	vst v2;
	v2 =	vld [tilespmem:s10+$0x0]  }
0x25f: {  	s12 =	sor.u32 s1, s12;
	v8 =	vperm.xlane v8, v0;
	v9 =	vld [tilespmem:s15+$0x0]  }
0x260: {  	[tilespmem:s19+$0x0] =	vst v3;
	v3 =	vperm.xlane v5, v0;
	v5 =	vld [tilespmem:s12+$0x0]  }
0x261: {  	s14 =	sor.u32 s3, s2;
	[tilespmem:s4+$0x4200] =	vst v8;
	v7 =	vperm.xlane v7, v0;
	v8 =	vld [tilespmem:s4+$0x4280]  }
0x262: {  	[tilespmem:s22+$0x0] =	vst v3;
	v4 =	vperm.xlane v4, v0;
	v3 =	vld [tilespmem:s14+$0x0]  }
0x263: {  	s13 =	sor.u32 s7, s2;
	[tilespmem:s0+$0x4200] =	vst v7;
	v10 =	vld [tilespmem:s0+$0x4280];
	v7 =	vperm.xlane v1, v0  }
0x264: {  	s23 =	simm.s32 $0x790;
	s16 =	simm.s32 $0x7B0;
	[tilespmem:s12+$0x0] =	vst v4;
	v2 =	vperm.xlane v2, v0;
	v1 =	vld [tilespmem:s13+$0x0]  }
0x265: {  	s17 =	simm.s32 $0x3D80;
	s18 =	simm.s32 $0x7A0;
	s29 =	simm.s32 $0x3C80;
	v4 =	vperm.xlane v5, v0;
	v5 =	vld [tilespmem:s25+$0x4280];
	[tilespmem:s10+$0x0] =	vst v7  }
0x266: {  	s22 =	simm.s32 $0x3D00;
	s12 =	sand.u32 $0x70, s16;
	s16 =	sand.u32 $0x3C00, s17;
	[tilespmem:s28+$0x0] =	vst v2;
	v7 =	vld [tilespmem:s28+$0x80]  }
0x267: {  	s19 =	sor.u32 s12, s16;
	s12 =	sand.u32 $0x60, s18;
	v6 =	vperm.xlane v6, v0;
	s16 =	sand.u32 $0x3C00, s22;
	[tilespmem:s25+$0x4200] =	vst v4;
	v4 =	vld [tilespmem:s10+$0x80]  }
0x268: {  	s23 =	sand.u32 $0x50, s23;
	s29 =	sand.u32 $0x3C00, s29;
	s22 =	sor.u32 s12, s16;
	v8 =	vperm.xlane v8, v0;
	v11 =	vld [tilespmem:s19+$0x0]  }
0x269: {  	s23 =	sor.u32 s23, s29;
	v9 =	vperm.xlane v9, v0;
	[tilespmem:s15+$0x0] =	vst v6;
	v6 =	vperm.xlane v10, v0;
	v10 =	vld [tilespmem:s22+$0x0]  }
0x26a: {  	s2 =	sor.u32 s1, s2;
	s18 =	sor.u32 $0x20, s20;
	[tilespmem:s14+$0x0] =	vst v8;
	v8 =	vld [tilespmem:s23+$0x0]  }
0x26b: {  	s29 =	sor.u32 $0x10, s20;
	s12 =	sor.u32 s18, s30;
	[tilespmem:s11+$0x4300] =	vst v9;
	v2 =	vld [tilespmem:s2+$0x0];
	v7 =	vperm.xlane v7, v0  }
0x26c: {  	[tilespmem:s13+$0x0] =	vst v6;
	v6 =	vld [tilespmem:s12+$0x0];
	s13 =	sor.u32 s29, s30;
	v4 =	vperm.xlane v4, v0  }
0x26d: {  	s14 =	sor.u32 s20, s30;
	v5 =	vperm.xlane v5, v0;
	[tilespmem:s10+$0x80] =	vst v7;
	v7 =	vld [tilespmem:s13+$0x0]  }
0x26e: {  	v11 =	vperm.xlane v11, v0;
	[tilespmem:s28+$0x80] =	vst v4;
	v4 =	vld [tilespmem:s14+$0x0]  }
0x26f: {  	[tilespmem:s2+$0x0] =	vst v5;
	v5 =	vperm.xlane v10, v0;
	v10 =	vld [tilespmem:s28+$0x100]  }
0x270: {  	v8 =	vperm.xlane v8, v0;
	[tilespmem:s14+$0x0] =	vst v11;
	v11 =	vld [tilespmem:s10+$0x100]  }
0x271: {  	[tilespmem:s13+$0x0] =	vst v5;
	v6 =	vperm.xlane v6, v0;
	v5 =	vld [tilespmem:s19+$0x80]  }
0x272: {  	[tilespmem:s12+$0x0] =	vst v8;
	v8 =	vld [tilespmem:s11+$0x4380];
	v7 =	vperm.xlane v7, v0  }
0x273: {  	[tilespmem:s23+$0x0] =	vst v6;
	v6 =	vld [tilespmem:s22+$0x80];
	v4 =	vperm.xlane v4, v0  }
0x274: {  	v10 =	vperm.xlane v10, v0;
	[tilespmem:s22+$0x0] =	vst v7;
	v7 =	vld [tilespmem:s23+$0x80]  }
0x275: {  	v11 =	vperm.xlane v11, v0;
	[tilespmem:s19+$0x0] =	vst v4;
	v4 =	vld [tilespmem:s12+$0x80]  }
0x276: {  	v5 =	vperm.xlane v5, v0;
	[tilespmem:s10+$0x100] =	vst v10;
	v10 =	vld [tilespmem:s13+$0x80]  }
0x277: {  	v3 =	vperm.xlane v3, v0;
	[tilespmem:s28+$0x100] =	vst v11;
	v11 =	vld [tilespmem:s14+$0x80]  }
0x278: {  	s2 =	sor.u32 $0x4380, s5;
	v6 =	vperm.xlane v6, v0;
	[tilespmem:s14+$0x80] =	vst v5;
	v5 =	vld [tilespmem:s28+$0x180]  }
0x279: {  	[tilespmem:s4+$0x4280] =	vst v3;
	s5 =	sor.u32 s8, s2;
	v9 =	vld [tilespmem:s19+$0x100];
	v7 =	vperm.xlane v7, v0  }
0x27a: {  	[tilespmem:s13+$0x80] =	vst v6;
	v6 =	vld [tilespmem:s5+$0x0];
	v4 =	vperm.xlane v4, v0  }
0x27b: {  	v8 =	vperm.xlane v8, v0;
	[tilespmem:s12+$0x80] =	vst v7;
	v7 =	vld [tilespmem:s10+$0x180]  }
0x27c: {  	v11 =	vperm.xlane v11, v0;
	[tilespmem:s23+$0x80] =	vst v4;
	v4 =	vld [tilespmem:s22+$0x100]  }
0x27d: {  	[tilespmem:s5+$0x0] =	vst v8;
	v5 =	vperm.xlane v5, v0;
	v8 =	vld [tilespmem:s23+$0x100]  }
0x27e: {  	p0 =	por !p0, !p0;
	s5 =	simm.s32 $0x1;
	v9 =	vperm.xlane v9, v0;
	[tilespmem:s19+$0x80] =	vst v11;
	v11 =	vld [tilespmem:s12+$0x100]  }
0x27f: {  	s5 =	simm.s32 @!p0 $0x0;
	[tilespmem:s10+$0x180] =	vst v5;
	v5 =	vperm.xlane v10, v0;
	v10 =	vld [tilespmem:s14+$0x100]  }
0x280: {  	s5 =	sshll.u32 s5, $0x6;
	[tilespmem:s14+$0x100] =	vst v9;
	v7 =	vperm.xlane v7, v0  }
0x281: {  	s10 =	sadd.s32 $0x3C00, s9;
	s9 =	sadd.s32 $0x200, s5;
	[tilespmem:s22+$0x80] =	vst v5;
	v5 =	vld [tilespmem:s19+$0x180];
	v4 =	vperm.xlane v4, v0  }
0x282: {  	s17 =	sor.u32 $0x200, s10;
	s15 =	sadd.s32 $0x30, s9;
	v8 =	vperm.xlane v8, v0;
	[tilespmem:s28+$0x180] =	vst v7;
	v7 =	vld [tilespmem:s13+$0x100]  }
0x283: {  	s16 =	sor.u32 $0x200, s15;
	[tilespmem:s13+$0x100] =	vst v4;
	v4 =	vperm.xlane v11, v0;
	v9 =	vld [tilespmem:s17+$0x0]  }
0x284: {  	v10 =	vperm.xlane v10, v0;
	[tilespmem:s12+$0x100] =	vst v8;
	v8 =	vld [tilespmem:s16+$0x0]  }
0x285: {  	v6 =	vperm.xlane v6, v0;
	[tilespmem:s23+$0x100] =	vst v4;
	v4 =	vld [tilespmem:s22+$0x180]  }
0x286: {  	v5 =	vperm.xlane v5, v0;
	[tilespmem:s19+$0x100] =	vst v10;
	v10 =	vld [tilespmem:s23+$0x180]  }
0x287: {  	[tilespmem:s11+$0x4380] =	vst v6;
	v6 =	vperm.xlane v7, v0;
	v7 =	vld [tilespmem:s14+$0x180]  }
0x288: {  	[tilespmem:s14+$0x180] =	vst v5;
	v5 =	vld [tilespmem:s12+$0x180];
	s14 =	sor.u32 s3, s6;
	v9 =	vperm.xlane v9, v0  }
0x289: {  	v8 =	vperm.xlane v8, v0;
	v3 =	vld [tilespmem:s14+$0x0];
	[tilespmem:s22+$0x100] =	vst v6  }
0x28a: {  	[tilespmem:s16+$0x0] =	vst v9;
	v9 =	vld [tilespmem:s13+$0x180];
	v4 =	vperm.xlane v4, v0  }
0x28b: {  	v1 =	vperm.xlane v1, v0;
	s11 =	sor.u32 $0x280, s10;
	[tilespmem:s17+$0x0] =	vst v8;
	v8 =	vld [tilespmem:s19+$0x200]  }
0x28c: {  	[tilespmem:s13+$0x180] =	vst v4;
	v4 =	vperm.xlane v10, v0;
	v10 =	vld [tilespmem:s11+$0x0];
	s13 =	sor.u32 $0x280, s15  }
0x28d: {  	[tilespmem:s0+$0x4280] =	vst v1;
	v5 =	vperm.xlane v5, v0;
	v11 =	vld [tilespmem:s13+$0x0]  }
0x28e: {  	v6 =	vld [tilespmem:s4+$0x4300];
	[tilespmem:s12+$0x180] =	vst v4;
	v4 =	vperm.xlane v7, v0  }
0x28f: {  	v7 =	vperm.xlane v9, v0;
	[tilespmem:s23+$0x180] =	vst v5;
	v5 =	vld [tilespmem:s22+$0x200]  }
0x290: {  	s8 =	sadd.s32 $0x10, s9;
	s17 =	sor.u32 $0x200, s9;
	[tilespmem:s19+$0x180] =	vst v4;
	v4 =	vperm.xlane v8, v0;
	v8 =	vld [tilespmem:s23+$0x200]  }
0x291: {  	s5 =	sadd.s32 $0x20, s9;
	s16 =	sor.u32 $0x200, s8;
	[tilespmem:s22+$0x180] =	vst v7;
	v7 =	vld [tilespmem:s17+$0x0];
	v9 =	vperm.xlane v10, v0  }
0x292: {  	[tilespmem:s17+$0x0] =	vst v4;
	v4 =	vld [tilespmem:s16+$0x0];
	v10 =	vperm.xlane v11, v0;
	s17 =	sor.u32 $0x200, s5  }
0x293: {  	v6 =	vperm.xlane v6, v0;
	[tilespmem:s13+$0x0] =	vst v9;
	v9 =	vld [tilespmem:s17+$0x0]  }
0x294: {  	s13 =	sor.u32 $0x300, s10;
	[tilespmem:s11+$0x0] =	vst v10;
	v5 =	vperm.xlane v5, v0;
	v10 =	vld [tilespmem:s19+$0x280]  }
0x295: {  	[tilespmem:s14+$0x0] =	vst v6;
	s14 =	sor.u32 $0x300, s15;
	v6 =	vperm.xlane v8, v0;
	v8 =	vld [tilespmem:s13+$0x0]  }
0x296: {  	[tilespmem:s16+$0x0] =	vst v5;
	v5 =	vperm.xlane v7, v0;
	v7 =	vld [tilespmem:s14+$0x0]  }
0x297: {  	s12 =	simm.s32 $0x790;
	[tilespmem:s17+$0x0] =	vst v6;
	v4 =	vperm.xlane v4, v0;
	v6 =	vld [tilespmem:s22+$0x280]  }
0x298: {  	s11 =	sand.u32 $0x70, s12;
	s12 =	sor.u32 $0x280, s9;
	[tilespmem:s19+$0x200] =	vst v5;
	v5 =	vld [tilespmem:s0+$0x4300];
	v9 =	vperm.xlane v9, v0  }
0x299: {  	s11 =	sadd.s32 $0x3C80, s11;
	s16 =	sor.u32 $0x280, s8;
	[tilespmem:s22+$0x200] =	vst v4;
	v4 =	vld [tilespmem:s12+$0x0];
	v10 =	vperm.xlane v10, v0  }
0x29a: {  	s17 =	sor.u32 $0x280, s11;
	[tilespmem:s23+$0x200] =	vst v9;
	v9 =	vld [tilespmem:s16+$0x0];
	v8 =	vperm.xlane v8, v0  }
0x29b: {  	[tilespmem:s12+$0x0] =	vst v10;
	v10 =	vld [tilespmem:s17+$0x0];
	v7 =	vperm.xlane v7, v0;
	s12 =	sor.u32 $0x280, s5  }
0x29c: {  	[tilespmem:s14+$0x0] =	vst v8;
	v6 =	vperm.xlane v6, v0;
	v8 =	vld [tilespmem:s12+$0x0]  }
0x29d: {  	v1 =	vperm.xlane v2, v0;
	s10 =	sor.u32 $0x380, s10;
	[tilespmem:s13+$0x0] =	vst v7;
	v7 =	vld [tilespmem:s19+$0x300]  }
0x29e: {  	s13 =	sor.u32 $0x380, s15;
	[tilespmem:s16+$0x0] =	vst v6;
	v4 =	vperm.xlane v4, v0;
	v6 =	vld [tilespmem:s10+$0x0]  }
0x29f: {  	[tilespmem:s25+$0x4280] =	vst v1;
	s14 =	sor.u32 s7, s6;
	v5 =	vperm.xlane v5, v0;
	v2 =	vld [tilespmem:s13+$0x0];
	s16 =	simm.s32 $0x7A0  }
0x2a0: {  	s9 =	sor.u32 $0x300, s9;
	s15 =	sand.u32 $0x60, s16;
	v9 =	vperm.xlane v9, v0;
	[tilespmem:s19+$0x280] =	vst v4;
	v4 =	vld [tilespmem:s14+$0x0]  }
0x2a1: {  	s15 =	sadd.s32 $0x3D00, s15;
	v1 =	vperm.xlane v10, v0;
	[tilespmem:s14+$0x0] =	vst v5;
	v10 =	vld [tilespmem:s9+$0x0]  }
0x2a2: {  	[tilespmem:s22+$0x280] =	vst v9;
	v9 =	vld [tilespmem:s25+$0x4300];
	v8 =	vperm.xlane v8, v0;
	s16 =	sor.u32 $0x300, s15  }
0x2a3: {  	[tilespmem:s12+$0x0] =	vst v1;
	v1 =	vld [tilespmem:s16+$0x0];
	s12 =	sor.u32 $0x300, s8;
	v6 =	vperm.xlane v6, v0  }
0x2a4: {  	[tilespmem:s17+$0x0] =	vst v8;
	s17 =	sor.u32 s1, s6;
	v8 =	vld [tilespmem:s12+$0x0];
	v2 =	vperm.xlane v2, v0  }
0x2a5: {  	v7 =	vperm.xlane v7, v0;
	[tilespmem:s13+$0x0] =	vst v6;
	v6 =	vld [tilespmem:s17+$0x0];
	s13 =	simm.s32 $0x7B0  }
0x2a6: {  	[tilespmem:s10+$0x0] =	vst v2;
	s6 =	sand.u32 $0x70, s13;
	v2 =	vld [tilespmem:s23+$0x300];
	v10 =	vperm.xlane v10, v0  }
0x2a7: {  	[tilespmem:s9+$0x0] =	vst v7;
	s9 =	sor.u32 $0x300, s5;
	s6 =	sadd.s32 $0x3D80, s6;
	v7 =	vld [tilespmem:s28+$0x4000]  }
0x2a8: {  	s14 =	simm.s32 $0x200;
	s10 =	sor.u32 $0x200, s6;
	[tilespmem:s19+$0x300] =	vst v10;
	v10 =	vld [tilespmem:s9+$0x0]  }
0x2a9: {  	v1 =	vperm.xlane v1, v0;
	s6 =	sor.u32 $0x4000, s30;
	v5 =	vperm.xlane v8, v0;
	v8 =	vld [tilespmem:s10+$0x0];
	[dreg:$0x5] =	wrdreg s14;
	s14 =	simm.s32 $0x40  }
0x2aa: {  	s26 =	sor.u32 s24, s26;
	[dreg:$0x6] =	wrdreg s14;
	s14 =	sor.u32 s21, s6  }
0x2ab: {  	s13 =	sor.u32 $0x380, s26;
	[tilespmem:s12+$0x0] =	vst v1;
	v1 =	vperm.xlane v9, v0;
	v9 =	vld [tilespmem:s14+$0x0]  }
0x2ac: {  	v2 =	vperm.xlane v2, v0;
	[tilespmem:s16+$0x0] =	vst v5;
	s16 =	sor.u32 $0x380, s15;
	v5 =	vld [tilespmem:s13+$0x0]  }
0x2ad: {  	v7 =	vperm.xlane v7, v0;
	[tilespmem:s17+$0x0] =	vst v1;
	v1 =	vld [tilespmem:s16+$0x0]  }
0x2ae: {  	s26 =	sor.u32 $0x380, s8;
	[tilespmem:s9+$0x0] =	vst v2;
	v2 =	vperm.xlane v10, v0  }
0x2af: {  	[tilespmem:s14+$0x0] =	vst v7;
	v7 =	vld [tilespmem:s26+$0x0];
	v8 =	vperm.xlane v8, v0  }
0x2b0: {  	s11 =	sor.u32 $0x380, s11;
	[tilespmem:s23+$0x300] =	vst v2;
	v2 =	vperm.xlane v9, v0  }
0x2b1: {  	s5 =	sor.u32 $0x380, s5;
	[tilespmem:s13+$0x0] =	vst v8;
	v8 =	vld [tilespmem:s11+$0x0];
	v5 =	vperm.xlane v5, v0  }
0x2b2: {  	s8 =	sor.u32 $0x4080, s30;
	v9 =	vld [tilespmem:s5+$0x0];
	[tilespmem:s28+$0x4000] =	vst v2;
	v1 =	vperm.xlane v1, v0  }
0x2b3: {  	s15 =	sor.u32 s21, s8;
	v2 =	vperm.xlane v3, v0;
	v3 =	vld [tilespmem:s28+$0x4080];
	[tilespmem:s10+$0x0] =	vst v5  }
0x2b4: {  	v5 =	vperm.xlane v7, v0;
	[tilespmem:s26+$0x0] =	vst v1;
	v1 =	vld [tilespmem:s15+$0x0]  }
0x2b5: {  	[tilespmem:s4+$0x4300] =	vst v2;
	v2 =	vperm.xlane v4, v0;
	v4 =	vld [tilespmem:s4+$0x4380]  }
0x2b6: {  	v6 =	vperm.xlane v6, v0;
	[tilespmem:s16+$0x0] =	vst v5;
	s16 =	sor.u32 s20, s6;
	v5 =	vld [tilespmem:s19+$0x4000]  }
0x2b7: {  	s17 =	sor.u32 s29, s6;
	v7 =	vperm.xlane v8, v0;
	[tilespmem:s0+$0x4300] =	vst v2;
	v2 =	vld [tilespmem:s16+$0x0]  }
0x2b8: {  	[tilespmem:s25+$0x4300] =	vst v6;
	v8 =	vperm.xlane v9, v0;
	v9 =	vld [tilespmem:s17+$0x0]  }
0x2b9: {  	s26 =	sor.u32 s3, s2;
	[tilespmem:s5+$0x0] =	vst v7;
	v7 =	vld [tilespmem:s22+$0x4000];
	v3 =	vperm.xlane v3, v0  }
0x2ba: {  	[tilespmem:s11+$0x0] =	vst v8;
	v8 =	vld [tilespmem:s26+$0x0];
	v1 =	vperm.xlane v1, v0  }
0x2bb: {  	s3 =	sor.u32 $0x4100, s30;
	[tilespmem:s15+$0x0] =	vst v3;
	v3 =	vld [tilespmem:s23+$0x4000];
	v4 =	vperm.xlane v4, v0  }
0x2bc: {  	s11 =	sor.u32 s21, s3;
	v5 =	vperm.xlane v5, v0;
	[tilespmem:s28+$0x4080] =	vst v1;
	v1 =	vld [tilespmem:s28+$0x4100]  }
0x2bd: {  	s6 =	sor.u32 s18, s6;
	v2 =	vperm.xlane v2, v0;
	[tilespmem:s26+$0x0] =	vst v4;
	v6 =	vld [tilespmem:s11+$0x0]  }
0x2be: {  	[tilespmem:s16+$0x0] =	vst v5;
	v5 =	vperm.xlane v7, v0;
	v7 =	vld [tilespmem:s6+$0x0]  }
0x2bf: {  	s13 =	sor.u32 s20, s8;
	[tilespmem:s19+$0x4000] =	vst v2;
	v2 =	vperm.xlane v9, v0;
	v9 =	vld [tilespmem:s19+$0x4080]  }
0x2c0: {  	[tilespmem:s17+$0x0] =	vst v5;
	v5 =	vld [tilespmem:s13+$0x0];
	v3 =	vperm.xlane v3, v0  }
0x2c1: {  	s14 =	sor.u32 s29, s8;
	[tilespmem:s22+$0x4000] =	vst v2;
	v2 =	vld [tilespmem:s22+$0x4080];
	v1 =	vperm.xlane v1, v0  }
0x2c2: {  	v4 =	vld [tilespmem:s14+$0x0];
	[tilespmem:s6+$0x0] =	vst v3;
	v3 =	vperm.xlane v6, v0  }
0x2c3: {  	v6 =	vld [tilespmem:s0+$0x4380];
	v7 =	vperm.xlane v7, v0;
	[tilespmem:s11+$0x0] =	vst v1  }
0x2c4: {  	s5 =	sor.u32 $0x4180, s30;
	v1 =	vld [tilespmem:s23+$0x4080];
	v9 =	vperm.xlane v9, v0;
	[tilespmem:s28+$0x4100] =	vst v3  }
0x2c5: {  	s15 =	sor.u32 s21, s5;
	v3 =	vld [tilespmem:s28+$0x4180];
	v5 =	vperm.xlane v5, v0;
	[tilespmem:s23+$0x4000] =	vst v7  }
0x2c6: {  	s8 =	sor.u32 s18, s8;
	v7 =	vld [tilespmem:s15+$0x0];
	[tilespmem:s13+$0x0] =	vst v9;
	v2 =	vperm.xlane v2, v0  }
0x2c7: {  	v9 =	vld [tilespmem:s8+$0x0];
	[tilespmem:s19+$0x4080] =	vst v5;
	v4 =	vperm.xlane v4, v0  }
0x2c8: {  	s16 =	sor.u32 s20, s3;
	v5 =	vperm.xlane v8, v0;
	v8 =	vld [tilespmem:s19+$0x4100];
	[tilespmem:s14+$0x0] =	vst v2  }
0x2c9: {  	v2 =	vld [tilespmem:s16+$0x0];
	v1 =	vperm.xlane v1, v0;
	[tilespmem:s22+$0x4080] =	vst v4  }
0x2ca: {  	s17 =	sor.u32 s29, s3;
	[tilespmem:s4+$0x4380] =	vst v5;
	v4 =	vld [tilespmem:s22+$0x4100];
	v3 =	vperm.xlane v3, v0  }
0x2cb: {  	s7 =	sor.u32 s7, s2;
	v5 =	vld [tilespmem:s17+$0x0];
	[tilespmem:s8+$0x0] =	vst v1;
	v1 =	vperm.xlane v7, v0  }
0x2cc: {  	v7 =	vld [tilespmem:s7+$0x0];
	v9 =	vperm.xlane v9, v0;
	[tilespmem:s15+$0x0] =	vst v3  }
0x2cd: {  	s26 =	sor.u32 $0x4200, s30;
	v3 =	vld [tilespmem:s23+$0x4100];
	v8 =	vperm.xlane v8, v0;
	[tilespmem:s28+$0x4180] =	vst v1  }
0x2ce: {  	s8 =	sor.u32 s21, s26;
	v1 =	vld [tilespmem:s28+$0x4200];
	v2 =	vperm.xlane v2, v0;
	[tilespmem:s23+$0x4080] =	vst v9  }
0x2cf: {  	s3 =	sor.u32 s18, s3;
	v9 =	vld [tilespmem:s8+$0x0];
	[tilespmem:s16+$0x0] =	vst v8;
	v4 =	vperm.xlane v4, v0  }
0x2d0: {  	v8 =	vld [tilespmem:s3+$0x0];
	[tilespmem:s19+$0x4100] =	vst v2;
	v2 =	vperm.xlane v5, v0  }
0x2d1: {  	s11 =	sor.u32 s20, s5;
	v5 =	vperm.xlane v6, v0;
	v6 =	vld [tilespmem:s19+$0x4180];
	[tilespmem:s17+$0x0] =	vst v4  }
0x2d2: {  	v4 =	vld [tilespmem:s11+$0x0];
	v3 =	vperm.xlane v3, v0;
	[tilespmem:s22+$0x4100] =	vst v2  }
0x2d3: {  	s12 =	sor.u32 s29, s5;
	[tilespmem:s7+$0x0] =	vst v5;
	v2 =	vld [tilespmem:s22+$0x4180];
	v1 =	vperm.xlane v1, v0  }
0x2d4: {  	v5 =	vld [tilespmem:s12+$0x0];
	[tilespmem:s3+$0x0] =	vst v3;
	v3 =	vperm.xlane v9, v0  }
0x2d5: {  	v8 =	vperm.xlane v8, v0;
	[tilespmem:s8+$0x0] =	vst v1  }
0x2d6: {  	s13 =	sor.u32 $0x4280, s30;
	v1 =	vld [tilespmem:s23+$0x4180];
	v6 =	vperm.xlane v6, v0;
	[tilespmem:s28+$0x4200] =	vst v3  }
0x2d7: {  	s14 =	sor.u32 s21, s13;
	v3 =	vld [tilespmem:s28+$0x4280];
	v4 =	vperm.xlane v4, v0;
	[tilespmem:s23+$0x4100] =	vst v8  }
0x2d8: {  	s5 =	sor.u32 s18, s5;
	v8 =	vld [tilespmem:s14+$0x0];
	[tilespmem:s11+$0x0] =	vst v6;
	v2 =	vperm.xlane v2, v0  }
0x2d9: {  	v6 =	vld [tilespmem:s5+$0x0];
	[tilespmem:s19+$0x4180] =	vst v4;
	v4 =	vperm.xlane v5, v0  }
0x2da: {  	v5 =	vperm.xlane v7, v0;
	v7 =	vld [tilespmem:s19+$0x4200];
	[tilespmem:s12+$0x0] =	vst v2  }
0x2db: {  	s15 =	sor.u32 s20, s26;
	v9 =	vld [tilespmem:s25+$0x4380];
	v1 =	vperm.xlane v1, v0;
	[tilespmem:s22+$0x4180] =	vst v4  }
0x2dc: {  	v2 =	vld [tilespmem:s15+$0x0];
	[tilespmem:s0+$0x4380] =	vst v5;
	v3 =	vperm.xlane v3, v0  }
0x2dd: {  	s16 =	sor.u32 s29, s26;
	v4 =	vld [tilespmem:s22+$0x4200];
	[tilespmem:s5+$0x0] =	vst v1;
	v1 =	vperm.xlane v8, v0  }
0x2de: {  	s1 =	sor.u32 s1, s2;
	v10 =	vld [tilespmem:s16+$0x0];
	v5 =	vperm.xlane v6, v0;
	[tilespmem:s14+$0x0] =	vst v3  }
0x2df: {  	v8 =	vld [tilespmem:s1+$0x0];
	v6 =	vperm.xlane v7, v0;
	[tilespmem:s28+$0x4280] =	vst v1  }
0x2e0: {  	s17 =	sor.u32 $0x4300, s30;
	v3 =	vld [tilespmem:s23+$0x4200];
	[tilespmem:s23+$0x4180] =	vst v5  }
0x2e1: {  	s9 =	sor.u32 s18, s26;
	s26 =	simm.s32 $0x4;
	s11 =	sor.u32 s21, s17;
	v7 =	vld [tilespmem:s28+$0x4300];
	v1 =	vperm.xlane v2, v0;
	[tilespmem:s15+$0x0] =	vst v6  }
0x2e2: {  	v2 =	vld [tilespmem:s11+$0x0];
	v4 =	vperm.xlane v4, v0;
	[dreg:$0x15] =	wrdreg s26  }
0x2e3: {  	[tilespmem:s19+$0x4200] =	vst v1  }
0x2e4: {  	s24 =	smov.u32 s22;
	v5 =	vld [tilespmem:s9+$0x0];
	[tilespmem:s16+$0x0] =	vst v4  }
0x2e5: {  	s10 =	sor.u32 s20, s13;
	s2 =	sor.u32 s18, s13;
	v10 =	vperm.xlane v10, v0;
	v6 =	vld [tilespmem:s19+$0x4280];
	[smem:$0x7E0] =	sst s29  }
0x2e6: {  	s4 =	simm.s32 $0x770;
	s6 =	sor.u32 s29, s17;
	v9 =	vperm.xlane v9, v0;
	[smem:$0x7E1] =	sst s18  }
0x2e7: {  	s7 =	sor.u32 s18, s17;
	s3 =	smov.u32 s20;
	s8 =	sor.u32 s29, s13;
	v1 =	vperm.xlane v8, v0;
	v4 =	vld [tilespmem:s10+$0x0];
	[tilespmem:s22+$0x4200] =	vst v10  }
0x2e8: {  	s0 =	simm.s32 $0x750;
	s5 =	sor.u32 s20, s17;
	v8 =	vperm.xlane v3, v0;
	[tilespmem:s1+$0x0] =	vst v9;
	v3 =	vld [tilespmem:s22+$0x4280];
	v7 =	vperm.xlane v7, v0;
	s1 =	simm.s32 $0x760  }
.LBB2_12:
0x2e9: {  	[smem:$0x7D4] =	sst s25  }
0x2ea: {  	[smem:$0x7D6] =	sst s7  }
0x2eb: {  	[dreg:$0x1c] =	wrdreg s4  }
0x2ec: {  	[dreg:$0x1b] =	wrdreg s1  }
0x2ed: {  	[dreg:$0x18] =	wrdreg s0  }
0x2ee: {  	s14 =	sand.u32 $0x60, s1;
	s20 =	rddreg [dreg:$0x5]  }
0x2ef: {  	s18 =	sand.u32 $0x70, s4;
	v9 =	vld [tilespmem:s8+$0x0];
	s22 =	rddreg [dreg:$0x6];
	s31 =	sadd.s32 $0xFFFFFFC0, s31;
	[tilespmem:s9+$0x0] =	vst v8;
	v2 =	vperm.xlane v2, v0  }
0x2f0: {  	s25 =	rddreg [dreg:$0x8];
	s9 =	sor.u32 $0x4380, s30;
	[tilespmem:s11+$0x0] =	vst v7;
	s1 =	sadd.s32 $0x200, s20;
	v8 =	vld [tilespmem:s23+$0x4280];
	v5 =	vperm.xlane v5, v0  }
0x2f1: {  	s4 =	sadd.s32 $0x40, s22;
	s7 =	sadd.s32 $0xFFFFFE00, s25;
	s11 =	sor.u32 s21, s9;
	v6 =	vperm.xlane v6, v0;
	[tilespmem:s28+$0x4300] =	vst v2;
	v2 =	vld [tilespmem:s28+$0x4380]  }
0x2f2: {  	s29 =	sand.u32 $0x40, s31;
	s12 =	sand.u32 $0x40, s4;
	s13 =	sand.u32 $0x3C00, s7;
	v4 =	vperm.xlane v4, v0;
	[tilespmem:s23+$0x4200] =	vst v5;
	v5 =	vld [tilespmem:s11+$0x0]  }
0x2f3: {  	s22 =	sand.u32 $0x1C00, s1;
	s15 =	sor.u32 s29, s13;
	s13 =	sor.u32 $0x30, s12;
	v3 =	vperm.xlane v3, v0;
	[tilespmem:s10+$0x0] =	vst v6;
	v6 =	vld [tilespmem:s2+$0x0]  }
0x2f4: {  	s26 =	sand.u32 $0x70, s0;
	s0 =	rddreg [dreg:$0x15];
	s17 =	sor.u32 s13, s22;
	v7 =	vld [tilespmem:s15+$0x0];
	[tilespmem:s19+$0x4280] =	vst v4;
	v4 =	vperm.xlane v9, v0  }
0x2f5: {  	s16 =	sadd.s32 $0x30, s31;
	s25 =	sadd.s32 $0x20, s31;
	[smem:$0x7D3] =	sst s29;
	[tilespmem:s8+$0x0] =	vst v3;
	v9 =	vld [tilespmem:s17+$0x0];
	v3 =	vperm.xlane v8, v0  }
0x2f6: {  	s20 =	sadd.s32 $0x180, s7;
	[smem:$0x7D5] =	sst s13;
	s13 =	sadd.s32 $0x4, s0;
	v8 =	vld [tilespmem:s19+$0x4300];
	[tilespmem:s24+$0x4280] =	vst v4;
	v2 =	vperm.xlane v2, v0  }
0x2f7: {  	s30 =	sadd.s32 $0x100, s7;
	s29 =	smov.u32 s19;
	[dreg:$0x15] =	wrdreg s13;
	v4 =	vld [tilespmem:s5+$0x0];
	[tilespmem:s2+$0x0] =	vst v3;
	v3 =	vperm.xlane v5, v0  }
0x2f8: {  	p1 =	slt.u32 s13, $0x3C;
	s8 =	sand.u32 $0x70, s16;
	s10 =	sand.u32 $0x3C00, s20;
	v5 =	vld [tilespmem:s24+$0x4300];
	v6 =	vperm.xlane v6, v0;
	[tilespmem:s11+$0x0] =	vst v2  }
0x2f9: {  	s19 =	sand.u32 $0x60, s25;
	s25 =	sand.u32 $0x3C00, s30;
	s13 =	sor.u32 s8, s10;
	v2 =	vperm.xlane v7, v0;
	v7 =	vld [tilespmem:s6+$0x0];
	[tilespmem:s28+$0x4380] =	vst v3  }
0x2fa: {  	[smem:$0x7D9] =	sst s24;
	v9 =	vperm.xlane v9, v0;
	s11 =	sor.u32 s19, s25;
	v3 =	vld [tilespmem:s13+$0x0];
	[tilespmem:s23+$0x4280] =	vst v6  }
0x2fb: {  	[dreg:$0x7] =	wrdreg s31;
	s21 =	sadd.s32 $0x10, s31;
	v6 =	vld [tilespmem:s11+$0x0];
	[tilespmem:s17+$0x0] =	vst v2;
	v2 =	vperm.xlane v8, v0  }
0x2fc: {  	s31 =	sadd.s32 $0x80, s7;
	s21 =	sand.u32 $0x50, s21;
	s0 =	sor.u32 $0x10, s12;
	v4 =	vperm.xlane v4, v0;
	[tilespmem:s15+$0x0] =	vst v9;
	v8 =	vld [tilespmem:s15+$0x80]  }
0x2fd: {  	s16 =	smov.u32 s24;
	s24 =	sand.u32 $0x3C00, s31;
	s25 =	sor.u32 s0, s22;
	v9 =	vld [tilespmem:s17+$0x80];
	[tilespmem:s5+$0x0] =	vst v2;
	v2 =	vperm.xlane v5, v0  }
0x2fe: {  	s10 =	sor.u32 $0x20, s12;
	s21 =	sor.u32 s21, s24;
	v5 =	vld [tilespmem:s25+$0x0];
	[tilespmem:s29+$0x4300] =	vst v4;
	v4 =	vperm.xlane v7, v0  }
0x2ff: {  	s24 =	sor.u32 s10, s22;
	v7 =	vld [tilespmem:s21+$0x0];
	v3 =	vperm.xlane v3, v0;
	[tilespmem:s6+$0x0] =	vst v2  }
0x300: {  	s8 =	sor.u32 s12, s22;
	v2 =	vperm.xlane v6, v0;
	v6 =	vld [tilespmem:s24+$0x0];
	[tilespmem:s16+$0x4300] =	vst v4  }
0x301: {  	v4 =	vld [tilespmem:s8+$0x0];
	[tilespmem:s8+$0x0] =	vst v3;
	v3 =	vperm.xlane v8, v0  }
0x302: {  	[tilespmem:s25+$0x0] =	vst v2;
	v8 =	vld [tilespmem:s13+$0x80];
	v2 =	vperm.xlane v9, v0  }
0x303: {  	s28 =	smov.u32 s15;
	v5 =	vperm.xlane v5, v0;
	v9 =	vld [tilespmem:s11+$0x80];
	[tilespmem:s17+$0x80] =	vst v3  }
0x304: {  	v3 =	vperm.xlane v7, v0;
	[tilespmem:s28+$0x80] =	vst v2;
	v2 =	vld [tilespmem:s28+$0x100]  }
0x305: {  	[tilespmem:s11+$0x0] =	vst v5;
	v5 =	vperm.xlane v6, v0;
	v6 =	vld [tilespmem:s17+$0x100]  }
0x306: {  	v4 =	vperm.xlane v4, v0;
	v7 =	vld [tilespmem:s25+$0x80];
	[tilespmem:s24+$0x0] =	vst v3  }
0x307: {  	[tilespmem:s21+$0x0] =	vst v5;
	v5 =	vld [tilespmem:s21+$0x80];
	v3 =	vperm.xlane v8, v0  }
0x308: {  	[tilespmem:s13+$0x0] =	vst v4;
	v4 =	vperm.xlane v9, v0;
	v8 =	vld [tilespmem:s24+$0x80]  }
0x309: {  	v9 =	vld [tilespmem:s8+$0x80];
	[tilespmem:s8+$0x80] =	vst v3;
	v2 =	vperm.xlane v2, v0  }
0x30a: {  	[tilespmem:s25+$0x80] =	vst v4;
	v3 =	vld [tilespmem:s13+$0x100];
	v4 =	vperm.xlane v6, v0  }
0x30b: {  	v6 =	vperm.xlane v7, v0;
	v7 =	vld [tilespmem:s11+$0x100];
	[tilespmem:s17+$0x100] =	vst v2  }
0x30c: {  	v2 =	vperm.xlane v5, v0;
	[tilespmem:s28+$0x100] =	vst v4;
	v4 =	vld [tilespmem:s28+$0x180]  }
0x30d: {  	s26 =	sadd.s32 s26, s31;
	[tilespmem:s11+$0x80] =	vst v6;
	v5 =	vperm.xlane v8, v0;
	v6 =	vld [tilespmem:s17+$0x180]  }
0x30e: {  	s18 =	sadd.s32 s18, s20;
	s20 =	sor.u32 $0x280, s26;
	v8 =	vperm.xlane v9, v0;
	v9 =	vld [tilespmem:s25+$0x100];
	[tilespmem:s24+$0x80] =	vst v2  }
0x30f: {  	[smem:$0x7D7] =	sst s20;
	s20 =	sor.u32 s1, s4;
	s19 =	sor.u32 $0x200, s18;
	[tilespmem:s21+$0x80] =	vst v5;
	v2 =	vperm.xlane v3, v0;
	v3 =	vld [tilespmem:s21+$0x100]  }
0x310: {  	[smem:$0x7DB] =	sst s19;
	s19 =	sor.u32 $0x380, s20;
	[tilespmem:s13+$0x80] =	vst v8;
	v5 =	vperm.xlane v7, v0;
	v7 =	vld [tilespmem:s24+$0x100]  }
0x311: {  	p0 =	por !p0, !p0;
	[smem:$0x7DC] =	sst s19;
	s19 =	smov.u32 s29;
	v8 =	vld [tilespmem:s8+$0x100];
	[tilespmem:s8+$0x100] =	vst v2  }
0x312: {  	s29 =	smov.u32 s0;
	s0 =	simm.s32 $0x1;
	s16 =	sld [smem:$0x7D3];
	v2 =	vperm.xlane v4, v0;
	[tilespmem:s25+$0x100] =	vst v5  }
0x313: {  	s0 =	simm.s32 @!p0 $0x0;
	v5 =	vperm.xlane v6, v0;
	v6 =	vperm.xlane v9, v0;
	v9 =	vld [tilespmem:s11+$0x180]  }
0x314: {  	s0 =	sshll.u32 s0, $0x6;
	[tilespmem:s17+$0x180] =	vst v2  }
0x315: {  	s0 =	sadd.s32 s0, s1;
	s15 =	sadd.s32 s7, s16;
	v4 =	vld [tilespmem:s13+$0x180];
	v2 =	vperm.xlane v3, v0;
	[tilespmem:s28+$0x180] =	vst v5  }
0x316: {  	[dreg:$0x5] =	wrdreg s1;
	s18 =	sadd.s32 $0x30, s0;
	s1 =	sor.u32 $0x200, s15;
	v3 =	vld [tilespmem:s23+$0x4300];
	[tilespmem:s11+$0x100] =	vst v6;
	v5 =	vperm.xlane v7, v0  }
0x317: {  	[dreg:$0x8] =	wrdreg s7;
	s7 =	sor.u32 $0x200, s18;
	v6 =	vld [tilespmem:s1+$0x0];
	[tilespmem:s24+$0x100] =	vst v2  }
0x318: {  	[dreg:$0x6] =	wrdreg s4;
	s14 =	sadd.s32 s14, s30;
	v2 =	vld [tilespmem:s7+$0x0];
	[tilespmem:s21+$0x100] =	vst v5;
	v5 =	vperm.xlane v9, v0  }
0x319: {  	s4 =	sor.u32 $0x300, s14;
	s20 =	sor.u32 $0x380, s14;
	s14 =	sld [smem:$0x7E1];
	v7 =	vperm.xlane v8, v0;
	v8 =	vld [tilespmem:s25+$0x180]  }
0x31a: {  	v4 =	vperm.xlane v4, v0;
	[tilespmem:s25+$0x180] =	vst v5;
	s25 =	sld [smem:$0x7D4]  }
0x31b: {  	s5 =	sor.u32 s3, s9;
	[tilespmem:s13+$0x100] =	vst v7;
	v7 =	vld [tilespmem:s21+$0x180]  }
0x31c: {  	s2 =	sor.u32 s14, s9;
	[smem:$0x7D8] =	sst s5;
	v9 =	vld [tilespmem:s8+$0x180];
	[tilespmem:s8+$0x180] =	vst v4;
	v5 =	vperm.xlane v6, v0  }
0x31d: {  	[smem:$0x7DF] =	sst s2;
	s5 =	smov.u32 s12;
	s3 =	sadd.s32 $0x20, s0;
	v4 =	vld [tilespmem:s24+$0x180];
	v2 =	vperm.xlane v2, v0;
	[tilespmem:s25+$0x4380] =	vst v1  }
0x31e: {  	s2 =	sor.u32 $0x200, s0;
	s14 =	sor.u32 $0x280, s0;
	v6 =	vld [tilespmem:s13+$0x200];
	v1 =	vperm.xlane v8, v0;
	[tilespmem:s7+$0x0] =	vst v5;
	s7 =	sld [smem:$0x7D6]  }
0x31f: {  	s12 =	sor.u32 $0x300, s0;
	s17 =	sadd.s32 $0x10, s0;
	s0 =	sor.u32 $0x280, s15;
	v8 =	vld [tilespmem:s11+$0x200];
	[tilespmem:s1+$0x0] =	vst v2  }
0x320: {  	v5 =	vperm.xlane v7, v0;
	[tilespmem:s11+$0x180] =	vst v1;
	v1 =	vld [tilespmem:s0+$0x0]  }
0x321: {  	s8 =	sor.u32 $0x280, s18;
	v7 =	vperm.xlane v9, v0;
	v2 =	vld [tilespmem:s7+$0x0]  }
0x322: {  	[smem:$0x7DD] =	sst s20;
	s20 =	sor.u32 $0x200, s17;
	v4 =	vperm.xlane v4, v0;
	[tilespmem:s24+$0x180] =	vst v5;
	v5 =	vld [tilespmem:s8+$0x0]  }
0x323: {  	s25 =	smov.u32 s23;
	s23 =	smov.u32 s21;
	[tilespmem:s13+$0x180] =	vst v7;
	v6 =	vperm.xlane v6, v0;
	v7 =	vld [tilespmem:s20+$0x0]  }
0x324: {  	v3 =	vperm.xlane v3, v0;
	v9 =	vld [tilespmem:s2+$0x0];
	[tilespmem:s23+$0x180] =	vst v4  }
0x325: {  	s31 =	sor.u32 $0x200, s3;
	v4 =	vld [tilespmem:s23+$0x200];
	v8 =	vperm.xlane v8, v0;
	[tilespmem:s2+$0x0] =	vst v6  }
0x326: {  	v6 =	vld [tilespmem:s31+$0x0];
	[tilespmem:s7+$0x0] =	vst v3;
	v1 =	vperm.xlane v1, v0  }
0x327: {  	[tilespmem:s20+$0x0] =	vst v8;
	v8 =	vld [tilespmem:s13+$0x280];
	v5 =	vperm.xlane v5, v0  }
0x328: {  	v3 =	vperm.xlane v7, v0;
	v7 =	vld [tilespmem:s11+$0x280];
	[tilespmem:s8+$0x0] =	vst v1  }
0x329: {  	s20 =	sor.u32 $0x300, s15;
	v1 =	vperm.xlane v9, v0;
	[tilespmem:s0+$0x0] =	vst v5;
	v5 =	vld [tilespmem:s19+$0x4380]  }
0x32a: {  	[smem:$0x7DA] =	sst s4;
	s24 =	sor.u32 $0x300, s18;
	[tilespmem:s11+$0x200] =	vst v3;
	v3 =	vperm.xlane v4, v0;
	v4 =	vld [tilespmem:s20+$0x0]  }
0x32b: {  	s4 =	sor.u32 $0x380, s26;
	s2 =	sld [smem:$0x7D7];
	[tilespmem:s13+$0x200] =	vst v1;
	v1 =	vperm.xlane v6, v0;
	v6 =	vld [tilespmem:s24+$0x0]  }
0x32c: {  	[smem:$0x7DE] =	sst s4;
	s30 =	sor.u32 $0x280, s17;
	v9 =	vld [tilespmem:s14+$0x0];
	v8 =	vperm.xlane v8, v0;
	[tilespmem:s31+$0x0] =	vst v3  }
0x32d: {  	s4 =	smov.u32 s10;
	s26 =	sor.u32 $0x280, s3;
	s10 =	sor.u32 $0x300, s3;
	v3 =	vld [tilespmem:s30+$0x0];
	v7 =	vperm.xlane v7, v0;
	[tilespmem:s23+$0x200] =	vst v1  }
0x32e: {  	s16 =	sor.u32 $0x380, s3;
	s3 =	smov.u32 s5;
	s5 =	sld [smem:$0x7D8];
	v2 =	vperm.xlane v2, v0;
	[tilespmem:s14+$0x0] =	vst v8;
	v1 =	vld [tilespmem:s2+$0x0]  }
0x32f: {  	s8 =	sor.u32 $0x380, s15;
	s15 =	sld [smem:$0x7D9];
	[tilespmem:s30+$0x0] =	vst v7;
	v7 =	vld [tilespmem:s26+$0x0];
	v4 =	vperm.xlane v4, v0  }
0x330: {  	v8 =	vld [tilespmem:s13+$0x300];
	[tilespmem:s25+$0x4300] =	vst v2;
	v6 =	vperm.xlane v6, v0  }
0x331: {  	v2 =	vperm.xlane v9, v0;
	[tilespmem:s24+$0x0] =	vst v4;
	v4 =	vld [tilespmem:s5+$0x0]  }
0x332: {  	v3 =	vperm.xlane v3, v0;
	[tilespmem:s20+$0x0] =	vst v6;
	v6 =	vld [tilespmem:s15+$0x4380];
	s20 =	sld [smem:$0x7DA]  }
0x333: {  	s18 =	sor.u32 $0x380, s18;
	[tilespmem:s13+$0x280] =	vst v2;
	v1 =	vperm.xlane v1, v0;
	v2 =	vld [tilespmem:s8+$0x0]  }
0x334: {  	s6 =	sld [smem:$0x7E0];
	[tilespmem:s11+$0x280] =	vst v3;
	v3 =	vperm.xlane v7, v0;
	v7 =	vld [tilespmem:s18+$0x0]  }
0x335: {  	v8 =	vperm.xlane v8, v0;
	[tilespmem:s26+$0x0] =	vst v1;
	v1 =	vld [tilespmem:s20+$0x0]  }
0x336: {  	v5 =	vperm.xlane v5, v0;
	v9 =	vld [tilespmem:s12+$0x0];
	[tilespmem:s2+$0x0] =	vst v3  }
0x337: {  	s6 =	sor.u32 s6, s9;
	s9 =	sor.u32 $0x300, s17;
	[tilespmem:s12+$0x0] =	vst v8;
	v3 =	vperm.xlane v4, v0  }
0x338: {  	v4 =	vld [tilespmem:s9+$0x0];
	[tilespmem:s5+$0x0] =	vst v5;
	v2 =	vperm.xlane v2, v0  }
0x339: {  	v8 =	vld [tilespmem:s23+$0x300];
	v7 =	vperm.xlane v7, v0;
	[tilespmem:s19+$0x4380] =	vst v3  }
0x33a: {  	s21 =	sld [smem:$0x7D5];
	v5 =	vld [tilespmem:s10+$0x0];
	[tilespmem:s18+$0x0] =	vst v2;
	v1 =	vperm.xlane v1, v0  }
0x33b: {  	v3 =	vperm.xlane v9, v0;
	v2 =	vld [tilespmem:s6+$0x0];
	[tilespmem:s8+$0x0] =	vst v7  }
0x33c: {  	s24 =	sor.u32 $0x4000, s22;
	s19 =	smov.u32 s13;
	v7 =	vld [tilespmem:s25+$0x4380];
	[tilespmem:s9+$0x0] =	vst v1;
	s9 =	sld [smem:$0x7DB]  }
0x33d: {  	s14 =	sld [smem:$0x7DC];
	s26 =	sor.u32 s21, s24;
	[tilespmem:s19+$0x300] =	vst v3;
	v3 =	vperm.xlane v4, v0;
	v4 =	vld [tilespmem:s28+$0x4000]  }
0x33e: {  	s18 =	sld [smem:$0x7DD];
	v1 =	vperm.xlane v8, v0;
	v8 =	vld [tilespmem:s26+$0x0]  }
0x33f: {  	[tilespmem:s20+$0x0] =	vst v3;
	v3 =	vperm.xlane v5, v0;
	v9 =	vld [tilespmem:s9+$0x0]  }
0x340: {  	v6 =	vperm.xlane v6, v0;
	v5 =	vld [tilespmem:s14+$0x0];
	s20 =	sld [smem:$0x7DE];
	[tilespmem:s10+$0x0] =	vst v1  }
0x341: {  	s17 =	sor.u32 $0x380, s17;
	v1 =	vperm.xlane v2, v0;
	v2 =	vld [tilespmem:s18+$0x0];
	[tilespmem:s23+$0x300] =	vst v3  }
0x342: {  	v3 =	vperm.xlane v7, v0;
	v7 =	vld [tilespmem:s17+$0x0];
	[tilespmem:s6+$0x0] =	vst v6;
	v4 =	vperm.xlane v4, v0  }
0x343: {  	s7 =	sor.u32 s29, s24;
	v6 =	vld [tilespmem:s20+$0x0];
	v8 =	vperm.xlane v8, v0;
	[tilespmem:s15+$0x4380] =	vst v1  }
0x344: {  	s12 =	sor.u32 s3, s24;
	s5 =	sor.u32 $0x4080, s22;
	[tilespmem:s26+$0x0] =	vst v4;
	s26 =	sld [smem:$0x7DF];
	v1 =	vperm.xlane v9, v0;
	v9 =	vld [tilespmem:s16+$0x0]  }
0x345: {  	s2 =	sor.u32 s4, s24;
	s24 =	smov.u32 s11;
	s11 =	sor.u32 s21, s5;
	v4 =	vperm.xlane v5, v0;
	[tilespmem:s28+$0x4000] =	vst v8;
	v5 =	vld [tilespmem:s28+$0x4080]  }
0x346: {  	[tilespmem:s14+$0x0] =	vst v1;
	v1 =	vperm.xlane v2, v0;
	v2 =	vld [tilespmem:s11+$0x0]  }
0x347: {  	[tilespmem:s9+$0x0] =	vst v4;
	v4 =	vperm.xlane v7, v0;
	v7 =	vld [tilespmem:s26+$0x0]  }
0x348: {  	v8 =	vld [tilespmem:s19+$0x4000];
	[tilespmem:s17+$0x0] =	vst v1;
	v1 =	vperm.xlane v6, v0  }
0x349: {  	v6 =	vld [tilespmem:s12+$0x0];
	[tilespmem:s18+$0x0] =	vst v4;
	v4 =	vperm.xlane v9, v0  }
0x34a: {  	v9 =	vld [tilespmem:s24+$0x4000];
	[tilespmem:s16+$0x0] =	vst v1;
	v1 =	vperm.xlane v5, v0  }
0x34b: {  	s8 =	sor.u32 s3, s5;
	v5 =	vld [tilespmem:s7+$0x0];
	[tilespmem:s20+$0x0] =	vst v4;
	v2 =	vperm.xlane v2, v0  }
0x34c: {  	s6 =	sor.u32 s29, s5;
	s15 =	sor.u32 s4, s5;
	s5 =	sor.u32 $0x4100, s22;
	v4 =	vld [tilespmem:s23+$0x4000];
	[tilespmem:s11+$0x0] =	vst v1  }
0x34d: {  	s17 =	sor.u32 s21, s5;
	v1 =	vperm.xlane v7, v0;
	v7 =	vperm.xlane v8, v0;
	[tilespmem:s28+$0x4080] =	vst v2;
	v2 =	vld [tilespmem:s28+$0x4100]  }
0x34e: {  	[tilespmem:s26+$0x0] =	vst v3;
	v6 =	vperm.xlane v6, v0;
	v8 =	vld [tilespmem:s17+$0x0]  }
0x34f: {  	[tilespmem:s12+$0x0] =	vst v7;
	v3 =	vperm.xlane v9, v0;
	v7 =	vld [tilespmem:s2+$0x0]  }
0x350: {  	v5 =	vperm.xlane v5, v0;
	[tilespmem:s19+$0x4000] =	vst v6;
	v6 =	vld [tilespmem:s19+$0x4080]  }
0x351: {  	v9 =	vld [tilespmem:s8+$0x0];
	[tilespmem:s7+$0x0] =	vst v3;
	v3 =	vperm.xlane v4, v0  }
0x352: {  	[tilespmem:s24+$0x4000] =	vst v5;
	v4 =	vld [tilespmem:s24+$0x4080];
	v2 =	vperm.xlane v2, v0  }
0x353: {  	v5 =	vld [tilespmem:s6+$0x0];
	[tilespmem:s2+$0x0] =	vst v3;
	v3 =	vperm.xlane v8, v0  }
0x354: {  	s2 =	sor.u32 $0x4180, s22;
	v7 =	vperm.xlane v7, v0;
	v8 =	vld [tilespmem:s23+$0x4080];
	[tilespmem:s17+$0x0] =	vst v2  }
0x355: {  	s20 =	sor.u32 s21, s2;
	v2 =	vperm.xlane v6, v0;
	[tilespmem:s28+$0x4100] =	vst v3;
	v3 =	vld [tilespmem:s28+$0x4180]  }
0x356: {  	v6 =	vperm.xlane v9, v0;
	[tilespmem:s23+$0x4000] =	vst v7;
	v7 =	vld [tilespmem:s20+$0x0]  }
0x357: {  	[tilespmem:s8+$0x0] =	vst v2;
	v2 =	vperm.xlane v4, v0;
	v4 =	vld [tilespmem:s15+$0x0]  }
0x358: {  	s10 =	sor.u32 s3, s5;
	[tilespmem:s19+$0x4080] =	vst v6;
	v6 =	vld [tilespmem:s19+$0x4100];
	v5 =	vperm.xlane v5, v0  }
0x359: {  	v9 =	vld [tilespmem:s10+$0x0];
	[tilespmem:s6+$0x0] =	vst v2;
	v2 =	vperm.xlane v8, v0  }
0x35a: {  	s14 =	sor.u32 s29, s5;
	[tilespmem:s24+$0x4080] =	vst v5;
	v5 =	vld [tilespmem:s24+$0x4100];
	v3 =	vperm.xlane v3, v0  }
0x35b: {  	v8 =	vld [tilespmem:s14+$0x0];
	[tilespmem:s15+$0x0] =	vst v2;
	v2 =	vperm.xlane v7, v0  }
0x35c: {  	s9 =	sor.u32 $0x4200, s22;
	v4 =	vperm.xlane v4, v0;
	v7 =	vld [tilespmem:s23+$0x4100];
	[tilespmem:s20+$0x0] =	vst v3  }
0x35d: {  	s16 =	sor.u32 s21, s9;
	v3 =	vperm.xlane v6, v0;
	[tilespmem:s28+$0x4180] =	vst v2;
	v2 =	vld [tilespmem:s28+$0x4200]  }
0x35e: {  	s18 =	sor.u32 s4, s5;
	v6 =	vperm.xlane v9, v0;
	[tilespmem:s23+$0x4080] =	vst v4;
	v4 =	vld [tilespmem:s16+$0x0]  }
0x35f: {  	[tilespmem:s10+$0x0] =	vst v3;
	v3 =	vperm.xlane v5, v0;
	v5 =	vld [tilespmem:s18+$0x0]  }
0x360: {  	s11 =	sor.u32 s3, s2;
	[tilespmem:s19+$0x4100] =	vst v6;
	v6 =	vld [tilespmem:s19+$0x4180];
	v8 =	vperm.xlane v8, v0  }
0x361: {  	v9 =	vld [tilespmem:s11+$0x0];
	[tilespmem:s14+$0x0] =	vst v3;
	v3 =	vperm.xlane v7, v0  }
0x362: {  	s7 =	sor.u32 s29, s2;
	[tilespmem:s24+$0x4100] =	vst v8;
	v7 =	vld [tilespmem:s24+$0x4180];
	v2 =	vperm.xlane v2, v0  }
0x363: {  	v8 =	vld [tilespmem:s7+$0x0];
	[tilespmem:s18+$0x0] =	vst v3;
	v3 =	vperm.xlane v4, v0  }
0x364: {  	s17 =	sor.u32 $0x4280, s22;
	v4 =	vperm.xlane v5, v0;
	v5 =	vld [tilespmem:s23+$0x4180];
	[tilespmem:s16+$0x0] =	vst v2  }
0x365: {  	s18 =	sor.u32 s21, s17;
	v2 =	vperm.xlane v6, v0;
	[tilespmem:s28+$0x4200] =	vst v3;
	v3 =	vld [tilespmem:s28+$0x4280]  }
0x366: {  	s26 =	sor.u32 s4, s2;
	v6 =	vperm.xlane v9, v0;
	[tilespmem:s23+$0x4100] =	vst v4;
	v4 =	vld [tilespmem:s18+$0x0]  }
0x367: {  	[tilespmem:s11+$0x0] =	vst v2;
	v2 =	vperm.xlane v7, v0;
	v7 =	vld [tilespmem:s26+$0x0]  }
0x368: {  	s15 =	sor.u32 s3, s9;
	[tilespmem:s19+$0x4180] =	vst v6;
	v6 =	vld [tilespmem:s19+$0x4200];
	v8 =	vperm.xlane v8, v0  }
0x369: {  	v9 =	vld [tilespmem:s15+$0x0];
	[tilespmem:s7+$0x0] =	vst v2;
	v2 =	vperm.xlane v5, v0  }
0x36a: {  	s12 =	sor.u32 s29, s9;
	[tilespmem:s24+$0x4180] =	vst v8;
	v5 =	vld [tilespmem:s24+$0x4200];
	v3 =	vperm.xlane v3, v0  }
0x36b: {  	[smem:$0x7E1] =	sst s4;
	v8 =	vld [tilespmem:s12+$0x0];
	[tilespmem:s26+$0x0] =	vst v2;
	v2 =	vperm.xlane v4, v0  }
0x36c: {  	[smem:$0x7E0] =	sst s29;
	s20 =	sor.u32 $0x4300, s22;
	v4 =	vperm.xlane v7, v0;
	v7 =	vld [tilespmem:s23+$0x4200];
	[tilespmem:s18+$0x0] =	vst v3  }
0x36d: {  	s31 =	rddreg [dreg:$0x7];
	s11 =	sor.u32 s21, s20;
	v3 =	vperm.xlane v6, v0;
	[tilespmem:s28+$0x4280] =	vst v2;
	v10 =	vld [tilespmem:s28+$0x4300]  }
.Ltmp8:
0x36e: {  	s30 =	smov.u32 s22;
	s9 =	sor.u32 s4, s9;
	v6 =	vperm.xlane v9, v0;
	[tilespmem:s23+$0x4180] =	vst v4;
	v2 =	vld [tilespmem:s11+$0x0];
	(pc) =	sbr.rel @p1 .LBB2_12-.Ltmp8, $4  }
0x36f: {  	s2 =	sor.u32 s4, s17;
	s8 =	sor.u32 s29, s17;
	s22 =	rddreg [dreg:$0x18];
	[tilespmem:s15+$0x0] =	vst v3;
	v3 =	vperm.xlane v5, v0;
	v5 =	vld [tilespmem:s9+$0x0]  }
0x370: {  	s6 =	sor.u32 s29, s20;
	s29 =	rddreg [dreg:$0x1b];
	s10 =	sor.u32 s3, s17;
	[tilespmem:s19+$0x4200] =	vst v6;
	v6 =	vld [tilespmem:s19+$0x4280];
	v9 =	vperm.xlane v8, v0  }
0x371: {  	s5 =	sor.u32 s3, s20;
	s0 =	sadd.s32 $0xFFFFFFC0, s22;
	s26 =	rddreg [dreg:$0x1c];
	v4 =	vld [tilespmem:s10+$0x0];
	[tilespmem:s12+$0x0] =	vst v3  }
0x372: {  	s1 =	sadd.s32 $0xFFFFFFC0, s29;
	s7 =	sor.u32 s4, s20;
	s4 =	sadd.s32 $0xFFFFFFC0, s26;
	v8 =	vperm.xlane v7, v0;
	[tilespmem:s24+$0x4200] =	vst v9;
	v3 =	vld [tilespmem:s24+$0x4280];
	v7 =	vperm.xlane v10, v0  }
0x373: {  	_ = 	snop  }
0x374: {  	v9 =	vld [tilespmem:s8+$0x0];
	[tilespmem:s9+$0x0] =	vst v8  }
0x375: {  	v5 =	vperm.xlane v5, v0;
	v8 =	vld [tilespmem:s23+$0x4280]  }
0x376: {  	v50 =	vperm.xlane v6, v0  }
0x377: {  	[tilespmem:s23+$0x4200] =	vst v5;
	v4 =	vperm.xlane v4, v0  }
0x378: {  	v51 =	vld [tilespmem:s2+$0x0];
	[tilespmem:s10+$0x0] =	vst v50;
	v3 =	vperm.xlane v3, v0  }
0x379: {  	[tilespmem:s19+$0x4280] =	vst v4;
	v52 =	vperm.xlane v9, v0  }
0x37a: {  	v5 =	vld [tilespmem:s19+$0x4300];
	[tilespmem:s8+$0x0] =	vst v3;
	v3 =	vperm.xlane v8, v0  }
0x37b: {  	v53 =	vld [tilespmem:s5+$0x0];
	[tilespmem:s24+$0x4280] =	vst v52  }
0x37c: {  	v2 =	vperm.xlane v2, v0;
	[tilespmem:s2+$0x0] =	vst v3;
	v3 =	vld [tilespmem:s24+$0x4300]  }
0x37d: {  	[tilespmem:s11+$0x0] =	vst v7;
	v54 =	vld [tilespmem:s6+$0x0];
	v6 =	vperm.xlane v51, v0  }
0x37e: {  	[tilespmem:s28+$0x4300] =	vst v2;
	v55 =	vld [tilespmem:s23+$0x4300]  }
0x37f: {  	v7 =	vld [tilespmem:s28+$0x4380];
	v2 =	vperm.xlane v5, v0;
	[tilespmem:s23+$0x4280] =	vst v6  }
0x380: {  	v4 =	vperm.xlane v53, v0;
	v56 =	vld [tilespmem:s7+$0x0]  }
0x381: {  	[tilespmem:s5+$0x0] =	vst v2;
	v2 =	vperm.xlane v3, v0  }
0x382: {  	[tilespmem:s19+$0x4300] =	vst v4;
	v3 =	vperm.xlane v54, v0  }
0x383: {  	s0 =	sor.u32 $0x4380, s30;
	[tilespmem:s6+$0x0] =	vst v2;
	v2 =	vperm.xlane v55, v0  }
0x384: {  	s1 =	sor.u32 s21, s0;
	v60 =	vperm.xlane v7, v0;
	[tilespmem:s24+$0x4300] =	vst v3  }
0x385: {  	v57 =	vld [tilespmem:s1+$0x0];
	v3 =	vperm.xlane v56, v0;
	s29 =	sld [smem:$0x7E0];
	[tilespmem:s7+$0x0] =	vst v2  }
0x386: {  	[tilespmem:s1+$0x0] =	vst v60  }
0x387: {  	s26 =	sor.u32 s3, s0;
	v58 =	vld [tilespmem:s19+$0x4380];
	[tilespmem:s23+$0x4300] =	vst v3  }
0x388: {  	v59 =	vld [tilespmem:s26+$0x0];
	s1 =	sld [smem:$0x7E1]  }
0x389: {  	v2 =	vld [tilespmem:s24+$0x4380];
	s3 =	sor.u32 s29, s0  }
0x38a: {  	v61 =	vperm.xlane v57, v0;
	v3 =	vld [tilespmem:s3+$0x0]  }
0x38b: {  	v62 =	vld [tilespmem:s23+$0x4380];
	s0 =	sor.u32 s1, s0  }
0x38c: {  	v4 =	vperm.xlane v58, v0;
	[tilespmem:s28+$0x4380] =	vst v61;
	v63 =	vld [tilespmem:s0+$0x0]  }
0x38d: {  	[tilespmem:s25+$0x4380] =	vst v1;
	v1 =	vperm.xlane v59, v0  }
0x38e: {  	[tilespmem:s26+$0x0] =	vst v4;
	v2 =	vperm.xlane v2, v0  }
0x38f: {  	[tilespmem:s19+$0x4380] =	vst v1;
	v1 =	vperm.xlane v3, v0  }
0x390: {  	[tilespmem:s3+$0x0] =	vst v2;
	v3 =	vperm.xlane v62, v0  }
0x391: {  	[tilespmem:s24+$0x4380] =	vst v1;
	v1 =	vperm.xlane v63, v0  }
0x392: {  	[tilespmem:s0+$0x0] =	vst v3  }
0x393: {  	s4 =	sld [smem:$0x7F7];
	[tilespmem:s23+$0x4380] =	vst v1  }
0x394: {  	s30 =	sld [smem:$0x7FA];
	_ =	sdelay $0x1  }
0x395: {  	s0 =	sshll.u32 s4, $0xC  }
0x396: {  	s31 =	simm.s32 $0x0;
	p0 =	seq.s32 s4, $0x0;
	s1 =	sadd.s32 s0, s30  }
0x397: {  	[hbm4b:s1+s31] =	stream.linear.scatter [tilespmem:s31], [sflag:$0x4], $0x8000, $0x38;
	[tilespmem:$0x18000] =	vst v63  }
0x398: {  	s1 =	simm.s32 @!p0 $0x6  }
0x399: {  	p1 =	sgt.u32 @!p0 s4, $0x1D;
	_ =	swait.ge @!p0 [sflag:s1], $0x8000  }
0x39a: {  	p1 =	por p0, !p1;
	[sflag:s1] =	ssyncset.done @!p0 $0x0  }
.Ltmp9:
0x39b: {  	[sflag:s1] =	ssyncadd.s32 @!p0 $0xFFFF8000;
	s1 =	sld @p1 [smem:$0x7FC];
	(pc) =	sbr.rel .LBB2_14-.Ltmp9, $3  }
0x39c: {  	_ =	sdelay $0x1  }
0x39d: {  	s2 =	simm.s32 @p1 $0x10000;
	s0 =	sadd.s32 @p1 s0, s1;
	s1 =	simm.s32 @p1 $0x0  }
0x39e: {  	[tilespmem:s2], [sflag:$0x3] =	stream.linear.gather @p1 [hbm4b:s0+s1], $0x8000, $0x38;
	[tilespmem:$0x18000] =	vst v63  }
.LBB2_4:
0x39f: {  	s0 =	simm.s32 $0x3;
	s18 =	simm.s32 $0x7C0  }
0x3a0: {  	s2 =	simm.s32 $0x0;
	s3 =	simm.s32 $0x3E00;
	_ =	swait.ge [sflag:s0], $0x8000  }
0x3a1: {  	s11 =	sand.u32 $0x40, s18;
	s15 =	sand.u32 $0x40, s2;
	s1 =	sand.u32 $0x1C00, s2  }
0x3a2: {  	s19 =	sand.u32 $0x3C00, s3;
	[sflag:s0] =	ssyncset.done $0x0;
	s8 =	sor.u32 $0x10000, s1  }
0x3a3: {  	s5 =	sor.u32 $0x30, s15;
	[sflag:s0] =	ssyncadd.s32 $0xFFFF8000;
	s0 =	sor.u32 s11, s19  }
0x3a4: {  	s12 =	sor.u32 s5, s8;
	v1 =	vld [tilespmem:s0+$0x10000]  }
0x3a5: {  	s20 =	simm.s32 $0x7F0;
	s4 =	simm.s32 $0x3F80;
	s21 =	simm.s32 $0x7E0;
	v2 =	vld [tilespmem:s12+$0x0]  }
0x3a6: {  	s22 =	simm.s32 $0x3F00;
	s3 =	sand.u32 $0x70, s20;
	s4 =	sand.u32 $0x3C00, s4  }
0x3a7: {  	s10 =	sand.u32 $0x60, s21;
	s9 =	sor.u32 s3, s4;
	s4 =	sand.u32 $0x3C00, s22  }
0x3a8: {  	s4 =	sor.u32 s10, s4;
	v3 =	vld [tilespmem:s9+$0x10000]  }
0x3a9: {  	s22 =	sor.u32 $0x10, s15;
	s6 =	sor.u32 s15, s8;
	v5 =	vld [tilespmem:s4+$0x10000];
	v1 =	vperm.xlane v1, v0  }
0x3aa: {  	s23 =	sor.u32 s22, s8;
	v4 =	vld [tilespmem:s6+$0x0];
	v2 =	vperm.xlane v2, v0  }
0x3ab: {  	v6 =	vld [tilespmem:s23+$0x0];
	[tilespmem:s12+$0x0] =	vst v1  }
0x3ac: {  	s7 =	simm.s32 $0x7D0;
	s13 =	simm.s32 $0x3E80;
	[tilespmem:s0+$0x10000] =	vst v2;
	v1 =	vld [tilespmem:s0+$0x10080]  }
0x3ad: {  	s14 =	sand.u32 $0x50, s7;
	s13 =	sand.u32 $0x3C00, s13;
	v3 =	vperm.xlane v3, v0;
	v2 =	vld [tilespmem:s12+$0x80]  }
0x3ae: {  	s7 =	sor.u32 $0x20, s15;
	s21 =	sor.u32 s14, s13;
	v5 =	vperm.xlane v5, v0  }
0x3af: {  	s8 =	sor.u32 s7, s8;
	v7 =	vld [tilespmem:s21+$0x10000];
	v4 =	vperm.xlane v4, v0;
	[tilespmem:s6+$0x0] =	vst v3  }
0x3b0: {  	v6 =	vperm.xlane v6, v0;
	v3 =	vld [tilespmem:s8+$0x0];
	[tilespmem:s23+$0x0] =	vst v5  }
0x3b1: {  	[tilespmem:s9+$0x10000] =	vst v4;
	v4 =	vld [tilespmem:s9+$0x10080];
	v1 =	vperm.xlane v1, v0  }
0x3b2: {  	[tilespmem:s4+$0x10000] =	vst v6;
	v6 =	vld [tilespmem:s4+$0x10080];
	v2 =	vperm.xlane v2, v0  }
0x3b3: {  	[tilespmem:s12+$0x80] =	vst v1;
	v1 =	vld [tilespmem:s6+$0x80]  }
0x3b4: {  	v5 =	vperm.xlane v7, v0;
	[tilespmem:s0+$0x10080] =	vst v2;
	v2 =	vld [tilespmem:s0+$0x10100]  }
0x3b5: {  	v3 =	vperm.xlane v3, v0;
	v7 =	vld [tilespmem:s12+$0x100]  }
0x3b6: {  	[tilespmem:s8+$0x0] =	vst v5;
	v5 =	vld [tilespmem:s23+$0x80];
	v4 =	vperm.xlane v4, v0  }
0x3b7: {  	v6 =	vperm.xlane v6, v0;
	[tilespmem:s21+$0x10000] =	vst v3;
	v3 =	vld [tilespmem:s21+$0x10080]  }
0x3b8: {  	[tilespmem:s6+$0x80] =	vst v4;
	v4 =	vld [tilespmem:s8+$0x80];
	v1 =	vperm.xlane v1, v0  }
0x3b9: {  	[tilespmem:s23+$0x80] =	vst v6;
	v2 =	vperm.xlane v2, v0  }
0x3ba: {  	[tilespmem:s9+$0x10080] =	vst v1;
	v1 =	vperm.xlane v7, v0;
	v7 =	vld [tilespmem:s9+$0x10100]  }
0x3bb: {  	v5 =	vperm.xlane v5, v0;
	[tilespmem:s12+$0x100] =	vst v2;
	v2 =	vld [tilespmem:s6+$0x100]  }
0x3bc: {  	v3 =	vperm.xlane v3, v0;
	[tilespmem:s0+$0x10100] =	vst v1;
	v1 =	vld [tilespmem:s0+$0x10180]  }
0x3bd: {  	[tilespmem:s4+$0x10080] =	vst v5;
	v4 =	vperm.xlane v4, v0;
	v6 =	vld [tilespmem:s12+$0x180]  }
0x3be: {  	v5 =	vld [tilespmem:s4+$0x10100];
	[tilespmem:s8+$0x80] =	vst v3  }
0x3bf: {  	[tilespmem:s21+$0x10080] =	vst v4;
	v4 =	vld [tilespmem:s21+$0x10100];
	v3 =	vperm.xlane v7, v0  }
0x3c0: {  	p0 =	por $0x0, $0x0;
	s13 =	simm.s32 $0x1;
	v7 =	vld [tilespmem:s23+$0x100];
	v2 =	vperm.xlane v2, v0  }
0x3c1: {  	s13 =	simm.s32 @!p0 $0x0;
	[tilespmem:s6+$0x100] =	vst v3;
	v1 =	vperm.xlane v1, v0  }
0x3c2: {  	s13 =	sshll.u32 s13, $0x6;
	v3 =	vld [tilespmem:s8+$0x100];
	[tilespmem:s9+$0x10100] =	vst v2;
	v2 =	vperm.xlane v6, v0  }
0x3c3: {  	s11 =	sadd.s32 $0x3E00, s11;
	s13 =	sadd.s32 $0x0, s13;
	v6 =	vld [tilespmem:s9+$0x10180];
	[tilespmem:s12+$0x180] =	vst v1  }
0x3c4: {  	s24 =	sor.u32 $0x200, s11;
	v5 =	vperm.xlane v5, v0;
	v1 =	vld [tilespmem:s6+$0x180];
	s12 =	sadd.s32 $0x30, s13;
	[tilespmem:s0+$0x10180] =	vst v2  }
0x3c5: {  	v7 =	vperm.xlane v7, v0;
	v2 =	vperm.xlane v4, v0;
	s16 =	sor.u32 $0x200, s12;
	v4 =	vld [tilespmem:s24+$0x10000]  }
0x3c6: {  	[tilespmem:s23+$0x100] =	vst v5;
	v5 =	vld [tilespmem:s16+$0x10000]  }
0x3c7: {  	[tilespmem:s4+$0x10100] =	vst v7;
	v3 =	vperm.xlane v3, v0;
	v7 =	vld [tilespmem:s4+$0x10180]  }
0x3c8: {  	[tilespmem:s8+$0x100] =	vst v2;
	v2 =	vperm.xlane v6, v0;
	v6 =	vld [tilespmem:s23+$0x180]  }
0x3c9: {  	[tilespmem:s21+$0x10100] =	vst v3;
	v1 =	vperm.xlane v1, v0;
	v3 =	vld [tilespmem:s21+$0x10180]  }
0x3ca: {  	[tilespmem:s6+$0x180] =	vst v2;
	v4 =	vperm.xlane v4, v0  }
0x3cb: {  	v2 =	vld [tilespmem:s8+$0x180];
	[tilespmem:s9+$0x10180] =	vst v1;
	v1 =	vperm.xlane v5, v0  }
0x3cc: {  	s17 =	sor.u32 $0x200, s13;
	v5 =	vld [tilespmem:s9+$0x10200];
	v7 =	vperm.xlane v7, v0;
	[tilespmem:s16+$0x10000] =	vst v4  }
0x3cd: {  	s25 =	sor.u32 $0x280, s11;
	v4 =	vld [tilespmem:s17+$0x10000];
	v6 =	vperm.xlane v6, v0;
	[tilespmem:s24+$0x10000] =	vst v1  }
0x3ce: {  	s26 =	sor.u32 $0x280, s12;
	[tilespmem:s23+$0x180] =	vst v7;
	v1 =	vperm.xlane v3, v0;
	v3 =	vld [tilespmem:s25+$0x10000]  }
0x3cf: {  	s6 =	sadd.s32 $0x10, s13;
	[tilespmem:s4+$0x10180] =	vst v6;
	v6 =	vld [tilespmem:s26+$0x10000]  }
0x3d0: {  	s30 =	sor.u32 $0x200, s6;
	v2 =	vperm.xlane v2, v0;
	v7 =	vld [tilespmem:s4+$0x10200]  }
0x3d1: {  	[tilespmem:s8+$0x180] =	vst v1;
	s8 =	sadd.s32 $0x20, s13;
	v1 =	vperm.xlane v5, v0;
	v5 =	vld [tilespmem:s30+$0x10000]  }
0x3d2: {  	[tilespmem:s21+$0x10180] =	vst v2;
	s18 =	sor.u32 $0x200, s8;
	v2 =	vperm.xlane v4, v0;
	v4 =	vld [tilespmem:s21+$0x10200]  }
0x3d3: {  	[tilespmem:s17+$0x10000] =	vst v1;
	v1 =	vld [tilespmem:s18+$0x10000];
	v3 =	vperm.xlane v3, v0  }
0x3d4: {  	[tilespmem:s9+$0x10200] =	vst v2;
	v2 =	vperm.xlane v6, v0  }
0x3d5: {  	s31 =	sor.u32 $0x280, s13;
	v6 =	vld [tilespmem:s9+$0x10280];
	v7 =	vperm.xlane v7, v0;
	[tilespmem:s26+$0x10000] =	vst v3  }
0x3d6: {  	s3 =	sor.u32 $0x300, s11;
	v5 =	vperm.xlane v5, v0;
	v3 =	vld [tilespmem:s31+$0x10000];
	[tilespmem:s25+$0x10000] =	vst v2  }
0x3d7: {  	s20 =	simm.s32 $0x7D0;
	s23 =	sor.u32 $0x300, s12;
	[tilespmem:s30+$0x10000] =	vst v7;
	v2 =	vperm.xlane v4, v0;
	v4 =	vld [tilespmem:s3+$0x10000]  }
0x3d8: {  	s10 =	sand.u32 $0x70, s20;
	[tilespmem:s4+$0x10200] =	vst v5;
	v1 =	vperm.xlane v1, v0;
	v5 =	vld [tilespmem:s23+$0x10000]  }
0x3d9: {  	s10 =	sadd.s32 $0x3E80, s10;
	s19 =	sor.u32 $0x280, s6;
	v7 =	vld [tilespmem:s4+$0x10280];
	[tilespmem:s18+$0x10000] =	vst v2  }
0x3da: {  	s24 =	sor.u32 $0x280, s10;
	v2 =	vperm.xlane v6, v0;
	v6 =	vld [tilespmem:s19+$0x10000];
	[tilespmem:s21+$0x10200] =	vst v1  }
0x3db: {  	s20 =	sor.u32 $0x280, s8;
	v1 =	vperm.xlane v3, v0;
	v3 =	vld [tilespmem:s24+$0x10000]  }
0x3dc: {  	[tilespmem:s31+$0x10000] =	vst v2;
	v2 =	vld [tilespmem:s20+$0x10000];
	v4 =	vperm.xlane v4, v0  }
0x3dd: {  	s13 =	sor.u32 $0x300, s13;
	[tilespmem:s9+$0x10280] =	vst v1;
	v1 =	vperm.xlane v5, v0;
	v5 =	vld [tilespmem:s9+$0x10300]  }
0x3de: {  	s25 =	simm.s32 $0x7E0;
	v7 =	vperm.xlane v7, v0;
	[tilespmem:s23+$0x10000] =	vst v4;
	v4 =	vld [tilespmem:s13+$0x10000]  }
0x3df: {  	s11 =	sor.u32 $0x380, s11;
	s26 =	sand.u32 $0x60, s25;
	v6 =	vperm.xlane v6, v0;
	[tilespmem:s3+$0x10000] =	vst v1  }
0x3e0: {  	s12 =	sor.u32 $0x380, s12;
	s30 =	sadd.s32 $0x3F00, s26;
	[tilespmem:s19+$0x10000] =	vst v7;
	v1 =	vperm.xlane v3, v0;
	v3 =	vld [tilespmem:s11+$0x10000]  }
0x3e1: {  	s16 =	sor.u32 $0x300, s30;
	[tilespmem:s4+$0x10280] =	vst v6;
	v2 =	vperm.xlane v2, v0;
	v6 =	vld [tilespmem:s12+$0x10000]  }
0x3e2: {  	s31 =	sor.u32 $0x300, s6;
	s3 =	simm.s32 $0x7F0;
	v7 =	vld [tilespmem:s16+$0x10000];
	[tilespmem:s20+$0x10000] =	vst v1;
	v1 =	vperm.xlane v5, v0  }
0x3e3: {  	s19 =	sand.u32 $0x70, s3;
	v5 =	vld [tilespmem:s31+$0x10000];
	[tilespmem:s24+$0x10000] =	vst v2;
	v2 =	vperm.xlane v4, v0  }
0x3e4: {  	s20 =	sor.u32 $0x300, s8;
	s18 =	sadd.s32 $0x3F80, s19;
	v4 =	vld [tilespmem:s21+$0x10300];
	[tilespmem:s13+$0x10000] =	vst v1  }
0x3e5: {  	s2 =	sor.u32 s2, s2;
	s23 =	sor.u32 $0x200, s18;
	v1 =	vld [tilespmem:s20+$0x10000];
	v3 =	vperm.xlane v3, v0;
	[tilespmem:s9+$0x10300] =	vst v2  }
0x3e6: {  	s2 =	sor.u32 $0x380, s2;
	v2 =	vperm.xlane v6, v0;
	v6 =	vld [tilespmem:s23+$0x10000]  }
0x3e7: {  	v7 =	vperm.xlane v7, v0;
	[tilespmem:s12+$0x10000] =	vst v3;
	v3 =	vld [tilespmem:s2+$0x10000]  }
0x3e8: {  	s24 =	sor.u32 $0x14000, s1;
	v5 =	vperm.xlane v5, v0;
	[tilespmem:s11+$0x10000] =	vst v2  }
0x3e9: {  	s25 =	sor.u32 s5, s24;
	[tilespmem:s31+$0x10000] =	vst v7;
	v2 =	vperm.xlane v4, v0;
	v4 =	vld [tilespmem:s0+$0x14000]  }
0x3ea: {  	s14 =	sor.u32 $0x380, s30;
	[tilespmem:s16+$0x10000] =	vst v5;
	v1 =	vperm.xlane v1, v0;
	v5 =	vld [tilespmem:s25+$0x0]  }
0x3eb: {  	s6 =	sor.u32 $0x380, s6;
	v7 =	vld [tilespmem:s14+$0x10000];
	[tilespmem:s20+$0x10000] =	vst v2;
	v2 =	vperm.xlane v6, v0  }
0x3ec: {  	s10 =	sor.u32 $0x380, s10;
	v6 =	vld [tilespmem:s6+$0x10000];
	[tilespmem:s21+$0x10300] =	vst v1;
	v1 =	vperm.xlane v3, v0  }
0x3ed: {  	s8 =	sor.u32 $0x380, s8;
	v3 =	vld [tilespmem:s10+$0x10000];
	[tilespmem:s2+$0x10000] =	vst v2  }
0x3ee: {  	v2 =	vld [tilespmem:s8+$0x10000];
	v4 =	vperm.xlane v4, v0;
	[tilespmem:s23+$0x10000] =	vst v1  }
0x3ef: {  	s26 =	sor.u32 s15, s24;
	v1 =	vperm.xlane v5, v0;
	v5 =	vld [tilespmem:s9+$0x14000]  }
0x3f0: {  	s30 =	sor.u32 $0x14080, s1;
	v7 =	vperm.xlane v7, v0;
	[tilespmem:s25+$0x0] =	vst v4;
	v4 =	vld [tilespmem:s26+$0x0]  }
0x3f1: {  	s31 =	sor.u32 s5, s30;
	v6 =	vperm.xlane v6, v0;
	[tilespmem:s0+$0x14000] =	vst v1;
	v1 =	vld [tilespmem:s0+$0x14080]  }
0x3f2: {  	[tilespmem:s6+$0x10000] =	vst v7;
	v3 =	vperm.xlane v3, v0;
	v7 =	vld [tilespmem:s31+$0x0]  }
0x3f3: {  	[tilespmem:s14+$0x10000] =	vst v6;
	v2 =	vperm.xlane v2, v0  }
0x3f4: {  	s3 =	sor.u32 s22, s24;
	v6 =	vld [tilespmem:s4+$0x14000];
	[tilespmem:s8+$0x10000] =	vst v3;
	v3 =	vperm.xlane v5, v0  }
0x3f5: {  	v5 =	vld [tilespmem:s3+$0x0];
	[tilespmem:s10+$0x10000] =	vst v2;
	v2 =	vperm.xlane v4, v0  }
0x3f6: {  	s14 =	sor.u32 s7, s24;
	v4 =	vld [tilespmem:s21+$0x14000];
	[tilespmem:s26+$0x0] =	vst v3;
	v1 =	vperm.xlane v1, v0  }
0x3f7: {  	v3 =	vld [tilespmem:s14+$0x0];
	[tilespmem:s9+$0x14000] =	vst v2;
	v2 =	vperm.xlane v7, v0  }
0x3f8: {  	s16 =	sor.u32 $0x14100, s1;
	v7 =	vld [tilespmem:s9+$0x14080];
	[tilespmem:s31+$0x0] =	vst v1  }
0x3f9: {  	s17 =	sor.u32 s5, s16;
	v1 =	vperm.xlane v6, v0;
	[tilespmem:s0+$0x14080] =	vst v2;
	v2 =	vld [tilespmem:s0+$0x14100]  }
0x3fa: {  	s18 =	sor.u32 s15, s30;
	v5 =	vperm.xlane v5, v0;
	v6 =	vld [tilespmem:s17+$0x0]  }
0x3fb: {  	[tilespmem:s3+$0x0] =	vst v1;
	v1 =	vperm.xlane v4, v0;
	v4 =	vld [tilespmem:s18+$0x0]  }
0x3fc: {  	s19 =	sor.u32 s22, s30;
	[tilespmem:s4+$0x14000] =	vst v5;
	v3 =	vperm.xlane v3, v0;
	v5 =	vld [tilespmem:s4+$0x14080]  }
0x3fd: {  	[tilespmem:s14+$0x0] =	vst v1;
	v1 =	vperm.xlane v7, v0;
	v7 =	vld [tilespmem:s19+$0x0]  }
0x3fe: {  	s20 =	sor.u32 s7, s30;
	[tilespmem:s21+$0x14000] =	vst v3;
	v3 =	vld [tilespmem:s21+$0x14080];
	v2 =	vperm.xlane v2, v0  }
0x3ff: {  	[tilespmem:s18+$0x0] =	vst v1;
	v1 =	vld [tilespmem:s20+$0x0];
	v6 =	vperm.xlane v6, v0  }
0x400: {  	s23 =	sor.u32 $0x14180, s1;
	v4 =	vperm.xlane v4, v0;
	[tilespmem:s17+$0x0] =	vst v2;
	v2 =	vld [tilespmem:s9+$0x14100]  }
0x401: {  	s24 =	sor.u32 s5, s23;
	v5 =	vperm.xlane v5, v0;
	[tilespmem:s0+$0x14100] =	vst v6;
	v6 =	vld [tilespmem:s0+$0x14180]  }
0x402: {  	s25 =	sor.u32 s15, s16;
	[tilespmem:s9+$0x14080] =	vst v4;
	v4 =	vperm.xlane v7, v0;
	v7 =	vld [tilespmem:s24+$0x0]  }
0x403: {  	[tilespmem:s19+$0x0] =	vst v5;
	v3 =	vperm.xlane v3, v0;
	v5 =	vld [tilespmem:s25+$0x0]  }
0x404: {  	s26 =	sor.u32 s22, s16;
	[tilespmem:s4+$0x14080] =	vst v4;
	v1 =	vperm.xlane v1, v0;
	v4 =	vld [tilespmem:s4+$0x14100]  }
0x405: {  	[tilespmem:s20+$0x0] =	vst v3;
	v3 =	vld [tilespmem:s26+$0x0];
	v2 =	vperm.xlane v2, v0  }
0x406: {  	s2 =	sor.u32 s7, s16;
	[tilespmem:s21+$0x14080] =	vst v1;
	v1 =	vld [tilespmem:s21+$0x14100];
	v6 =	vperm.xlane v6, v0  }
0x407: {  	[tilespmem:s25+$0x0] =	vst v2;
	v2 =	vld [tilespmem:s2+$0x0];
	v7 =	vperm.xlane v7, v0  }
0x408: {  	s30 =	sor.u32 $0x14200, s1;
	v5 =	vperm.xlane v5, v0;
	[tilespmem:s24+$0x0] =	vst v6;
	v6 =	vld [tilespmem:s9+$0x14180]  }
0x409: {  	s31 =	sor.u32 s5, s30;
	v4 =	vperm.xlane v4, v0;
	[tilespmem:s0+$0x14180] =	vst v7;
	v7 =	vld [tilespmem:s0+$0x14200]  }
0x40a: {  	s3 =	sor.u32 s15, s23;
	[tilespmem:s9+$0x14100] =	vst v5;
	v3 =	vperm.xlane v3, v0;
	v5 =	vld [tilespmem:s31+$0x0]  }
0x40b: {  	[tilespmem:s26+$0x0] =	vst v4;
	v1 =	vperm.xlane v1, v0;
	v4 =	vld [tilespmem:s3+$0x0]  }
0x40c: {  	s13 =	sor.u32 s22, s23;
	[tilespmem:s4+$0x14100] =	vst v3;
	v3 =	vld [tilespmem:s4+$0x14180];
	v2 =	vperm.xlane v2, v0  }
0x40d: {  	[tilespmem:s2+$0x0] =	vst v1;
	v1 =	vperm.xlane v6, v0;
	v6 =	vld [tilespmem:s13+$0x0]  }
0x40e: {  	s14 =	sor.u32 s7, s23;
	[tilespmem:s21+$0x14100] =	vst v2;
	v2 =	vld [tilespmem:s21+$0x14180];
	v7 =	vperm.xlane v7, v0  }
0x40f: {  	[tilespmem:s3+$0x0] =	vst v1;
	v1 =	vld [tilespmem:s14+$0x0];
	v5 =	vperm.xlane v5, v0  }
0x410: {  	s8 =	sor.u32 $0x14280, s1;
	v4 =	vperm.xlane v4, v0;
	[tilespmem:s31+$0x0] =	vst v7;
	v7 =	vld [tilespmem:s9+$0x14200]  }
0x411: {  	s16 =	sor.u32 s5, s8;
	v3 =	vperm.xlane v3, v0;
	[tilespmem:s0+$0x14200] =	vst v5;
	v5 =	vld [tilespmem:s0+$0x14280]  }
0x412: {  	s17 =	sor.u32 s15, s30;
	[tilespmem:s9+$0x14180] =	vst v4;
	v4 =	vperm.xlane v6, v0;
	v6 =	vld [tilespmem:s16+$0x0]  }
0x413: {  	[tilespmem:s13+$0x0] =	vst v3;
	v3 =	vld [tilespmem:s17+$0x0];
	v2 =	vperm.xlane v2, v0  }
0x414: {  	s18 =	sor.u32 s22, s30;
	[tilespmem:s4+$0x14180] =	vst v4;
	v1 =	vperm.xlane v1, v0;
	v4 =	vld [tilespmem:s4+$0x14200]  }
0x415: {  	[tilespmem:s14+$0x0] =	vst v2;
	v2 =	vperm.xlane v7, v0;
	v7 =	vld [tilespmem:s18+$0x0]  }
0x416: {  	[tilespmem:s21+$0x14180] =	vst v1;
	v5 =	vperm.xlane v5, v0  }
0x417: {  	s11 =	sor.u32 s7, s30;
	v1 =	vld [tilespmem:s21+$0x14200];
	[tilespmem:s17+$0x0] =	vst v2;
	v6 =	vperm.xlane v6, v0  }
0x418: {  	s28 =	simm.s32 $0x780;
	s30 =	simm.s32 $0x40;
	v2 =	vld [tilespmem:s11+$0x0];
	v3 =	vperm.xlane v3, v0;
	[tilespmem:s16+$0x0] =	vst v5  }
0x419: {  	s6 =	sand.u32 $0x40, s28;
	s23 =	sand.u32 $0x40, s30;
	s2 =	sor.u32 $0x14300, s1;
	v8 =	vld [tilespmem:s9+$0x14280];
	v4 =	vperm.xlane v4, v0;
	[tilespmem:s0+$0x14280] =	vst v6  }
0x41a: {  	s25 =	simm.s32 $0x200;
	s26 =	simm.s32 $0x3C00;
	s20 =	sor.u32 s5, s2;
	v5 =	vld [tilespmem:s0+$0x14300];
	[tilespmem:s9+$0x14200] =	vst v3;
	v3 =	vperm.xlane v7, v0  }
0x41b: {  	s19 =	sor.u32 s15, s8;
	s24 =	sand.u32 $0x1C00, s25;
	s3 =	sand.u32 $0x3C00, s26;
	v6 =	vld [tilespmem:s20+$0x0];
	[tilespmem:s18+$0x0] =	vst v4  }
0x41c: {  	s31 =	simm.s32 $0x3C00;
	s29 =	sor.u32 s6, s3;
	s13 =	sor.u32 s22, s8;
	v7 =	vld [tilespmem:s19+$0x0];
	[tilespmem:s4+$0x14200] =	vst v3  }
0x41d: {  	s14 =	simm.s32 $0x7B0;
	s17 =	simm.s32 $0x3D80;
	v1 =	vperm.xlane v1, v0;
	v4 =	vld [tilespmem:s4+$0x14280];
	[dreg:$0xf] =	wrdreg s31  }
0x41e: {  	s10 =	sand.u32 $0x70, s14;
	s16 =	sor.u32 $0x10000, s24;
	s18 =	sand.u32 $0x3C00, s17;
	v3 =	vperm.xlane v2, v0;
	v2 =	vld [tilespmem:s13+$0x0]  }
0x41f: {  	s26 =	sor.u32 $0x30, s23;
	s18 =	sor.u32 s10, s18;
	s10 =	sor.u32 s23, s16;
	[tilespmem:s11+$0x0] =	vst v1;
	v1 =	vld [tilespmem:s29+$0x10000]  }
0x420: {  	s11 =	sor.u32 s26, s16;
	v11 =	vld [tilespmem:s10+$0x0]  }
0x421: {  	v8 =	vperm.xlane v8, v0;
	v9 =	vld [tilespmem:s11+$0x0]  }
0x422: {  	s8 =	sor.u32 s7, s8;
	v5 =	vperm.xlane v5, v0;
	[tilespmem:s21+$0x14200] =	vst v3;
	v10 =	vld [tilespmem:s21+$0x14280]  }
0x423: {  	[tilespmem:s19+$0x0] =	vst v8;
	v7 =	vperm.xlane v7, v0;
	v3 =	vld [tilespmem:s8+$0x0]  }
0x424: {  	v8 =	vld [tilespmem:s9+$0x14300];
	[tilespmem:s20+$0x0] =	vst v5  }
0x425: {  	[tilespmem:s9+$0x14280] =	vst v7;
	v7 =	vld [tilespmem:s18+$0x10000];
	v1 =	vperm.xlane v1, v0  }
0x426: {  	s12 =	sor.u32 s15, s2;
	v5 =	vld [tilespmem:s0+$0x14380];
	v9 =	vperm.xlane v9, v0  }
0x427: {  	s19 =	simm.s32 $0x7A0;
	s20 =	simm.s32 $0x3D00;
	v4 =	vperm.xlane v4, v0;
	[tilespmem:s11+$0x0] =	vst v1;
	v1 =	vld [tilespmem:s12+$0x0]  }
0x428: {  	s25 =	simm.s32 $0x790;
	s14 =	sand.u32 $0x60, s19;
	s17 =	sand.u32 $0x3C00, s20;
	[tilespmem:s29+$0x10000] =	vst v9;
	v9 =	vperm.xlane v10, v0;
	v10 =	vld [tilespmem:s29+$0x10080]  }
0x429: {  	s3 =	simm.s32 $0x3C80;
	s31 =	sor.u32 $0x10, s23;
	s20 =	sor.u32 s14, s17;
	[tilespmem:s13+$0x0] =	vst v4;
	v4 =	vperm.xlane v8, v0;
	v8 =	vld [tilespmem:s11+$0x80]  }
0x42a: {  	s19 =	sor.u32 s31, s16;
	s17 =	sand.u32 $0x50, s25;
	s14 =	sand.u32 $0x3C00, s3;
	v7 =	vperm.xlane v7, v0;
	[tilespmem:s8+$0x0] =	vst v9;
	v9 =	vld [tilespmem:s20+$0x10000]  }
0x42b: {  	v6 =	vperm.xlane v6, v0;
	s25 =	sor.u32 s17, s14;
	[tilespmem:s12+$0x0] =	vst v4;
	v4 =	vld [tilespmem:s19+$0x0]  }
0x42c: {  	s3 =	sor.u32 $0x20, s23;
	v11 =	vperm.xlane v11, v0;
	[tilespmem:s10+$0x0] =	vst v7;
	v7 =	vld [tilespmem:s25+$0x10000]  }
0x42d: {  	[tilespmem:s0+$0x14300] =	vst v6;
	s12 =	sor.u32 s3, s16;
	v6 =	vld [tilespmem:s18+$0x10080];
	v10 =	vperm.xlane v10, v0  }
0x42e: {  	s8 =	sor.u32 $0x14380, s1;
	[tilespmem:s18+$0x10000] =	vst v11;
	v11 =	vld [tilespmem:s12+$0x0];
	v8 =	vperm.xlane v8, v0  }
0x42f: {  	s1 =	sor.u32 s5, s8;
	[tilespmem:s11+$0x80] =	vst v10;
	v10 =	vld [tilespmem:s10+$0x80];
	v9 =	vperm.xlane v9, v0  }
0x430: {  	v4 =	vperm.xlane v4, v0;
	[tilespmem:s29+$0x10080] =	vst v8;
	v8 =	vld [tilespmem:s1+$0x0]  }
0x431: {  	v7 =	vperm.xlane v7, v0;
	[tilespmem:s19+$0x0] =	vst v9;
	v9 =	vld [tilespmem:s29+$0x10100]  }
0x432: {  	v6 =	vperm.xlane v6, v0;
	[tilespmem:s20+$0x10000] =	vst v4;
	v4 =	vld [tilespmem:s11+$0x100]  }
0x433: {  	v5 =	vperm.xlane v5, v0;
	[tilespmem:s12+$0x0] =	vst v7;
	v7 =	vld [tilespmem:s20+$0x10080]  }
0x434: {  	v11 =	vperm.xlane v11, v0;
	[tilespmem:s10+$0x80] =	vst v6;
	v6 =	vld [tilespmem:s25+$0x10080]  }
0x435: {  	[tilespmem:s1+$0x0] =	vst v5;
	v5 =	vld [tilespmem:s18+$0x10100];
	v10 =	vperm.xlane v10, v0  }
0x436: {  	[tilespmem:s25+$0x10000] =	vst v11;
	v11 =	vld [tilespmem:s19+$0x80];
	v9 =	vperm.xlane v9, v0  }
0x437: {  	[tilespmem:s18+$0x10080] =	vst v10;
	v4 =	vperm.xlane v4, v0  }
0x438: {  	v10 =	vld [tilespmem:s12+$0x80];
	v7 =	vperm.xlane v7, v0;
	[tilespmem:s11+$0x100] =	vst v9  }
0x439: {  	v6 =	vperm.xlane v6, v0;
	v9 =	vld [tilespmem:s10+$0x100];
	[tilespmem:s29+$0x10100] =	vst v4  }
0x43a: {  	v5 =	vperm.xlane v5, v0;
	[tilespmem:s19+$0x80] =	vst v7;
	v7 =	vld [tilespmem:s29+$0x10180]  }
0x43b: {  	v4 =	vperm.xlane v11, v0;
	[tilespmem:s12+$0x80] =	vst v6;
	v6 =	vld [tilespmem:s20+$0x10100]  }
0x43c: {  	v8 =	vperm.xlane v8, v0;
	[tilespmem:s10+$0x100] =	vst v5;
	v5 =	vld [tilespmem:s25+$0x10100]  }
0x43d: {  	[tilespmem:s20+$0x10080] =	vst v4;
	v4 =	vld [tilespmem:s11+$0x180];
	v10 =	vperm.xlane v10, v0  }
0x43e: {  	[tilespmem:s0+$0x14380] =	vst v8;
	v9 =	vperm.xlane v9, v0  }
0x43f: {  	[tilespmem:s25+$0x10080] =	vst v10;
	v10 =	vld [tilespmem:s19+$0x100];
	v7 =	vperm.xlane v7, v0  }
0x440: {  	p0 =	por !p0, !p0;
	s1 =	simm.s32 $0x1;
	v8 =	vld [tilespmem:s18+$0x10180];
	[tilespmem:s18+$0x10100] =	vst v9;
	v6 =	vperm.xlane v6, v0  }
0x441: {  	s1 =	simm.s32 @!p0 $0x0;
	v9 =	vld [tilespmem:s12+$0x100];
	v5 =	vperm.xlane v5, v0;
	[tilespmem:s11+$0x180] =	vst v7  }
0x442: {  	s14 =	sshll.u32 s1, $0x6;
	v4 =	vperm.xlane v4, v0;
	v7 =	vld [tilespmem:s10+$0x180];
	[tilespmem:s19+$0x100] =	vst v6  }
0x443: {  	s5 =	sadd.s32 $0x3C00, s6;
	s11 =	sadd.s32 $0x200, s14;
	[tilespmem:s12+$0x100] =	vst v5  }
0x444: {  	s16 =	sor.u32 $0x200, s5;
	s6 =	sadd.s32 $0x30, s11;
	[tilespmem:s29+$0x10180] =	vst v4;
	v10 =	vperm.xlane v10, v0;
	v5 =	vld [tilespmem:s20+$0x10180]  }
0x445: {  	v8 =	vperm.xlane v8, v0;
	s17 =	sor.u32 $0x200, s6;
	v6 =	vld [tilespmem:s16+$0x10000]  }
0x446: {  	[tilespmem:s20+$0x10100] =	vst v10;
	v9 =	vperm.xlane v9, v0;
	v10 =	vld [tilespmem:s17+$0x10000]  }
0x447: {  	[tilespmem:s10+$0x180] =	vst v8;
	v8 =	vld [tilespmem:s25+$0x10180];
	v7 =	vperm.xlane v7, v0  }
0x448: {  	v2 =	vperm.xlane v2, v0;
	[tilespmem:s25+$0x10100] =	vst v9;
	v9 =	vld [tilespmem:s19+$0x180]  }
0x449: {  	[tilespmem:s18+$0x10180] =	vst v7;
	v7 =	vld [tilespmem:s12+$0x180];
	v5 =	vperm.xlane v5, v0  }
0x44a: {  	[tilespmem:s4+$0x14280] =	vst v2;
	s14 =	sor.u32 s22, s2;
	v11 =	vld [tilespmem:s18+$0x10200];
	v6 =	vperm.xlane v6, v0  }
0x44b: {  	v2 =	vld [tilespmem:s14+$0x0];
	s10 =	sor.u32 $0x200, s11;
	v10 =	vperm.xlane v10, v0;
	[tilespmem:s19+$0x180] =	vst v5  }
0x44c: {  	v5 =	vperm.xlane v8, v0;
	[tilespmem:s17+$0x10000] =	vst v6;
	v6 =	vld [tilespmem:s10+$0x10000]  }
0x44d: {  	[tilespmem:s16+$0x10000] =	vst v10;
	v9 =	vperm.xlane v9, v0;
	s16 =	sor.u32 $0x280, s5;
	v10 =	vld [tilespmem:s20+$0x10200]  }
0x44e: {  	s1 =	sadd.s32 $0x10, s11;
	s19 =	sor.u32 $0x280, s6;
	[tilespmem:s12+$0x180] =	vst v5;
	v8 =	vld [tilespmem:s16+$0x10000];
	v7 =	vperm.xlane v7, v0  }
0x44f: {  	s17 =	sor.u32 $0x200, s1;
	v5 =	vperm.xlane v11, v0;
	[tilespmem:s20+$0x10180] =	vst v9;
	v9 =	vld [tilespmem:s19+$0x10000]  }
0x450: {  	v3 =	vperm.xlane v3, v0;
	[tilespmem:s25+$0x10180] =	vst v7;
	v7 =	vld [tilespmem:s17+$0x10000]  }
0x451: {  	s0 =	sadd.s32 $0x20, s11;
	v4 =	vld [tilespmem:s4+$0x14300];
	[tilespmem:s10+$0x10000] =	vst v5;
	v5 =	vperm.xlane v6, v0  }
0x452: {  	[tilespmem:s21+$0x14280] =	vst v3;
	s10 =	sor.u32 $0x200, s0;
	v6 =	vld [tilespmem:s25+$0x10200];
	v10 =	vperm.xlane v10, v0  }
0x453: {  	v3 =	vld [tilespmem:s10+$0x10000];
	v8 =	vperm.xlane v8, v0;
	[tilespmem:s18+$0x10200] =	vst v5  }
0x454: {  	v5 =	vld [tilespmem:s21+$0x14300];
	v9 =	vperm.xlane v9, v0;
	[tilespmem:s17+$0x10000] =	vst v10  }
0x455: {  	s13 =	sor.u32 $0x280, s11;
	[tilespmem:s19+$0x10000] =	vst v8;
	v8 =	vld [tilespmem:s18+$0x10280];
	v7 =	vperm.xlane v7, v0  }
0x456: {  	[tilespmem:s16+$0x10000] =	vst v9;
	v9 =	vld [tilespmem:s13+$0x10000];
	s16 =	sor.u32 $0x300, s5  }
0x457: {  	s12 =	sor.u32 $0x300, s6;
	s17 =	simm.s32 $0x790;
	v6 =	vperm.xlane v6, v0;
	v10 =	vld [tilespmem:s16+$0x10000];
	[tilespmem:s20+$0x10200] =	vst v7  }
0x458: {  	v4 =	vperm.xlane v4, v0;
	s19 =	simm.s32 $0x790;
	v7 =	vld [tilespmem:s12+$0x10000];
	[dreg:$0x11] =	wrdreg s17  }
0x459: {  	v3 =	vperm.xlane v3, v0;
	s19 =	sand.u32 $0x70, s19;
	[tilespmem:s10+$0x10000] =	vst v6  }
0x45a: {  	s17 =	sor.u32 $0x280, s1;
	s10 =	sadd.s32 $0x3C80, s19;
	v6 =	vld [tilespmem:s20+$0x10280];
	[tilespmem:s14+$0x0] =	vst v4;
	v8 =	vperm.xlane v8, v0  }
0x45b: {  	v11 =	vld [tilespmem:s17+$0x10000];
	[tilespmem:s25+$0x10200] =	vst v3;
	s19 =	sor.u32 $0x280, s10;
	v3 =	vperm.xlane v9, v0  }
0x45c: {  	s14 =	sor.u32 $0x280, s0;
	v4 =	vld [tilespmem:s19+$0x10000];
	[tilespmem:s13+$0x10000] =	vst v8;
	v9 =	vperm.xlane v10, v0  }
0x45d: {  	s2 =	sor.u32 s7, s2;
	v8 =	vld [tilespmem:s14+$0x10000];
	v7 =	vperm.xlane v7, v0;
	[tilespmem:s18+$0x10280] =	vst v3  }
0x45e: {  	v3 =	vld [tilespmem:s2+$0x0];
	[tilespmem:s12+$0x10000] =	vst v9  }
0x45f: {  	s11 =	sor.u32 $0x300, s11;
	v9 =	vld [tilespmem:s18+$0x10300];
	v6 =	vperm.xlane v6, v0;
	[tilespmem:s16+$0x10000] =	vst v7;
	s16 =	simm.s32 $0x7A0  }
0x460: {  	s13 =	simm.s32 $0x7A0;
	v10 =	vperm.xlane v11, v0;
	v7 =	vld [tilespmem:s11+$0x10000];
	[dreg:$0x13] =	wrdreg s16  }
0x461: {  	s5 =	sor.u32 $0x380, s5;
	s16 =	sand.u32 $0x60, s13;
	v4 =	vperm.xlane v4, v0;
	[tilespmem:s17+$0x10000] =	vst v6  }
0x462: {  	s6 =	sor.u32 $0x380, s6;
	s12 =	sadd.s32 $0x3D00, s16;
	v6 =	vld [tilespmem:s5+$0x10000];
	v8 =	vperm.xlane v8, v0;
	[tilespmem:s20+$0x10280] =	vst v10  }
0x463: {  	v10 =	vld [tilespmem:s6+$0x10000];
	s17 =	sor.u32 $0x300, s12;
	[tilespmem:s14+$0x10000] =	vst v4;
	v4 =	vperm.xlane v5, v0  }
0x464: {  	s14 =	sor.u32 $0x300, s1;
	v5 =	vld [tilespmem:s17+$0x10000];
	[tilespmem:s19+$0x10000] =	vst v8;
	v8 =	vperm.xlane v9, v0  }
0x465: {  	v9 =	vld [tilespmem:s14+$0x10000];
	[tilespmem:s2+$0x0] =	vst v4;
	v4 =	vperm.xlane v7, v0  }
0x466: {  	s13 =	simm.s32 $0x7B0;
	v7 =	vld [tilespmem:s25+$0x10300];
	[tilespmem:s11+$0x10000] =	vst v8  }
0x467: {  	s19 =	sand.u32 $0x70, s13;
	s13 =	simm.s32 $0x200;
	v8 =	vld [tilespmem:s9+$0x14380];
	s11 =	sor.u32 $0x300, s0;
	[tilespmem:s18+$0x10300] =	vst v4  }
0x468: {  	s2 =	sadd.s32 $0x3D80, s19;
	s19 =	simm.s32 $0x40;
	v6 =	vperm.xlane v6, v0;
	v4 =	vld [tilespmem:s11+$0x10000];
	[dreg:$0x9] =	wrdreg s13  }
0x469: {  	v1 =	vperm.xlane v1, v0;
	[dreg:$0xd] =	wrdreg s19;
	s13 =	simm.s32 $0x200  }
0x46a: {  	s2 =	sor.u32 $0x200, s2;
	v10 =	vperm.xlane v10, v0;
	s16 =	sor.u32 s13, s30;
	[tilespmem:s6+$0x10000] =	vst v6  }
0x46b: {  	v6 =	vld [tilespmem:s2+$0x10000];
	v5 =	vperm.xlane v5, v0;
	[tilespmem:s9+$0x14300] =	vst v1;
	s6 =	sor.u32 $0x380, s16  }
0x46c: {  	v9 =	vperm.xlane v9, v0;
	[tilespmem:s5+$0x10000] =	vst v10;
	s5 =	sor.u32 $0x14000, s24;
	v10 =	vld [tilespmem:s6+$0x10000]  }
0x46d: {  	[tilespmem:s14+$0x10000] =	vst v5;
	v5 =	vperm.xlane v7, v0;
	v7 =	vld [tilespmem:s29+$0x14000];
	s19 =	sor.u32 s26, s5  }
0x46e: {  	v2 =	vperm.xlane v2, v0;
	s12 =	sor.u32 $0x380, s12;
	[tilespmem:s17+$0x10000] =	vst v9;
	v9 =	vld [tilespmem:s19+$0x0]  }
0x46f: {  	s1 =	sor.u32 $0x380, s1;
	v4 =	vperm.xlane v4, v0;
	[tilespmem:s11+$0x10000] =	vst v5;
	v5 =	vld [tilespmem:s12+$0x10000]  }
0x470: {  	s30 =	sor.u32 s15, s8;
	[tilespmem:s4+$0x14300] =	vst v2;
	v1 =	vperm.xlane v6, v0;
	v6 =	vld [tilespmem:s1+$0x10000]  }
0x471: {  	s10 =	sor.u32 $0x380, s10;
	[tilespmem:s25+$0x10300] =	vst v4;
	v4 =	vld [tilespmem:s30+$0x0];
	v10 =	vperm.xlane v10, v0  }
0x472: {  	s0 =	sor.u32 $0x380, s0;
	[tilespmem:s6+$0x10000] =	vst v1;
	v1 =	vld [tilespmem:s10+$0x10000];
	v7 =	vperm.xlane v7, v0  }
0x473: {  	v9 =	vperm.xlane v9, v0;
	[tilespmem:s2+$0x10000] =	vst v10;
	v10 =	vld [tilespmem:s0+$0x10000]  }
0x474: {  	s6 =	sor.u32 s23, s5;
	[tilespmem:s19+$0x0] =	vst v7;
	v5 =	vperm.xlane v5, v0;
	v7 =	vld [tilespmem:s18+$0x14000]  }
0x475: {  	s14 =	sor.u32 $0x14080, s24;
	[tilespmem:s29+$0x14000] =	vst v9;
	v9 =	vld [tilespmem:s6+$0x0];
	v6 =	vperm.xlane v6, v0  }
0x476: {  	s15 =	sor.u32 s26, s14;
	[tilespmem:s1+$0x10000] =	vst v5;
	v5 =	vperm.xlane v8, v0;
	v8 =	vld [tilespmem:s29+$0x14080]  }
0x477: {  	[tilespmem:s12+$0x10000] =	vst v6;
	v1 =	vperm.xlane v1, v0;
	v6 =	vld [tilespmem:s15+$0x0]  }
0x478: {  	s17 =	sor.u32 s31, s5;
	[tilespmem:s30+$0x0] =	vst v5;
	v5 =	vperm.xlane v10, v0;
	v10 =	vld [tilespmem:s20+$0x14000]  }
0x479: {  	[tilespmem:s0+$0x10000] =	vst v1;
	v1 =	vperm.xlane v7, v0;
	v7 =	vld [tilespmem:s17+$0x0]  }
0x47a: {  	[tilespmem:s10+$0x10000] =	vst v5;
	v5 =	vperm.xlane v9, v0  }
0x47b: {  	s19 =	sor.u32 s3, s5;
	v8 =	vperm.xlane v8, v0;
	[tilespmem:s6+$0x0] =	vst v1;
	v1 =	vld [tilespmem:s25+$0x14000]  }
0x47c: {  	v6 =	vperm.xlane v6, v0;
	[tilespmem:s18+$0x14000] =	vst v5;
	v5 =	vld [tilespmem:s19+$0x0]  }
0x47d: {  	s30 =	sor.u32 $0x14100, s24;
	[tilespmem:s15+$0x0] =	vst v8;
	v9 =	vld [tilespmem:s18+$0x14080];
	v8 =	vperm.xlane v10, v0  }
0x47e: {  	v4 =	vperm.xlane v4, v0;
	s10 =	sor.u32 s26, s30;
	[tilespmem:s29+$0x14080] =	vst v6;
	v6 =	vperm.xlane v7, v0;
	v7 =	vld [tilespmem:s29+$0x14100]  }
0x47f: {  	[tilespmem:s17+$0x0] =	vst v8;
	v8 =	vld [tilespmem:s10+$0x0]  }
0x480: {  	s12 =	sor.u32 s23, s14;
	[tilespmem:s9+$0x14380] =	vst v4;
	v1 =	vperm.xlane v1, v0;
	v4 =	vld [tilespmem:s20+$0x14080]  }
0x481: {  	s11 =	sor.u32 s31, s14;
	[tilespmem:s20+$0x14000] =	vst v6;
	v6 =	vld [tilespmem:s12+$0x0];
	v5 =	vperm.xlane v5, v0  }
0x482: {  	v9 =	vperm.xlane v9, v0;
	[tilespmem:s19+$0x0] =	vst v1;
	v1 =	vld [tilespmem:s11+$0x0]  }
0x483: {  	[tilespmem:s25+$0x14000] =	vst v5;
	v2 =	vld [tilespmem:s25+$0x14080];
	v5 =	vperm.xlane v7, v0  }
0x484: {  	s6 =	sor.u32 s3, s14;
	[tilespmem:s12+$0x0] =	vst v9;
	v8 =	vperm.xlane v8, v0  }
0x485: {  	v9 =	vld [tilespmem:s6+$0x0];
	[tilespmem:s10+$0x0] =	vst v5;
	v4 =	vperm.xlane v4, v0  }
0x486: {  	s14 =	sor.u32 $0x14180, s24;
	v5 =	vld [tilespmem:s18+$0x14100];
	v6 =	vperm.xlane v6, v0;
	[tilespmem:s29+$0x14100] =	vst v8  }
0x487: {  	s15 =	sor.u32 s26, s14;
	v8 =	vld [tilespmem:s29+$0x14180];
	v1 =	vperm.xlane v1, v0;
	[tilespmem:s11+$0x0] =	vst v4  }
0x488: {  	v4 =	vld [tilespmem:s15+$0x0];
	[tilespmem:s18+$0x14080] =	vst v6;
	v2 =	vperm.xlane v2, v0  }
0x489: {  	s17 =	sor.u32 s23, s30;
	[tilespmem:s20+$0x14080] =	vst v1;
	v1 =	vperm.xlane v3, v0;
	v3 =	vld [tilespmem:s20+$0x14100]  }
0x48a: {  	s19 =	sor.u32 s31, s30;
	v6 =	vperm.xlane v9, v0;
	[tilespmem:s6+$0x0] =	vst v2;
	v2 =	vld [tilespmem:s17+$0x0]  }
0x48b: {  	[tilespmem:s21+$0x14300] =	vst v1;
	v1 =	vperm.xlane v5, v0;
	v5 =	vld [tilespmem:s19+$0x0]  }
0x48c: {  	v7 =	vld [tilespmem:s4+$0x14380];
	[tilespmem:s25+$0x14080] =	vst v6;
	v6 =	vperm.xlane v8, v0  }
0x48d: {  	s22 =	sor.u32 s22, s8;
	s13 =	smov.u32 s3;
	v8 =	vld [tilespmem:s25+$0x14100];
	[tilespmem:s17+$0x0] =	vst v1;
	v1 =	vperm.xlane v4, v0  }
0x48e: {  	s1 =	sor.u32 s13, s30;
	v9 =	vld [tilespmem:s22+$0x0];
	[tilespmem:s15+$0x0] =	vst v6;
	v3 =	vperm.xlane v3, v0  }
0x48f: {  	v4 =	vld [tilespmem:s1+$0x0];
	v2 =	vperm.xlane v2, v0;
	[tilespmem:s29+$0x14180] =	vst v1  }
0x490: {  	s30 =	sor.u32 $0x14200, s24;
	v6 =	vld [tilespmem:s18+$0x14180];
	v5 =	vperm.xlane v5, v0;
	[tilespmem:s19+$0x0] =	vst v3  }
0x491: {  	s9 =	sor.u32 s26, s30;
	v1 =	vld [tilespmem:s29+$0x14200];
	v3 =	vperm.xlane v7, v0;
	[tilespmem:s18+$0x14100] =	vst v2  }
0x492: {  	s10 =	sor.u32 s23, s14;
	v8 =	vperm.xlane v8, v0;
	v2 =	vld [tilespmem:s9+$0x0];
	[tilespmem:s20+$0x14100] =	vst v5  }
0x493: {  	v7 =	vld [tilespmem:s10+$0x0];
	[tilespmem:s22+$0x0] =	vst v3  }
0x494: {  	s11 =	sor.u32 s31, s14;
	v3 =	vld [tilespmem:s20+$0x14180];
	v4 =	vperm.xlane v4, v0;
	[tilespmem:s1+$0x0] =	vst v8  }
0x495: {  	v5 =	vperm.xlane v6, v0;
	v6 =	vld [tilespmem:s11+$0x0];
	[dreg:$0x3] =	wrdreg s21  }
0x496: {  	[tilespmem:s25+$0x14100] =	vst v4;
	v1 =	vperm.xlane v1, v0  }
0x497: {  	s0 =	sor.u32 s13, s14;
	v4 =	vld [tilespmem:s25+$0x14180];
	[tilespmem:s10+$0x0] =	vst v5;
	v2 =	vperm.xlane v2, v0  }
0x498: {  	v5 =	vld [tilespmem:s0+$0x0];
	[tilespmem:s9+$0x0] =	vst v1;
	v7 =	vperm.xlane v7, v0  }
0x499: {  	s12 =	sor.u32 $0x14280, s24;
	v1 =	vld [tilespmem:s18+$0x14200];
	v3 =	vperm.xlane v3, v0;
	[tilespmem:s29+$0x14200] =	vst v2  }
0x49a: {  	s14 =	sor.u32 s26, s12;
	v2 =	vld [tilespmem:s29+$0x14280];
	v6 =	vperm.xlane v6, v0;
	[tilespmem:s18+$0x14180] =	vst v7  }
0x49b: {  	s15 =	sor.u32 s23, s30;
	v7 =	vperm.xlane v9, v0;
	v9 =	vld [tilespmem:s14+$0x0];
	[tilespmem:s11+$0x0] =	vst v3  }
0x49c: {  	v4 =	vperm.xlane v4, v0;
	v3 =	vld [tilespmem:s15+$0x0];
	[tilespmem:s20+$0x14180] =	vst v6  }
0x49d: {  	v6 =	vld [tilespmem:s20+$0x14200];
	v5 =	vperm.xlane v5, v0;
	[tilespmem:s4+$0x14380] =	vst v7  }
0x49e: {  	s17 =	sor.u32 s31, s30;
	v8 =	vld [tilespmem:s21+$0x14380];
	v1 =	vperm.xlane v1, v0;
	[tilespmem:s0+$0x0] =	vst v4  }
0x49f: {  	s19 =	sor.u32 s7, s8;
	v7 =	vld [tilespmem:s17+$0x0];
	[tilespmem:s25+$0x14180] =	vst v5;
	v2 =	vperm.xlane v2, v0  }
0x4a0: {  	v10 =	vld [tilespmem:s19+$0x0];
	[tilespmem:s15+$0x0] =	vst v1;
	v1 =	vperm.xlane v9, v0  }
0x4a1: {  	s21 =	sor.u32 s13, s30;
	v5 =	vld [tilespmem:s25+$0x14200];
	v3 =	vperm.xlane v3, v0;
	[tilespmem:s14+$0x0] =	vst v2  }
0x4a2: {  	v9 =	vld [tilespmem:s21+$0x0];
	v4 =	vperm.xlane v6, v0;
	[tilespmem:s29+$0x14280] =	vst v1  }
0x4a3: {  	s22 =	sor.u32 $0x14300, s24;
	v11 =	vld [tilespmem:s18+$0x14280];
	[tilespmem:s18+$0x14200] =	vst v3  }
0x4a4: {  	s30 =	simm.s32 $0x4;
	s11 =	sor.u32 s26, s22;
	v2 =	vld [tilespmem:s29+$0x14300];
	v1 =	vperm.xlane v7, v0;
	[tilespmem:s17+$0x0] =	vst v4  }
0x4a5: {  	s5 =	sor.u32 s23, s12;
	v6 =	vperm.xlane v8, v0;
	v3 =	vld [tilespmem:s11+$0x0];
	[dreg:$0x16] =	wrdreg s30  }
0x4a6: {  	s16 =	smov.u32 s20;
	s3 =	simm.s32 $0x770;
	s2 =	sor.u32 s31, s12;
	v12 =	vperm.xlane v5, v0;
	v4 =	vld [tilespmem:s5+$0x0];
	[tilespmem:s20+$0x14200] =	vst v1  }
0x4a7: {  	s1 =	sor.u32 s23, s22;
	s7 =	sor.u32 s13, s22;
	s9 =	sor.u32 s31, s22;
	v1 =	vperm.xlane v10, v0;
	[tilespmem:s19+$0x0] =	vst v6;
	v6 =	vld [tilespmem:s20+$0x14280]  }
0x4a8: {  	s0 =	sor.u32 s13, s12;
	s15 =	smov.u32 s23;
	s20 =	smov.u32 s31;
	v8 =	vperm.xlane v9, v0;
	v7 =	vperm.xlane v11, v0;
	[tilespmem:s21+$0x0] =	vst v12;
	v5 =	vld [tilespmem:s2+$0x0]  }
.LBB2_5:
0x4a9: {  	[smem:$0x7ED] =	sst s13  }
0x4aa: {  	[dreg:$0x19] =	wrdreg s3  }
0x4ab: {  	s12 =	rddreg [dreg:$0x11]  }
0x4ac: {  	s4 =	rddreg [dreg:$0x13]  }
0x4ad: {  	s17 =	rddreg [dreg:$0x9]  }
0x4ae: {  	s6 =	sand.u32 $0x70, s3;
	s19 =	rddreg [dreg:$0xd]  }
0x4af: {  	s10 =	sor.u32 $0x14380, s24;
	s28 =	sadd.s32 $0xFFFFFFC0, s28;
	s23 =	rddreg [dreg:$0xf];
	[tilespmem:s5+$0x0] =	vst v7  }
0x4b0: {  	s3 =	sadd.s32 $0xFFFFFFC0, s12;
	s4 =	sadd.s32 $0xFFFFFFC0, s4;
	s21 =	sand.u32 $0x40, s28;
	v9 =	vld [tilespmem:s18+$0x14300];
	v2 =	vperm.xlane v2, v0  }
0x4b1: {  	[tilespmem:s25+$0x14200] =	vst v8;
	v8 =	vld [tilespmem:s25+$0x14280];
	s5 =	sor.u32 s26, s10;
	s23 =	sadd.s32 $0xFFFFFE00, s23;
	[dreg:$0x11] =	wrdreg s3;
	v3 =	vperm.xlane v3, v0  }
0x4b2: {  	s14 =	sand.u32 $0x70, s3;
	[dreg:$0x13] =	wrdreg s4;
	v7 =	vld [tilespmem:s0+$0x0];
	s3 =	sadd.s32 $0x200, s17;
	v4 =	vperm.xlane v4, v0;
	[tilespmem:s11+$0x0] =	vst v2  }
0x4b3: {  	s13 =	sand.u32 $0x60, s4;
	s4 =	sadd.s32 $0x40, s19;
	s12 =	sand.u32 $0x1C00, s3;
	v2 =	vperm.xlane v6, v0;
	[tilespmem:s29+$0x14300] =	vst v3;
	v3 =	vld [tilespmem:s29+$0x14380]  }
0x4b4: {  	s8 =	sand.u32 $0x3C00, s23;
	[dreg:$0x1d] =	wrdreg s12;
	s11 =	sand.u32 $0x40, s4;
	[tilespmem:s18+$0x14280] =	vst v4;
	v4 =	vperm.xlane v5, v0;
	v5 =	vld [tilespmem:s5+$0x0]  }
0x4b5: {  	s19 =	sor.u32 $0x10000, s12;
	s12 =	sor.u32 s21, s8;
	s22 =	sor.u32 $0x30, s11;
	v6 =	vld [tilespmem:s1+$0x0];
	v9 =	vperm.xlane v9, v0;
	[tilespmem:s2+$0x0] =	vst v2  }
0x4b6: {  	v2 =	vperm.xlane v8, v0;
	v8 =	vld [tilespmem:s12+$0x10000];
	s17 =	sor.u32 s22, s19;
	[tilespmem:s16+$0x14280] =	vst v4  }
0x4b7: {  	[smem:$0x7EC] =	sst s13;
	s13 =	smov.u32 s16;
	v4 =	vperm.xlane v7, v0;
	v7 =	vld [tilespmem:s17+$0x0];
	[tilespmem:s1+$0x0] =	vst v9  }
0x4b8: {  	[tilespmem:s0+$0x0] =	vst v2;
	v2 =	vld [tilespmem:s13+$0x14300];
	v3 =	vperm.xlane v3, v0  }
0x4b9: {  	s24 =	sadd.s32 $0x30, s28;
	[smem:$0x7EE] =	sst s21;
	s21 =	sadd.s32 $0x180, s23;
	[tilespmem:s25+$0x14280] =	vst v4;
	v4 =	vld [tilespmem:s9+$0x0];
	v5 =	vperm.xlane v5, v0  }
0x4ba: {  	s31 =	rddreg [dreg:$0x16];
	s2 =	sand.u32 $0x3C00, s21;
	s0 =	sand.u32 $0x70, s24;
	v9 =	vld [tilespmem:s25+$0x14300];
	v6 =	vperm.xlane v6, v0;
	[tilespmem:s5+$0x0] =	vst v3  }
0x4bb: {  	[dreg:$0xb] =	wrdreg s28;
	s2 =	sor.u32 s0, s2;
	v3 =	vperm.xlane v8, v0;
	v8 =	vld [tilespmem:s7+$0x0];
	[tilespmem:s29+$0x14380] =	vst v5  }
0x4bc: {  	s26 =	sadd.s32 $0x20, s28;
	s30 =	sadd.s32 $0x10, s28;
	s1 =	sor.u32 s11, s19;
	v7 =	vperm.xlane v7, v0;
	v5 =	vld [tilespmem:s2+$0x10000];
	[tilespmem:s18+$0x14300] =	vst v6  }
0x4bd: {  	s31 =	sadd.s32 $0x4, s31;
	[smem:$0x7EF] =	sst s22;
	s22 =	sadd.s32 $0x100, s23;
	v2 =	vperm.xlane v2, v0;
	v6 =	vld [tilespmem:s1+$0x0];
	[tilespmem:s17+$0x0] =	vst v3  }
0x4be: {  	s30 =	sand.u32 $0x50, s30;
	s8 =	sand.u32 $0x60, s26;
	s26 =	sand.u32 $0x3C00, s22;
	v4 =	vperm.xlane v4, v0;
	[tilespmem:s12+$0x10000] =	vst v7;
	v3 =	vld [tilespmem:s12+$0x10080]  }
0x4bf: {  	s28 =	sor.u32 $0x10, s11;
	s24 =	sadd.s32 $0x80, s23;
	s8 =	sor.u32 s8, s26;
	[tilespmem:s9+$0x0] =	vst v2;
	v2 =	vperm.xlane v9, v0;
	v7 =	vld [tilespmem:s17+$0x80]  }
0x4c0: {  	[dreg:$0x16] =	wrdreg s31;
	s16 =	sor.u32 s28, s19;
	s5 =	sand.u32 $0x3C00, s24;
	v9 =	vld [tilespmem:s8+$0x10000];
	[tilespmem:s13+$0x14300] =	vst v4;
	v4 =	vperm.xlane v8, v0  }
0x4c1: {  	p1 =	slt.u32 s31, $0x3C;
	s31 =	sor.u32 $0x20, s11;
	s0 =	sor.u32 s30, s5;
	v8 =	vld [tilespmem:s16+$0x0];
	[tilespmem:s7+$0x0] =	vst v2;
	v5 =	vperm.xlane v5, v0  }
0x4c2: {  	s5 =	sor.u32 s31, s19;
	v2 =	vperm.xlane v6, v0;
	v6 =	vld [tilespmem:s0+$0x10000];
	[tilespmem:s25+$0x14300] =	vst v4  }
0x4c3: {  	[tilespmem:s1+$0x0] =	vst v5;
	v4 =	vld [tilespmem:s5+$0x0];
	v3 =	vperm.xlane v3, v0  }
0x4c4: {  	[tilespmem:s2+$0x10000] =	vst v2;
	v2 =	vld [tilespmem:s2+$0x10080];
	v5 =	vperm.xlane v7, v0  }
0x4c5: {  	s29 =	smov.u32 s12;
	v9 =	vperm.xlane v9, v0;
	v7 =	vld [tilespmem:s1+$0x80];
	[tilespmem:s17+$0x80] =	vst v3  }
0x4c6: {  	v3 =	vperm.xlane v8, v0;
	[tilespmem:s29+$0x10080] =	vst v5;
	v5 =	vld [tilespmem:s29+$0x10100]  }
0x4c7: {  	[tilespmem:s16+$0x0] =	vst v9;
	v6 =	vperm.xlane v6, v0;
	v8 =	vld [tilespmem:s17+$0x100]  }
0x4c8: {  	[tilespmem:s8+$0x10000] =	vst v3;
	v3 =	vld [tilespmem:s8+$0x10080];
	v4 =	vperm.xlane v4, v0  }
0x4c9: {  	[dreg:$0xf] =	wrdreg s23;
	v9 =	vld [tilespmem:s16+$0x80];
	v2 =	vperm.xlane v2, v0;
	[tilespmem:s5+$0x0] =	vst v6  }
0x4ca: {  	[dreg:$0xd] =	wrdreg s4;
	v6 =	vperm.xlane v7, v0;
	[tilespmem:s0+$0x10000] =	vst v4;
	v4 =	vld [tilespmem:s0+$0x10080]  }
0x4cb: {  	[dreg:$0x9] =	wrdreg s3;
	[tilespmem:s1+$0x80] =	vst v2;
	v2 =	vld [tilespmem:s5+$0x80];
	v5 =	vperm.xlane v5, v0  }
0x4cc: {  	s6 =	sadd.s32 s6, s21;
	s21 =	sld [smem:$0x7EC];
	[tilespmem:s2+$0x10080] =	vst v6;
	v6 =	vld [tilespmem:s2+$0x10100];
	v7 =	vperm.xlane v8, v0  }
0x4cd: {  	[smem:$0x7F0] =	sst s13;
	s6 =	sor.u32 $0x200, s6;
	v3 =	vperm.xlane v3, v0;
	v8 =	vld [tilespmem:s1+$0x100];
	[tilespmem:s17+$0x100] =	vst v5  }
0x4ce: {  	p0 =	por !p0, !p0;
	[smem:$0x7F3] =	sst s6;
	s14 =	sadd.s32 s14, s24;
	v5 =	vperm.xlane v9, v0;
	[tilespmem:s29+$0x10100] =	vst v7;
	v7 =	vld [tilespmem:s29+$0x10180]  }
0x4cf: {  	s6 =	sor.u32 $0x380, s14;
	s19 =	sadd.s32 s21, s22;
	s7 =	sld [smem:$0x7ED];
	[tilespmem:s16+$0x80] =	vst v3;
	v3 =	vperm.xlane v4, v0;
	v4 =	vld [tilespmem:s17+$0x180]  }
0x4d0: {  	s20 =	sor.u32 s20, s10;
	[smem:$0x7F5] =	sst s6;
	s26 =	sor.u32 $0x300, s19;
	[tilespmem:s8+$0x10080] =	vst v5;
	v5 =	vld [tilespmem:s8+$0x10100];
	v2 =	vperm.xlane v2, v0  }
0x4d1: {  	s24 =	sor.u32 s3, s4;
	[smem:$0x7F2] =	sst s26;
	s26 =	sor.u32 s15, s10;
	v9 =	vld [tilespmem:s16+$0x100];
	v6 =	vperm.xlane v6, v0;
	[tilespmem:s5+$0x80] =	vst v3  }
0x4d2: {  	s12 =	sld [smem:$0x7EE];
	s4 =	sor.u32 s7, s10;
	s10 =	simm.s32 $0x1;
	v3 =	vperm.xlane v8, v0;
	[tilespmem:s0+$0x10080] =	vst v2;
	v2 =	vld [tilespmem:s0+$0x10100]  }
0x4d3: {  	s22 =	sor.u32 $0x280, s14;
	s14 =	smov.u32 s28;
	s10 =	simm.s32 @!p0 $0x0;
	[tilespmem:s1+$0x100] =	vst v6;
	v6 =	vld [tilespmem:s5+$0x100];
	v7 =	vperm.xlane v7, v0  }
0x4d4: {  	[smem:$0x7F1] =	sst s22;
	s30 =	sor.u32 $0x380, s19;
	s10 =	sshll.u32 s10, $0x6;
	[tilespmem:s2+$0x10100] =	vst v3;
	v3 =	vld [tilespmem:s2+$0x10180];
	v4 =	vperm.xlane v4, v0  }
0x4d5: {  	s9 =	sor.u32 $0x380, s24;
	s19 =	sadd.s32 s23, s12;
	s15 =	sadd.s32 s10, s3;
	v5 =	vperm.xlane v5, v0;
	v8 =	vld [tilespmem:s1+$0x180];
	[tilespmem:s17+$0x180] =	vst v7  }
0x4d6: {  	[smem:$0x7F4] =	sst s30;
	s23 =	sor.u32 $0x200, s19;
	s10 =	sadd.s32 $0x30, s15;
	v7 =	vperm.xlane v9, v0;
	[tilespmem:s29+$0x10180] =	vst v4;
	v4 =	vld [tilespmem:s18+$0x14380]  }
0x4d7: {  	s13 =	smov.u32 s31;
	[smem:$0x7F6] =	sst s4;
	s4 =	sor.u32 $0x200, s10;
	[tilespmem:s16+$0x100] =	vst v5;
	v2 =	vperm.xlane v2, v0;
	v5 =	vld [tilespmem:s23+$0x10000]  }
0x4d8: {  	s7 =	smov.u32 s11;
	s21 =	sadd.s32 $0x10, s15;
	s3 =	sadd.s32 $0x20, s15;
	[tilespmem:s8+$0x10100] =	vst v7;
	v7 =	vld [tilespmem:s4+$0x10000];
	v6 =	vperm.xlane v6, v0  }
0x4d9: {  	s6 =	sor.u32 $0x200, s15;
	s30 =	sor.u32 $0x280, s15;
	s11 =	sor.u32 $0x300, s15;
	v9 =	vld [tilespmem:s8+$0x10180];
	v3 =	vperm.xlane v3, v0;
	[tilespmem:s5+$0x100] =	vst v2  }
0x4da: {  	s22 =	sor.u32 $0x200, s21;
	s12 =	sor.u32 $0x280, s21;
	s31 =	sor.u32 $0x200, s3;
	v2 =	vperm.xlane v8, v0;
	v8 =	vld [tilespmem:s16+$0x180];
	[tilespmem:s0+$0x10100] =	vst v6  }
0x4db: {  	s24 =	sor.u32 $0x300, s21;
	s28 =	sor.u32 $0x280, s3;
	s15 =	sor.u32 $0x380, s3;
	[tilespmem:s1+$0x180] =	vst v3;
	v3 =	vld [tilespmem:s0+$0x10180]  }
0x4dc: {  	s17 =	sor.u32 $0x380, s21;
	s21 =	sor.u32 $0x300, s3;
	s3 =	rddreg [dreg:$0x3];
	[tilespmem:s2+$0x10180] =	vst v2;
	v2 =	vld [tilespmem:s5+$0x180];
	v5 =	vperm.xlane v5, v0  }
0x4dd: {  	v6 =	vld [tilespmem:s2+$0x10200];
	v7 =	vperm.xlane v7, v0;
	[tilespmem:s3+$0x14380] =	vst v1  }
0x4de: {  	v9 =	vperm.xlane v9, v0;
	v1 =	vld [tilespmem:s6+$0x10000];
	[tilespmem:s4+$0x10000] =	vst v5  }
0x4df: {  	v5 =	vperm.xlane v8, v0;
	[tilespmem:s23+$0x10000] =	vst v7;
	s23 =	smov.u32 s7;
	s7 =	sor.u32 $0x280, s19;
	v7 =	vld [tilespmem:s26+$0x0]  }
0x4e0: {  	[tilespmem:s16+$0x180] =	vst v9;
	s4 =	sor.u32 $0x280, s10;
	v3 =	vperm.xlane v3, v0;
	v8 =	vld [tilespmem:s7+$0x10000]  }
0x4e1: {  	[tilespmem:s8+$0x10180] =	vst v5;
	v2 =	vperm.xlane v2, v0;
	v5 =	vld [tilespmem:s4+$0x10000]  }
0x4e2: {  	s3 =	smov.u32 s25;
	s25 =	smov.u32 s0;
	v9 =	vld [tilespmem:s8+$0x10200];
	v6 =	vperm.xlane v6, v0;
	[tilespmem:s5+$0x180] =	vst v3  }
0x4e3: {  	v1 =	vperm.xlane v1, v0;
	v3 =	vld [tilespmem:s22+$0x10000];
	[tilespmem:s25+$0x10180] =	vst v2  }
0x4e4: {  	v4 =	vperm.xlane v4, v0;
	[tilespmem:s6+$0x10000] =	vst v6;
	v2 =	vld [tilespmem:s25+$0x10200]  }
0x4e5: {  	v6 =	vperm.xlane v7, v0;
	[tilespmem:s2+$0x10200] =	vst v1;
	v1 =	vld [tilespmem:s31+$0x10000];
	v7 =	vperm.xlane v8, v0  }
0x4e6: {  	v8 =	vld [tilespmem:s2+$0x10280];
	[tilespmem:s26+$0x0] =	vst v4;
	v5 =	vperm.xlane v5, v0  }
0x4e7: {  	[tilespmem:s4+$0x10000] =	vst v7;
	s4 =	sld [smem:$0x7F0]  }
0x4e8: {  	s6 =	sor.u32 $0x300, s19;
	v9 =	vperm.xlane v9, v0;
	v4 =	vld [tilespmem:s30+$0x10000];
	[tilespmem:s7+$0x10000] =	vst v5  }
0x4e9: {  	v3 =	vperm.xlane v3, v0;
	v7 =	vld [tilespmem:s6+$0x10000]  }
0x4ea: {  	v2 =	vperm.xlane v2, v0;
	s7 =	sor.u32 $0x300, s10;
	v5 =	vld [tilespmem:s4+$0x14380];
	[tilespmem:s22+$0x10000] =	vst v9  }
0x4eb: {  	s16 =	sld [smem:$0x7F1];
	v1 =	vperm.xlane v1, v0;
	[tilespmem:s8+$0x10200] =	vst v3;
	v3 =	vld [tilespmem:s7+$0x10000]  }
0x4ec: {  	v8 =	vperm.xlane v8, v0;
	[tilespmem:s31+$0x10000] =	vst v2;
	v9 =	vld [tilespmem:s8+$0x10280]  }
0x4ed: {  	v2 =	vperm.xlane v4, v0;
	[tilespmem:s25+$0x10200] =	vst v1;
	v4 =	vld [tilespmem:s12+$0x10000]  }
0x4ee: {  	[tilespmem:s30+$0x10000] =	vst v8;
	v1 =	vld [tilespmem:s16+$0x10000]  }
0x4ef: {  	[tilespmem:s2+$0x10280] =	vst v2;
	v2 =	vld [tilespmem:s28+$0x10000];
	v7 =	vperm.xlane v7, v0  }
0x4f0: {  	v8 =	vld [tilespmem:s2+$0x10300];
	[tilespmem:s18+$0x14380] =	vst v6;
	v3 =	vperm.xlane v3, v0  }
0x4f1: {  	v6 =	vld [tilespmem:s11+$0x10000];
	v9 =	vperm.xlane v9, v0;
	[tilespmem:s7+$0x10000] =	vst v7  }
0x4f2: {  	s19 =	sor.u32 $0x380, s19;
	s30 =	sld [smem:$0x7F2];
	v4 =	vperm.xlane v4, v0;
	[tilespmem:s6+$0x10000] =	vst v3;
	v3 =	vld [tilespmem:s20+$0x0]  }
0x4f3: {  	s22 =	sor.u32 $0x380, s10;
	v1 =	vperm.xlane v1, v0;
	[tilespmem:s12+$0x10000] =	vst v9;
	v7 =	vld [tilespmem:s19+$0x10000]  }
0x4f4: {  	v2 =	vperm.xlane v2, v0;
	[tilespmem:s8+$0x10280] =	vst v4;
	v4 =	vld [tilespmem:s22+$0x10000]  }
0x4f5: {  	v8 =	vperm.xlane v8, v0;
	[tilespmem:s28+$0x10000] =	vst v1;
	v9 =	vld [tilespmem:s30+$0x10000]  }
0x4f6: {  	s31 =	sld [smem:$0x7F3];
	v1 =	vperm.xlane v6, v0;
	v6 =	vld [tilespmem:s24+$0x10000];
	[tilespmem:s16+$0x10000] =	vst v2  }
0x4f7: {  	s18 =	smov.u32 s2;
	v5 =	vperm.xlane v5, v0;
	[tilespmem:s11+$0x10000] =	vst v8;
	v2 =	vld [tilespmem:s25+$0x10300]  }
0x4f8: {  	[tilespmem:s18+$0x10300] =	vst v1;
	v1 =	vld [tilespmem:s21+$0x10000];
	v7 =	vperm.xlane v7, v0  }
0x4f9: {  	s26 =	sld [smem:$0x7EF];
	[tilespmem:s20+$0x0] =	vst v5;
	v8 =	vld [tilespmem:s31+$0x10000];
	v4 =	vperm.xlane v4, v0  }
0x4fa: {  	s5 =	rddreg [dreg:$0x1d];
	v5 =	vld [tilespmem:s9+$0x10000];
	v9 =	vperm.xlane v9, v0;
	[tilespmem:s22+$0x10000] =	vst v7  }
0x4fb: {  	s10 =	sor.u32 $0x14000, s5;
	s20 =	sld [smem:$0x7F4];
	v6 =	vperm.xlane v6, v0;
	[tilespmem:s19+$0x10000] =	vst v4;
	v4 =	vld [tilespmem:s3+$0x14380]  }
0x4fc: {  	v2 =	vperm.xlane v2, v0;
	[tilespmem:s24+$0x10000] =	vst v9;
	s19 =	sor.u32 s26, s10;
	v7 =	vld [tilespmem:s29+$0x14000]  }
0x4fd: {  	s22 =	sld [smem:$0x7F5];
	v1 =	vperm.xlane v1, v0;
	[tilespmem:s30+$0x10000] =	vst v6;
	v6 =	vld [tilespmem:s19+$0x0]  }
0x4fe: {  	v8 =	vperm.xlane v8, v0;
	[tilespmem:s21+$0x10000] =	vst v2;
	v9 =	vld [tilespmem:s20+$0x10000]  }
0x4ff: {  	v2 =	vperm.xlane v5, v0;
	v5 =	vld [tilespmem:s17+$0x10000];
	[tilespmem:s25+$0x10300] =	vst v1  }
0x500: {  	v3 =	vperm.xlane v3, v0;
	[tilespmem:s9+$0x10000] =	vst v8;
	v1 =	vld [tilespmem:s22+$0x10000]  }
0x501: {  	[tilespmem:s31+$0x10000] =	vst v2;
	v2 =	vld [tilespmem:s15+$0x10000];
	v7 =	vperm.xlane v7, v0  }
0x502: {  	s0 =	sor.u32 s13, s10;
	s11 =	sor.u32 s23, s10;
	s24 =	smov.u32 s5;
	[tilespmem:s4+$0x14380] =	vst v3;
	v8 =	vld [tilespmem:s18+$0x14000];
	v6 =	vperm.xlane v6, v0  }
0x503: {  	s5 =	sor.u32 s14, s10;
	s10 =	sld [smem:$0x7F6];
	s30 =	sor.u32 $0x14080, s24;
	v3 =	vld [tilespmem:s11+$0x0];
	v9 =	vperm.xlane v9, v0;
	[tilespmem:s19+$0x0] =	vst v7  }
0x504: {  	s12 =	sor.u32 s26, s30;
	v5 =	vperm.xlane v5, v0;
	[tilespmem:s29+$0x14000] =	vst v6;
	v6 =	vld [tilespmem:s29+$0x14080]  }
0x505: {  	v1 =	vperm.xlane v1, v0;
	[tilespmem:s17+$0x10000] =	vst v9;
	v7 =	vld [tilespmem:s12+$0x0]  }
0x506: {  	s16 =	smov.u32 s8;
	v2 =	vperm.xlane v2, v0;
	[tilespmem:s20+$0x10000] =	vst v5;
	v5 =	vld [tilespmem:s10+$0x0]  }
0x507: {  	v8 =	vperm.xlane v8, v0;
	[tilespmem:s15+$0x10000] =	vst v1;
	v9 =	vld [tilespmem:s16+$0x14000]  }
0x508: {  	v1 =	vperm.xlane v3, v0;
	v3 =	vld [tilespmem:s5+$0x0];
	[tilespmem:s22+$0x10000] =	vst v2  }
0x509: {  	[tilespmem:s11+$0x0] =	vst v8;
	v2 =	vld [tilespmem:s25+$0x14000];
	v6 =	vperm.xlane v6, v0  }
0x50a: {  	v8 =	vld [tilespmem:s0+$0x0];
	[tilespmem:s18+$0x14000] =	vst v1;
	v7 =	vperm.xlane v7, v0  }
0x50b: {  	v4 =	vperm.xlane v4, v0;
	s11 =	sor.u32 $0x14100, s24;
	v10 =	vld [tilespmem:s18+$0x14080];
	[tilespmem:s12+$0x0] =	vst v6  }
0x50c: {  	s20 =	sor.u32 s26, s11;
	v1 =	vperm.xlane v5, v0;
	v5 =	vperm.xlane v9, v0;
	[tilespmem:s29+$0x14080] =	vst v7;
	v6 =	vld [tilespmem:s29+$0x14100]  }
0x50d: {  	s31 =	sor.u32 s23, s30;
	[tilespmem:s10+$0x0] =	vst v4;
	v3 =	vperm.xlane v3, v0;
	v7 =	vld [tilespmem:s20+$0x0]  }
0x50e: {  	v4 =	vld [tilespmem:s31+$0x0];
	v2 =	vperm.xlane v2, v0;
	[tilespmem:s5+$0x0] =	vst v5  }
0x50f: {  	s2 =	sor.u32 s14, s30;
	v5 =	vperm.xlane v8, v0;
	[tilespmem:s16+$0x14000] =	vst v3;
	v3 =	vld [tilespmem:s16+$0x14080]  }
0x510: {  	v8 =	vperm.xlane v10, v0;
	[tilespmem:s0+$0x0] =	vst v2;
	v9 =	vld [tilespmem:s2+$0x0]  }
0x511: {  	s19 =	sor.u32 s13, s30;
	[tilespmem:s25+$0x14000] =	vst v5;
	v2 =	vld [tilespmem:s25+$0x14080];
	v5 =	vperm.xlane v6, v0  }
0x512: {  	[tilespmem:s31+$0x0] =	vst v8;
	v6 =	vld [tilespmem:s19+$0x0];
	v7 =	vperm.xlane v7, v0  }
0x513: {  	s21 =	sor.u32 $0x14180, s24;
	v4 =	vperm.xlane v4, v0;
	v8 =	vld [tilespmem:s18+$0x14100];
	[tilespmem:s20+$0x0] =	vst v5  }
0x514: {  	s31 =	sor.u32 s26, s21;
	v3 =	vperm.xlane v3, v0;
	[tilespmem:s29+$0x14100] =	vst v7;
	v5 =	vld [tilespmem:s29+$0x14180]  }
0x515: {  	s12 =	sor.u32 s23, s11;
	[tilespmem:s18+$0x14080] =	vst v4;
	v4 =	vperm.xlane v9, v0;
	v7 =	vld [tilespmem:s31+$0x0]  }
0x516: {  	v9 =	vld [tilespmem:s12+$0x0];
	v2 =	vperm.xlane v2, v0;
	[tilespmem:s2+$0x0] =	vst v3  }
0x517: {  	s15 =	sor.u32 s14, s11;
	[tilespmem:s16+$0x14080] =	vst v4;
	v3 =	vld [tilespmem:s16+$0x14100];
	v4 =	vperm.xlane v6, v0  }
0x518: {  	v6 =	vperm.xlane v8, v0;
	[tilespmem:s19+$0x0] =	vst v2;
	v8 =	vld [tilespmem:s15+$0x0]  }
0x519: {  	s1 =	sor.u32 s13, s11;
	v2 =	vld [tilespmem:s25+$0x14100];
	[tilespmem:s25+$0x14080] =	vst v4;
	v4 =	vperm.xlane v5, v0  }
0x51a: {  	[tilespmem:s12+$0x0] =	vst v6;
	v5 =	vld [tilespmem:s1+$0x0];
	v6 =	vperm.xlane v7, v0  }
0x51b: {  	s8 =	sor.u32 $0x14200, s24;
	v7 =	vperm.xlane v9, v0;
	v9 =	vld [tilespmem:s18+$0x14180];
	[tilespmem:s31+$0x0] =	vst v4  }
0x51c: {  	s17 =	sor.u32 s26, s8;
	v3 =	vperm.xlane v3, v0;
	[tilespmem:s29+$0x14180] =	vst v6;
	v4 =	vld [tilespmem:s29+$0x14200]  }
0x51d: {  	s22 =	sor.u32 s23, s21;
	[tilespmem:s18+$0x14100] =	vst v7;
	v6 =	vperm.xlane v8, v0;
	v7 =	vld [tilespmem:s17+$0x0]  }
0x51e: {  	v2 =	vperm.xlane v2, v0;
	v8 =	vld [tilespmem:s22+$0x0];
	[tilespmem:s15+$0x0] =	vst v3  }
0x51f: {  	s30 =	sor.u32 s14, s21;
	[tilespmem:s16+$0x14100] =	vst v6;
	v3 =	vld [tilespmem:s16+$0x14180];
	v5 =	vperm.xlane v5, v0  }
0x520: {  	[tilespmem:s1+$0x0] =	vst v2;
	v6 =	vperm.xlane v9, v0;
	v9 =	vld [tilespmem:s30+$0x0]  }
0x521: {  	s4 =	sor.u32 s13, s21;
	v2 =	vld [tilespmem:s25+$0x14180];
	[tilespmem:s25+$0x14100] =	vst v5;
	v4 =	vperm.xlane v4, v0  }
0x522: {  	[tilespmem:s22+$0x0] =	vst v6;
	v5 =	vld [tilespmem:s4+$0x0];
	v6 =	vperm.xlane v7, v0  }
0x523: {  	s21 =	sor.u32 $0x14280, s24;
	v7 =	vperm.xlane v8, v0;
	v8 =	vld [tilespmem:s18+$0x14200];
	[tilespmem:s17+$0x0] =	vst v4  }
0x524: {  	s22 =	sor.u32 s26, s21;
	v3 =	vperm.xlane v3, v0;
	[tilespmem:s29+$0x14200] =	vst v6;
	v4 =	vld [tilespmem:s29+$0x14280]  }
0x525: {  	s10 =	sor.u32 s23, s8;
	[tilespmem:s18+$0x14180] =	vst v7;
	v6 =	vperm.xlane v9, v0;
	v7 =	vld [tilespmem:s22+$0x0]  }
0x526: {  	v2 =	vperm.xlane v2, v0;
	v9 =	vld [tilespmem:s10+$0x0];
	[tilespmem:s30+$0x0] =	vst v3  }
0x527: {  	s12 =	sor.u32 s14, s8;
	[tilespmem:s16+$0x14180] =	vst v6;
	v3 =	vld [tilespmem:s16+$0x14200];
	v5 =	vperm.xlane v5, v0  }
0x528: {  	[tilespmem:s4+$0x0] =	vst v2;
	v6 =	vperm.xlane v8, v0;
	v8 =	vld [tilespmem:s12+$0x0]  }
0x529: {  	s19 =	sor.u32 s13, s8;
	[tilespmem:s25+$0x14180] =	vst v5;
	v5 =	vld [tilespmem:s25+$0x14200];
	v2 =	vperm.xlane v4, v0  }
0x52a: {  	[tilespmem:s10+$0x0] =	vst v6;
	v10 =	vld [tilespmem:s19+$0x0];
	v4 =	vperm.xlane v7, v0  }
0x52b: {  	s30 =	sor.u32 $0x14300, s24;
	v6 =	vperm.xlane v9, v0;
	v7 =	vld [tilespmem:s18+$0x14280];
	[tilespmem:s22+$0x0] =	vst v2  }
.Ltmp10:
0x52c: {  	[dreg:$0x3] =	wrdreg s3;
	s11 =	sor.u32 s26, s30;
	v9 =	vperm.xlane v3, v0;
	[tilespmem:s29+$0x14280] =	vst v4;
	v2 =	vld [tilespmem:s29+$0x14300];
	(pc) =	sbr.rel @p1 .LBB2_5-.Ltmp10, $4  }
0x52d: {  	s28 =	rddreg [dreg:$0xb];
	s5 =	sor.u32 s23, s21;
	[tilespmem:s18+$0x14200] =	vst v6;
	v6 =	vperm.xlane v8, v0;
	v3 =	vld [tilespmem:s11+$0x0]  }
0x52e: {  	s0 =	sor.u32 s13, s21;
	s20 =	smov.u32 s14;
	s31 =	rddreg [dreg:$0x19];
	v4 =	vld [tilespmem:s5+$0x0];
	[tilespmem:s12+$0x0] =	vst v9;
	v9 =	vperm.xlane v5, v0  }
0x52f: {  	s2 =	sor.u32 s14, s21;
	s3 =	sadd.s32 $0xFFFFFFC0, s31;
	s15 =	smov.u32 s23;
	[tilespmem:s16+$0x14200] =	vst v6;
	v6 =	vld [tilespmem:s16+$0x14280]  }
0x530: {  	s1 =	sor.u32 s23, s30;
	s9 =	sor.u32 s14, s30;
	s7 =	sor.u32 s13, s30;
	v8 =	vperm.xlane v10, v0;
	v7 =	vperm.xlane v7, v0;
	v5 =	vld [tilespmem:s2+$0x0];
	[tilespmem:s19+$0x0] =	vst v9  }
0x531: {  	v47 =	vld [tilespmem:s25+$0x14280]  }
0x532: {  	v2 =	vperm.xlane v2, v0;
	[tilespmem:s25+$0x14200] =	vst v8  }
0x533: {  	[tilespmem:s5+$0x0] =	vst v7;
	v9 =	vld [tilespmem:s0+$0x0];
	v4 =	vperm.xlane v4, v0  }
0x534: {  	v7 =	vld [tilespmem:s18+$0x14300];
	[tilespmem:s11+$0x0] =	vst v2;
	v6 =	vperm.xlane v6, v0  }
0x535: {  	v55 =	vld [tilespmem:s29+$0x14380];
	[tilespmem:s18+$0x14280] =	vst v4;
	v48 =	vperm.xlane v5, v0  }
0x536: {  	[tilespmem:s2+$0x0] =	vst v6;
	v49 =	vperm.xlane v47, v0;
	v50 =	vld [tilespmem:s1+$0x0]  }
0x537: {  	v3 =	vperm.xlane v3, v0;
	[tilespmem:s16+$0x14280] =	vst v48;
	v52 =	vld [tilespmem:s16+$0x14300]  }
0x538: {  	s24 =	sor.u32 $0x14380, s24;
	v51 =	vperm.xlane v9, v0;
	[tilespmem:s0+$0x0] =	vst v49;
	v53 =	vld [tilespmem:s9+$0x0]  }
0x539: {  	s26 =	sor.u32 s26, s24;
	[tilespmem:s29+$0x14300] =	vst v3;
	v3 =	vperm.xlane v7, v0;
	v2 =	vld [tilespmem:s25+$0x14300]  }
0x53a: {  	v56 =	vld [tilespmem:s26+$0x0];
	v59 =	vperm.xlane v55, v0;
	[tilespmem:s25+$0x14280] =	vst v51  }
0x53b: {  	[tilespmem:s1+$0x0] =	vst v3;
	v54 =	vld [tilespmem:s7+$0x0];
	v6 =	vperm.xlane v50, v0  }
0x53c: {  	[tilespmem:s26+$0x0] =	vst v59;
	v3 =	vperm.xlane v52, v0  }
0x53d: {  	[tilespmem:s18+$0x14300] =	vst v6;
	v4 =	vperm.xlane v53, v0  }
0x53e: {  	s28 =	sor.u32 s15, s24;
	[tilespmem:s9+$0x0] =	vst v3;
	v2 =	vperm.xlane v2, v0;
	v3 =	vld [tilespmem:s18+$0x14380]  }
0x53f: {  	v60 =	vperm.xlane v56, v0;
	v58 =	vld [tilespmem:s28+$0x0];
	[tilespmem:s16+$0x14300] =	vst v4  }
0x540: {  	s3 =	sor.u32 s20, s24;
	v57 =	vperm.xlane v54, v0;
	[tilespmem:s7+$0x0] =	vst v2;
	v2 =	vld [tilespmem:s16+$0x14380]  }
0x541: {  	[tilespmem:s29+$0x14380] =	vst v60;
	v61 =	vld [tilespmem:s3+$0x0]  }
0x542: {  	s0 =	sor.u32 s13, s24;
	v62 =	vld [tilespmem:s25+$0x14380];
	[tilespmem:s25+$0x14300] =	vst v57  }
0x543: {  	v3 =	vperm.xlane v3, v0;
	v63 =	vld [tilespmem:s0+$0x0];
	s2 =	rddreg [dreg:$0x3]  }
0x544: {  	[tilespmem:s2+$0x14380] =	vst v1;
	v1 =	vperm.xlane v58, v0  }
0x545: {  	[tilespmem:s28+$0x0] =	vst v3;
	v2 =	vperm.xlane v2, v0  }
0x546: {  	[tilespmem:s18+$0x14380] =	vst v1;
	v1 =	vperm.xlane v61, v0  }
0x547: {  	[tilespmem:s3+$0x0] =	vst v2;
	v2 =	vperm.xlane v62, v0  }
0x548: {  	[tilespmem:s16+$0x14380] =	vst v1;
	v1 =	vperm.xlane v63, v0  }
0x549: {  	[tilespmem:s0+$0x0] =	vst v2  }
0x54a: {  	s4 =	sld [smem:$0x7F7];
	[tilespmem:s25+$0x14380] =	vst v1  }
0x54b: {  	s1 =	sld [smem:$0x7FA];
	_ =	sdelay $0x1  }
0x54c: {  	s30 =	simm.s32 $0x0;
	s0 =	sshll.u32 s4, $0xC;
	p0 =	seq.s32 s4, $0x0  }
0x54d: {  	s31 =	simm.s32 $0x10000;
	s1 =	sadd.s32 s0, s1;
	p1 =	sgt.u32 @!p0 s4, $0x1D  }
0x54e: {  	[hbm4b:s1+s30] =	stream.linear.scatter [tilespmem:s31], [sflag:$0x6], $0x8000, $0x38;
	[tilespmem:$0x18000] =	vst v63  }
0x54f: {  	p1 =	por p0, !p1  }
.Ltmp11:
0x550: {  	_ = 	snop;
	(pc) =	sbr.rel @!p1 .LBB2_14-.Ltmp11, $4  }
0x551: {  	s1 =	simm.s32 @!p0 $0x5  }
0x552: {  	_ =	swait.ge @!p0 [sflag:s1], $0x8000  }
0x553: {  	[sflag:s1] =	ssyncset.done @!p0 $0x0  }
0x554: {  	[sflag:s1] =	ssyncadd.s32 @!p0 $0xFFFF8000  }
.Ltmp12:
0x555: {  	s1 =	sld [smem:$0x7FC];
	(pc) =	sbr.rel .LBB2_14-.Ltmp12, $3  }
0x556: {  	_ =	sdelay $0x1  }
0x557: {  	s31 =	simm.s32 $0x0;
	s2 =	simm.s32 $0x8000;
	s0 =	sadd.s32 s0, s1  }
0x558: {  	[tilespmem:s2], [sflag:$0x2] =	stream.linear.gather [hbm4b:s0+s31], $0x8000, $0x38;
	[tilespmem:$0x18000] =	vst v63  }
.LBB2_16:
0x559: {  	_ =	sfence.sel $0x180000  }
0x55a: {  	[bflag:$0x0] =	sbarrier.arrive $0xFFFF  }
0x55b: {  	_ =	strace $0x90000047  }
0x55c: {  	s0 =	stileid.u32;
	[bflag:$0x2] =	sbarrier.arrive $0xFFFF  }
0x55d: {  	p0 =	sne.s32 s0, $0x0;
	s0 =	rddreg [dreg:$0x2]  }
0x55e: {  	s0 =	sadd.s32 @!p0 $0x100000, s0  }
0x55f: {  	[sflag:s0] =	ssyncadd.tile.s32 @!p0 $0x1;
	_ =	shalt  }
.Lfunc_end2:
_tile_overlayer_lowered:
.L_overlay_start_2:
0x560: {  	(tag) =	ssettag $0x2  }
0x561: {  	s0 =	rddreg [dreg:$0x0];
	s2 =	stileid.u32  }
0x562: {  	s1 =	rddreg [dreg:$0x1];
	p0 =	sne.s32 s2, $0x0  }
0x563: {  	s3 =	rddreg [dreg:$0x2];
	[bflag:$0x3] =	sbarrier.arrive $0xFFFF;
	s2 =	simm.s32 @!p0 $0x1C07  }
0x564: {  	[timem:s3], [sflag:s2] =	dma.local @!p0 [hbm:s0], s1  }
0x565: {  	s0 =	simm.s32 @!p0 $0x7  }
0x566: {  	_ =	swait.ge @!p0 [sflag:s0], s1  }
0x567: {  	s1 =	ssub.s32 @!p0 $0x0, s1;
	[sflag:s0] =	ssyncset.done @!p0 $0x0  }
0x568: {  	[sflag:s0] =	ssyncadd.s32 @!p0 s1  }
0x569: {  	[bflag:$0x3] =	sbarrier.arrive $0xFFFF  }
0x56a: {  	_ =	shalt  }

</sc_bundles>
